<compile_context>
chip_gen: v7x
topology: tpu7x:2x2x1
jax: 0.10.2.dev20260603
libtpu: 0.0.44.dev20260713+nightly
codegen_flags: <defaults>
</compile_context>

<pallas_src>
import functools

import jax
import jax.numpy as jnp
from jax import lax
from jax.experimental import pallas as pl
from jax.experimental.pallas import tpu as pltpu
from jax.experimental.pallas import tpu_sc as plsc

FEAT_DIM = 64
BATCH = 16384
NCLASS = 1000000
LAMBDA_C = 2.0
LANES = 16
WIN = 1152
PITCH = 1153
WSTART_MAX = ((NCLASS - WIN) // 128) * 128
TAIL0 = (NCLASS // 128) * 128
TAIL_W = NCLASS - TAIL0


def _make_partials():
    info = plsc.get_sparse_core_info()
    nc, ns = info.num_cores, info.num_subcores
    nw = nc * ns
    b_per_w = BATCH // nw

    mesh = plsc.VectorSubcoreMesh(core_axis_name="c", subcore_axis_name="s")

    @functools.partial(
        pl.kernel,
        mesh=mesh,
        out_type=jax.ShapeDtypeStruct((nw * LANES,), jnp.float32),
        compiler_params=pltpu.CompilerParams(
            use_tc_tiling_on_sc=True, needs_layout_passes=False),
        scratch_types=[
            pltpu.VMEM((b_per_w,), jnp.int32),
            pltpu.VMEM((FEAT_DIM, PITCH), jnp.float32),
            pltpu.VMEM((FEAT_DIM, b_per_w), jnp.float32),
            pltpu.VMEM((FEAT_DIM, TAIL_W), jnp.float32),
            pltpu.VMEM((LANES,), jnp.float32),
            pltpu.SemaphoreType.DMA,
        ],
    )
    def partials(featT_hbm, slab_hbm, ct_hbm, out_hbm,
                 labv, wbuf, fb, tailbuf, acc_v, wsem):
        wid = lax.axis_index("s") * nc + lax.axis_index("c")
        base = pl.multiple_of(wid * b_per_w, 128)
        obase = pl.multiple_of(wid * LANES, 8)

        pltpu.sync_copy(slab_hbm.at[pl.ds(base, b_per_w)], labv)
        pltpu.sync_copy(featT_hbm.at[:, pl.ds(base, b_per_w)], fb)
        pltpu.sync_copy(ct_hbm.at[:, pl.ds(TAIL0, TAIL_W)], tailbuf)

        zero = jnp.zeros((LANES,), jnp.float32)
        lanes_i = lax.iota(jnp.int32, LANES)
        maxp = b_per_w - 1

        def process(buf, wlo, hi, ptr, accs):
            a = list(accs)
            cnt = jnp.int32(0)
            for half in range(2):
                p = ptr + half * LANES + lanes_i
                cpos = jnp.minimum(p, maxp)
                lv = plsc.load_gather(labv, [cpos])
                sel = jnp.logical_and(p < b_per_w, lv < hi)
                sf = jnp.where(sel, 1.0, 0.0).astype(jnp.float32)
                off = jnp.clip(lv - wlo, 0, buf.shape[1] - 1)
                for f in range(FEAT_DIM):
                    fsplat = jnp.full((LANES,), f, jnp.int32)
                    cvec = plsc.load_gather(buf, [fsplat, off])
                    fvec = plsc.load_gather(fb, [fsplat, cpos])
                    d = fvec - cvec
                    a[f % 4] = a[f % 4] + sf * (d * d)
                cnt = cnt + jnp.sum(sel.astype(jnp.int32))
            return tuple(a), cnt

        def next_lab(nptr):
            cpos = jnp.minimum(nptr + lanes_i, maxp)
            return jnp.min(plsc.load_gather(labv, [cpos]))

        def main_cond(st):
            ptr, lab = st[0], st[1]
            return jnp.logical_and(ptr < b_per_w, lab < TAIL0)

        def main_body(st):
            ptr, lab = st[0], st[1]
            cw = jnp.minimum((lab >> 7) << 7, WSTART_MAX)
            cw = pl.multiple_of(cw, 128)
            cp = pltpu.make_async_copy(ct_hbm.at[:, pl.ds(cw, WIN)],
                                       wbuf.at[:, pl.ds(0, WIN)], wsem)
            cp.start()
            cp.wait()
            accs, cnt = process(wbuf, cw, cw + WIN, ptr, st[2:])
            nptr = ptr + cnt
            return (nptr, next_lab(nptr)) + accs

        def tail_cond(st):
            return st[0] < b_per_w

        def tail_body(st):
            ptr = st[0]
            accs, cnt = process(tailbuf, TAIL0, NCLASS, ptr, st[2:])
            nptr = ptr + cnt
            return (nptr, st[1]) + accs

        st0 = (jnp.int32(0), next_lab(jnp.int32(0)), zero, zero, zero, zero)
        st1 = lax.while_loop(main_cond, main_body, st0)
        st2 = lax.while_loop(tail_cond, tail_body, st1)

        a0, a1, a2, a3 = st2[2:]
        acc_v[...] = (a0 + a1) + (a2 + a3)
        pltpu.sync_copy(acc_v, out_hbm.at[pl.ds(obase, LANES)])

    return partials, nw


def kernel(feat, label, centers):
    partials, nw = _make_partials()
    iot = lax.iota(jnp.int32, BATCH)
    slab, order = lax.sort_key_val(label, iot)
    feat_s = jnp.take(feat, order, axis=0)
    parts = partials(feat_s.T, slab, centers.T)
    total = jnp.sum(parts)
    return LAMBDA_C / 2.0 / BATCH * jnp.sqrt(total)

# --- scband reference (transcript-rebuilt; emitter-appended) ---
"""Pipeline reference for scband-center-loss-9543417332232 (READ-ONLY COPY).

The authoritative reference and input builder live on the scoring server;
editing this copy changes nothing except your own understanding.
"""

import jax, jax.numpy as jnp
import numpy as np

FEAT_DIM = 64
NUM_CLASSES = 1000000
LAMBDA_C = 2.0
BATCH = 16384


def setup_inputs(seed: int = 0) -> dict:
    key = jax.random.key(seed)
    k1, k2, k3 = jax.random.split(key, 3)
    feat = jax.random.normal(k1, (BATCH, FEAT_DIM), dtype=jnp.float32)
    label = jax.random.randint(k2, (BATCH,), 0, NUM_CLASSES, dtype=jnp.int64 if jax.config.read('jax_enable_x64') else jnp.int32).astype(jnp.int32)
    centers = jax.random.normal(k3, (NUM_CLASSES, FEAT_DIM), dtype=jnp.float32)
    return {"feat": feat, "label": label, "centers": centers}


def reference(feat, label, centers):
    batch_size = feat.shape[0]
    # centers.index_select(0, label) -> gather rows
    expanded_centers = jnp.take(centers, label, axis=0)
    # torch.dist(a, b) with default p=2 is the Frobenius norm of (a - b)
    diff = feat - expanded_centers
    intra_distances = jnp.sqrt(jnp.sum(diff * diff))
    loss = LAMBDA_C / 2.0 / batch_size * intra_distances
    return loss

if __name__ == "__main__":
    import jax
    _d = setup_inputs()
    print(jax.jit(kernel)(*tuple(_d.values())))

</pallas_src>

<mosaic_0001>
#map = affine_map<(d0, d1) -> (0, 0)>
#map1 = affine_map<(d0, d1) -> (0)>
module attributes {stable_mosaic.version = 14 : i64} {
  func.func @partials(%arg0: i32, %arg1: i32, %arg2: memref<64x16384xf32, #tpu.memory_space<hbm>>, %arg3: memref<16384xi32, #tpu.memory_space<hbm>>, %arg4: memref<64x1000000xf32, #tpu.memory_space<hbm>>, %arg5: memref<512xf32, #tpu.memory_space<hbm>>, %arg6: memref<512xi32, #tpu.memory_space<vmem>>, %arg7: memref<64x1153xf32, #tpu.memory_space<vmem>>, %arg8: memref<64x512xf32, #tpu.memory_space<vmem>>, %arg9: memref<64x64xf32, #tpu.memory_space<vmem>>, %arg10: memref<16xf32, #tpu.memory_space<vmem>>, %arg11: memref<!tpu.dma_semaphore, #tpu.memory_space<semaphore_mem>>) attributes {dimension_semantics = [#tpu.dimension_semantics<core_parallel>, #tpu.dimension_semantics<subcore_parallel>], iteration_bounds = array<i64: 2, 16>, scalar_prefetch = 0 : i64, scratch_operands = 6 : i64, tpu.core_type = #tpu.core_type<sc_vector_subcore>, window_params = [{transform_indices = #map}, {transform_indices = #map1}, {transform_indices = #map}, {transform_indices = #map1}]} {
    %mul3A = arith.constant 2 : i32
    %mul3A_0 = arith.muli %arg1, %mul3A : i32
    %add3A = arith.addi %mul3A_0, %arg0 : i32
    %mul3A_1 = arith.constant 512 : i32
    %mul3A_2 = arith.muli %add3A, %mul3A_1 : i32
    %multiple_of3A = tpu.assume_multiple %mul3A_2, 128 : i32
    %mul3A_3 = arith.constant 16 : i32
    %mul3A_4 = arith.muli %add3A, %mul3A_3 : i32
    %multiple_of3A_5 = tpu.assume_multiple %mul3A_4, 8 : i32
    "tpu.region"() ({
      %run_scoped3A = tpu.sem_alloc : memref<!tpu.dma_semaphore, #tpu.memory_space<semaphore_mem>>
      %dma_start3A = tpu.memref_slice %arg3[%multiple_of3A] : memref<16384xi32, #tpu.memory_space<hbm>> -> memref<512xi32, #tpu.memory_space<hbm>>
      %dma_start3A_25 = tpu.memref_slice %arg3[%multiple_of3A] : memref<16384xi32, #tpu.memory_space<hbm>> -> memref<512xi32, #tpu.memory_space<hbm>>
      tpu.enqueue_dma source(%dma_start3A_25 : memref<512xi32, #tpu.memory_space<hbm>>) target(%arg6 : memref<512xi32, #tpu.memory_space<vmem>>) target_semaphore(%run_scoped3A : memref<!tpu.dma_semaphore, #tpu.memory_space<semaphore_mem>>)
      %dma_wait3A = tpu.memref_slice %arg3[%multiple_of3A] : memref<16384xi32, #tpu.memory_space<hbm>> -> memref<512xi32, #tpu.memory_space<hbm>>
      %dma_wait3A_26 = tpu.memref_slice %arg3[%multiple_of3A] : memref<16384xi32, #tpu.memory_space<hbm>> -> memref<512xi32, #tpu.memory_space<hbm>>
      tpu.wait_dma2 semaphore(%run_scoped3A : memref<!tpu.dma_semaphore, #tpu.memory_space<semaphore_mem>>) src(%dma_wait3A_26 : memref<512xi32, #tpu.memory_space<hbm>>) dst(%arg6 : memref<512xi32, #tpu.memory_space<vmem>>)
      tpu.yield
    }) : () -> ()
    "tpu.region"() ({
      %run_scoped3A = tpu.sem_alloc : memref<!tpu.dma_semaphore, #tpu.memory_space<semaphore_mem>>
      %dma_start3A = arith.constant 0 : i32
      %dma_start3A_25 = tpu.memref_slice %arg2[%dma_start3A, %multiple_of3A] : memref<64x16384xf32, #tpu.memory_space<hbm>> -> memref<64x512xf32, #tpu.memory_space<hbm>>
      %dma_start3A_26 = arith.constant 0 : i32
      %dma_start3A_27 = tpu.memref_slice %arg2[%dma_start3A_26, %multiple_of3A] : memref<64x16384xf32, #tpu.memory_space<hbm>> -> memref<64x512xf32, #tpu.memory_space<hbm>>
      tpu.enqueue_dma source(%dma_start3A_27 : memref<64x512xf32, #tpu.memory_space<hbm>>) target(%arg8 : memref<64x512xf32, #tpu.memory_space<vmem>>) target_semaphore(%run_scoped3A : memref<!tpu.dma_semaphore, #tpu.memory_space<semaphore_mem>>)
      %dma_wait3A = arith.constant 0 : i32
      %dma_wait3A_28 = tpu.memref_slice %arg2[%dma_wait3A, %multiple_of3A] : memref<64x16384xf32, #tpu.memory_space<hbm>> -> memref<64x512xf32, #tpu.memory_space<hbm>>
      %dma_wait3A_29 = arith.constant 0 : i32
      %dma_wait3A_30 = tpu.memref_slice %arg2[%dma_wait3A_29, %multiple_of3A] : memref<64x16384xf32, #tpu.memory_space<hbm>> -> memref<64x512xf32, #tpu.memory_space<hbm>>
      tpu.wait_dma2 semaphore(%run_scoped3A : memref<!tpu.dma_semaphore, #tpu.memory_space<semaphore_mem>>) src(%dma_wait3A_30 : memref<64x512xf32, #tpu.memory_space<hbm>>) dst(%arg8 : memref<64x512xf32, #tpu.memory_space<vmem>>)
      tpu.yield
    }) : () -> ()
    "tpu.region"() ({
      %run_scoped3A = tpu.sem_alloc : memref<!tpu.dma_semaphore, #tpu.memory_space<semaphore_mem>>
      %dma_start3A = arith.constant 0 : i32
      %dma_start3A_25 = arith.constant 999936 : i32
      %dma_start3A_26 = tpu.memref_slice %arg4[%dma_start3A, %dma_start3A_25] : memref<64x1000000xf32, #tpu.memory_space<hbm>> -> memref<64x64xf32, #tpu.memory_space<hbm>>
      %dma_start3A_27 = arith.constant 0 : i32
      %dma_start3A_28 = arith.constant 999936 : i32
      %dma_start3A_29 = tpu.memref_slice %arg4[%dma_start3A_27, %dma_start3A_28] : memref<64x1000000xf32, #tpu.memory_space<hbm>> -> memref<64x64xf32, #tpu.memory_space<hbm>>
      tpu.enqueue_dma source(%dma_start3A_29 : memref<64x64xf32, #tpu.memory_space<hbm>>) target(%arg9 : memref<64x64xf32, #tpu.memory_space<vmem>>) target_semaphore(%run_scoped3A : memref<!tpu.dma_semaphore, #tpu.memory_space<semaphore_mem>>)
      %dma_wait3A = arith.constant 0 : i32
      %dma_wait3A_30 = arith.constant 999936 : i32
      %dma_wait3A_31 = tpu.memref_slice %arg4[%dma_wait3A, %dma_wait3A_30] : memref<64x1000000xf32, #tpu.memory_space<hbm>> -> memref<64x64xf32, #tpu.memory_space<hbm>>
      %dma_wait3A_32 = arith.constant 0 : i32
      %dma_wait3A_33 = arith.constant 999936 : i32
      %dma_wait3A_34 = tpu.memref_slice %arg4[%dma_wait3A_32, %dma_wait3A_33] : memref<64x1000000xf32, #tpu.memory_space<hbm>> -> memref<64x64xf32, #tpu.memory_space<hbm>>
      tpu.wait_dma2 semaphore(%run_scoped3A : memref<!tpu.dma_semaphore, #tpu.memory_space<semaphore_mem>>) src(%dma_wait3A_34 : memref<64x64xf32, #tpu.memory_space<hbm>>) dst(%arg9 : memref<64x64xf32, #tpu.memory_space<vmem>>)
      tpu.yield
    }) : () -> ()
    %broadcast_in_dim3A = arith.constant 0.000000e+00 : f32
    %broadcast_in_dim3A_6 = vector.broadcast %broadcast_in_dim3A : f32 to vector<16xf32>
    %iota3A = tpu.iota {dimensions = array<i32: 0>} : vector<16xi32>
    %add3A_7 = arith.constant 0 : i32
    %add3A_8 = vector.broadcast %add3A_7 : i32 to vector<16xi32>
    %add3A_9 = arith.addi %add3A_8, %iota3A : vector<16xi32>
    %min3A = arith.constant 511 : i32
    %min3A_10 = vector.broadcast %min3A : i32 to vector<16xi32>
    %min3A_11 = arith.minsi %add3A_9, %min3A_10 : vector<16xi32>
    %gather3A = tpu.vector_load_idx %arg6[%min3A_11] : memref<512xi32, #tpu.memory_space<vmem>>[vector<16xi32>], vector<16xi32>,
    %reduce_min3A = arith.constant true
    %reduce_min3A_12 = vector.broadcast %reduce_min3A : i1 to vector<16xi1>
    %reduce_min3A_13 = arith.constant -2147483648 : i32
    %reduce_min3A_14 = vector.broadcast %reduce_min3A_13 : i32 to vector<16xi32>
    %reduce_min3A_15 = arith.xori %gather3A, %reduce_min3A_14 : vector<16xi32>
    %reduce_min3A_16 = tpu.scan <min>, %reduce_min3A_15 masked %reduce_min3A_12 : vector<16xi32>, vector<16xi1> -> vector<16xi32>
    %reduce_min3A_17 = arith.xori %reduce_min3A_16, %reduce_min3A_14 : vector<16xi32>
    %reduce_min3A_18 = vector.extract %reduce_min3A_17[15] : i32 from vector<16xi32>
    %while3A = arith.constant 0 : i32
    %while3A_19:6 = scf.while (%while3A_25 = %while3A, %while3A_26 = %reduce_min3A_18, %while3A_27 = %broadcast_in_dim3A_6, %while3A_28 = %broadcast_in_dim3A_6, %while3A_29 = %broadcast_in_dim3A_6, %while3A_30 = %broadcast_in_dim3A_6) : (i32, i32, vector<16xf32>, vector<16xf32>, vector<16xf32>, vector<16xf32>) -> (i32, i32, vector<16xf32>, vector<16xf32>, vector<16xf32>, vector<16xf32>) {
      %lt3A = arith.constant 512 : i32
      %lt3A_31 = arith.cmpi slt, %while3A_25, %lt3A : i32
      %lt3A_32 = arith.constant 999936 : i32
      %lt3A_33 = arith.cmpi slt, %while3A_26, %lt3A_32 : i32
      %and3A = arith.andi %lt3A_31, %lt3A_33 : i1
      scf.condition(%and3A) %while3A_25, %while3A_26, %while3A_27, %while3A_28, %while3A_29, %while3A_30 : i32, i32, vector<16xf32>, vector<16xf32>, vector<16xf32>, vector<16xf32>
    } do {
    ^bb0(%while3A_25: i32, %while3A_26: i32, %while3A_27: vector<16xf32>, %while3A_28: vector<16xf32>, %while3A_29: vector<16xf32>, %while3A_30: vector<16xf32>):
      %shift_right_arithmetic3A = arith.constant 7 : i32
      %shift_right_arithmetic3A_31 = arith.shrsi %while3A_26, %shift_right_arithmetic3A : i32
      %shift_left3A = arith.constant 7 : i32
      %shift_left3A_32 = arith.shli %shift_right_arithmetic3A_31, %shift_left3A : i32
      %min3A_33 = arith.constant 998784 : i32
      %min3A_34 = arith.minsi %shift_left3A_32, %min3A_33 : i32
      %multiple_of3A_35 = tpu.assume_multiple %min3A_34, 128 : i32
      %dma_start3A = arith.constant 0 : i32
      %dma_start3A_36 = arith.constant 0 : i32
      %dma_start3A_37 = tpu.memref_slice %arg7[%dma_start3A, %dma_start3A_36] : memref<64x1153xf32, #tpu.memory_space<vmem>> -> memref<64x1152xf32, #tpu.memory_space<vmem>>
      %dma_start3A_38 = arith.constant 0 : i32
      %dma_start3A_39 = tpu.memref_slice %arg4[%dma_start3A_38, %multiple_of3A_35] : memref<64x1000000xf32, #tpu.memory_space<hbm>> -> memref<64x1152xf32, #tpu.memory_space<hbm>>
      %dma_start3A_40 = arith.constant 0 : i32
      %dma_start3A_41 = arith.constant 0 : i32
      %dma_start3A_42 = tpu.memref_slice %arg7[%dma_start3A_40, %dma_start3A_41] : memref<64x1153xf32, #tpu.memory_space<vmem>> -> memref<64x1152xf32, #tpu.memory_space<vmem>>
      %dma_start3A_43 = arith.constant 0 : i32
      %dma_start3A_44 = tpu.memref_slice %arg4[%dma_start3A_43, %multiple_of3A_35] : memref<64x1000000xf32, #tpu.memory_space<hbm>> -> memref<64x1152xf32, #tpu.memory_space<hbm>>
      tpu.enqueue_dma source(%dma_start3A_44 : memref<64x1152xf32, #tpu.memory_space<hbm>>) target(%dma_start3A_42 : memref<64x1152xf32, #tpu.memory_space<vmem>>) target_semaphore(%arg11 : memref<!tpu.dma_semaphore, #tpu.memory_space<semaphore_mem>>)
      %dma_wait3A = arith.constant 0 : i32
      %dma_wait3A_45 = arith.constant 0 : i32
      %dma_wait3A_46 = tpu.memref_slice %arg7[%dma_wait3A, %dma_wait3A_45] : memref<64x1153xf32, #tpu.memory_space<vmem>> -> memref<64x1152xf32, #tpu.memory_space<vmem>>
      %dma_wait3A_47 = arith.constant 0 : i32
      %dma_wait3A_48 = tpu.memref_slice %arg4[%dma_wait3A_47, %multiple_of3A_35] : memref<64x1000000xf32, #tpu.memory_space<hbm>> -> memref<64x1152xf32, #tpu.memory_space<hbm>>
      %dma_wait3A_49 = arith.constant 0 : i32
      %dma_wait3A_50 = arith.constant 0 : i32
      %dma_wait3A_51 = tpu.memref_slice %arg7[%dma_wait3A_49, %dma_wait3A_50] : memref<64x1153xf32, #tpu.memory_space<vmem>> -> memref<64x1152xf32, #tpu.memory_space<vmem>>
      %dma_wait3A_52 = arith.constant 0 : i32
      %dma_wait3A_53 = tpu.memref_slice %arg4[%dma_wait3A_52, %multiple_of3A_35] : memref<64x1000000xf32, #tpu.memory_space<hbm>> -> memref<64x1152xf32, #tpu.memory_space<hbm>>
      tpu.wait_dma2 semaphore(%arg11 : memref<!tpu.dma_semaphore, #tpu.memory_space<semaphore_mem>>) src(%dma_wait3A_53 : memref<64x1152xf32, #tpu.memory_space<hbm>>) dst(%dma_wait3A_51 : memref<64x1152xf32, #tpu.memory_space<vmem>>)
      %add3A_54 = arith.constant 1152 : i32
      %add3A_55 = arith.addi %multiple_of3A_35, %add3A_54 : i32
      %add3A_56 = arith.constant 0 : i32
      %add3A_57 = arith.addi %while3A_25, %add3A_56 : i32
      %add3A_58 = vector.broadcast %add3A_57 : i32 to vector<16xi32>
      %add3A_59 = arith.addi %add3A_58, %iota3A : vector<16xi32>
      %min3A_60 = arith.constant 511 : i32
      %min3A_61 = vector.broadcast %min3A_60 : i32 to vector<16xi32>
      %min3A_62 = arith.minsi %add3A_59, %min3A_61 : vector<16xi32>
      %gather3A_63 = tpu.vector_load_idx %arg6[%min3A_62] : memref<512xi32, #tpu.memory_space<vmem>>[vector<16xi32>], vector<16xi32>,
      %lt3A = arith.constant 512 : i32
      %lt3A_64 = vector.broadcast %lt3A : i32 to vector<16xi32>
      %lt3A_65 = arith.cmpi slt, %add3A_59, %lt3A_64 : vector<16xi32>
      %lt3A_66 = vector.broadcast %add3A_55 : i32 to vector<16xi32>
      %lt3A_67 = arith.cmpi slt, %gather3A_63, %lt3A_66 : vector<16xi32>
      %and3A = arith.andi %lt3A_65, %lt3A_67 : vector<16xi1>
      %jit3A = arith.constant 1.000000e+00 : f32
      %jit3A_68 = arith.constant 0.000000e+00 : f32
      %broadcast_in_dim3A_69 = vector.broadcast %jit3A : f32 to vector<16xf32>
      %broadcast_in_dim3A_70 = vector.broadcast %jit3A_68 : f32 to vector<16xf32>
      %select_n3A = arith.select %and3A, %broadcast_in_dim3A_69, %broadcast_in_dim3A_70 : vector<16xi1>, vector<16xf32>
      %sub3A = vector.broadcast %multiple_of3A_35 : i32 to vector<16xi32>
      %sub3A_71 = arith.subi %gather3A_63, %sub3A : vector<16xi32>
      %jit3A_72 = arith.constant 0 : i32
      %jit3A_73 = arith.constant 1152 : i32
      %max3A = vector.broadcast %jit3A_72 : i32 to vector<16xi32>
      %max3A_74 = arith.maxsi %max3A, %sub3A_71 : vector<16xi32>
      %min3A_75 = vector.broadcast %jit3A_73 : i32 to vector<16xi32>
      %min3A_76 = arith.minsi %min3A_75, %max3A_74 : vector<16xi32>
      %broadcast_in_dim3A_77 = arith.constant 0 : i32
      %broadcast_in_dim3A_78 = vector.broadcast %broadcast_in_dim3A_77 : i32 to vector<16xi32>
      %gather3A_79 = tpu.vector_load_idx %arg7[%broadcast_in_dim3A_78, %min3A_76] : memref<64x1153xf32, #tpu.memory_space<vmem>>[vector<16xi32>, vector<16xi32>], vector<16xf32>,
      %gather3A_80 = tpu.vector_load_idx %arg8[%broadcast_in_dim3A_78, %min3A_62] : memref<64x512xf32, #tpu.memory_space<vmem>>[vector<16xi32>, vector<16xi32>], vector<16xf32>,
      %sub3A_81 = arith.subf %gather3A_80, %gather3A_79 : vector<16xf32>
      %mul3A_82 = arith.mulf %sub3A_81, %sub3A_81 : vector<16xf32>
      %mul3A_83 = arith.mulf %select_n3A, %mul3A_82 : vector<16xf32>
      %add3A_84 = arith.addf %while3A_27, %mul3A_83 : vector<16xf32>
      %broadcast_in_dim3A_85 = arith.constant 1 : i32
      %broadcast_in_dim3A_86 = vector.broadcast %broadcast_in_dim3A_85 : i32 to vector<16xi32>
      %gather3A_87 = tpu.vector_load_idx %arg7[%broadcast_in_dim3A_86, %min3A_76] : memref<64x1153xf32, #tpu.memory_space<vmem>>[vector<16xi32>, vector<16xi32>], vector<16xf32>,
      %gather3A_88 = tpu.vector_load_idx %arg8[%broadcast_in_dim3A_86, %min3A_62] : memref<64x512xf32, #tpu.memory_space<vmem>>[vector<16xi32>, vector<16xi32>], vector<16xf32>,
      %sub3A_89 = arith.subf %gather3A_88, %gather3A_87 : vector<16xf32>
      %mul3A_90 = arith.mulf %sub3A_89, %sub3A_89 : vector<16xf32>
      %mul3A_91 = arith.mulf %select_n3A, %mul3A_90 : vector<16xf32>
      %add3A_92 = arith.addf %while3A_28, %mul3A_91 : vector<16xf32>
      %broadcast_in_dim3A_93 = arith.constant 2 : i32
      %broadcast_in_dim3A_94 = vector.broadcast %broadcast_in_dim3A_93 : i32 to vector<16xi32>
      %gather3A_95 = tpu.vector_load_idx %arg7[%broadcast_in_dim3A_94, %min3A_76] : memref<64x1153xf32, #tpu.memory_space<vmem>>[vector<16xi32>, vector<16xi32>], vector<16xf32>,
      %gather3A_96 = tpu.vector_load_idx %arg8[%broadcast_in_dim3A_94, %min3A_62] : memref<64x512xf32, #tpu.memory_space<vmem>>[vector<16xi32>, vector<16xi32>], vector<16xf32>,
      %sub3A_97 = arith.subf %gather3A_96, %gather3A_95 : vector<16xf32>
      %mul3A_98 = arith.mulf %sub3A_97, %sub3A_97 : vector<16xf32>
      %mul3A_99 = arith.mulf %select_n3A, %mul3A_98 : vector<16xf32>
      %add3A_100 = arith.addf %while3A_29, %mul3A_99 : vector<16xf32>
      %broadcast_in_dim3A_101 = arith.constant 3 : i32
      %broadcast_in_dim3A_102 = vector.broadcast %broadcast_in_dim3A_101 : i32 to vector<16xi32>
      %gather3A_103 = tpu.vector_load_idx %arg7[%broadcast_in_dim3A_102, %min3A_76] : memref<64x1153xf32, #tpu.memory_space<vmem>>[vector<16xi32>, vector<16xi32>], vector<16xf32>,
      %gather3A_104 = tpu.vector_load_idx %arg8[%broadcast_in_dim3A_102, %min3A_62] : memref<64x512xf32, #tpu.memory_space<vmem>>[vector<16xi32>, vector<16xi32>], vector<16xf32>,
      %sub3A_105 = arith.subf %gather3A_104, %gather3A_103 : vector<16xf32>
      %mul3A_106 = arith.mulf %sub3A_105, %sub3A_105 : vector<16xf32>
      %mul3A_107 = arith.mulf %select_n3A, %mul3A_106 : vector<16xf32>
      %add3A_108 = arith.addf %while3A_30, %mul3A_107 : vector<16xf32>
      %broadcast_in_dim3A_109 = arith.constant 4 : i32
      %broadcast_in_dim3A_110 = vector.broadcast %broadcast_in_dim3A_109 : i32 to vector<16xi32>
      %gather3A_111 = tpu.vector_load_idx %arg7[%broadcast_in_dim3A_110, %min3A_76] : memref<64x1153xf32, #tpu.memory_space<vmem>>[vector<16xi32>, vector<16xi32>], vector<16xf32>,
      %gather3A_112 = tpu.vector_load_idx %arg8[%broadcast_in_dim3A_110, %min3A_62] : memref<64x512xf32, #tpu.memory_space<vmem>>[vector<16xi32>, vector<16xi32>], vector<16xf32>,
      %sub3A_113 = arith.subf %gather3A_112, %gather3A_111 : vector<16xf32>
      %mul3A_114 = arith.mulf %sub3A_113, %sub3A_113 : vector<16xf32>
      %mul3A_115 = arith.mulf %select_n3A, %mul3A_114 : vector<16xf32>
      %add3A_116 = arith.addf %add3A_84, %mul3A_115 : vector<16xf32>
      %broadcast_in_dim3A_117 = arith.constant 5 : i32
      %broadcast_in_dim3A_118 = vector.broadcast %broadcast_in_dim3A_117 : i32 to vector<16xi32>
      %gather3A_119 = tpu.vector_load_idx %arg7[%broadcast_in_dim3A_118, %min3A_76] : memref<64x1153xf32, #tpu.memory_space<vmem>>[vector<16xi32>, vector<16xi32>], vector<16xf32>,
      %gather3A_120 = tpu.vector_load_idx %arg8[%broadcast_in_dim3A_118, %min3A_62] : memref<64x512xf32, #tpu.memory_space<vmem>>[vector<16xi32>, vector<16xi32>], vector<16xf32>,
      %sub3A_121 = arith.subf %gather3A_120, %gather3A_119 : vector<16xf32>
      %mul3A_122 = arith.mulf %sub3A_121, %sub3A_121 : vector<16xf32>
      %mul3A_123 = arith.mulf %select_n3A, %mul3A_122 : vector<16xf32>
      %add3A_124 = arith.addf %add3A_92, %mul3A_123 : vector<16xf32>
      %broadcast_in_dim3A_125 = arith.constant 6 : i32
      %broadcast_in_dim3A_126 = vector.broadcast %broadcast_in_dim3A_125 : i32 to vector<16xi32>
      %gather3A_127 = tpu.vector_load_idx %arg7[%broadcast_in_dim3A_126, %min3A_76] : memref<64x1153xf32, #tpu.memory_space<vmem>>[vector<16xi32>, vector<16xi32>], vector<16xf32>,
      %gather3A_128 = tpu.vector_load_idx %arg8[%broadcast_in_dim3A_126, %min3A_62] : memref<64x512xf32, #tpu.memory_space<vmem>>[vector<16xi32>, vector<16xi32>], vector<16xf32>,
      %sub3A_129 = arith.subf %gather3A_128, %gather3A_127 : vector<16xf32>
      %mul3A_130 = arith.mulf %sub3A_129, %sub3A_129 : vector<16xf32>
      %mul3A_131 = arith.mulf %select_n3A, %mul3A_130 : vector<16xf32>
      %add3A_132 = arith.addf %add3A_100, %mul3A_131 : vector<16xf32>
      %broadcast_in_dim3A_133 = arith.constant 7 : i32
      %broadcast_in_dim3A_134 = vector.broadcast %broadcast_in_dim3A_133 : i32 to vector<16xi32>
      %gather3A_135 = tpu.vector_load_idx %arg7[%broadcast_in_dim3A_134, %min3A_76] : memref<64x1153xf32, #tpu.memory_space<vmem>>[vector<16xi32>, vector<16xi32>], vector<16xf32>,
      %gather3A_136 = tpu.vector_load_idx %arg8[%broadcast_in_dim3A_134, %min3A_62] : memref<64x512xf32, #tpu.memory_space<vmem>>[vector<16xi32>, vector<16xi32>], vector<16xf32>,
      %sub3A_137 = arith.subf %gather3A_136, %gather3A_135 : vector<16xf32>
      %mul3A_138 = arith.mulf %sub3A_137, %sub3A_137 : vector<16xf32>
      %mul3A_139 = arith.mulf %select_n3A, %mul3A_138 : vector<16xf32>
      %add3A_140 = arith.addf %add3A_108, %mul3A_139 : vector<16xf32>
      %broadcast_in_dim3A_141 = arith.constant 8 : i32
      %broadcast_in_dim3A_142 = vector.broadcast %broadcast_in_dim3A_141 : i32 to vector<16xi32>
      %gather3A_143 = tpu.vector_load_idx %arg7[%broadcast_in_dim3A_142, %min3A_76] : memref<64x1153xf32, #tpu.memory_space<vmem>>[vector<16xi32>, vector<16xi32>], vector<16xf32>,
      %gather3A_144 = tpu.vector_load_idx %arg8[%broadcast_in_dim3A_142, %min3A_62] : memref<64x512xf32, #tpu.memory_space<vmem>>[vector<16xi32>, vector<16xi32>], vector<16xf32>,
      %sub3A_145 = arith.subf %gather3A_144, %gather3A_143 : vector<16xf32>
      %mul3A_146 = arith.mulf %sub3A_145, %sub3A_145 : vector<16xf32>
      %mul3A_147 = arith.mulf %select_n3A, %mul3A_146 : vector<16xf32>
      %add3A_148 = arith.addf %add3A_116, %mul3A_147 : vector<16xf32>
      %broadcast_in_dim3A_149 = arith.constant 9 : i32
      %broadcast_in_dim3A_150 = vector.broadcast %broadcast_in_dim3A_149 : i32 to vector<16xi32>
      %gather3A_151 = tpu.vector_load_idx %arg7[%broadcast_in_dim3A_150, %min3A_76] : memref<64x1153xf32, #tpu.memory_space<vmem>>[vector<16xi32>, vector<16xi32>], vector<16xf32>,
      %gather3A_152 = tpu.vector_load_idx %arg8[%broadcast_in_dim3A_150, %min3A_62] : memref<64x512xf32, #tpu.memory_space<vmem>>[vector<16xi32>, vector<16xi32>], vector<16xf32>,
      %sub3A_153 = arith.subf %gather3A_152, %gather3A_151 : vector<16xf32>
      %mul3A_154 = arith.mulf %sub3A_153, %sub3A_153 : vector<16xf32>
      %mul3A_155 = arith.mulf %select_n3A, %mul3A_154 : vector<16xf32>
      %add3A_156 = arith.addf %add3A_124, %mul3A_155 : vector<16xf32>
      %broadcast_in_dim3A_157 = arith.constant 10 : i32
      %broadcast_in_dim3A_158 = vector.broadcast %broadcast_in_dim3A_157 : i32 to vector<16xi32>
      %gather3A_159 = tpu.vector_load_idx %arg7[%broadcast_in_dim3A_158, %min3A_76] : memref<64x1153xf32, #tpu.memory_space<vmem>>[vector<16xi32>, vector<16xi32>], vector<16xf32>,
      %gather3A_160 = tpu.vector_load_idx %arg8[%broadcast_in_dim3A_158, %min3A_62] : memref<64x512xf32, #tpu.memory_space<vmem>>[vector<16xi32>, vector<16xi32>], vector<16xf32>,
      %sub3A_161 = arith.subf %gather3A_160, %gather3A_159 : vector<16xf32>
      %mul3A_162 = arith.mulf %sub3A_161, %sub3A_161 : vector<16xf32>
      %mul3A_163 = arith.mulf %select_n3A, %mul3A_162 : vector<16xf32>
      %add3A_164 = arith.addf %add3A_132, %mul3A_163 : vector<16xf32>
      %broadcast_in_dim3A_165 = arith.constant 11 : i32
      %broadcast_in_dim3A_166 = vector.broadcast %broadcast_in_dim3A_165 : i32 to vector<16xi32>
      %gather3A_167 = tpu.vector_load_idx %arg7[%broadcast_in_dim3A_166, %min3A_76] : memref<64x1153xf32, #tpu.memory_space<vmem>>[vector<16xi32>, vector<16xi32>], vector<16xf32>,
      %gather3A_168 = tpu.vector_load_idx %arg8[%broadcast_in_dim3A_166, %min3A_62] : memref<64x512xf32, #tpu.memory_space<vmem>>[vector<16xi32>, vector<16xi32>], vector<16xf32>,
      %sub3A_169 = arith.subf %gather3A_168, %gather3A_167 : vector<16xf32>
      %mul3A_170 = arith.mulf %sub3A_169, %sub3A_169 : vector<16xf32>
      %mul3A_171 = arith.mulf %select_n3A, %mul3A_170 : vector<16xf32>
      %add3A_172 = arith.addf %add3A_140, %mul3A_171 : vector<16xf32>
      %broadcast_in_dim3A_173 = arith.constant 12 : i32
      %broadcast_in_dim3A_174 = vector.broadcast %broadcast_in_dim3A_173 : i32 to vector<16xi32>
      %gather3A_175 = tpu.vector_load_idx %arg7[%broadcast_in_dim3A_174, %min3A_76] : memref<64x1153xf32, #tpu.memory_space<vmem>>[vector<16xi32>, vector<16xi32>], vector<16xf32>,
      %gather3A_176 = tpu.vector_load_idx %arg8[%broadcast_in_dim3A_174, %min3A_62] : memref<64x512xf32, #tpu.memory_space<vmem>>[vector<16xi32>, vector<16xi32>], vector<16xf32>,
      %sub3A_177 = arith.subf %gather3A_176, %gather3A_175 : vector<16xf32>
      %mul3A_178 = arith.mulf %sub3A_177, %sub3A_177 : vector<16xf32>
      %mul3A_179 = arith.mulf %select_n3A, %mul3A_178 : vector<16xf32>
      %add3A_180 = arith.addf %add3A_148, %mul3A_179 : vector<16xf32>
      %broadcast_in_dim3A_181 = arith.constant 13 : i32
      %broadcast_in_dim3A_182 = vector.broadcast %broadcast_in_dim3A_181 : i32 to vector<16xi32>
      %gather3A_183 = tpu.vector_load_idx %arg7[%broadcast_in_dim3A_182, %min3A_76] : memref<64x1153xf32, #tpu.memory_space<vmem>>[vector<16xi32>, vector<16xi32>], vector<16xf32>,
      %gather3A_184 = tpu.vector_load_idx %arg8[%broadcast_in_dim3A_182, %min3A_62] : memref<64x512xf32, #tpu.memory_space<vmem>>[vector<16xi32>, vector<16xi32>], vector<16xf32>,
      %sub3A_185 = arith.subf %gather3A_184, %gather3A_183 : vector<16xf32>
      %mul3A_186 = arith.mulf %sub3A_185, %sub3A_185 : vector<16xf32>
      %mul3A_187 = arith.mulf %select_n3A, %mul3A_186 : vector<16xf32>
      %add3A_188 = arith.addf %add3A_156, %mul3A_187 : vector<16xf32>
      %broadcast_in_dim3A_189 = arith.constant 14 : i32
      %broadcast_in_dim3A_190 = vector.broadcast %broadcast_in_dim3A_189 : i32 to vector<16xi32>
      %gather3A_191 = tpu.vector_load_idx %arg7[%broadcast_in_dim3A_190, %min3A_76] : memref<64x1153xf32, #tpu.memory_space<vmem>>[vector<16xi32>, vector<16xi32>], vector<16xf32>,
      %gather3A_192 = tpu.vector_load_idx %arg8[%broadcast_in_dim3A_190, %min3A_62] : memref<64x512xf32, #tpu.memory_space<vmem>>[vector<16xi32>, vector<16xi32>], vector<16xf32>,
      %sub3A_193 = arith.subf %gather3A_192, %gather3A_191 : vector<16xf32>
      %mul3A_194 = arith.mulf %sub3A_193, %sub3A_193 : vector<16xf32>
      %mul3A_195 = arith.mulf %select_n3A, %mul3A_194 : vector<16xf32>
      %add3A_196 = arith.addf %add3A_164, %mul3A_195 : vector<16xf32>
      %broadcast_in_dim3A_197 = arith.constant 15 : i32
      %broadcast_in_dim3A_198 = vector.broadcast %broadcast_in_dim3A_197 : i32 to vector<16xi32>
      %gather3A_199 = tpu.vector_load_idx %arg7[%broadcast_in_dim3A_198, %min3A_76] : memref<64x1153xf32, #tpu.memory_space<vmem>>[vector<16xi32>, vector<16xi32>], vector<16xf32>,
      %gather3A_200 = tpu.vector_load_idx %arg8[%broadcast_in_dim3A_198, %min3A_62] : memref<64x512xf32, #tpu.memory_space<vmem>>[vector<16xi32>, vector<16xi32>], vector<16xf32>,
      %sub3A_201 = arith.subf %gather3A_200, %gather3A_199 : vector<16xf32>
      %mul3A_202 = arith.mulf %sub3A_201, %sub3A_201 : vector<16xf32>
      %mul3A_203 = arith.mulf %select_n3A, %mul3A_202 : vector<16xf32>
      %add3A_204 = arith.addf %add3A_172, %mul3A_203 : vector<16xf32>
      %broadcast_in_dim3A_205 = arith.constant 16 : i32
      %broadcast_in_dim3A_206 = vector.broadcast %broadcast_in_dim3A_205 : i32 to vector<16xi32>
      %gather3A_207 = tpu.vector_load_idx %arg7[%broadcast_in_dim3A_206, %min3A_76] : memref<64x1153xf32, #tpu.memory_space<vmem>>[vector<16xi32>, vector<16xi32>], vector<16xf32>,
      %gather3A_208 = tpu.vector_load_idx %arg8[%broadcast_in_dim3A_206, %min3A_62] : memref<64x512xf32, #tpu.memory_space<vmem>>[vector<16xi32>, vector<16xi32>], vector<16xf32>,
      %sub3A_209 = arith.subf %gather3A_208, %gather3A_207 : vector<16xf32>
      %mul3A_210 = arith.mulf %sub3A_209, %sub3A_209 : vector<16xf32>
      %mul3A_211 = arith.mulf %select_n3A, %mul3A_210 : vector<16xf32>
      %add3A_212 = arith.addf %add3A_180, %mul3A_211 : vector<16xf32>
      %broadcast_in_dim3A_213 = arith.constant 17 : i32
      %broadcast_in_dim3A_214 = vector.broadcast %broadcast_in_dim3A_213 : i32 to vector<16xi32>
      %gather3A_215 = tpu.vector_load_idx %arg7[%broadcast_in_dim3A_214, %min3A_76] : memref<64x1153xf32, #tpu.memory_space<vmem>>[vector<16xi32>, vector<16xi32>], vector<16xf32>,
      %gather3A_216 = tpu.vector_load_idx %arg8[%broadcast_in_dim3A_214, %min3A_62] : memref<64x512xf32, #tpu.memory_space<vmem>>[vector<16xi32>, vector<16xi32>], vector<16xf32>,
      %sub3A_217 = arith.subf %gather3A_216, %gather3A_215 : vector<16xf32>
      %mul3A_218 = arith.mulf %sub3A_217, %sub3A_217 : vector<16xf32>
      %mul3A_219 = arith.mulf %select_n3A, %mul3A_218 : vector<16xf32>
      %add3A_220 = arith.addf %add3A_188, %mul3A_219 : vector<16xf32>
      %broadcast_in_dim3A_221 = arith.constant 18 : i32
      %broadcast_in_dim3A_222 = vector.broadcast %broadcast_in_dim3A_221 : i32 to vector<16xi32>
      %gather3A_223 = tpu.vector_load_idx %arg7[%broadcast_in_dim3A_222, %min3A_76] : memref<64x1153xf32, #tpu.memory_space<vmem>>[vector<16xi32>, vector<16xi32>], vector<16xf32>,
      %gather3A_224 = tpu.vector_load_idx %arg8[%broadcast_in_dim3A_222, %min3A_62] : memref<64x512xf32, #tpu.memory_space<vmem>>[vector<16xi32>, vector<16xi32>], vector<16xf32>,
      %sub3A_225 = arith.subf %gather3A_224, %gather3A_223 : vector<16xf32>
      %mul3A_226 = arith.mulf %sub3A_225, %sub3A_225 : vector<16xf32>
      %mul3A_227 = arith.mulf %select_n3A, %mul3A_226 : vector<16xf32>
      %add3A_228 = arith.addf %add3A_196, %mul3A_227 : vector<16xf32>
      %broadcast_in_dim3A_229 = arith.constant 19 : i32
      %broadcast_in_dim3A_230 = vector.broadcast %broadcast_in_dim3A_229 : i32 to vector<16xi32>
      %gather3A_231 = tpu.vector_load_idx %arg7[%broadcast_in_dim3A_230, %min3A_76] : memref<64x1153xf32, #tpu.memory_space<vmem>>[vector<16xi32>, vector<16xi32>], vector<16xf32>,
      %gather3A_232 = tpu.vector_load_idx %arg8[%broadcast_in_dim3A_230, %min3A_62] : memref<64x512xf32, #tpu.memory_space<vmem>>[vector<16xi32>, vector<16xi32>], vector<16xf32>,
      %sub3A_233 = arith.subf %gather3A_232, %gather3A_231 : vector<16xf32>
      %mul3A_234 = arith.mulf %sub3A_233, %sub3A_233 : vector<16xf32>
      %mul3A_235 = arith.mulf %select_n3A, %mul3A_234 : vector<16xf32>
      %add3A_236 = arith.addf %add3A_204, %mul3A_235 : vector<16xf32>
      %broadcast_in_dim3A_237 = arith.constant 20 : i32
      %broadcast_in_dim3A_238 = vector.broadcast %broadcast_in_dim3A_237 : i32 to vector<16xi32>
      %gather3A_239 = tpu.vector_load_idx %arg7[%broadcast_in_dim3A_238, %min3A_76] : memref<64x1153xf32, #tpu.memory_space<vmem>>[vector<16xi32>, vector<16xi32>], vector<16xf32>,
      %gather3A_240 = tpu.vector_load_idx %arg8[%broadcast_in_dim3A_238, %min3A_62] : memref<64x512xf32, #tpu.memory_space<vmem>>[vector<16xi32>, vector<16xi32>], vector<16xf32>,
      %sub3A_241 = arith.subf %gather3A_240, %gather3A_239 : vector<16xf32>
      %mul3A_242 = arith.mulf %sub3A_241, %sub3A_241 : vector<16xf32>
      %mul3A_243 = arith.mulf %select_n3A, %mul3A_242 : vector<16xf32>
      %add3A_244 = arith.addf %add3A_212, %mul3A_243 : vector<16xf32>
      %broadcast_in_dim3A_245 = arith.constant 21 : i32
      %broadcast_in_dim3A_246 = vector.broadcast %broadcast_in_dim3A_245 : i32 to vector<16xi32>
      %gather3A_247 = tpu.vector_load_idx %arg7[%broadcast_in_dim3A_246, %min3A_76] : memref<64x1153xf32, #tpu.memory_space<vmem>>[vector<16xi32>, vector<16xi32>], vector<16xf32>,
      %gather3A_248 = tpu.vector_load_idx %arg8[%broadcast_in_dim3A_246, %min3A_62] : memref<64x512xf32, #tpu.memory_space<vmem>>[vector<16xi32>, vector<16xi32>], vector<16xf32>,
      %sub3A_249 = arith.subf %gather3A_248, %gather3A_247 : vector<16xf32>
      %mul3A_250 = arith.mulf %sub3A_249, %sub3A_249 : vector<16xf32>
      %mul3A_251 = arith.mulf %select_n3A, %mul3A_250 : vector<16xf32>
      %add3A_252 = arith.addf %add3A_220, %mul3A_251 : vector<16xf32>
      %broadcast_in_dim3A_253 = arith.constant 22 : i32
      %broadcast_in_dim3A_254 = vector.broadcast %broadcast_in_dim3A_253 : i32 to vector<16xi32>
      %gather3A_255 = tpu.vector_load_idx %arg7[%broadcast_in_dim3A_254, %min3A_76] : memref<64x1153xf32, #tpu.memory_space<vmem>>[vector<16xi32>, vector<16xi32>], vector<16xf32>,
      %gather3A_256 = tpu.vector_load_idx %arg8[%broadcast_in_dim3A_254, %min3A_62] : memref<64x512xf32, #tpu.memory_space<vmem>>[vector<16xi32>, vector<16xi32>], vector<16xf32>,
      %sub3A_257 = arith.subf %gather3A_256, %gather3A_255 : vector<16xf32>
      %mul3A_258 = arith.mulf %sub3A_257, %sub3A_257 : vector<16xf32>
      %mul3A_259 = arith.mulf %select_n3A, %mul3A_258 : vector<16xf32>
      %add3A_260 = arith.addf %add3A_228, %mul3A_259 : vector<16xf32>
      %broadcast_in_dim3A_261 = arith.constant 23 : i32
      %broadcast_in_dim3A_262 = vector.broadcast %broadcast_in_dim3A_261 : i32 to vector<16xi32>
      %gather3A_263 = tpu.vector_load_idx %arg7[%broadcast_in_dim3A_262, %min3A_76] : memref<64x1153xf32, #tpu.memory_space<vmem>>[vector<16xi32>, vector<16xi32>], vector<16xf32>,
      %gather3A_264 = tpu.vector_load_idx %arg8[%broadcast_in_dim3A_262, %min3A_62] : memref<64x512xf32, #tpu.memory_space<vmem>>[vector<16xi32>, vector<16xi32>], vector<16xf32>,
      %sub3A_265 = arith.subf %gather3A_264, %gather3A_263 : vector<16xf32>
      %mul3A_266 = arith.mulf %sub3A_265, %sub3A_265 : vector<16xf32>
      %mul3A_267 = arith.mulf %select_n3A, %mul3A_266 : vector<16xf32>
      %add3A_268 = arith.addf %add3A_236, %mul3A_267 : vector<16xf32>
      %broadcast_in_dim3A_269 = arith.constant 24 : i32
      %broadcast_in_dim3A_270 = vector.broadcast %broadcast_in_dim3A_269 : i32 to vector<16xi32>
      %gather3A_271 = tpu.vector_load_idx %arg7[%broadcast_in_dim3A_270, %min3A_76] : memref<64x1153xf32, #tpu.memory_space<vmem>>[vector<16xi32>, vector<16xi32>], vector<16xf32>,
      %gather3A_272 = tpu.vector_load_idx %arg8[%broadcast_in_dim3A_270, %min3A_62] : memref<64x512xf32, #tpu.memory_space<vmem>>[vector<16xi32>, vector<16xi32>], vector<16xf32>,
      %sub3A_273 = arith.subf %gather3A_272, %gather3A_271 : vector<16xf32>
      %mul3A_274 = arith.mulf %sub3A_273, %sub3A_273 : vector<16xf32>
      %mul3A_275 = arith.mulf %select_n3A, %mul3A_274 : vector<16xf32>
      %add3A_276 = arith.addf %add3A_244, %mul3A_275 : vector<16xf32>
      %broadcast_in_dim3A_277 = arith.constant 25 : i32
      %broadcast_in_dim3A_278 = vector.broadcast %broadcast_in_dim3A_277 : i32 to vector<16xi32>
      %gather3A_279 = tpu.vector_load_idx %arg7[%broadcast_in_dim3A_278, %min3A_76] : memref<64x1153xf32, #tpu.memory_space<vmem>>[vector<16xi32>, vector<16xi32>], vector<16xf32>,
      %gather3A_280 = tpu.vector_load_idx %arg8[%broadcast_in_dim3A_278, %min3A_62] : memref<64x512xf32, #tpu.memory_space<vmem>>[vector<16xi32>, vector<16xi32>], vector<16xf32>,
      %sub3A_281 = arith.subf %gather3A_280, %gather3A_279 : vector<16xf32>
      %mul3A_282 = arith.mulf %sub3A_281, %sub3A_281 : vector<16xf32>
      %mul3A_283 = arith.mulf %select_n3A, %mul3A_282 : vector<16xf32>
      %add3A_284 = arith.addf %add3A_252, %mul3A_283 : vector<16xf32>
      %broadcast_in_dim3A_285 = arith.constant 26 : i32
      %broadcast_in_dim3A_286 = vector.broadcast %broadcast_in_dim3A_285 : i32 to vector<16xi32>
      %gather3A_287 = tpu.vector_load_idx %arg7[%broadcast_in_dim3A_286, %min3A_76] : memref<64x1153xf32, #tpu.memory_space<vmem>>[vector<16xi32>, vector<16xi32>], vector<16xf32>,
      %gather3A_288 = tpu.vector_load_idx %arg8[%broadcast_in_dim3A_286, %min3A_62] : memref<64x512xf32, #tpu.memory_space<vmem>>[vector<16xi32>, vector<16xi32>], vector<16xf32>,
      %sub3A_289 = arith.subf %gather3A_288, %gather3A_287 : vector<16xf32>
      %mul3A_290 = arith.mulf %sub3A_289, %sub3A_289 : vector<16xf32>
      %mul3A_291 = arith.mulf %select_n3A, %mul3A_290 : vector<16xf32>
      %add3A_292 = arith.addf %add3A_260, %mul3A_291 : vector<16xf32>
      %broadcast_in_dim3A_293 = arith.constant 27 : i32
      %broadcast_in_dim3A_294 = vector.broadcast %broadcast_in_dim3A_293 : i32 to vector<16xi32>
      %gather3A_295 = tpu.vector_load_idx %arg7[%broadcast_in_dim3A_294, %min3A_76] : memref<64x1153xf32, #tpu.memory_space<vmem>>[vector<16xi32>, vector<16xi32>], vector<16xf32>,
      %gather3A_296 = tpu.vector_load_idx %arg8[%broadcast_in_dim3A_294, %min3A_62] : memref<64x512xf32, #tpu.memory_space<vmem>>[vector<16xi32>, vector<16xi32>], vector<16xf32>,
      %sub3A_297 = arith.subf %gather3A_296, %gather3A_295 : vector<16xf32>
      %mul3A_298 = arith.mulf %sub3A_297, %sub3A_297 : vector<16xf32>
      %mul3A_299 = arith.mulf %select_n3A, %mul3A_298 : vector<16xf32>
      %add3A_300 = arith.addf %add3A_268, %mul3A_299 : vector<16xf32>
      %broadcast_in_dim3A_301 = arith.constant 28 : i32
      %broadcast_in_dim3A_302 = vector.broadcast %broadcast_in_dim3A_301 : i32 to vector<16xi32>
      %gather3A_303 = tpu.vector_load_idx %arg7[%broadcast_in_dim3A_302, %min3A_76] : memref<64x1153xf32, #tpu.memory_space<vmem>>[vector<16xi32>, vector<16xi32>], vector<16xf32>,
      %gather3A_304 = tpu.vector_load_idx %arg8[%broadcast_in_dim3A_302, %min3A_62] : memref<64x512xf32, #tpu.memory_space<vmem>>[vector<16xi32>, vector<16xi32>], vector<16xf32>,
      %sub3A_305 = arith.subf %gather3A_304, %gather3A_303 : vector<16xf32>
      %mul3A_306 = arith.mulf %sub3A_305, %sub3A_305 : vector<16xf32>
      %mul3A_307 = arith.mulf %select_n3A, %mul3A_306 : vector<16xf32>
      %add3A_308 = arith.addf %add3A_276, %mul3A_307 : vector<16xf32>
      %broadcast_in_dim3A_309 = arith.constant 29 : i32
      %broadcast_in_dim3A_310 = vector.broadcast %broadcast_in_dim3A_309 : i32 to vector<16xi32>
      %gather3A_311 = tpu.vector_load_idx %arg7[%broadcast_in_dim3A_310, %min3A_76] : memref<64x1153xf32, #tpu.memory_space<vmem>>[vector<16xi32>, vector<16xi32>], vector<16xf32>,
      %gather3A_312 = tpu.vector_load_idx %arg8[%broadcast_in_dim3A_310, %min3A_62] : memref<64x512xf32, #tpu.memory_space<vmem>>[vector<16xi32>, vector<16xi32>], vector<16xf32>,
      %sub3A_313 = arith.subf %gather3A_312, %gather3A_311 : vector<16xf32>
      %mul3A_314 = arith.mulf %sub3A_313, %sub3A_313 : vector<16xf32>
      %mul3A_315 = arith.mulf %select_n3A, %mul3A_314 : vector<16xf32>
      %add3A_316 = arith.addf %add3A_284, %mul3A_315 : vector<16xf32>
      %broadcast_in_dim3A_317 = arith.constant 30 : i32
      %broadcast_in_dim3A_318 = vector.broadcast %broadcast_in_dim3A_317 : i32 to vector<16xi32>
      %gather3A_319 = tpu.vector_load_idx %arg7[%broadcast_in_dim3A_318, %min3A_76] : memref<64x1153xf32, #tpu.memory_space<vmem>>[vector<16xi32>, vector<16xi32>], vector<16xf32>,
      %gather3A_320 = tpu.vector_load_idx %arg8[%broadcast_in_dim3A_318, %min3A_62] : memref<64x512xf32, #tpu.memory_space<vmem>>[vector<16xi32>, vector<16xi32>], vector<16xf32>,
      %sub3A_321 = arith.subf %gather3A_320, %gather3A_319 : vector<16xf32>
      %mul3A_322 = arith.mulf %sub3A_321, %sub3A_321 : vector<16xf32>
      %mul3A_323 = arith.mulf %select_n3A, %mul3A_322 : vector<16xf32>
      %add3A_324 = arith.addf %add3A_292, %mul3A_323 : vector<16xf32>
      %broadcast_in_dim3A_325 = arith.constant 31 : i32
      %broadcast_in_dim3A_326 = vector.broadcast %broadcast_in_dim3A_325 : i32 to vector<16xi32>
      %gather3A_327 = tpu.vector_load_idx %arg7[%broadcast_in_dim3A_326, %min3A_76] : memref<64x1153xf32, #tpu.memory_space<vmem>>[vector<16xi32>, vector<16xi32>], vector<16xf32>,
      %gather3A_328 = tpu.vector_load_idx %arg8[%broadcast_in_dim3A_326, %min3A_62] : memref<64x512xf32, #tpu.memory_space<vmem>>[vector<16xi32>, vector<16xi32>], vector<16xf32>,
      %sub3A_329 = arith.subf %gather3A_328, %gather3A_327 : vector<16xf32>
      %mul3A_330 = arith.mulf %sub3A_329, %sub3A_329 : vector<16xf32>
      %mul3A_331 = arith.mulf %select_n3A, %mul3A_330 : vector<16xf32>
      %add3A_332 = arith.addf %add3A_300, %mul3A_331 : vector<16xf32>
      %broadcast_in_dim3A_333 = arith.constant 32 : i32
      %broadcast_in_dim3A_334 = vector.broadcast %broadcast_in_dim3A_333 : i32 to vector<16xi32>
      %gather3A_335 = tpu.vector_load_idx %arg7[%broadcast_in_dim3A_334, %min3A_76] : memref<64x1153xf32, #tpu.memory_space<vmem>>[vector<16xi32>, vector<16xi32>], vector<16xf32>,
      %gather3A_336 = tpu.vector_load_idx %arg8[%broadcast_in_dim3A_334, %min3A_62] : memref<64x512xf32, #tpu.memory_space<vmem>>[vector<16xi32>, vector<16xi32>], vector<16xf32>,
      %sub3A_337 = arith.subf %gather3A_336, %gather3A_335 : vector<16xf32>
      %mul3A_338 = arith.mulf %sub3A_337, %sub3A_337 : vector<16xf32>
      %mul3A_339 = arith.mulf %select_n3A, %mul3A_338 : vector<16xf32>
      %add3A_340 = arith.addf %add3A_308, %mul3A_339 : vector<16xf32>
      %broadcast_in_dim3A_341 = arith.constant 33 : i32
      %broadcast_in_dim3A_342 = vector.broadcast %broadcast_in_dim3A_341 : i32 to vector<16xi32>
      %gather3A_343 = tpu.vector_load_idx %arg7[%broadcast_in_dim3A_342, %min3A_76] : memref<64x1153xf32, #tpu.memory_space<vmem>>[vector<16xi32>, vector<16xi32>], vector<16xf32>,
      %gather3A_344 = tpu.vector_load_idx %arg8[%broadcast_in_dim3A_342, %min3A_62] : memref<64x512xf32, #tpu.memory_space<vmem>>[vector<16xi32>, vector<16xi32>], vector<16xf32>,
      %sub3A_345 = arith.subf %gather3A_344, %gather3A_343 : vector<16xf32>
      %mul3A_346 = arith.mulf %sub3A_345, %sub3A_345 : vector<16xf32>
      %mul3A_347 = arith.mulf %select_n3A, %mul3A_346 : vector<16xf32>
      %add3A_348 = arith.addf %add3A_316, %mul3A_347 : vector<16xf32>
      %broadcast_in_dim3A_349 = arith.constant 34 : i32
      %broadcast_in_dim3A_350 = vector.broadcast %broadcast_in_dim3A_349 : i32 to vector<16xi32>
      %gather3A_351 = tpu.vector_load_idx %arg7[%broadcast_in_dim3A_350, %min3A_76] : memref<64x1153xf32, #tpu.memory_space<vmem>>[vector<16xi32>, vector<16xi32>], vector<16xf32>,
      %gather3A_352 = tpu.vector_load_idx %arg8[%broadcast_in_dim3A_350, %min3A_62] : memref<64x512xf32, #tpu.memory_space<vmem>>[vector<16xi32>, vector<16xi32>], vector<16xf32>,
      %sub3A_353 = arith.subf %gather3A_352, %gather3A_351 : vector<16xf32>
      %mul3A_354 = arith.mulf %sub3A_353, %sub3A_353 : vector<16xf32>
      %mul3A_355 = arith.mulf %select_n3A, %mul3A_354 : vector<16xf32>
      %add3A_356 = arith.addf %add3A_324, %mul3A_355 : vector<16xf32>
      %broadcast_in_dim3A_357 = arith.constant 35 : i32
      %broadcast_in_dim3A_358 = vector.broadcast %broadcast_in_dim3A_357 : i32 to vector<16xi32>
      %gather3A_359 = tpu.vector_load_idx %arg7[%broadcast_in_dim3A_358, %min3A_76] : memref<64x1153xf32, #tpu.memory_space<vmem>>[vector<16xi32>, vector<16xi32>], vector<16xf32>,
      %gather3A_360 = tpu.vector_load_idx %arg8[%broadcast_in_dim3A_358, %min3A_62] : memref<64x512xf32, #tpu.memory_space<vmem>>[vector<16xi32>, vector<16xi32>], vector<16xf32>,
      %sub3A_361 = arith.subf %gather3A_360, %gather3A_359 : vector<16xf32>
      %mul3A_362 = arith.mulf %sub3A_361, %sub3A_361 : vector<16xf32>
      %mul3A_363 = arith.mulf %select_n3A, %mul3A_362 : vector<16xf32>
      %add3A_364 = arith.addf %add3A_332, %mul3A_363 : vector<16xf32>
      %broadcast_in_dim3A_365 = arith.constant 36 : i32
      %broadcast_in_dim3A_366 = vector.broadcast %broadcast_in_dim3A_365 : i32 to vector<16xi32>
      %gather3A_367 = tpu.vector_load_idx %arg7[%broadcast_in_dim3A_366, %min3A_76] : memref<64x1153xf32, #tpu.memory_space<vmem>>[vector<16xi32>, vector<16xi32>], vector<16xf32>,
      %gather3A_368 = tpu.vector_load_idx %arg8[%broadcast_in_dim3A_366, %min3A_62] : memref<64x512xf32, #tpu.memory_space<vmem>>[vector<16xi32>, vector<16xi32>], vector<16xf32>,
      %sub3A_369 = arith.subf %gather3A_368, %gather3A_367 : vector<16xf32>
      %mul3A_370 = arith.mulf %sub3A_369, %sub3A_369 : vector<16xf32>
      %mul3A_371 = arith.mulf %select_n3A, %mul3A_370 : vector<16xf32>
      %add3A_372 = arith.addf %add3A_340, %mul3A_371 : vector<16xf32>
      %broadcast_in_dim3A_373 = arith.constant 37 : i32
      %broadcast_in_dim3A_374 = vector.broadcast %broadcast_in_dim3A_373 : i32 to vector<16xi32>
      %gather3A_375 = tpu.vector_load_idx %arg7[%broadcast_in_dim3A_374, %min3A_76] : memref<64x1153xf32, #tpu.memory_space<vmem>>[vector<16xi32>, vector<16xi32>], vector<16xf32>,
      %gather3A_376 = tpu.vector_load_idx %arg8[%broadcast_in_dim3A_374, %min3A_62] : memref<64x512xf32, #tpu.memory_space<vmem>>[vector<16xi32>, vector<16xi32>], vector<16xf32>,
      %sub3A_377 = arith.subf %gather3A_376, %gather3A_375 : vector<16xf32>
      %mul3A_378 = arith.mulf %sub3A_377, %sub3A_377 : vector<16xf32>
      %mul3A_379 = arith.mulf %select_n3A, %mul3A_378 : vector<16xf32>
      %add3A_380 = arith.addf %add3A_348, %mul3A_379 : vector<16xf32>
      %broadcast_in_dim3A_381 = arith.constant 38 : i32
      %broadcast_in_dim3A_382 = vector.broadcast %broadcast_in_dim3A_381 : i32 to vector<16xi32>
      %gather3A_383 = tpu.vector_load_idx %arg7[%broadcast_in_dim3A_382, %min3A_76] : memref<64x1153xf32, #tpu.memory_space<vmem>>[vector<16xi32>, vector<16xi32>], vector<16xf32>,
      %gather3A_384 = tpu.vector_load_idx %arg8[%broadcast_in_dim3A_382, %min3A_62] : memref<64x512xf32, #tpu.memory_space<vmem>>[vector<16xi32>, vector<16xi32>], vector<16xf32>,
      %sub3A_385 = arith.subf %gather3A_384, %gather3A_383 : vector<16xf32>
      %mul3A_386 = arith.mulf %sub3A_385, %sub3A_385 : vector<16xf32>
      %mul3A_387 = arith.mulf %select_n3A, %mul3A_386 : vector<16xf32>
      %add3A_388 = arith.addf %add3A_356, %mul3A_387 : vector<16xf32>
      %broadcast_in_dim3A_389 = arith.constant 39 : i32
      %broadcast_in_dim3A_390 = vector.broadcast %broadcast_in_dim3A_389 : i32 to vector<16xi32>
      %gather3A_391 = tpu.vector_load_idx %arg7[%broadcast_in_dim3A_390, %min3A_76] : memref<64x1153xf32, #tpu.memory_space<vmem>>[vector<16xi32>, vector<16xi32>], vector<16xf32>,
      %gather3A_392 = tpu.vector_load_idx %arg8[%broadcast_in_dim3A_390, %min3A_62] : memref<64x512xf32, #tpu.memory_space<vmem>>[vector<16xi32>, vector<16xi32>], vector<16xf32>,
      %sub3A_393 = arith.subf %gather3A_392, %gather3A_391 : vector<16xf32>
      %mul3A_394 = arith.mulf %sub3A_393, %sub3A_393 : vector<16xf32>
      %mul3A_395 = arith.mulf %select_n3A, %mul3A_394 : vector<16xf32>
      %add3A_396 = arith.addf %add3A_364, %mul3A_395 : vector<16xf32>
      %broadcast_in_dim3A_397 = arith.constant 40 : i32
      %broadcast_in_dim3A_398 = vector.broadcast %broadcast_in_dim3A_397 : i32 to vector<16xi32>
      %gather3A_399 = tpu.vector_load_idx %arg7[%broadcast_in_dim3A_398, %min3A_76] : memref<64x1153xf32, #tpu.memory_space<vmem>>[vector<16xi32>, vector<16xi32>], vector<16xf32>,
      %gather3A_400 = tpu.vector_load_idx %arg8[%broadcast_in_dim3A_398, %min3A_62] : memref<64x512xf32, #tpu.memory_space<vmem>>[vector<16xi32>, vector<16xi32>], vector<16xf32>,
      %sub3A_401 = arith.subf %gather3A_400, %gather3A_399 : vector<16xf32>
      %mul3A_402 = arith.mulf %sub3A_401, %sub3A_401 : vector<16xf32>
      %mul3A_403 = arith.mulf %select_n3A, %mul3A_402 : vector<16xf32>
      %add3A_404 = arith.addf %add3A_372, %mul3A_403 : vector<16xf32>
      %broadcast_in_dim3A_405 = arith.constant 41 : i32
      %broadcast_in_dim3A_406 = vector.broadcast %broadcast_in_dim3A_405 : i32 to vector<16xi32>
      %gather3A_407 = tpu.vector_load_idx %arg7[%broadcast_in_dim3A_406, %min3A_76] : memref<64x1153xf32, #tpu.memory_space<vmem>>[vector<16xi32>, vector<16xi32>], vector<16xf32>,
      %gather3A_408 = tpu.vector_load_idx %arg8[%broadcast_in_dim3A_406, %min3A_62] : memref<64x512xf32, #tpu.memory_space<vmem>>[vector<16xi32>, vector<16xi32>], vector<16xf32>,
      %sub3A_409 = arith.subf %gather3A_408, %gather3A_407 : vector<16xf32>
      %mul3A_410 = arith.mulf %sub3A_409, %sub3A_409 : vector<16xf32>
      %mul3A_411 = arith.mulf %select_n3A, %mul3A_410 : vector<16xf32>
      %add3A_412 = arith.addf %add3A_380, %mul3A_411 : vector<16xf32>
      %broadcast_in_dim3A_413 = arith.constant 42 : i32
      %broadcast_in_dim3A_414 = vector.broadcast %broadcast_in_dim3A_413 : i32 to vector<16xi32>
      %gather3A_415 = tpu.vector_load_idx %arg7[%broadcast_in_dim3A_414, %min3A_76] : memref<64x1153xf32, #tpu.memory_space<vmem>>[vector<16xi32>, vector<16xi32>], vector<16xf32>,
      %gather3A_416 = tpu.vector_load_idx %arg8[%broadcast_in_dim3A_414, %min3A_62] : memref<64x512xf32, #tpu.memory_space<vmem>>[vector<16xi32>, vector<16xi32>], vector<16xf32>,
      %sub3A_417 = arith.subf %gather3A_416, %gather3A_415 : vector<16xf32>
      %mul3A_418 = arith.mulf %sub3A_417, %sub3A_417 : vector<16xf32>
      %mul3A_419 = arith.mulf %select_n3A, %mul3A_418 : vector<16xf32>
      %add3A_420 = arith.addf %add3A_388, %mul3A_419 : vector<16xf32>
      %broadcast_in_dim3A_421 = arith.constant 43 : i32
      %broadcast_in_dim3A_422 = vector.broadcast %broadcast_in_dim3A_421 : i32 to vector<16xi32>
      %gather3A_423 = tpu.vector_load_idx %arg7[%broadcast_in_dim3A_422, %min3A_76] : memref<64x1153xf32, #tpu.memory_space<vmem>>[vector<16xi32>, vector<16xi32>], vector<16xf32>,
      %gather3A_424 = tpu.vector_load_idx %arg8[%broadcast_in_dim3A_422, %min3A_62] : memref<64x512xf32, #tpu.memory_space<vmem>>[vector<16xi32>, vector<16xi32>], vector<16xf32>,
      %sub3A_425 = arith.subf %gather3A_424, %gather3A_423 : vector<16xf32>
      %mul3A_426 = arith.mulf %sub3A_425, %sub3A_425 : vector<16xf32>
      %mul3A_427 = arith.mulf %select_n3A, %mul3A_426 : vector<16xf32>
      %add3A_428 = arith.addf %add3A_396, %mul3A_427 : vector<16xf32>
      %broadcast_in_dim3A_429 = arith.constant 44 : i32
      %broadcast_in_dim3A_430 = vector.broadcast %broadcast_in_dim3A_429 : i32 to vector<16xi32>
      %gather3A_431 = tpu.vector_load_idx %arg7[%broadcast_in_dim3A_430, %min3A_76] : memref<64x1153xf32, #tpu.memory_space<vmem>>[vector<16xi32>, vector<16xi32>], vector<16xf32>,
      %gather3A_432 = tpu.vector_load_idx %arg8[%broadcast_in_dim3A_430, %min3A_62] : memref<64x512xf32, #tpu.memory_space<vmem>>[vector<16xi32>, vector<16xi32>], vector<16xf32>,
      %sub3A_433 = arith.subf %gather3A_432, %gather3A_431 : vector<16xf32>
      %mul3A_434 = arith.mulf %sub3A_433, %sub3A_433 : vector<16xf32>
      %mul3A_435 = arith.mulf %select_n3A, %mul3A_434 : vector<16xf32>
      %add3A_436 = arith.addf %add3A_404, %mul3A_435 : vector<16xf32>
      %broadcast_in_dim3A_437 = arith.constant 45 : i32
      %broadcast_in_dim3A_438 = vector.broadcast %broadcast_in_dim3A_437 : i32 to vector<16xi32>
      %gather3A_439 = tpu.vector_load_idx %arg7[%broadcast_in_dim3A_438, %min3A_76] : memref<64x1153xf32, #tpu.memory_space<vmem>>[vector<16xi32>, vector<16xi32>], vector<16xf32>,
      %gather3A_440 = tpu.vector_load_idx %arg8[%broadcast_in_dim3A_438, %min3A_62] : memref<64x512xf32, #tpu.memory_space<vmem>>[vector<16xi32>, vector<16xi32>], vector<16xf32>,
      %sub3A_441 = arith.subf %gather3A_440, %gather3A_439 : vector<16xf32>
      %mul3A_442 = arith.mulf %sub3A_441, %sub3A_441 : vector<16xf32>
      %mul3A_443 = arith.mulf %select_n3A, %mul3A_442 : vector<16xf32>
      %add3A_444 = arith.addf %add3A_412, %mul3A_443 : vector<16xf32>
      %broadcast_in_dim3A_445 = arith.constant 46 : i32
      %broadcast_in_dim3A_446 = vector.broadcast %broadcast_in_dim3A_445 : i32 to vector<16xi32>
      %gather3A_447 = tpu.vector_load_idx %arg7[%broadcast_in_dim3A_446, %min3A_76] : memref<64x1153xf32, #tpu.memory_space<vmem>>[vector<16xi32>, vector<16xi32>], vector<16xf32>,
      %gather3A_448 = tpu.vector_load_idx %arg8[%broadcast_in_dim3A_446, %min3A_62] : memref<64x512xf32, #tpu.memory_space<vmem>>[vector<16xi32>, vector<16xi32>], vector<16xf32>,
      %sub3A_449 = arith.subf %gather3A_448, %gather3A_447 : vector<16xf32>
      %mul3A_450 = arith.mulf %sub3A_449, %sub3A_449 : vector<16xf32>
      %mul3A_451 = arith.mulf %select_n3A, %mul3A_450 : vector<16xf32>
      %add3A_452 = arith.addf %add3A_420, %mul3A_451 : vector<16xf32>
      %broadcast_in_dim3A_453 = arith.constant 47 : i32
      %broadcast_in_dim3A_454 = vector.broadcast %broadcast_in_dim3A_453 : i32 to vector<16xi32>
      %gather3A_455 = tpu.vector_load_idx %arg7[%broadcast_in_dim3A_454, %min3A_76] : memref<64x1153xf32, #tpu.memory_space<vmem>>[vector<16xi32>, vector<16xi32>], vector<16xf32>,
      %gather3A_456 = tpu.vector_load_idx %arg8[%broadcast_in_dim3A_454, %min3A_62] : memref<64x512xf32, #tpu.memory_space<vmem>>[vector<16xi32>, vector<16xi32>], vector<16xf32>,
      %sub3A_457 = arith.subf %gather3A_456, %gather3A_455 : vector<16xf32>
      %mul3A_458 = arith.mulf %sub3A_457, %sub3A_457 : vector<16xf32>
      %mul3A_459 = arith.mulf %select_n3A, %mul3A_458 : vector<16xf32>
      %add3A_460 = arith.addf %add3A_428, %mul3A_459 : vector<16xf32>
      %broadcast_in_dim3A_461 = arith.constant 48 : i32
      %broadcast_in_dim3A_462 = vector.broadcast %broadcast_in_dim3A_461 : i32 to vector<16xi32>
      %gather3A_463 = tpu.vector_load_idx %arg7[%broadcast_in_dim3A_462, %min3A_76] : memref<64x1153xf32, #tpu.memory_space<vmem>>[vector<16xi32>, vector<16xi32>], vector<16xf32>,
      %gather3A_464 = tpu.vector_load_idx %arg8[%broadcast_in_dim3A_462, %min3A_62] : memref<64x512xf32, #tpu.memory_space<vmem>>[vector<16xi32>, vector<16xi32>], vector<16xf32>,
      %sub3A_465 = arith.subf %gather3A_464, %gather3A_463 : vector<16xf32>
      %mul3A_466 = arith.mulf %sub3A_465, %sub3A_465 : vector<16xf32>
      %mul3A_467 = arith.mulf %select_n3A, %mul3A_466 : vector<16xf32>
      %add3A_468 = arith.addf %add3A_436, %mul3A_467 : vector<16xf32>
      %broadcast_in_dim3A_469 = arith.constant 49 : i32
      %broadcast_in_dim3A_470 = vector.broadcast %broadcast_in_dim3A_469 : i32 to vector<16xi32>
      %gather3A_471 = tpu.vector_load_idx %arg7[%broadcast_in_dim3A_470, %min3A_76] : memref<64x1153xf32, #tpu.memory_space<vmem>>[vector<16xi32>, vector<16xi32>], vector<16xf32>,
      %gather3A_472 = tpu.vector_load_idx %arg8[%broadcast_in_dim3A_470, %min3A_62] : memref<64x512xf32, #tpu.memory_space<vmem>>[vector<16xi32>, vector<16xi32>], vector<16xf32>,
      %sub3A_473 = arith.subf %gather3A_472, %gather3A_471 : vector<16xf32>
      %mul3A_474 = arith.mulf %sub3A_473, %sub3A_473 : vector<16xf32>
      %mul3A_475 = arith.mulf %select_n3A, %mul3A_474 : vector<16xf32>
      %add3A_476 = arith.addf %add3A_444, %mul3A_475 : vector<16xf32>
      %broadcast_in_dim3A_477 = arith.constant 50 : i32
      %broadcast_in_dim3A_478 = vector.broadcast %broadcast_in_dim3A_477 : i32 to vector<16xi32>
      %gather3A_479 = tpu.vector_load_idx %arg7[%broadcast_in_dim3A_478, %min3A_76] : memref<64x1153xf32, #tpu.memory_space<vmem>>[vector<16xi32>, vector<16xi32>], vector<16xf32>,
      %gather3A_480 = tpu.vector_load_idx %arg8[%broadcast_in_dim3A_478, %min3A_62] : memref<64x512xf32, #tpu.memory_space<vmem>>[vector<16xi32>, vector<16xi32>], vector<16xf32>,
      %sub3A_481 = arith.subf %gather3A_480, %gather3A_479 : vector<16xf32>
      %mul3A_482 = arith.mulf %sub3A_481, %sub3A_481 : vector<16xf32>
      %mul3A_483 = arith.mulf %select_n3A, %mul3A_482 : vector<16xf32>
      %add3A_484 = arith.addf %add3A_452, %mul3A_483 : vector<16xf32>
      %broadcast_in_dim3A_485 = arith.constant 51 : i32
      %broadcast_in_dim3A_486 = vector.broadcast %broadcast_in_dim3A_485 : i32 to vector<16xi32>
      %gather3A_487 = tpu.vector_load_idx %arg7[%broadcast_in_dim3A_486, %min3A_76] : memref<64x1153xf32, #tpu.memory_space<vmem>>[vector<16xi32>, vector<16xi32>], vector<16xf32>,
      %gather3A_488 = tpu.vector_load_idx %arg8[%broadcast_in_dim3A_486, %min3A_62] : memref<64x512xf32, #tpu.memory_space<vmem>>[vector<16xi32>, vector<16xi32>], vector<16xf32>,
      %sub3A_489 = arith.subf %gather3A_488, %gather3A_487 : vector<16xf32>
      %mul3A_490 = arith.mulf %sub3A_489, %sub3A_489 : vector<16xf32>
      %mul3A_491 = arith.mulf %select_n3A, %mul3A_490 : vector<16xf32>
      %add3A_492 = arith.addf %add3A_460, %mul3A_491 : vector<16xf32>
      %broadcast_in_dim3A_493 = arith.constant 52 : i32
      %broadcast_in_dim3A_494 = vector.broadcast %broadcast_in_dim3A_493 : i32 to vector<16xi32>
      %gather3A_495 = tpu.vector_load_idx %arg7[%broadcast_in_dim3A_494, %min3A_76] : memref<64x1153xf32, #tpu.memory_space<vmem>>[vector<16xi32>, vector<16xi32>], vector<16xf32>,
      %gather3A_496 = tpu.vector_load_idx %arg8[%broadcast_in_dim3A_494, %min3A_62] : memref<64x512xf32, #tpu.memory_space<vmem>>[vector<16xi32>, vector<16xi32>], vector<16xf32>,
      %sub3A_497 = arith.subf %gather3A_496, %gather3A_495 : vector<16xf32>
      %mul3A_498 = arith.mulf %sub3A_497, %sub3A_497 : vector<16xf32>
      %mul3A_499 = arith.mulf %select_n3A, %mul3A_498 : vector<16xf32>
      %add3A_500 = arith.addf %add3A_468, %mul3A_499 : vector<16xf32>
      %broadcast_in_dim3A_501 = arith.constant 53 : i32
      %broadcast_in_dim3A_502 = vector.broadcast %broadcast_in_dim3A_501 : i32 to vector<16xi32>
      %gather3A_503 = tpu.vector_load_idx %arg7[%broadcast_in_dim3A_502, %min3A_76] : memref<64x1153xf32, #tpu.memory_space<vmem>>[vector<16xi32>, vector<16xi32>], vector<16xf32>,
      %gather3A_504 = tpu.vector_load_idx %arg8[%broadcast_in_dim3A_502, %min3A_62] : memref<64x512xf32, #tpu.memory_space<vmem>>[vector<16xi32>, vector<16xi32>], vector<16xf32>,
      %sub3A_505 = arith.subf %gather3A_504, %gather3A_503 : vector<16xf32>
      %mul3A_506 = arith.mulf %sub3A_505, %sub3A_505 : vector<16xf32>
      %mul3A_507 = arith.mulf %select_n3A, %mul3A_506 : vector<16xf32>
      %add3A_508 = arith.addf %add3A_476, %mul3A_507 : vector<16xf32>
      %broadcast_in_dim3A_509 = arith.constant 54 : i32
      %broadcast_in_dim3A_510 = vector.broadcast %broadcast_in_dim3A_509 : i32 to vector<16xi32>
      %gather3A_511 = tpu.vector_load_idx %arg7[%broadcast_in_dim3A_510, %min3A_76] : memref<64x1153xf32, #tpu.memory_space<vmem>>[vector<16xi32>, vector<16xi32>], vector<16xf32>,
      %gather3A_512 = tpu.vector_load_idx %arg8[%broadcast_in_dim3A_510, %min3A_62] : memref<64x512xf32, #tpu.memory_space<vmem>>[vector<16xi32>, vector<16xi32>], vector<16xf32>,
      %sub3A_513 = arith.subf %gather3A_512, %gather3A_511 : vector<16xf32>
      %mul3A_514 = arith.mulf %sub3A_513, %sub3A_513 : vector<16xf32>
      %mul3A_515 = arith.mulf %select_n3A, %mul3A_514 : vector<16xf32>
      %add3A_516 = arith.addf %add3A_484, %mul3A_515 : vector<16xf32>
      %broadcast_in_dim3A_517 = arith.constant 55 : i32
      %broadcast_in_dim3A_518 = vector.broadcast %broadcast_in_dim3A_517 : i32 to vector<16xi32>
      %gather3A_519 = tpu.vector_load_idx %arg7[%broadcast_in_dim3A_518, %min3A_76] : memref<64x1153xf32, #tpu.memory_space<vmem>>[vector<16xi32>, vector<16xi32>], vector<16xf32>,
      %gather3A_520 = tpu.vector_load_idx %arg8[%broadcast_in_dim3A_518, %min3A_62] : memref<64x512xf32, #tpu.memory_space<vmem>>[vector<16xi32>, vector<16xi32>], vector<16xf32>,
      %sub3A_521 = arith.subf %gather3A_520, %gather3A_519 : vector<16xf32>
      %mul3A_522 = arith.mulf %sub3A_521, %sub3A_521 : vector<16xf32>
      %mul3A_523 = arith.mulf %select_n3A, %mul3A_522 : vector<16xf32>
      %add3A_524 = arith.addf %add3A_492, %mul3A_523 : vector<16xf32>
      %broadcast_in_dim3A_525 = arith.constant 56 : i32
      %broadcast_in_dim3A_526 = vector.broadcast %broadcast_in_dim3A_525 : i32 to vector<16xi32>
      %gather3A_527 = tpu.vector_load_idx %arg7[%broadcast_in_dim3A_526, %min3A_76] : memref<64x1153xf32, #tpu.memory_space<vmem>>[vector<16xi32>, vector<16xi32>], vector<16xf32>,
      %gather3A_528 = tpu.vector_load_idx %arg8[%broadcast_in_dim3A_526, %min3A_62] : memref<64x512xf32, #tpu.memory_space<vmem>>[vector<16xi32>, vector<16xi32>], vector<16xf32>,
      %sub3A_529 = arith.subf %gather3A_528, %gather3A_527 : vector<16xf32>
      %mul3A_530 = arith.mulf %sub3A_529, %sub3A_529 : vector<16xf32>
      %mul3A_531 = arith.mulf %select_n3A, %mul3A_530 : vector<16xf32>
      %add3A_532 = arith.addf %add3A_500, %mul3A_531 : vector<16xf32>
      %broadcast_in_dim3A_533 = arith.constant 57 : i32
      %broadcast_in_dim3A_534 = vector.broadcast %broadcast_in_dim3A_533 : i32 to vector<16xi32>
      %gather3A_535 = tpu.vector_load_idx %arg7[%broadcast_in_dim3A_534, %min3A_76] : memref<64x1153xf32, #tpu.memory_space<vmem>>[vector<16xi32>, vector<16xi32>], vector<16xf32>,
      %gather3A_536 = tpu.vector_load_idx %arg8[%broadcast_in_dim3A_534, %min3A_62] : memref<64x512xf32, #tpu.memory_space<vmem>>[vector<16xi32>, vector<16xi32>], vector<16xf32>,
      %sub3A_537 = arith.subf %gather3A_536, %gather3A_535 : vector<16xf32>
      %mul3A_538 = arith.mulf %sub3A_537, %sub3A_537 : vector<16xf32>
      %mul3A_539 = arith.mulf %select_n3A, %mul3A_538 : vector<16xf32>
      %add3A_540 = arith.addf %add3A_508, %mul3A_539 : vector<16xf32>
      %broadcast_in_dim3A_541 = arith.constant 58 : i32
      %broadcast_in_dim3A_542 = vector.broadcast %broadcast_in_dim3A_541 : i32 to vector<16xi32>
      %gather3A_543 = tpu.vector_load_idx %arg7[%broadcast_in_dim3A_542, %min3A_76] : memref<64x1153xf32, #tpu.memory_space<vmem>>[vector<16xi32>, vector<16xi32>], vector<16xf32>,
      %gather3A_544 = tpu.vector_load_idx %arg8[%broadcast_in_dim3A_542, %min3A_62] : memref<64x512xf32, #tpu.memory_space<vmem>>[vector<16xi32>, vector<16xi32>], vector<16xf32>,
      %sub3A_545 = arith.subf %gather3A_544, %gather3A_543 : vector<16xf32>
      %mul3A_546 = arith.mulf %sub3A_545, %sub3A_545 : vector<16xf32>
      %mul3A_547 = arith.mulf %select_n3A, %mul3A_546 : vector<16xf32>
      %add3A_548 = arith.addf %add3A_516, %mul3A_547 : vector<16xf32>
      %broadcast_in_dim3A_549 = arith.constant 59 : i32
      %broadcast_in_dim3A_550 = vector.broadcast %broadcast_in_dim3A_549 : i32 to vector<16xi32>
      %gather3A_551 = tpu.vector_load_idx %arg7[%broadcast_in_dim3A_550, %min3A_76] : memref<64x1153xf32, #tpu.memory_space<vmem>>[vector<16xi32>, vector<16xi32>], vector<16xf32>,
      %gather3A_552 = tpu.vector_load_idx %arg8[%broadcast_in_dim3A_550, %min3A_62] : memref<64x512xf32, #tpu.memory_space<vmem>>[vector<16xi32>, vector<16xi32>], vector<16xf32>,
      %sub3A_553 = arith.subf %gather3A_552, %gather3A_551 : vector<16xf32>
      %mul3A_554 = arith.mulf %sub3A_553, %sub3A_553 : vector<16xf32>
      %mul3A_555 = arith.mulf %select_n3A, %mul3A_554 : vector<16xf32>
      %add3A_556 = arith.addf %add3A_524, %mul3A_555 : vector<16xf32>
      %broadcast_in_dim3A_557 = arith.constant 60 : i32
      %broadcast_in_dim3A_558 = vector.broadcast %broadcast_in_dim3A_557 : i32 to vector<16xi32>
      %gather3A_559 = tpu.vector_load_idx %arg7[%broadcast_in_dim3A_558, %min3A_76] : memref<64x1153xf32, #tpu.memory_space<vmem>>[vector<16xi32>, vector<16xi32>], vector<16xf32>,
      %gather3A_560 = tpu.vector_load_idx %arg8[%broadcast_in_dim3A_558, %min3A_62] : memref<64x512xf32, #tpu.memory_space<vmem>>[vector<16xi32>, vector<16xi32>], vector<16xf32>,
      %sub3A_561 = arith.subf %gather3A_560, %gather3A_559 : vector<16xf32>
      %mul3A_562 = arith.mulf %sub3A_561, %sub3A_561 : vector<16xf32>
      %mul3A_563 = arith.mulf %select_n3A, %mul3A_562 : vector<16xf32>
      %add3A_564 = arith.addf %add3A_532, %mul3A_563 : vector<16xf32>
      %broadcast_in_dim3A_565 = arith.constant 61 : i32
      %broadcast_in_dim3A_566 = vector.broadcast %broadcast_in_dim3A_565 : i32 to vector<16xi32>
      %gather3A_567 = tpu.vector_load_idx %arg7[%broadcast_in_dim3A_566, %min3A_76] : memref<64x1153xf32, #tpu.memory_space<vmem>>[vector<16xi32>, vector<16xi32>], vector<16xf32>,
      %gather3A_568 = tpu.vector_load_idx %arg8[%broadcast_in_dim3A_566, %min3A_62] : memref<64x512xf32, #tpu.memory_space<vmem>>[vector<16xi32>, vector<16xi32>], vector<16xf32>,
      %sub3A_569 = arith.subf %gather3A_568, %gather3A_567 : vector<16xf32>
      %mul3A_570 = arith.mulf %sub3A_569, %sub3A_569 : vector<16xf32>
      %mul3A_571 = arith.mulf %select_n3A, %mul3A_570 : vector<16xf32>
      %add3A_572 = arith.addf %add3A_540, %mul3A_571 : vector<16xf32>
      %broadcast_in_dim3A_573 = arith.constant 62 : i32
      %broadcast_in_dim3A_574 = vector.broadcast %broadcast_in_dim3A_573 : i32 to vector<16xi32>
      %gather3A_575 = tpu.vector_load_idx %arg7[%broadcast_in_dim3A_574, %min3A_76] : memref<64x1153xf32, #tpu.memory_space<vmem>>[vector<16xi32>, vector<16xi32>], vector<16xf32>,
      %gather3A_576 = tpu.vector_load_idx %arg8[%broadcast_in_dim3A_574, %min3A_62] : memref<64x512xf32, #tpu.memory_space<vmem>>[vector<16xi32>, vector<16xi32>], vector<16xf32>,
      %sub3A_577 = arith.subf %gather3A_576, %gather3A_575 : vector<16xf32>
      %mul3A_578 = arith.mulf %sub3A_577, %sub3A_577 : vector<16xf32>
      %mul3A_579 = arith.mulf %select_n3A, %mul3A_578 : vector<16xf32>
      %add3A_580 = arith.addf %add3A_548, %mul3A_579 : vector<16xf32>
      %broadcast_in_dim3A_581 = arith.constant 63 : i32
      %broadcast_in_dim3A_582 = vector.broadcast %broadcast_in_dim3A_581 : i32 to vector<16xi32>
      %gather3A_583 = tpu.vector_load_idx %arg7[%broadcast_in_dim3A_582, %min3A_76] : memref<64x1153xf32, #tpu.memory_space<vmem>>[vector<16xi32>, vector<16xi32>], vector<16xf32>,
      %gather3A_584 = tpu.vector_load_idx %arg8[%broadcast_in_dim3A_582, %min3A_62] : memref<64x512xf32, #tpu.memory_space<vmem>>[vector<16xi32>, vector<16xi32>], vector<16xf32>,
      %sub3A_585 = arith.subf %gather3A_584, %gather3A_583 : vector<16xf32>
      %mul3A_586 = arith.mulf %sub3A_585, %sub3A_585 : vector<16xf32>
      %mul3A_587 = arith.mulf %select_n3A, %mul3A_586 : vector<16xf32>
      %add3A_588 = arith.addf %add3A_556, %mul3A_587 : vector<16xf32>
      %convert_element_type3A = arith.extui %and3A : vector<16xi1> to vector<16xi32>
      %reduce_sum3A = arith.constant true
      %reduce_sum3A_589 = vector.broadcast %reduce_sum3A : i1 to vector<16xi1>
      %reduce_sum3A_590 = tpu.scan <sum>, %convert_element_type3A masked %reduce_sum3A_589 : vector<16xi32>, vector<16xi1> -> vector<16xi32>
      %reduce_sum3A_591 = vector.extract %reduce_sum3A_590[15] : i32 from vector<16xi32>
      %add3A_592 = arith.constant 0 : i32
      %add3A_593 = arith.addi %add3A_592, %reduce_sum3A_591 : i32
      %add3A_594 = arith.constant 16 : i32
      %add3A_595 = arith.addi %while3A_25, %add3A_594 : i32
      %add3A_596 = vector.broadcast %add3A_595 : i32 to vector<16xi32>
      %add3A_597 = arith.addi %add3A_596, %iota3A : vector<16xi32>
      %min3A_598 = arith.constant 511 : i32
      %min3A_599 = vector.broadcast %min3A_598 : i32 to vector<16xi32>
      %min3A_600 = arith.minsi %add3A_597, %min3A_599 : vector<16xi32>
      %gather3A_601 = tpu.vector_load_idx %arg6[%min3A_600] : memref<512xi32, #tpu.memory_space<vmem>>[vector<16xi32>], vector<16xi32>,
      %lt3A_602 = arith.constant 512 : i32
      %lt3A_603 = vector.broadcast %lt3A_602 : i32 to vector<16xi32>
      %lt3A_604 = arith.cmpi slt, %add3A_597, %lt3A_603 : vector<16xi32>
      %lt3A_605 = vector.broadcast %add3A_55 : i32 to vector<16xi32>
      %lt3A_606 = arith.cmpi slt, %gather3A_601, %lt3A_605 : vector<16xi32>
      %and3A_607 = arith.andi %lt3A_604, %lt3A_606 : vector<16xi1>
      %jit3A_608 = arith.constant 1.000000e+00 : f32
      %jit3A_609 = arith.constant 0.000000e+00 : f32
      %broadcast_in_dim3A_610 = vector.broadcast %jit3A_608 : f32 to vector<16xf32>
      %broadcast_in_dim3A_611 = vector.broadcast %jit3A_609 : f32 to vector<16xf32>
      %select_n3A_612 = arith.select %and3A_607, %broadcast_in_dim3A_610, %broadcast_in_dim3A_611 : vector<16xi1>, vector<16xf32>
      %sub3A_613 = vector.broadcast %multiple_of3A_35 : i32 to vector<16xi32>
      %sub3A_614 = arith.subi %gather3A_601, %sub3A_613 : vector<16xi32>
      %jit3A_615 = arith.constant 0 : i32
      %jit3A_616 = arith.constant 1152 : i32
      %max3A_617 = vector.broadcast %jit3A_615 : i32 to vector<16xi32>
      %max3A_618 = arith.maxsi %max3A_617, %sub3A_614 : vector<16xi32>
      %min3A_619 = vector.broadcast %jit3A_616 : i32 to vector<16xi32>
      %min3A_620 = arith.minsi %min3A_619, %max3A_618 : vector<16xi32>
      %broadcast_in_dim3A_621 = arith.constant 0 : i32
      %broadcast_in_dim3A_622 = vector.broadcast %broadcast_in_dim3A_621 : i32 to vector<16xi32>
      %gather3A_623 = tpu.vector_load_idx %arg7[%broadcast_in_dim3A_622, %min3A_620] : memref<64x1153xf32, #tpu.memory_space<vmem>>[vector<16xi32>, vector<16xi32>], vector<16xf32>,
      %gather3A_624 = tpu.vector_load_idx %arg8[%broadcast_in_dim3A_622, %min3A_600] : memref<64x512xf32, #tpu.memory_space<vmem>>[vector<16xi32>, vector<16xi32>], vector<16xf32>,
      %sub3A_625 = arith.subf %gather3A_624, %gather3A_623 : vector<16xf32>
      %mul3A_626 = arith.mulf %sub3A_625, %sub3A_625 : vector<16xf32>
      %mul3A_627 = arith.mulf %select_n3A_612, %mul3A_626 : vector<16xf32>
      %add3A_628 = arith.addf %add3A_564, %mul3A_627 : vector<16xf32>
      %broadcast_in_dim3A_629 = arith.constant 1 : i32
      %broadcast_in_dim3A_630 = vector.broadcast %broadcast_in_dim3A_629 : i32 to vector<16xi32>
      %gather3A_631 = tpu.vector_load_idx %arg7[%broadcast_in_dim3A_630, %min3A_620] : memref<64x1153xf32, #tpu.memory_space<vmem>>[vector<16xi32>, vector<16xi32>], vector<16xf32>,
      %gather3A_632 = tpu.vector_load_idx %arg8[%broadcast_in_dim3A_630, %min3A_600] : memref<64x512xf32, #tpu.memory_space<vmem>>[vector<16xi32>, vector<16xi32>], vector<16xf32>,
      %sub3A_633 = arith.subf %gather3A_632, %gather3A_631 : vector<16xf32>
      %mul3A_634 = arith.mulf %sub3A_633, %sub3A_633 : vector<16xf32>
      %mul3A_635 = arith.mulf %select_n3A_612, %mul3A_634 : vector<16xf32>
      %add3A_636 = arith.addf %add3A_572, %mul3A_635 : vector<16xf32>
      %broadcast_in_dim3A_637 = arith.constant 2 : i32
      %broadcast_in_dim3A_638 = vector.broadcast %broadcast_in_dim3A_637 : i32 to vector<16xi32>
      %gather3A_639 = tpu.vector_load_idx %arg7[%broadcast_in_dim3A_638, %min3A_620] : memref<64x1153xf32, #tpu.memory_space<vmem>>[vector<16xi32>, vector<16xi32>], vector<16xf32>,
      %gather3A_640 = tpu.vector_load_idx %arg8[%broadcast_in_dim3A_638, %min3A_600] : memref<64x512xf32, #tpu.memory_space<vmem>>[vector<16xi32>, vector<16xi32>], vector<16xf32>,
      %sub3A_641 = arith.subf %gather3A_640, %gather3A_639 : vector<16xf32>
      %mul3A_642 = arith.mulf %sub3A_641, %sub3A_641 : vector<16xf32>
      %mul3A_643 = arith.mulf %select_n3A_612, %mul3A_642 : vector<16xf32>
      %add3A_644 = arith.addf %add3A_580, %mul3A_643 : vector<16xf32>
      %broadcast_in_dim3A_645 = arith.constant 3 : i32
      %broadcast_in_dim3A_646 = vector.broadcast %broadcast_in_dim3A_645 : i32 to vector<16xi32>
      %gather3A_647 = tpu.vector_load_idx %arg7[%broadcast_in_dim3A_646, %min3A_620] : memref<64x1153xf32, #tpu.memory_space<vmem>>[vector<16xi32>, vector<16xi32>], vector<16xf32>,
      %gather3A_648 = tpu.vector_load_idx %arg8[%broadcast_in_dim3A_646, %min3A_600] : memref<64x512xf32, #tpu.memory_space<vmem>>[vector<16xi32>, vector<16xi32>], vector<16xf32>,
      %sub3A_649 = arith.subf %gather3A_648, %gather3A_647 : vector<16xf32>
      %mul3A_650 = arith.mulf %sub3A_649, %sub3A_649 : vector<16xf32>
      %mul3A_651 = arith.mulf %select_n3A_612, %mul3A_650 : vector<16xf32>
      %add3A_652 = arith.addf %add3A_588, %mul3A_651 : vector<16xf32>
      %broadcast_in_dim3A_653 = arith.constant 4 : i32
      %broadcast_in_dim3A_654 = vector.broadcast %broadcast_in_dim3A_653 : i32 to vector<16xi32>
      %gather3A_655 = tpu.vector_load_idx %arg7[%broadcast_in_dim3A_654, %min3A_620] : memref<64x1153xf32, #tpu.memory_space<vmem>>[vector<16xi32>, vector<16xi32>], vector<16xf32>,
      %gather3A_656 = tpu.vector_load_idx %arg8[%broadcast_in_dim3A_654, %min3A_600] : memref<64x512xf32, #tpu.memory_space<vmem>>[vector<16xi32>, vector<16xi32>], vector<16xf32>,
      %sub3A_657 = arith.subf %gather3A_656, %gather3A_655 : vector<16xf32>
      %mul3A_658 = arith.mulf %sub3A_657, %sub3A_657 : vector<16xf32>
      %mul3A_659 = arith.mulf %select_n3A_612, %mul3A_658 : vector<16xf32>
      %add3A_660 = arith.addf %add3A_628, %mul3A_659 : vector<16xf32>
      %broadcast_in_dim3A_661 = arith.constant 5 : i32
      %broadcast_in_dim3A_662 = vector.broadcast %broadcast_in_dim3A_661 : i32 to vector<16xi32>
      %gather3A_663 = tpu.vector_load_idx %arg7[%broadcast_in_dim3A_662, %min3A_620] : memref<64x1153xf32, #tpu.memory_space<vmem>>[vector<16xi32>, vector<16xi32>], vector<16xf32>,
      %gather3A_664 = tpu.vector_load_idx %arg8[%broadcast_in_dim3A_662, %min3A_600] : memref<64x512xf32, #tpu.memory_space<vmem>>[vector<16xi32>, vector<16xi32>], vector<16xf32>,
      %sub3A_665 = arith.subf %gather3A_664, %gather3A_663 : vector<16xf32>
      %mul3A_666 = arith.mulf %sub3A_665, %sub3A_665 : vector<16xf32>
      %mul3A_667 = arith.mulf %select_n3A_612, %mul3A_666 : vector<16xf32>
      %add3A_668 = arith.addf %add3A_636, %mul3A_667 : vector<16xf32>
      %broadcast_in_dim3A_669 = arith.constant 6 : i32
      %broadcast_in_dim3A_670 = vector.broadcast %broadcast_in_dim3A_669 : i32 to vector<16xi32>
      %gather3A_671 = tpu.vector_load_idx %arg7[%broadcast_in_dim3A_670, %min3A_620] : memref<64x1153xf32, #tpu.memory_space<vmem>>[vector<16xi32>, vector<16xi32>], vector<16xf32>,
      %gather3A_672 = tpu.vector_load_idx %arg8[%broadcast_in_dim3A_670, %min3A_600] : memref<64x512xf32, #tpu.memory_space<vmem>>[vector<16xi32>, vector<16xi32>], vector<16xf32>,
      %sub3A_673 = arith.subf %gather3A_672, %gather3A_671 : vector<16xf32>
      %mul3A_674 = arith.mulf %sub3A_673, %sub3A_673 : vector<16xf32>
      %mul3A_675 = arith.mulf %select_n3A_612, %mul3A_674 : vector<16xf32>
      %add3A_676 = arith.addf %add3A_644, %mul3A_675 : vector<16xf32>
      %broadcast_in_dim3A_677 = arith.constant 7 : i32
      %broadcast_in_dim3A_678 = vector.broadcast %broadcast_in_dim3A_677 : i32 to vector<16xi32>
      %gather3A_679 = tpu.vector_load_idx %arg7[%broadcast_in_dim3A_678, %min3A_620] : memref<64x1153xf32, #tpu.memory_space<vmem>>[vector<16xi32>, vector<16xi32>], vector<16xf32>,
      %gather3A_680 = tpu.vector_load_idx %arg8[%broadcast_in_dim3A_678, %min3A_600] : memref<64x512xf32, #tpu.memory_space<vmem>>[vector<16xi32>, vector<16xi32>], vector<16xf32>,
      %sub3A_681 = arith.subf %gather3A_680, %gather3A_679 : vector<16xf32>
      %mul3A_682 = arith.mulf %sub3A_681, %sub3A_681 : vector<16xf32>
      %mul3A_683 = arith.mulf %select_n3A_612, %mul3A_682 : vector<16xf32>
      %add3A_684 = arith.addf %add3A_652, %mul3A_683 : vector<16xf32>
      %broadcast_in_dim3A_685 = arith.constant 8 : i32
      %broadcast_in_dim3A_686 = vector.broadcast %broadcast_in_dim3A_685 : i32 to vector<16xi32>
      %gather3A_687 = tpu.vector_load_idx %arg7[%broadcast_in_dim3A_686, %min3A_620] : memref<64x1153xf32, #tpu.memory_space<vmem>>[vector<16xi32>, vector<16xi32>], vector<16xf32>,
      %gather3A_688 = tpu.vector_load_idx %arg8[%broadcast_in_dim3A_686, %min3A_600] : memref<64x512xf32, #tpu.memory_space<vmem>>[vector<16xi32>, vector<16xi32>], vector<16xf32>,
      %sub3A_689 = arith.subf %gather3A_688, %gather3A_687 : vector<16xf32>
      %mul3A_690 = arith.mulf %sub3A_689, %sub3A_689 : vector<16xf32>
      %mul3A_691 = arith.mulf %select_n3A_612, %mul3A_690 : vector<16xf32>
      %add3A_692 = arith.addf %add3A_660, %mul3A_691 : vector<16xf32>
      %broadcast_in_dim3A_693 = arith.constant 9 : i32
      %broadcast_in_dim3A_694 = vector.broadcast %broadcast_in_dim3A_693 : i32 to vector<16xi32>
      %gather3A_695 = tpu.vector_load_idx %arg7[%broadcast_in_dim3A_694, %min3A_620] : memref<64x1153xf32, #tpu.memory_space<vmem>>[vector<16xi32>, vector<16xi32>], vector<16xf32>,
      %gather3A_696 = tpu.vector_load_idx %arg8[%broadcast_in_dim3A_694, %min3A_600] : memref<64x512xf32, #tpu.memory_space<vmem>>[vector<16xi32>, vector<16xi32>], vector<16xf32>,
      %sub3A_697 = arith.subf %gather3A_696, %gather3A_695 : vector<16xf32>
      %mul3A_698 = arith.mulf %sub3A_697, %sub3A_697 : vector<16xf32>
      %mul3A_699 = arith.mulf %select_n3A_612, %mul3A_698 : vector<16xf32>
      %add3A_700 = arith.addf %add3A_668, %mul3A_699 : vector<16xf32>
      %broadcast_in_dim3A_701 = arith.constant 10 : i32
      %broadcast_in_dim3A_702 = vector.broadcast %broadcast_in_dim3A_701 : i32 to vector<16xi32>
      %gather3A_703 = tpu.vector_load_idx %arg7[%broadcast_in_dim3A_702, %min3A_620] : memref<64x1153xf32, #tpu.memory_space<vmem>>[vector<16xi32>, vector<16xi32>], vector<16xf32>,
      %gather3A_704 = tpu.vector_load_idx %arg8[%broadcast_in_dim3A_702, %min3A_600] : memref<64x512xf32, #tpu.memory_space<vmem>>[vector<16xi32>, vector<16xi32>], vector<16xf32>,
      %sub3A_705 = arith.subf %gather3A_704, %gather3A_703 : vector<16xf32>
      %mul3A_706 = arith.mulf %sub3A_705, %sub3A_705 : vector<16xf32>
      %mul3A_707 = arith.mulf %select_n3A_612, %mul3A_706 : vector<16xf32>
      %add3A_708 = arith.addf %add3A_676, %mul3A_707 : vector<16xf32>
      %broadcast_in_dim3A_709 = arith.constant 11 : i32
      %broadcast_in_dim3A_710 = vector.broadcast %broadcast_in_dim3A_709 : i32 to vector<16xi32>
      %gather3A_711 = tpu.vector_load_idx %arg7[%broadcast_in_dim3A_710, %min3A_620] : memref<64x1153xf32, #tpu.memory_space<vmem>>[vector<16xi32>, vector<16xi32>], vector<16xf32>,
      %gather3A_712 = tpu.vector_load_idx %arg8[%broadcast_in_dim3A_710, %min3A_600] : memref<64x512xf32, #tpu.memory_space<vmem>>[vector<16xi32>, vector<16xi32>], vector<16xf32>,
      %sub3A_713 = arith.subf %gather3A_712, %gather3A_711 : vector<16xf32>
      %mul3A_714 = arith.mulf %sub3A_713, %sub3A_713 : vector<16xf32>
      %mul3A_715 = arith.mulf %select_n3A_612, %mul3A_714 : vector<16xf32>
      %add3A_716 = arith.addf %add3A_684, %mul3A_715 : vector<16xf32>
      %broadcast_in_dim3A_717 = arith.constant 12 : i32
      %broadcast_in_dim3A_718 = vector.broadcast %broadcast_in_dim3A_717 : i32 to vector<16xi32>
      %gather3A_719 = tpu.vector_load_idx %arg7[%broadcast_in_dim3A_718, %min3A_620] : memref<64x1153xf32, #tpu.memory_space<vmem>>[vector<16xi32>, vector<16xi32>], vector<16xf32>,
      %gather3A_720 = tpu.vector_load_idx %arg8[%broadcast_in_dim3A_718, %min3A_600] : memref<64x512xf32, #tpu.memory_space<vmem>>[vector<16xi32>, vector<16xi32>], vector<16xf32>,
      %sub3A_721 = arith.subf %gather3A_720, %gather3A_719 : vector<16xf32>
      %mul3A_722 = arith.mulf %sub3A_721, %sub3A_721 : vector<16xf32>
      %mul3A_723 = arith.mulf %select_n3A_612, %mul3A_722 : vector<16xf32>
      %add3A_724 = arith.addf %add3A_692, %mul3A_723 : vector<16xf32>
      %broadcast_in_dim3A_725 = arith.constant 13 : i32
      %broadcast_in_dim3A_726 = vector.broadcast %broadcast_in_dim3A_725 : i32 to vector<16xi32>
      %gather3A_727 = tpu.vector_load_idx %arg7[%broadcast_in_dim3A_726, %min3A_620] : memref<64x1153xf32, #tpu.memory_space<vmem>>[vector<16xi32>, vector<16xi32>], vector<16xf32>,
      %gather3A_728 = tpu.vector_load_idx %arg8[%broadcast_in_dim3A_726, %min3A_600] : memref<64x512xf32, #tpu.memory_space<vmem>>[vector<16xi32>, vector<16xi32>], vector<16xf32>,
      %sub3A_729 = arith.subf %gather3A_728, %gather3A_727 : vector<16xf32>
      %mul3A_730 = arith.mulf %sub3A_729, %sub3A_729 : vector<16xf32>
      %mul3A_731 = arith.mulf %select_n3A_612, %mul3A_730 : vector<16xf32>
      %add3A_732 = arith.addf %add3A_700, %mul3A_731 : vector<16xf32>
      %broadcast_in_dim3A_733 = arith.constant 14 : i32
      %broadcast_in_dim3A_734 = vector.broadcast %broadcast_in_dim3A_733 : i32 to vector<16xi32>
      %gather3A_735 = tpu.vector_load_idx %arg7[%broadcast_in_dim3A_734, %min3A_620] : memref<64x1153xf32, #tpu.memory_space<vmem>>[vector<16xi32>, vector<16xi32>], vector<16xf32>,
      %gather3A_736 = tpu.vector_load_idx %arg8[%broadcast_in_dim3A_734, %min3A_600] : memref<64x512xf32, #tpu.memory_space<vmem>>[vector<16xi32>, vector<16xi32>], vector<16xf32>,
      %sub3A_737 = arith.subf %gather3A_736, %gather3A_735 : vector<16xf32>
      %mul3A_738 = arith.mulf %sub3A_737, %sub3A_737 : vector<16xf32>
      %mul3A_739 = arith.mulf %select_n3A_612, %mul3A_738 : vector<16xf32>
      %add3A_740 = arith.addf %add3A_708, %mul3A_739 : vector<16xf32>
      %broadcast_in_dim3A_741 = arith.constant 15 : i32
      %broadcast_in_dim3A_742 = vector.broadcast %broadcast_in_dim3A_741 : i32 to vector<16xi32>
      %gather3A_743 = tpu.vector_load_idx %arg7[%broadcast_in_dim3A_742, %min3A_620] : memref<64x1153xf32, #tpu.memory_space<vmem>>[vector<16xi32>, vector<16xi32>], vector<16xf32>,
      %gather3A_744 = tpu.vector_load_idx %arg8[%broadcast_in_dim3A_742, %min3A_600] : memref<64x512xf32, #tpu.memory_space<vmem>>[vector<16xi32>, vector<16xi32>], vector<16xf32>,
      %sub3A_745 = arith.subf %gather3A_744, %gather3A_743 : vector<16xf32>
      %mul3A_746 = arith.mulf %sub3A_745, %sub3A_745 : vector<16xf32>
      %mul3A_747 = arith.mulf %select_n3A_612, %mul3A_746 : vector<16xf32>
      %add3A_748 = arith.addf %add3A_716, %mul3A_747 : vector<16xf32>
      %broadcast_in_dim3A_749 = arith.constant 16 : i32
      %broadcast_in_dim3A_750 = vector.broadcast %broadcast_in_dim3A_749 : i32 to vector<16xi32>
      %gather3A_751 = tpu.vector_load_idx %arg7[%broadcast_in_dim3A_750, %min3A_620] : memref<64x1153xf32, #tpu.memory_space<vmem>>[vector<16xi32>, vector<16xi32>], vector<16xf32>,
      %gather3A_752 = tpu.vector_load_idx %arg8[%broadcast_in_dim3A_750, %min3A_600] : memref<64x512xf32, #tpu.memory_space<vmem>>[vector<16xi32>, vector<16xi32>], vector<16xf32>,
      %sub3A_753 = arith.subf %gather3A_752, %gather3A_751 : vector<16xf32>
      %mul3A_754 = arith.mulf %sub3A_753, %sub3A_753 : vector<16xf32>
      %mul3A_755 = arith.mulf %select_n3A_612, %mul3A_754 : vector<16xf32>
      %add3A_756 = arith.addf %add3A_724, %mul3A_755 : vector<16xf32>
      %broadcast_in_dim3A_757 = arith.constant 17 : i32
      %broadcast_in_dim3A_758 = vector.broadcast %broadcast_in_dim3A_757 : i32 to vector<16xi32>
      %gather3A_759 = tpu.vector_load_idx %arg7[%broadcast_in_dim3A_758, %min3A_620] : memref<64x1153xf32, #tpu.memory_space<vmem>>[vector<16xi32>, vector<16xi32>], vector<16xf32>,
      %gather3A_760 = tpu.vector_load_idx %arg8[%broadcast_in_dim3A_758, %min3A_600] : memref<64x512xf32, #tpu.memory_space<vmem>>[vector<16xi32>, vector<16xi32>], vector<16xf32>,
      %sub3A_761 = arith.subf %gather3A_760, %gather3A_759 : vector<16xf32>
      %mul3A_762 = arith.mulf %sub3A_761, %sub3A_761 : vector<16xf32>
      %mul3A_763 = arith.mulf %select_n3A_612, %mul3A_762 : vector<16xf32>
      %add3A_764 = arith.addf %add3A_732, %mul3A_763 : vector<16xf32>
      %broadcast_in_dim3A_765 = arith.constant 18 : i32
      %broadcast_in_dim3A_766 = vector.broadcast %broadcast_in_dim3A_765 : i32 to vector<16xi32>
      %gather3A_767 = tpu.vector_load_idx %arg7[%broadcast_in_dim3A_766, %min3A_620] : memref<64x1153xf32, #tpu.memory_space<vmem>>[vector<16xi32>, vector<16xi32>], vector<16xf32>,
      %gather3A_768 = tpu.vector_load_idx %arg8[%broadcast_in_dim3A_766, %min3A_600] : memref<64x512xf32, #tpu.memory_space<vmem>>[vector<16xi32>, vector<16xi32>], vector<16xf32>,
      %sub3A_769 = arith.subf %gather3A_768, %gather3A_767 : vector<16xf32>
      %mul3A_770 = arith.mulf %sub3A_769, %sub3A_769 : vector<16xf32>
      %mul3A_771 = arith.mulf %select_n3A_612, %mul3A_770 : vector<16xf32>
      %add3A_772 = arith.addf %add3A_740, %mul3A_771 : vector<16xf32>
      %broadcast_in_dim3A_773 = arith.constant 19 : i32
      %broadcast_in_dim3A_774 = vector.broadcast %broadcast_in_dim3A_773 : i32 to vector<16xi32>
      %gather3A_775 = tpu.vector_load_idx %arg7[%broadcast_in_dim3A_774, %min3A_620] : memref<64x1153xf32, #tpu.memory_space<vmem>>[vector<16xi32>, vector<16xi32>], vector<16xf32>,
      %gather3A_776 = tpu.vector_load_idx %arg8[%broadcast_in_dim3A_774, %min3A_600] : memref<64x512xf32, #tpu.memory_space<vmem>>[vector<16xi32>, vector<16xi32>], vector<16xf32>,
      %sub3A_777 = arith.subf %gather3A_776, %gather3A_775 : vector<16xf32>
      %mul3A_778 = arith.mulf %sub3A_777, %sub3A_777 : vector<16xf32>
      %mul3A_779 = arith.mulf %select_n3A_612, %mul3A_778 : vector<16xf32>
      %add3A_780 = arith.addf %add3A_748, %mul3A_779 : vector<16xf32>
      %broadcast_in_dim3A_781 = arith.constant 20 : i32
      %broadcast_in_dim3A_782 = vector.broadcast %broadcast_in_dim3A_781 : i32 to vector<16xi32>
      %gather3A_783 = tpu.vector_load_idx %arg7[%broadcast_in_dim3A_782, %min3A_620] : memref<64x1153xf32, #tpu.memory_space<vmem>>[vector<16xi32>, vector<16xi32>], vector<16xf32>,
      %gather3A_784 = tpu.vector_load_idx %arg8[%broadcast_in_dim3A_782, %min3A_600] : memref<64x512xf32, #tpu.memory_space<vmem>>[vector<16xi32>, vector<16xi32>], vector<16xf32>,
      %sub3A_785 = arith.subf %gather3A_784, %gather3A_783 : vector<16xf32>
      %mul3A_786 = arith.mulf %sub3A_785, %sub3A_785 : vector<16xf32>
      %mul3A_787 = arith.mulf %select_n3A_612, %mul3A_786 : vector<16xf32>
      %add3A_788 = arith.addf %add3A_756, %mul3A_787 : vector<16xf32>
      %broadcast_in_dim3A_789 = arith.constant 21 : i32
      %broadcast_in_dim3A_790 = vector.broadcast %broadcast_in_dim3A_789 : i32 to vector<16xi32>
      %gather3A_791 = tpu.vector_load_idx %arg7[%broadcast_in_dim3A_790, %min3A_620] : memref<64x1153xf32, #tpu.memory_space<vmem>>[vector<16xi32>, vector<16xi32>], vector<16xf32>,
      %gather3A_792 = tpu.vector_load_idx %arg8[%broadcast_in_dim3A_790, %min3A_600] : memref<64x512xf32, #tpu.memory_space<vmem>>[vector<16xi32>, vector<16xi32>], vector<16xf32>,
      %sub3A_793 = arith.subf %gather3A_792, %gather3A_791 : vector<16xf32>
      %mul3A_794 = arith.mulf %sub3A_793, %sub3A_793 : vector<16xf32>
      %mul3A_795 = arith.mulf %select_n3A_612, %mul3A_794 : vector<16xf32>
      %add3A_796 = arith.addf %add3A_764, %mul3A_795 : vector<16xf32>
      %broadcast_in_dim3A_797 = arith.constant 22 : i32
      %broadcast_in_dim3A_798 = vector.broadcast %broadcast_in_dim3A_797 : i32 to vector<16xi32>
      %gather3A_799 = tpu.vector_load_idx %arg7[%broadcast_in_dim3A_798, %min3A_620] : memref<64x1153xf32, #tpu.memory_space<vmem>>[vector<16xi32>, vector<16xi32>], vector<16xf32>,
      %gather3A_800 = tpu.vector_load_idx %arg8[%broadcast_in_dim3A_798, %min3A_600] : memref<64x512xf32, #tpu.memory_space<vmem>>[vector<16xi32>, vector<16xi32>], vector<16xf32>,
      %sub3A_801 = arith.subf %gather3A_800, %gather3A_799 : vector<16xf32>
      %mul3A_802 = arith.mulf %sub3A_801, %sub3A_801 : vector<16xf32>
      %mul3A_803 = arith.mulf %select_n3A_612, %mul3A_802 : vector<16xf32>
      %add3A_804 = arith.addf %add3A_772, %mul3A_803 : vector<16xf32>
      %broadcast_in_dim3A_805 = arith.constant 23 : i32
      %broadcast_in_dim3A_806 = vector.broadcast %broadcast_in_dim3A_805 : i32 to vector<16xi32>
      %gather3A_807 = tpu.vector_load_idx %arg7[%broadcast_in_dim3A_806, %min3A_620] : memref<64x1153xf32, #tpu.memory_space<vmem>>[vector<16xi32>, vector<16xi32>], vector<16xf32>,
      %gather3A_808 = tpu.vector_load_idx %arg8[%broadcast_in_dim3A_806, %min3A_600] : memref<64x512xf32, #tpu.memory_space<vmem>>[vector<16xi32>, vector<16xi32>], vector<16xf32>,
      %sub3A_809 = arith.subf %gather3A_808, %gather3A_807 : vector<16xf32>
      %mul3A_810 = arith.mulf %sub3A_809, %sub3A_809 : vector<16xf32>
      %mul3A_811 = arith.mulf %select_n3A_612, %mul3A_810 : vector<16xf32>
      %add3A_812 = arith.addf %add3A_780, %mul3A_811 : vector<16xf32>
      %broadcast_in_dim3A_813 = arith.constant 24 : i32
      %broadcast_in_dim3A_814 = vector.broadcast %broadcast_in_dim3A_813 : i32 to vector<16xi32>
      %gather3A_815 = tpu.vector_load_idx %arg7[%broadcast_in_dim3A_814, %min3A_620] : memref<64x1153xf32, #tpu.memory_space<vmem>>[vector<16xi32>, vector<16xi32>], vector<16xf32>,
      %gather3A_816 = tpu.vector_load_idx %arg8[%broadcast_in_dim3A_814, %min3A_600] : memref<64x512xf32, #tpu.memory_space<vmem>>[vector<16xi32>, vector<16xi32>], vector<16xf32>,
      %sub3A_817 = arith.subf %gather3A_816, %gather3A_815 : vector<16xf32>
      %mul3A_818 = arith.mulf %sub3A_817, %sub3A_817 : vector<16xf32>
      %mul3A_819 = arith.mulf %select_n3A_612, %mul3A_818 : vector<16xf32>
      %add3A_820 = arith.addf %add3A_788, %mul3A_819 : vector<16xf32>
      %broadcast_in_dim3A_821 = arith.constant 25 : i32
      %broadcast_in_dim3A_822 = vector.broadcast %broadcast_in_dim3A_821 : i32 to vector<16xi32>
      %gather3A_823 = tpu.vector_load_idx %arg7[%broadcast_in_dim3A_822, %min3A_620] : memref<64x1153xf32, #tpu.memory_space<vmem>>[vector<16xi32>, vector<16xi32>], vector<16xf32>,
      %gather3A_824 = tpu.vector_load_idx %arg8[%broadcast_in_dim3A_822, %min3A_600] : memref<64x512xf32, #tpu.memory_space<vmem>>[vector<16xi32>, vector<16xi32>], vector<16xf32>,
      %sub3A_825 = arith.subf %gather3A_824, %gather3A_823 : vector<16xf32>
      %mul3A_826 = arith.mulf %sub3A_825, %sub3A_825 : vector<16xf32>
      %mul3A_827 = arith.mulf %select_n3A_612, %mul3A_826 : vector<16xf32>
      %add3A_828 = arith.addf %add3A_796, %mul3A_827 : vector<16xf32>
      %broadcast_in_dim3A_829 = arith.constant 26 : i32
      %broadcast_in_dim3A_830 = vector.broadcast %broadcast_in_dim3A_829 : i32 to vector<16xi32>
      %gather3A_831 = tpu.vector_load_idx %arg7[%broadcast_in_dim3A_830, %min3A_620] : memref<64x1153xf32, #tpu.memory_space<vmem>>[vector<16xi32>, vector<16xi32>], vector<16xf32>,
      %gather3A_832 = tpu.vector_load_idx %arg8[%broadcast_in_dim3A_830, %min3A_600] : memref<64x512xf32, #tpu.memory_space<vmem>>[vector<16xi32>, vector<16xi32>], vector<16xf32>,
      %sub3A_833 = arith.subf %gather3A_832, %gather3A_831 : vector<16xf32>
      %mul3A_834 = arith.mulf %sub3A_833, %sub3A_833 : vector<16xf32>
      %mul3A_835 = arith.mulf %select_n3A_612, %mul3A_834 : vector<16xf32>
      %add3A_836 = arith.addf %add3A_804, %mul3A_835 : vector<16xf32>
      %broadcast_in_dim3A_837 = arith.constant 27 : i32
      %broadcast_in_dim3A_838 = vector.broadcast %broadcast_in_dim3A_837 : i32 to vector<16xi32>
      %gather3A_839 = tpu.vector_load_idx %arg7[%broadcast_in_dim3A_838, %min3A_620] : memref<64x1153xf32, #tpu.memory_space<vmem>>[vector<16xi32>, vector<16xi32>], vector<16xf32>,
      %gather3A_840 = tpu.vector_load_idx %arg8[%broadcast_in_dim3A_838, %min3A_600] : memref<64x512xf32, #tpu.memory_space<vmem>>[vector<16xi32>, vector<16xi32>], vector<16xf32>,
      %sub3A_841 = arith.subf %gather3A_840, %gather3A_839 : vector<16xf32>
      %mul3A_842 = arith.mulf %sub3A_841, %sub3A_841 : vector<16xf32>
      %mul3A_843 = arith.mulf %select_n3A_612, %mul3A_842 : vector<16xf32>
      %add3A_844 = arith.addf %add3A_812, %mul3A_843 : vector<16xf32>
      %broadcast_in_dim3A_845 = arith.constant 28 : i32
      %broadcast_in_dim3A_846 = vector.broadcast %broadcast_in_dim3A_845 : i32 to vector<16xi32>
      %gather3A_847 = tpu.vector_load_idx %arg7[%broadcast_in_dim3A_846, %min3A_620] : memref<64x1153xf32, #tpu.memory_space<vmem>>[vector<16xi32>, vector<16xi32>], vector<16xf32>,
      %gather3A_848 = tpu.vector_load_idx %arg8[%broadcast_in_dim3A_846, %min3A_600] : memref<64x512xf32, #tpu.memory_space<vmem>>[vector<16xi32>, vector<16xi32>], vector<16xf32>,
      %sub3A_849 = arith.subf %gather3A_848, %gather3A_847 : vector<16xf32>
      %mul3A_850 = arith.mulf %sub3A_849, %sub3A_849 : vector<16xf32>
      %mul3A_851 = arith.mulf %select_n3A_612, %mul3A_850 : vector<16xf32>
      %add3A_852 = arith.addf %add3A_820, %mul3A_851 : vector<16xf32>
      %broadcast_in_dim3A_853 = arith.constant 29 : i32
      %broadcast_in_dim3A_854 = vector.broadcast %broadcast_in_dim3A_853 : i32 to vector<16xi32>
      %gather3A_855 = tpu.vector_load_idx %arg7[%broadcast_in_dim3A_854, %min3A_620] : memref<64x1153xf32, #tpu.memory_space<vmem>>[vector<16xi32>, vector<16xi32>], vector<16xf32>,
      %gather3A_856 = tpu.vector_load_idx %arg8[%broadcast_in_dim3A_854, %min3A_600] : memref<64x512xf32, #tpu.memory_space<vmem>>[vector<16xi32>, vector<16xi32>], vector<16xf32>,
      %sub3A_857 = arith.subf %gather3A_856, %gather3A_855 : vector<16xf32>
      %mul3A_858 = arith.mulf %sub3A_857, %sub3A_857 : vector<16xf32>
      %mul3A_859 = arith.mulf %select_n3A_612, %mul3A_858 : vector<16xf32>
      %add3A_860 = arith.addf %add3A_828, %mul3A_859 : vector<16xf32>
      %broadcast_in_dim3A_861 = arith.constant 30 : i32
      %broadcast_in_dim3A_862 = vector.broadcast %broadcast_in_dim3A_861 : i32 to vector<16xi32>
      %gather3A_863 = tpu.vector_load_idx %arg7[%broadcast_in_dim3A_862, %min3A_620] : memref<64x1153xf32, #tpu.memory_space<vmem>>[vector<16xi32>, vector<16xi32>], vector<16xf32>,
      %gather3A_864 = tpu.vector_load_idx %arg8[%broadcast_in_dim3A_862, %min3A_600] : memref<64x512xf32, #tpu.memory_space<vmem>>[vector<16xi32>, vector<16xi32>], vector<16xf32>,
      %sub3A_865 = arith.subf %gather3A_864, %gather3A_863 : vector<16xf32>
      %mul3A_866 = arith.mulf %sub3A_865, %sub3A_865 : vector<16xf32>
      %mul3A_867 = arith.mulf %select_n3A_612, %mul3A_866 : vector<16xf32>
      %add3A_868 = arith.addf %add3A_836, %mul3A_867 : vector<16xf32>
      %broadcast_in_dim3A_869 = arith.constant 31 : i32
      %broadcast_in_dim3A_870 = vector.broadcast %broadcast_in_dim3A_869 : i32 to vector<16xi32>
      %gather3A_871 = tpu.vector_load_idx %arg7[%broadcast_in_dim3A_870, %min3A_620] : memref<64x1153xf32, #tpu.memory_space<vmem>>[vector<16xi32>, vector<16xi32>], vector<16xf32>,
      %gather3A_872 = tpu.vector_load_idx %arg8[%broadcast_in_dim3A_870, %min3A_600] : memref<64x512xf32, #tpu.memory_space<vmem>>[vector<16xi32>, vector<16xi32>], vector<16xf32>,
      %sub3A_873 = arith.subf %gather3A_872, %gather3A_871 : vector<16xf32>
      %mul3A_874 = arith.mulf %sub3A_873, %sub3A_873 : vector<16xf32>
      %mul3A_875 = arith.mulf %select_n3A_612, %mul3A_874 : vector<16xf32>
      %add3A_876 = arith.addf %add3A_844, %mul3A_875 : vector<16xf32>
      %broadcast_in_dim3A_877 = arith.constant 32 : i32
      %broadcast_in_dim3A_878 = vector.broadcast %broadcast_in_dim3A_877 : i32 to vector<16xi32>
      %gather3A_879 = tpu.vector_load_idx %arg7[%broadcast_in_dim3A_878, %min3A_620] : memref<64x1153xf32, #tpu.memory_space<vmem>>[vector<16xi32>, vector<16xi32>], vector<16xf32>,
      %gather3A_880 = tpu.vector_load_idx %arg8[%broadcast_in_dim3A_878, %min3A_600] : memref<64x512xf32, #tpu.memory_space<vmem>>[vector<16xi32>, vector<16xi32>], vector<16xf32>,
      %sub3A_881 = arith.subf %gather3A_880, %gather3A_879 : vector<16xf32>
      %mul3A_882 = arith.mulf %sub3A_881, %sub3A_881 : vector<16xf32>
      %mul3A_883 = arith.mulf %select_n3A_612, %mul3A_882 : vector<16xf32>
      %add3A_884 = arith.addf %add3A_852, %mul3A_883 : vector<16xf32>
      %broadcast_in_dim3A_885 = arith.constant 33 : i32
      %broadcast_in_dim3A_886 = vector.broadcast %broadcast_in_dim3A_885 : i32 to vector<16xi32>
      %gather3A_887 = tpu.vector_load_idx %arg7[%broadcast_in_dim3A_886, %min3A_620] : memref<64x1153xf32, #tpu.memory_space<vmem>>[vector<16xi32>, vector<16xi32>], vector<16xf32>,
      %gather3A_888 = tpu.vector_load_idx %arg8[%broadcast_in_dim3A_886, %min3A_600] : memref<64x512xf32, #tpu.memory_space<vmem>>[vector<16xi32>, vector<16xi32>], vector<16xf32>,
      %sub3A_889 = arith.subf %gather3A_888, %gather3A_887 : vector<16xf32>
      %mul3A_890 = arith.mulf %sub3A_889, %sub3A_889 : vector<16xf32>
      %mul3A_891 = arith.mulf %select_n3A_612, %mul3A_890 : vector<16xf32>
      %add3A_892 = arith.addf %add3A_860, %mul3A_891 : vector<16xf32>
      %broadcast_in_dim3A_893 = arith.constant 34 : i32
      %broadcast_in_dim3A_894 = vector.broadcast %broadcast_in_dim3A_893 : i32 to vector<16xi32>
      %gather3A_895 = tpu.vector_load_idx %arg7[%broadcast_in_dim3A_894, %min3A_620] : memref<64x1153xf32, #tpu.memory_space<vmem>>[vector<16xi32>, vector<16xi32>], vector<16xf32>,
      %gather3A_896 = tpu.vector_load_idx %arg8[%broadcast_in_dim3A_894, %min3A_600] : memref<64x512xf32, #tpu.memory_space<vmem>>[vector<16xi32>, vector<16xi32>], vector<16xf32>,
      %sub3A_897 = arith.subf %gather3A_896, %gather3A_895 : vector<16xf32>
      %mul3A_898 = arith.mulf %sub3A_897, %sub3A_897 : vector<16xf32>
      %mul3A_899 = arith.mulf %select_n3A_612, %mul3A_898 : vector<16xf32>
      %add3A_900 = arith.addf %add3A_868, %mul3A_899 : vector<16xf32>
      %broadcast_in_dim3A_901 = arith.constant 35 : i32
      %broadcast_in_dim3A_902 = vector.broadcast %broadcast_in_dim3A_901 : i32 to vector<16xi32>
      %gather3A_903 = tpu.vector_load_idx %arg7[%broadcast_in_dim3A_902, %min3A_620] : memref<64x1153xf32, #tpu.memory_space<vmem>>[vector<16xi32>, vector<16xi32>], vector<16xf32>,
      %gather3A_904 = tpu.vector_load_idx %arg8[%broadcast_in_dim3A_902, %min3A_600] : memref<64x512xf32, #tpu.memory_space<vmem>>[vector<16xi32>, vector<16xi32>], vector<16xf32>,
      %sub3A_905 = arith.subf %gather3A_904, %gather3A_903 : vector<16xf32>
      %mul3A_906 = arith.mulf %sub3A_905, %sub3A_905 : vector<16xf32>
      %mul3A_907 = arith.mulf %select_n3A_612, %mul3A_906 : vector<16xf32>
      %add3A_908 = arith.addf %add3A_876, %mul3A_907 : vector<16xf32>
      %broadcast_in_dim3A_909 = arith.constant 36 : i32
      %broadcast_in_dim3A_910 = vector.broadcast %broadcast_in_dim3A_909 : i32 to vector<16xi32>
      %gather3A_911 = tpu.vector_load_idx %arg7[%broadcast_in_dim3A_910, %min3A_620] : memref<64x1153xf32, #tpu.memory_space<vmem>>[vector<16xi32>, vector<16xi32>], vector<16xf32>,
      %gather3A_912 = tpu.vector_load_idx %arg8[%broadcast_in_dim3A_910, %min3A_600] : memref<64x512xf32, #tpu.memory_space<vmem>>[vector<16xi32>, vector<16xi32>], vector<16xf32>,
      %sub3A_913 = arith.subf %gather3A_912, %gather3A_911 : vector<16xf32>
      %mul3A_914 = arith.mulf %sub3A_913, %sub3A_913 : vector<16xf32>
      %mul3A_915 = arith.mulf %select_n3A_612, %mul3A_914 : vector<16xf32>
      %add3A_916 = arith.addf %add3A_884, %mul3A_915 : vector<16xf32>
      %broadcast_in_dim3A_917 = arith.constant 37 : i32
      %broadcast_in_dim3A_918 = vector.broadcast %broadcast_in_dim3A_917 : i32 to vector<16xi32>
      %gather3A_919 = tpu.vector_load_idx %arg7[%broadcast_in_dim3A_918, %min3A_620] : memref<64x1153xf32, #tpu.memory_space<vmem>>[vector<16xi32>, vector<16xi32>], vector<16xf32>,
      %gather3A_920 = tpu.vector_load_idx %arg8[%broadcast_in_dim3A_918, %min3A_600] : memref<64x512xf32, #tpu.memory_space<vmem>>[vector<16xi32>, vector<16xi32>], vector<16xf32>,
      %sub3A_921 = arith.subf %gather3A_920, %gather3A_919 : vector<16xf32>
      %mul3A_922 = arith.mulf %sub3A_921, %sub3A_921 : vector<16xf32>
      %mul3A_923 = arith.mulf %select_n3A_612, %mul3A_922 : vector<16xf32>
      %add3A_924 = arith.addf %add3A_892, %mul3A_923 : vector<16xf32>
      %broadcast_in_dim3A_925 = arith.constant 38 : i32
      %broadcast_in_dim3A_926 = vector.broadcast %broadcast_in_dim3A_925 : i32 to vector<16xi32>
      %gather3A_927 = tpu.vector_load_idx %arg7[%broadcast_in_dim3A_926, %min3A_620] : memref<64x1153xf32, #tpu.memory_space<vmem>>[vector<16xi32>, vector<16xi32>], vector<16xf32>,
      %gather3A_928 = tpu.vector_load_idx %arg8[%broadcast_in_dim3A_926, %min3A_600] : memref<64x512xf32, #tpu.memory_space<vmem>>[vector<16xi32>, vector<16xi32>], vector<16xf32>,
      %sub3A_929 = arith.subf %gather3A_928, %gather3A_927 : vector<16xf32>
      %mul3A_930 = arith.mulf %sub3A_929, %sub3A_929 : vector<16xf32>
      %mul3A_931 = arith.mulf %select_n3A_612, %mul3A_930 : vector<16xf32>
      %add3A_932 = arith.addf %add3A_900, %mul3A_931 : vector<16xf32>
      %broadcast_in_dim3A_933 = arith.constant 39 : i32
      %broadcast_in_dim3A_934 = vector.broadcast %broadcast_in_dim3A_933 : i32 to vector<16xi32>
      %gather3A_935 = tpu.vector_load_idx %arg7[%broadcast_in_dim3A_934, %min3A_620] : memref<64x1153xf32, #tpu.memory_space<vmem>>[vector<16xi32>, vector<16xi32>], vector<16xf32>,
      %gather3A_936 = tpu.vector_load_idx %arg8[%broadcast_in_dim3A_934, %min3A_600] : memref<64x512xf32, #tpu.memory_space<vmem>>[vector<16xi32>, vector<16xi32>], vector<16xf32>,
      %sub3A_937 = arith.subf %gather3A_936, %gather3A_935 : vector<16xf32>
      %mul3A_938 = arith.mulf %sub3A_937, %sub3A_937 : vector<16xf32>
      %mul3A_939 = arith.mulf %select_n3A_612, %mul3A_938 : vector<16xf32>
      %add3A_940 = arith.addf %add3A_908, %mul3A_939 : vector<16xf32>
      %broadcast_in_dim3A_941 = arith.constant 40 : i32
      %broadcast_in_dim3A_942 = vector.broadcast %broadcast_in_dim3A_941 : i32 to vector<16xi32>
      %gather3A_943 = tpu.vector_load_idx %arg7[%broadcast_in_dim3A_942, %min3A_620] : memref<64x1153xf32, #tpu.memory_space<vmem>>[vector<16xi32>, vector<16xi32>], vector<16xf32>,
      %gather3A_944 = tpu.vector_load_idx %arg8[%broadcast_in_dim3A_942, %min3A_600] : memref<64x512xf32, #tpu.memory_space<vmem>>[vector<16xi32>, vector<16xi32>], vector<16xf32>,
      %sub3A_945 = arith.subf %gather3A_944, %gather3A_943 : vector<16xf32>
      %mul3A_946 = arith.mulf %sub3A_945, %sub3A_945 : vector<16xf32>
      %mul3A_947 = arith.mulf %select_n3A_612, %mul3A_946 : vector<16xf32>
      %add3A_948 = arith.addf %add3A_916, %mul3A_947 : vector<16xf32>
      %broadcast_in_dim3A_949 = arith.constant 41 : i32
      %broadcast_in_dim3A_950 = vector.broadcast %broadcast_in_dim3A_949 : i32 to vector<16xi32>
      %gather3A_951 = tpu.vector_load_idx %arg7[%broadcast_in_dim3A_950, %min3A_620] : memref<64x1153xf32, #tpu.memory_space<vmem>>[vector<16xi32>, vector<16xi32>], vector<16xf32>,
      %gather3A_952 = tpu.vector_load_idx %arg8[%broadcast_in_dim3A_950, %min3A_600] : memref<64x512xf32, #tpu.memory_space<vmem>>[vector<16xi32>, vector<16xi32>], vector<16xf32>,
      %sub3A_953 = arith.subf %gather3A_952, %gather3A_951 : vector<16xf32>
      %mul3A_954 = arith.mulf %sub3A_953, %sub3A_953 : vector<16xf32>
      %mul3A_955 = arith.mulf %select_n3A_612, %mul3A_954 : vector<16xf32>
      %add3A_956 = arith.addf %add3A_924, %mul3A_955 : vector<16xf32>
      %broadcast_in_dim3A_957 = arith.constant 42 : i32
      %broadcast_in_dim3A_958 = vector.broadcast %broadcast_in_dim3A_957 : i32 to vector<16xi32>
      %gather3A_959 = tpu.vector_load_idx %arg7[%broadcast_in_dim3A_958, %min3A_620] : memref<64x1153xf32, #tpu.memory_space<vmem>>[vector<16xi32>, vector<16xi32>], vector<16xf32>,
      %gather3A_960 = tpu.vector_load_idx %arg8[%broadcast_in_dim3A_958, %min3A_600] : memref<64x512xf32, #tpu.memory_space<vmem>>[vector<16xi32>, vector<16xi32>], vector<16xf32>,
      %sub3A_961 = arith.subf %gather3A_960, %gather3A_959 : vector<16xf32>
      %mul3A_962 = arith.mulf %sub3A_961, %sub3A_961 : vector<16xf32>
      %mul3A_963 = arith.mulf %select_n3A_612, %mul3A_962 : vector<16xf32>
      %add3A_964 = arith.addf %add3A_932, %mul3A_963 : vector<16xf32>
      %broadcast_in_dim3A_965 = arith.constant 43 : i32
      %broadcast_in_dim3A_966 = vector.broadcast %broadcast_in_dim3A_965 : i32 to vector<16xi32>
      %gather3A_967 = tpu.vector_load_idx %arg7[%broadcast_in_dim3A_966, %min3A_620] : memref<64x1153xf32, #tpu.memory_space<vmem>>[vector<16xi32>, vector<16xi32>], vector<16xf32>,
      %gather3A_968 = tpu.vector_load_idx %arg8[%broadcast_in_dim3A_966, %min3A_600] : memref<64x512xf32, #tpu.memory_space<vmem>>[vector<16xi32>, vector<16xi32>], vector<16xf32>,
      %sub3A_969 = arith.subf %gather3A_968, %gather3A_967 : vector<16xf32>
      %mul3A_970 = arith.mulf %sub3A_969, %sub3A_969 : vector<16xf32>
      %mul3A_971 = arith.mulf %select_n3A_612, %mul3A_970 : vector<16xf32>
      %add3A_972 = arith.addf %add3A_940, %mul3A_971 : vector<16xf32>
      %broadcast_in_dim3A_973 = arith.constant 44 : i32
      %broadcast_in_dim3A_974 = vector.broadcast %broadcast_in_dim3A_973 : i32 to vector<16xi32>
      %gather3A_975 = tpu.vector_load_idx %arg7[%broadcast_in_dim3A_974, %min3A_620] : memref<64x1153xf32, #tpu.memory_space<vmem>>[vector<16xi32>, vector<16xi32>], vector<16xf32>,
      %gather3A_976 = tpu.vector_load_idx %arg8[%broadcast_in_dim3A_974, %min3A_600] : memref<64x512xf32, #tpu.memory_space<vmem>>[vector<16xi32>, vector<16xi32>], vector<16xf32>,
      %sub3A_977 = arith.subf %gather3A_976, %gather3A_975 : vector<16xf32>
      %mul3A_978 = arith.mulf %sub3A_977, %sub3A_977 : vector<16xf32>
      %mul3A_979 = arith.mulf %select_n3A_612, %mul3A_978 : vector<16xf32>
      %add3A_980 = arith.addf %add3A_948, %mul3A_979 : vector<16xf32>
      %broadcast_in_dim3A_981 = arith.constant 45 : i32
      %broadcast_in_dim3A_982 = vector.broadcast %broadcast_in_dim3A_981 : i32 to vector<16xi32>
      %gather3A_983 = tpu.vector_load_idx %arg7[%broadcast_in_dim3A_982, %min3A_620] : memref<64x1153xf32, #tpu.memory_space<vmem>>[vector<16xi32>, vector<16xi32>], vector<16xf32>,
      %gather3A_984 = tpu.vector_load_idx %arg8[%broadcast_in_dim3A_982, %min3A_600] : memref<64x512xf32, #tpu.memory_space<vmem>>[vector<16xi32>, vector<16xi32>], vector<16xf32>,
      %sub3A_985 = arith.subf %gather3A_984, %gather3A_983 : vector<16xf32>
      %mul3A_986 = arith.mulf %sub3A_985, %sub3A_985 : vector<16xf32>
      %mul3A_987 = arith.mulf %select_n3A_612, %mul3A_986 : vector<16xf32>
      %add3A_988 = arith.addf %add3A_956, %mul3A_987 : vector<16xf32>
      %broadcast_in_dim3A_989 = arith.constant 46 : i32
      %broadcast_in_dim3A_990 = vector.broadcast %broadcast_in_dim3A_989 : i32 to vector<16xi32>
      %gather3A_991 = tpu.vector_load_idx %arg7[%broadcast_in_dim3A_990, %min3A_620] : memref<64x1153xf32, #tpu.memory_space<vmem>>[vector<16xi32>, vector<16xi32>], vector<16xf32>,
      %gather3A_992 = tpu.vector_load_idx %arg8[%broadcast_in_dim3A_990, %min3A_600] : memref<64x512xf32, #tpu.memory_space<vmem>>[vector<16xi32>, vector<16xi32>], vector<16xf32>,
      %sub3A_993 = arith.subf %gather3A_992, %gather3A_991 : vector<16xf32>
      %mul3A_994 = arith.mulf %sub3A_993, %sub3A_993 : vector<16xf32>
      %mul3A_995 = arith.mulf %select_n3A_612, %mul3A_994 : vector<16xf32>
      %add3A_996 = arith.addf %add3A_964, %mul3A_995 : vector<16xf32>
      %broadcast_in_dim3A_997 = arith.constant 47 : i32
      %broadcast_in_dim3A_998 = vector.broadcast %broadcast_in_dim3A_997 : i32 to vector<16xi32>
      %gather3A_999 = tpu.vector_load_idx %arg7[%broadcast_in_dim3A_998, %min3A_620] : memref<64x1153xf32, #tpu.memory_space<vmem>>[vector<16xi32>, vector<16xi32>], vector<16xf32>,
      %gather3A_1000 = tpu.vector_load_idx %arg8[%broadcast_in_dim3A_998, %min3A_600] : memref<64x512xf32, #tpu.memory_space<vmem>>[vector<16xi32>, vector<16xi32>], vector<16xf32>,
      %sub3A_1001 = arith.subf %gather3A_1000, %gather3A_999 : vector<16xf32>
      %mul3A_1002 = arith.mulf %sub3A_1001, %sub3A_1001 : vector<16xf32>
      %mul3A_1003 = arith.mulf %select_n3A_612, %mul3A_1002 : vector<16xf32>
      %add3A_1004 = arith.addf %add3A_972, %mul3A_1003 : vector<16xf32>
      %broadcast_in_dim3A_1005 = arith.constant 48 : i32
      %broadcast_in_dim3A_1006 = vector.broadcast %broadcast_in_dim3A_1005 : i32 to vector<16xi32>
      %gather3A_1007 = tpu.vector_load_idx %arg7[%broadcast_in_dim3A_1006, %min3A_620] : memref<64x1153xf32, #tpu.memory_space<vmem>>[vector<16xi32>, vector<16xi32>], vector<16xf32>,
      %gather3A_1008 = tpu.vector_load_idx %arg8[%broadcast_in_dim3A_1006, %min3A_600] : memref<64x512xf32, #tpu.memory_space<vmem>>[vector<16xi32>, vector<16xi32>], vector<16xf32>,
      %sub3A_1009 = arith.subf %gather3A_1008, %gather3A_1007 : vector<16xf32>
      %mul3A_1010 = arith.mulf %sub3A_1009, %sub3A_1009 : vector<16xf32>
      %mul3A_1011 = arith.mulf %select_n3A_612, %mul3A_1010 : vector<16xf32>
      %add3A_1012 = arith.addf %add3A_980, %mul3A_1011 : vector<16xf32>
      %broadcast_in_dim3A_1013 = arith.constant 49 : i32
      %broadcast_in_dim3A_1014 = vector.broadcast %broadcast_in_dim3A_1013 : i32 to vector<16xi32>
      %gather3A_1015 = tpu.vector_load_idx %arg7[%broadcast_in_dim3A_1014, %min3A_620] : memref<64x1153xf32, #tpu.memory_space<vmem>>[vector<16xi32>, vector<16xi32>], vector<16xf32>,
      %gather3A_1016 = tpu.vector_load_idx %arg8[%broadcast_in_dim3A_1014, %min3A_600] : memref<64x512xf32, #tpu.memory_space<vmem>>[vector<16xi32>, vector<16xi32>], vector<16xf32>,
      %sub3A_1017 = arith.subf %gather3A_1016, %gather3A_1015 : vector<16xf32>
      %mul3A_1018 = arith.mulf %sub3A_1017, %sub3A_1017 : vector<16xf32>
      %mul3A_1019 = arith.mulf %select_n3A_612, %mul3A_1018 : vector<16xf32>
      %add3A_1020 = arith.addf %add3A_988, %mul3A_1019 : vector<16xf32>
      %broadcast_in_dim3A_1021 = arith.constant 50 : i32
      %broadcast_in_dim3A_1022 = vector.broadcast %broadcast_in_dim3A_1021 : i32 to vector<16xi32>
      %gather3A_1023 = tpu.vector_load_idx %arg7[%broadcast_in_dim3A_1022, %min3A_620] : memref<64x1153xf32, #tpu.memory_space<vmem>>[vector<16xi32>, vector<16xi32>], vector<16xf32>,
      %gather3A_1024 = tpu.vector_load_idx %arg8[%broadcast_in_dim3A_1022, %min3A_600] : memref<64x512xf32, #tpu.memory_space<vmem>>[vector<16xi32>, vector<16xi32>], vector<16xf32>,
      %sub3A_1025 = arith.subf %gather3A_1024, %gather3A_1023 : vector<16xf32>
      %mul3A_1026 = arith.mulf %sub3A_1025, %sub3A_1025 : vector<16xf32>
      %mul3A_1027 = arith.mulf %select_n3A_612, %mul3A_1026 : vector<16xf32>
      %add3A_1028 = arith.addf %add3A_996, %mul3A_1027 : vector<16xf32>
      %broadcast_in_dim3A_1029 = arith.constant 51 : i32
      %broadcast_in_dim3A_1030 = vector.broadcast %broadcast_in_dim3A_1029 : i32 to vector<16xi32>
      %gather3A_1031 = tpu.vector_load_idx %arg7[%broadcast_in_dim3A_1030, %min3A_620] : memref<64x1153xf32, #tpu.memory_space<vmem>>[vector<16xi32>, vector<16xi32>], vector<16xf32>,
      %gather3A_1032 = tpu.vector_load_idx %arg8[%broadcast_in_dim3A_1030, %min3A_600] : memref<64x512xf32, #tpu.memory_space<vmem>>[vector<16xi32>, vector<16xi32>], vector<16xf32>,
      %sub3A_1033 = arith.subf %gather3A_1032, %gather3A_1031 : vector<16xf32>
      %mul3A_1034 = arith.mulf %sub3A_1033, %sub3A_1033 : vector<16xf32>
      %mul3A_1035 = arith.mulf %select_n3A_612, %mul3A_1034 : vector<16xf32>
      %add3A_1036 = arith.addf %add3A_1004, %mul3A_1035 : vector<16xf32>
      %broadcast_in_dim3A_1037 = arith.constant 52 : i32
      %broadcast_in_dim3A_1038 = vector.broadcast %broadcast_in_dim3A_1037 : i32 to vector<16xi32>
      %gather3A_1039 = tpu.vector_load_idx %arg7[%broadcast_in_dim3A_1038, %min3A_620] : memref<64x1153xf32, #tpu.memory_space<vmem>>[vector<16xi32>, vector<16xi32>], vector<16xf32>,
      %gather3A_1040 = tpu.vector_load_idx %arg8[%broadcast_in_dim3A_1038, %min3A_600] : memref<64x512xf32, #tpu.memory_space<vmem>>[vector<16xi32>, vector<16xi32>], vector<16xf32>,
      %sub3A_1041 = arith.subf %gather3A_1040, %gather3A_1039 : vector<16xf32>
      %mul3A_1042 = arith.mulf %sub3A_1041, %sub3A_1041 : vector<16xf32>
      %mul3A_1043 = arith.mulf %select_n3A_612, %mul3A_1042 : vector<16xf32>
      %add3A_1044 = arith.addf %add3A_1012, %mul3A_1043 : vector<16xf32>
      %broadcast_in_dim3A_1045 = arith.constant 53 : i32
      %broadcast_in_dim3A_1046 = vector.broadcast %broadcast_in_dim3A_1045 : i32 to vector<16xi32>
      %gather3A_1047 = tpu.vector_load_idx %arg7[%broadcast_in_dim3A_1046, %min3A_620] : memref<64x1153xf32, #tpu.memory_space<vmem>>[vector<16xi32>, vector<16xi32>], vector<16xf32>,
      %gather3A_1048 = tpu.vector_load_idx %arg8[%broadcast_in_dim3A_1046, %min3A_600] : memref<64x512xf32, #tpu.memory_space<vmem>>[vector<16xi32>, vector<16xi32>], vector<16xf32>,
      %sub3A_1049 = arith.subf %gather3A_1048, %gather3A_1047 : vector<16xf32>
      %mul3A_1050 = arith.mulf %sub3A_1049, %sub3A_1049 : vector<16xf32>
      %mul3A_1051 = arith.mulf %select_n3A_612, %mul3A_1050 : vector<16xf32>
      %add3A_1052 = arith.addf %add3A_1020, %mul3A_1051 : vector<16xf32>
      %broadcast_in_dim3A_1053 = arith.constant 54 : i32
      %broadcast_in_dim3A_1054 = vector.broadcast %broadcast_in_dim3A_1053 : i32 to vector<16xi32>
      %gather3A_1055 = tpu.vector_load_idx %arg7[%broadcast_in_dim3A_1054, %min3A_620] : memref<64x1153xf32, #tpu.memory_space<vmem>>[vector<16xi32>, vector<16xi32>], vector<16xf32>,
      %gather3A_1056 = tpu.vector_load_idx %arg8[%broadcast_in_dim3A_1054, %min3A_600] : memref<64x512xf32, #tpu.memory_space<vmem>>[vector<16xi32>, vector<16xi32>], vector<16xf32>,
      %sub3A_1057 = arith.subf %gather3A_1056, %gather3A_1055 : vector<16xf32>
      %mul3A_1058 = arith.mulf %sub3A_1057, %sub3A_1057 : vector<16xf32>
      %mul3A_1059 = arith.mulf %select_n3A_612, %mul3A_1058 : vector<16xf32>
      %add3A_1060 = arith.addf %add3A_1028, %mul3A_1059 : vector<16xf32>
      %broadcast_in_dim3A_1061 = arith.constant 55 : i32
      %broadcast_in_dim3A_1062 = vector.broadcast %broadcast_in_dim3A_1061 : i32 to vector<16xi32>
      %gather3A_1063 = tpu.vector_load_idx %arg7[%broadcast_in_dim3A_1062, %min3A_620] : memref<64x1153xf32, #tpu.memory_space<vmem>>[vector<16xi32>, vector<16xi32>], vector<16xf32>,
      %gather3A_1064 = tpu.vector_load_idx %arg8[%broadcast_in_dim3A_1062, %min3A_600] : memref<64x512xf32, #tpu.memory_space<vmem>>[vector<16xi32>, vector<16xi32>], vector<16xf32>,
      %sub3A_1065 = arith.subf %gather3A_1064, %gather3A_1063 : vector<16xf32>
      %mul3A_1066 = arith.mulf %sub3A_1065, %sub3A_1065 : vector<16xf32>
      %mul3A_1067 = arith.mulf %select_n3A_612, %mul3A_1066 : vector<16xf32>
      %add3A_1068 = arith.addf %add3A_1036, %mul3A_1067 : vector<16xf32>
      %broadcast_in_dim3A_1069 = arith.constant 56 : i32
      %broadcast_in_dim3A_1070 = vector.broadcast %broadcast_in_dim3A_1069 : i32 to vector<16xi32>
      %gather3A_1071 = tpu.vector_load_idx %arg7[%broadcast_in_dim3A_1070, %min3A_620] : memref<64x1153xf32, #tpu.memory_space<vmem>>[vector<16xi32>, vector<16xi32>], vector<16xf32>,
      %gather3A_1072 = tpu.vector_load_idx %arg8[%broadcast_in_dim3A_1070, %min3A_600] : memref<64x512xf32, #tpu.memory_space<vmem>>[vector<16xi32>, vector<16xi32>], vector<16xf32>,
      %sub3A_1073 = arith.subf %gather3A_1072, %gather3A_1071 : vector<16xf32>
      %mul3A_1074 = arith.mulf %sub3A_1073, %sub3A_1073 : vector<16xf32>
      %mul3A_1075 = arith.mulf %select_n3A_612, %mul3A_1074 : vector<16xf32>
      %add3A_1076 = arith.addf %add3A_1044, %mul3A_1075 : vector<16xf32>
      %broadcast_in_dim3A_1077 = arith.constant 57 : i32
      %broadcast_in_dim3A_1078 = vector.broadcast %broadcast_in_dim3A_1077 : i32 to vector<16xi32>
      %gather3A_1079 = tpu.vector_load_idx %arg7[%broadcast_in_dim3A_1078, %min3A_620] : memref<64x1153xf32, #tpu.memory_space<vmem>>[vector<16xi32>, vector<16xi32>], vector<16xf32>,
      %gather3A_1080 = tpu.vector_load_idx %arg8[%broadcast_in_dim3A_1078, %min3A_600] : memref<64x512xf32, #tpu.memory_space<vmem>>[vector<16xi32>, vector<16xi32>], vector<16xf32>,
      %sub3A_1081 = arith.subf %gather3A_1080, %gather3A_1079 : vector<16xf32>
      %mul3A_1082 = arith.mulf %sub3A_1081, %sub3A_1081 : vector<16xf32>
      %mul3A_1083 = arith.mulf %select_n3A_612, %mul3A_1082 : vector<16xf32>
      %add3A_1084 = arith.addf %add3A_1052, %mul3A_1083 : vector<16xf32>
      %broadcast_in_dim3A_1085 = arith.constant 58 : i32
      %broadcast_in_dim3A_1086 = vector.broadcast %broadcast_in_dim3A_1085 : i32 to vector<16xi32>
      %gather3A_1087 = tpu.vector_load_idx %arg7[%broadcast_in_dim3A_1086, %min3A_620] : memref<64x1153xf32, #tpu.memory_space<vmem>>[vector<16xi32>, vector<16xi32>], vector<16xf32>,
      %gather3A_1088 = tpu.vector_load_idx %arg8[%broadcast_in_dim3A_1086, %min3A_600] : memref<64x512xf32, #tpu.memory_space<vmem>>[vector<16xi32>, vector<16xi32>], vector<16xf32>,
      %sub3A_1089 = arith.subf %gather3A_1088, %gather3A_1087 : vector<16xf32>
      %mul3A_1090 = arith.mulf %sub3A_1089, %sub3A_1089 : vector<16xf32>
      %mul3A_1091 = arith.mulf %select_n3A_612, %mul3A_1090 : vector<16xf32>
      %add3A_1092 = arith.addf %add3A_1060, %mul3A_1091 : vector<16xf32>
      %broadcast_in_dim3A_1093 = arith.constant 59 : i32
      %broadcast_in_dim3A_1094 = vector.broadcast %broadcast_in_dim3A_1093 : i32 to vector<16xi32>
      %gather3A_1095 = tpu.vector_load_idx %arg7[%broadcast_in_dim3A_1094, %min3A_620] : memref<64x1153xf32, #tpu.memory_space<vmem>>[vector<16xi32>, vector<16xi32>], vector<16xf32>,
      %gather3A_1096 = tpu.vector_load_idx %arg8[%broadcast_in_dim3A_1094, %min3A_600] : memref<64x512xf32, #tpu.memory_space<vmem>>[vector<16xi32>, vector<16xi32>], vector<16xf32>,
      %sub3A_1097 = arith.subf %gather3A_1096, %gather3A_1095 : vector<16xf32>
      %mul3A_1098 = arith.mulf %sub3A_1097, %sub3A_1097 : vector<16xf32>
      %mul3A_1099 = arith.mulf %select_n3A_612, %mul3A_1098 : vector<16xf32>
      %add3A_1100 = arith.addf %add3A_1068, %mul3A_1099 : vector<16xf32>
      %broadcast_in_dim3A_1101 = arith.constant 60 : i32
      %broadcast_in_dim3A_1102 = vector.broadcast %broadcast_in_dim3A_1101 : i32 to vector<16xi32>
      %gather3A_1103 = tpu.vector_load_idx %arg7[%broadcast_in_dim3A_1102, %min3A_620] : memref<64x1153xf32, #tpu.memory_space<vmem>>[vector<16xi32>, vector<16xi32>], vector<16xf32>,
      %gather3A_1104 = tpu.vector_load_idx %arg8[%broadcast_in_dim3A_1102, %min3A_600] : memref<64x512xf32, #tpu.memory_space<vmem>>[vector<16xi32>, vector<16xi32>], vector<16xf32>,
      %sub3A_1105 = arith.subf %gather3A_1104, %gather3A_1103 : vector<16xf32>
      %mul3A_1106 = arith.mulf %sub3A_1105, %sub3A_1105 : vector<16xf32>
      %mul3A_1107 = arith.mulf %select_n3A_612, %mul3A_1106 : vector<16xf32>
      %add3A_1108 = arith.addf %add3A_1076, %mul3A_1107 : vector<16xf32>
      %broadcast_in_dim3A_1109 = arith.constant 61 : i32
      %broadcast_in_dim3A_1110 = vector.broadcast %broadcast_in_dim3A_1109 : i32 to vector<16xi32>
      %gather3A_1111 = tpu.vector_load_idx %arg7[%broadcast_in_dim3A_1110, %min3A_620] : memref<64x1153xf32, #tpu.memory_space<vmem>>[vector<16xi32>, vector<16xi32>], vector<16xf32>,
      %gather3A_1112 = tpu.vector_load_idx %arg8[%broadcast_in_dim3A_1110, %min3A_600] : memref<64x512xf32, #tpu.memory_space<vmem>>[vector<16xi32>, vector<16xi32>], vector<16xf32>,
      %sub3A_1113 = arith.subf %gather3A_1112, %gather3A_1111 : vector<16xf32>
      %mul3A_1114 = arith.mulf %sub3A_1113, %sub3A_1113 : vector<16xf32>
      %mul3A_1115 = arith.mulf %select_n3A_612, %mul3A_1114 : vector<16xf32>
      %add3A_1116 = arith.addf %add3A_1084, %mul3A_1115 : vector<16xf32>
      %broadcast_in_dim3A_1117 = arith.constant 62 : i32
      %broadcast_in_dim3A_1118 = vector.broadcast %broadcast_in_dim3A_1117 : i32 to vector<16xi32>
      %gather3A_1119 = tpu.vector_load_idx %arg7[%broadcast_in_dim3A_1118, %min3A_620] : memref<64x1153xf32, #tpu.memory_space<vmem>>[vector<16xi32>, vector<16xi32>], vector<16xf32>,
      %gather3A_1120 = tpu.vector_load_idx %arg8[%broadcast_in_dim3A_1118, %min3A_600] : memref<64x512xf32, #tpu.memory_space<vmem>>[vector<16xi32>, vector<16xi32>], vector<16xf32>,
      %sub3A_1121 = arith.subf %gather3A_1120, %gather3A_1119 : vector<16xf32>
      %mul3A_1122 = arith.mulf %sub3A_1121, %sub3A_1121 : vector<16xf32>
      %mul3A_1123 = arith.mulf %select_n3A_612, %mul3A_1122 : vector<16xf32>
      %add3A_1124 = arith.addf %add3A_1092, %mul3A_1123 : vector<16xf32>
      %broadcast_in_dim3A_1125 = arith.constant 63 : i32
      %broadcast_in_dim3A_1126 = vector.broadcast %broadcast_in_dim3A_1125 : i32 to vector<16xi32>
      %gather3A_1127 = tpu.vector_load_idx %arg7[%broadcast_in_dim3A_1126, %min3A_620] : memref<64x1153xf32, #tpu.memory_space<vmem>>[vector<16xi32>, vector<16xi32>], vector<16xf32>,
      %gather3A_1128 = tpu.vector_load_idx %arg8[%broadcast_in_dim3A_1126, %min3A_600] : memref<64x512xf32, #tpu.memory_space<vmem>>[vector<16xi32>, vector<16xi32>], vector<16xf32>,
      %sub3A_1129 = arith.subf %gather3A_1128, %gather3A_1127 : vector<16xf32>
      %mul3A_1130 = arith.mulf %sub3A_1129, %sub3A_1129 : vector<16xf32>
      %mul3A_1131 = arith.mulf %select_n3A_612, %mul3A_1130 : vector<16xf32>
      %add3A_1132 = arith.addf %add3A_1100, %mul3A_1131 : vector<16xf32>
      %convert_element_type3A_1133 = arith.extui %and3A_607 : vector<16xi1> to vector<16xi32>
      %reduce_sum3A_1134 = arith.constant true
      %reduce_sum3A_1135 = vector.broadcast %reduce_sum3A_1134 : i1 to vector<16xi1>
      %reduce_sum3A_1136 = tpu.scan <sum>, %convert_element_type3A_1133 masked %reduce_sum3A_1135 : vector<16xi32>, vector<16xi1> -> vector<16xi32>
      %reduce_sum3A_1137 = vector.extract %reduce_sum3A_1136[15] : i32 from vector<16xi32>
      %add3A_1138 = arith.addi %add3A_593, %reduce_sum3A_1137 : i32
      %add3A_1139 = arith.addi %while3A_25, %add3A_1138 : i32
      %add3A_1140 = vector.broadcast %add3A_1139 : i32 to vector<16xi32>
      %add3A_1141 = arith.addi %add3A_1140, %iota3A : vector<16xi32>
      %min3A_1142 = arith.constant 511 : i32
      %min3A_1143 = vector.broadcast %min3A_1142 : i32 to vector<16xi32>
      %min3A_1144 = arith.minsi %add3A_1141, %min3A_1143 : vector<16xi32>
      %gather3A_1145 = tpu.vector_load_idx %arg6[%min3A_1144] : memref<512xi32, #tpu.memory_space<vmem>>[vector<16xi32>], vector<16xi32>,
      %reduce_min3A_1146 = arith.constant true
      %reduce_min3A_1147 = vector.broadcast %reduce_min3A_1146 : i1 to vector<16xi1>
      %reduce_min3A_1148 = arith.constant -2147483648 : i32
      %reduce_min3A_1149 = vector.broadcast %reduce_min3A_1148 : i32 to vector<16xi32>
      %reduce_min3A_1150 = arith.xori %gather3A_1145, %reduce_min3A_1149 : vector<16xi32>
      %reduce_min3A_1151 = tpu.scan <min>, %reduce_min3A_1150 masked %reduce_min3A_1147 : vector<16xi32>, vector<16xi1> -> vector<16xi32>
      %reduce_min3A_1152 = arith.xori %reduce_min3A_1151, %reduce_min3A_1149 : vector<16xi32>
      %reduce_min3A_1153 = vector.extract %reduce_min3A_1152[15] : i32 from vector<16xi32>
      scf.yield %add3A_1139, %reduce_min3A_1153, %add3A_1108, %add3A_1116, %add3A_1124, %add3A_1132 : i32, i32, vector<16xf32>, vector<16xf32>, vector<16xf32>, vector<16xf32>
    }
    %while3A_20:5 = scf.while (%while3A_25 = %while3A_19#0, %while3A_26 = %while3A_19#2, %while3A_27 = %while3A_19#3, %while3A_28 = %while3A_19#4, %while3A_29 = %while3A_19#5) : (i32, vector<16xf32>, vector<16xf32>, vector<16xf32>, vector<16xf32>) -> (i32, vector<16xf32>, vector<16xf32>, vector<16xf32>, vector<16xf32>) {
      %lt3A = arith.constant 512 : i32
      %lt3A_30 = arith.cmpi slt, %while3A_25, %lt3A : i32
      scf.condition(%lt3A_30) %while3A_25, %while3A_26, %while3A_27, %while3A_28, %while3A_29 : i32, vector<16xf32>, vector<16xf32>, vector<16xf32>, vector<16xf32>
    } do {
    ^bb0(%while3A_25: i32, %while3A_26: vector<16xf32>, %while3A_27: vector<16xf32>, %while3A_28: vector<16xf32>, %while3A_29: vector<16xf32>):
      %add3A_30 = arith.constant 0 : i32
      %add3A_31 = arith.addi %while3A_25, %add3A_30 : i32
      %add3A_32 = vector.broadcast %add3A_31 : i32 to vector<16xi32>
      %add3A_33 = arith.addi %add3A_32, %iota3A : vector<16xi32>
      %min3A_34 = arith.constant 511 : i32
      %min3A_35 = vector.broadcast %min3A_34 : i32 to vector<16xi32>
      %min3A_36 = arith.minsi %add3A_33, %min3A_35 : vector<16xi32>
      %gather3A_37 = tpu.vector_load_idx %arg6[%min3A_36] : memref<512xi32, #tpu.memory_space<vmem>>[vector<16xi32>], vector<16xi32>,
      %lt3A = arith.constant 512 : i32
      %lt3A_38 = vector.broadcast %lt3A : i32 to vector<16xi32>
      %lt3A_39 = arith.cmpi slt, %add3A_33, %lt3A_38 : vector<16xi32>
      %lt3A_40 = arith.constant 1000000 : i32
      %lt3A_41 = vector.broadcast %lt3A_40 : i32 to vector<16xi32>
      %lt3A_42 = arith.cmpi slt, %gather3A_37, %lt3A_41 : vector<16xi32>
      %and3A = arith.andi %lt3A_39, %lt3A_42 : vector<16xi1>
      %jit3A = arith.constant 1.000000e+00 : f32
      %jit3A_43 = arith.constant 0.000000e+00 : f32
      %broadcast_in_dim3A_44 = vector.broadcast %jit3A : f32 to vector<16xf32>
      %broadcast_in_dim3A_45 = vector.broadcast %jit3A_43 : f32 to vector<16xf32>
      %select_n3A = arith.select %and3A, %broadcast_in_dim3A_44, %broadcast_in_dim3A_45 : vector<16xi1>, vector<16xf32>
      %sub3A = arith.constant 999936 : i32
      %sub3A_46 = vector.broadcast %sub3A : i32 to vector<16xi32>
      %sub3A_47 = arith.subi %gather3A_37, %sub3A_46 : vector<16xi32>
      %jit3A_48 = arith.constant 0 : i32
      %jit3A_49 = arith.constant 63 : i32
      %max3A = vector.broadcast %jit3A_48 : i32 to vector<16xi32>
      %max3A_50 = arith.maxsi %max3A, %sub3A_47 : vector<16xi32>
      %min3A_51 = vector.broadcast %jit3A_49 : i32 to vector<16xi32>
      %min3A_52 = arith.minsi %min3A_51, %max3A_50 : vector<16xi32>
      %broadcast_in_dim3A_53 = arith.constant 0 : i32
      %broadcast_in_dim3A_54 = vector.broadcast %broadcast_in_dim3A_53 : i32 to vector<16xi32>
      %gather3A_55 = tpu.vector_load_idx %arg9[%broadcast_in_dim3A_54, %min3A_52] : memref<64x64xf32, #tpu.memory_space<vmem>>[vector<16xi32>, vector<16xi32>], vector<16xf32>,
      %gather3A_56 = tpu.vector_load_idx %arg8[%broadcast_in_dim3A_54, %min3A_36] : memref<64x512xf32, #tpu.memory_space<vmem>>[vector<16xi32>, vector<16xi32>], vector<16xf32>,
      %sub3A_57 = arith.subf %gather3A_56, %gather3A_55 : vector<16xf32>
      %mul3A_58 = arith.mulf %sub3A_57, %sub3A_57 : vector<16xf32>
      %mul3A_59 = arith.mulf %select_n3A, %mul3A_58 : vector<16xf32>
      %add3A_60 = arith.addf %while3A_26, %mul3A_59 : vector<16xf32>
      %broadcast_in_dim3A_61 = arith.constant 1 : i32
      %broadcast_in_dim3A_62 = vector.broadcast %broadcast_in_dim3A_61 : i32 to vector<16xi32>
      %gather3A_63 = tpu.vector_load_idx %arg9[%broadcast_in_dim3A_62, %min3A_52] : memref<64x64xf32, #tpu.memory_space<vmem>>[vector<16xi32>, vector<16xi32>], vector<16xf32>,
      %gather3A_64 = tpu.vector_load_idx %arg8[%broadcast_in_dim3A_62, %min3A_36] : memref<64x512xf32, #tpu.memory_space<vmem>>[vector<16xi32>, vector<16xi32>], vector<16xf32>,
      %sub3A_65 = arith.subf %gather3A_64, %gather3A_63 : vector<16xf32>
      %mul3A_66 = arith.mulf %sub3A_65, %sub3A_65 : vector<16xf32>
      %mul3A_67 = arith.mulf %select_n3A, %mul3A_66 : vector<16xf32>
      %add3A_68 = arith.addf %while3A_27, %mul3A_67 : vector<16xf32>
      %broadcast_in_dim3A_69 = arith.constant 2 : i32
      %broadcast_in_dim3A_70 = vector.broadcast %broadcast_in_dim3A_69 : i32 to vector<16xi32>
      %gather3A_71 = tpu.vector_load_idx %arg9[%broadcast_in_dim3A_70, %min3A_52] : memref<64x64xf32, #tpu.memory_space<vmem>>[vector<16xi32>, vector<16xi32>], vector<16xf32>,
      %gather3A_72 = tpu.vector_load_idx %arg8[%broadcast_in_dim3A_70, %min3A_36] : memref<64x512xf32, #tpu.memory_space<vmem>>[vector<16xi32>, vector<16xi32>], vector<16xf32>,
      %sub3A_73 = arith.subf %gather3A_72, %gather3A_71 : vector<16xf32>
      %mul3A_74 = arith.mulf %sub3A_73, %sub3A_73 : vector<16xf32>
      %mul3A_75 = arith.mulf %select_n3A, %mul3A_74 : vector<16xf32>
      %add3A_76 = arith.addf %while3A_28, %mul3A_75 : vector<16xf32>
      %broadcast_in_dim3A_77 = arith.constant 3 : i32
      %broadcast_in_dim3A_78 = vector.broadcast %broadcast_in_dim3A_77 : i32 to vector<16xi32>
      %gather3A_79 = tpu.vector_load_idx %arg9[%broadcast_in_dim3A_78, %min3A_52] : memref<64x64xf32, #tpu.memory_space<vmem>>[vector<16xi32>, vector<16xi32>], vector<16xf32>,
      %gather3A_80 = tpu.vector_load_idx %arg8[%broadcast_in_dim3A_78, %min3A_36] : memref<64x512xf32, #tpu.memory_space<vmem>>[vector<16xi32>, vector<16xi32>], vector<16xf32>,
      %sub3A_81 = arith.subf %gather3A_80, %gather3A_79 : vector<16xf32>
      %mul3A_82 = arith.mulf %sub3A_81, %sub3A_81 : vector<16xf32>
      %mul3A_83 = arith.mulf %select_n3A, %mul3A_82 : vector<16xf32>
      %add3A_84 = arith.addf %while3A_29, %mul3A_83 : vector<16xf32>
      %broadcast_in_dim3A_85 = arith.constant 4 : i32
      %broadcast_in_dim3A_86 = vector.broadcast %broadcast_in_dim3A_85 : i32 to vector<16xi32>
      %gather3A_87 = tpu.vector_load_idx %arg9[%broadcast_in_dim3A_86, %min3A_52] : memref<64x64xf32, #tpu.memory_space<vmem>>[vector<16xi32>, vector<16xi32>], vector<16xf32>,
      %gather3A_88 = tpu.vector_load_idx %arg8[%broadcast_in_dim3A_86, %min3A_36] : memref<64x512xf32, #tpu.memory_space<vmem>>[vector<16xi32>, vector<16xi32>], vector<16xf32>,
      %sub3A_89 = arith.subf %gather3A_88, %gather3A_87 : vector<16xf32>
      %mul3A_90 = arith.mulf %sub3A_89, %sub3A_89 : vector<16xf32>
      %mul3A_91 = arith.mulf %select_n3A, %mul3A_90 : vector<16xf32>
      %add3A_92 = arith.addf %add3A_60, %mul3A_91 : vector<16xf32>
      %broadcast_in_dim3A_93 = arith.constant 5 : i32
      %broadcast_in_dim3A_94 = vector.broadcast %broadcast_in_dim3A_93 : i32 to vector<16xi32>
      %gather3A_95 = tpu.vector_load_idx %arg9[%broadcast_in_dim3A_94, %min3A_52] : memref<64x64xf32, #tpu.memory_space<vmem>>[vector<16xi32>, vector<16xi32>], vector<16xf32>,
      %gather3A_96 = tpu.vector_load_idx %arg8[%broadcast_in_dim3A_94, %min3A_36] : memref<64x512xf32, #tpu.memory_space<vmem>>[vector<16xi32>, vector<16xi32>], vector<16xf32>,
      %sub3A_97 = arith.subf %gather3A_96, %gather3A_95 : vector<16xf32>
      %mul3A_98 = arith.mulf %sub3A_97, %sub3A_97 : vector<16xf32>
      %mul3A_99 = arith.mulf %select_n3A, %mul3A_98 : vector<16xf32>
      %add3A_100 = arith.addf %add3A_68, %mul3A_99 : vector<16xf32>
      %broadcast_in_dim3A_101 = arith.constant 6 : i32
      %broadcast_in_dim3A_102 = vector.broadcast %broadcast_in_dim3A_101 : i32 to vector<16xi32>
      %gather3A_103 = tpu.vector_load_idx %arg9[%broadcast_in_dim3A_102, %min3A_52] : memref<64x64xf32, #tpu.memory_space<vmem>>[vector<16xi32>, vector<16xi32>], vector<16xf32>,
      %gather3A_104 = tpu.vector_load_idx %arg8[%broadcast_in_dim3A_102, %min3A_36] : memref<64x512xf32, #tpu.memory_space<vmem>>[vector<16xi32>, vector<16xi32>], vector<16xf32>,
      %sub3A_105 = arith.subf %gather3A_104, %gather3A_103 : vector<16xf32>
      %mul3A_106 = arith.mulf %sub3A_105, %sub3A_105 : vector<16xf32>
      %mul3A_107 = arith.mulf %select_n3A, %mul3A_106 : vector<16xf32>
      %add3A_108 = arith.addf %add3A_76, %mul3A_107 : vector<16xf32>
      %broadcast_in_dim3A_109 = arith.constant 7 : i32
      %broadcast_in_dim3A_110 = vector.broadcast %broadcast_in_dim3A_109 : i32 to vector<16xi32>
      %gather3A_111 = tpu.vector_load_idx %arg9[%broadcast_in_dim3A_110, %min3A_52] : memref<64x64xf32, #tpu.memory_space<vmem>>[vector<16xi32>, vector<16xi32>], vector<16xf32>,
      %gather3A_112 = tpu.vector_load_idx %arg8[%broadcast_in_dim3A_110, %min3A_36] : memref<64x512xf32, #tpu.memory_space<vmem>>[vector<16xi32>, vector<16xi32>], vector<16xf32>,
      %sub3A_113 = arith.subf %gather3A_112, %gather3A_111 : vector<16xf32>
      %mul3A_114 = arith.mulf %sub3A_113, %sub3A_113 : vector<16xf32>
      %mul3A_115 = arith.mulf %select_n3A, %mul3A_114 : vector<16xf32>
      %add3A_116 = arith.addf %add3A_84, %mul3A_115 : vector<16xf32>
      %broadcast_in_dim3A_117 = arith.constant 8 : i32
      %broadcast_in_dim3A_118 = vector.broadcast %broadcast_in_dim3A_117 : i32 to vector<16xi32>
      %gather3A_119 = tpu.vector_load_idx %arg9[%broadcast_in_dim3A_118, %min3A_52] : memref<64x64xf32, #tpu.memory_space<vmem>>[vector<16xi32>, vector<16xi32>], vector<16xf32>,
      %gather3A_120 = tpu.vector_load_idx %arg8[%broadcast_in_dim3A_118, %min3A_36] : memref<64x512xf32, #tpu.memory_space<vmem>>[vector<16xi32>, vector<16xi32>], vector<16xf32>,
      %sub3A_121 = arith.subf %gather3A_120, %gather3A_119 : vector<16xf32>
      %mul3A_122 = arith.mulf %sub3A_121, %sub3A_121 : vector<16xf32>
      %mul3A_123 = arith.mulf %select_n3A, %mul3A_122 : vector<16xf32>
      %add3A_124 = arith.addf %add3A_92, %mul3A_123 : vector<16xf32>
      %broadcast_in_dim3A_125 = arith.constant 9 : i32
      %broadcast_in_dim3A_126 = vector.broadcast %broadcast_in_dim3A_125 : i32 to vector<16xi32>
      %gather3A_127 = tpu.vector_load_idx %arg9[%broadcast_in_dim3A_126, %min3A_52] : memref<64x64xf32, #tpu.memory_space<vmem>>[vector<16xi32>, vector<16xi32>], vector<16xf32>,
      %gather3A_128 = tpu.vector_load_idx %arg8[%broadcast_in_dim3A_126, %min3A_36] : memref<64x512xf32, #tpu.memory_space<vmem>>[vector<16xi32>, vector<16xi32>], vector<16xf32>,
      %sub3A_129 = arith.subf %gather3A_128, %gather3A_127 : vector<16xf32>
      %mul3A_130 = arith.mulf %sub3A_129, %sub3A_129 : vector<16xf32>
      %mul3A_131 = arith.mulf %select_n3A, %mul3A_130 : vector<16xf32>
      %add3A_132 = arith.addf %add3A_100, %mul3A_131 : vector<16xf32>
      %broadcast_in_dim3A_133 = arith.constant 10 : i32
      %broadcast_in_dim3A_134 = vector.broadcast %broadcast_in_dim3A_133 : i32 to vector<16xi32>
      %gather3A_135 = tpu.vector_load_idx %arg9[%broadcast_in_dim3A_134, %min3A_52] : memref<64x64xf32, #tpu.memory_space<vmem>>[vector<16xi32>, vector<16xi32>], vector<16xf32>,
      %gather3A_136 = tpu.vector_load_idx %arg8[%broadcast_in_dim3A_134, %min3A_36] : memref<64x512xf32, #tpu.memory_space<vmem>>[vector<16xi32>, vector<16xi32>], vector<16xf32>,
      %sub3A_137 = arith.subf %gather3A_136, %gather3A_135 : vector<16xf32>
      %mul3A_138 = arith.mulf %sub3A_137, %sub3A_137 : vector<16xf32>
      %mul3A_139 = arith.mulf %select_n3A, %mul3A_138 : vector<16xf32>
      %add3A_140 = arith.addf %add3A_108, %mul3A_139 : vector<16xf32>
      %broadcast_in_dim3A_141 = arith.constant 11 : i32
      %broadcast_in_dim3A_142 = vector.broadcast %broadcast_in_dim3A_141 : i32 to vector<16xi32>
      %gather3A_143 = tpu.vector_load_idx %arg9[%broadcast_in_dim3A_142, %min3A_52] : memref<64x64xf32, #tpu.memory_space<vmem>>[vector<16xi32>, vector<16xi32>], vector<16xf32>,
      %gather3A_144 = tpu.vector_load_idx %arg8[%broadcast_in_dim3A_142, %min3A_36] : memref<64x512xf32, #tpu.memory_space<vmem>>[vector<16xi32>, vector<16xi32>], vector<16xf32>,
      %sub3A_145 = arith.subf %gather3A_144, %gather3A_143 : vector<16xf32>
      %mul3A_146 = arith.mulf %sub3A_145, %sub3A_145 : vector<16xf32>
      %mul3A_147 = arith.mulf %select_n3A, %mul3A_146 : vector<16xf32>
      %add3A_148 = arith.addf %add3A_116, %mul3A_147 : vector<16xf32>
      %broadcast_in_dim3A_149 = arith.constant 12 : i32
      %broadcast_in_dim3A_150 = vector.broadcast %broadcast_in_dim3A_149 : i32 to vector<16xi32>
      %gather3A_151 = tpu.vector_load_idx %arg9[%broadcast_in_dim3A_150, %min3A_52] : memref<64x64xf32, #tpu.memory_space<vmem>>[vector<16xi32>, vector<16xi32>], vector<16xf32>,
      %gather3A_152 = tpu.vector_load_idx %arg8[%broadcast_in_dim3A_150, %min3A_36] : memref<64x512xf32, #tpu.memory_space<vmem>>[vector<16xi32>, vector<16xi32>], vector<16xf32>,
      %sub3A_153 = arith.subf %gather3A_152, %gather3A_151 : vector<16xf32>
      %mul3A_154 = arith.mulf %sub3A_153, %sub3A_153 : vector<16xf32>
      %mul3A_155 = arith.mulf %select_n3A, %mul3A_154 : vector<16xf32>
      %add3A_156 = arith.addf %add3A_124, %mul3A_155 : vector<16xf32>
      %broadcast_in_dim3A_157 = arith.constant 13 : i32
      %broadcast_in_dim3A_158 = vector.broadcast %broadcast_in_dim3A_157 : i32 to vector<16xi32>
      %gather3A_159 = tpu.vector_load_idx %arg9[%broadcast_in_dim3A_158, %min3A_52] : memref<64x64xf32, #tpu.memory_space<vmem>>[vector<16xi32>, vector<16xi32>], vector<16xf32>,
      %gather3A_160 = tpu.vector_load_idx %arg8[%broadcast_in_dim3A_158, %min3A_36] : memref<64x512xf32, #tpu.memory_space<vmem>>[vector<16xi32>, vector<16xi32>], vector<16xf32>,
      %sub3A_161 = arith.subf %gather3A_160, %gather3A_159 : vector<16xf32>
      %mul3A_162 = arith.mulf %sub3A_161, %sub3A_161 : vector<16xf32>
      %mul3A_163 = arith.mulf %select_n3A, %mul3A_162 : vector<16xf32>
      %add3A_164 = arith.addf %add3A_132, %mul3A_163 : vector<16xf32>
      %broadcast_in_dim3A_165 = arith.constant 14 : i32
      %broadcast_in_dim3A_166 = vector.broadcast %broadcast_in_dim3A_165 : i32 to vector<16xi32>
      %gather3A_167 = tpu.vector_load_idx %arg9[%broadcast_in_dim3A_166, %min3A_52] : memref<64x64xf32, #tpu.memory_space<vmem>>[vector<16xi32>, vector<16xi32>], vector<16xf32>,
      %gather3A_168 = tpu.vector_load_idx %arg8[%broadcast_in_dim3A_166, %min3A_36] : memref<64x512xf32, #tpu.memory_space<vmem>>[vector<16xi32>, vector<16xi32>], vector<16xf32>,
      %sub3A_169 = arith.subf %gather3A_168, %gather3A_167 : vector<16xf32>
      %mul3A_170 = arith.mulf %sub3A_169, %sub3A_169 : vector<16xf32>
      %mul3A_171 = arith.mulf %select_n3A, %mul3A_170 : vector<16xf32>
      %add3A_172 = arith.addf %add3A_140, %mul3A_171 : vector<16xf32>
      %broadcast_in_dim3A_173 = arith.constant 15 : i32
      %broadcast_in_dim3A_174 = vector.broadcast %broadcast_in_dim3A_173 : i32 to vector<16xi32>
      %gather3A_175 = tpu.vector_load_idx %arg9[%broadcast_in_dim3A_174, %min3A_52] : memref<64x64xf32, #tpu.memory_space<vmem>>[vector<16xi32>, vector<16xi32>], vector<16xf32>,
      %gather3A_176 = tpu.vector_load_idx %arg8[%broadcast_in_dim3A_174, %min3A_36] : memref<64x512xf32, #tpu.memory_space<vmem>>[vector<16xi32>, vector<16xi32>], vector<16xf32>,
      %sub3A_177 = arith.subf %gather3A_176, %gather3A_175 : vector<16xf32>
      %mul3A_178 = arith.mulf %sub3A_177, %sub3A_177 : vector<16xf32>
      %mul3A_179 = arith.mulf %select_n3A, %mul3A_178 : vector<16xf32>
      %add3A_180 = arith.addf %add3A_148, %mul3A_179 : vector<16xf32>
      %broadcast_in_dim3A_181 = arith.constant 16 : i32
      %broadcast_in_dim3A_182 = vector.broadcast %broadcast_in_dim3A_181 : i32 to vector<16xi32>
      %gather3A_183 = tpu.vector_load_idx %arg9[%broadcast_in_dim3A_182, %min3A_52] : memref<64x64xf32, #tpu.memory_space<vmem>>[vector<16xi32>, vector<16xi32>], vector<16xf32>,
      %gather3A_184 = tpu.vector_load_idx %arg8[%broadcast_in_dim3A_182, %min3A_36] : memref<64x512xf32, #tpu.memory_space<vmem>>[vector<16xi32>, vector<16xi32>], vector<16xf32>,
      %sub3A_185 = arith.subf %gather3A_184, %gather3A_183 : vector<16xf32>
      %mul3A_186 = arith.mulf %sub3A_185, %sub3A_185 : vector<16xf32>
      %mul3A_187 = arith.mulf %select_n3A, %mul3A_186 : vector<16xf32>
      %add3A_188 = arith.addf %add3A_156, %mul3A_187 : vector<16xf32>
      %broadcast_in_dim3A_189 = arith.constant 17 : i32
      %broadcast_in_dim3A_190 = vector.broadcast %broadcast_in_dim3A_189 : i32 to vector<16xi32>
      %gather3A_191 = tpu.vector_load_idx %arg9[%broadcast_in_dim3A_190, %min3A_52] : memref<64x64xf32, #tpu.memory_space<vmem>>[vector<16xi32>, vector<16xi32>], vector<16xf32>,
      %gather3A_192 = tpu.vector_load_idx %arg8[%broadcast_in_dim3A_190, %min3A_36] : memref<64x512xf32, #tpu.memory_space<vmem>>[vector<16xi32>, vector<16xi32>], vector<16xf32>,
      %sub3A_193 = arith.subf %gather3A_192, %gather3A_191 : vector<16xf32>
      %mul3A_194 = arith.mulf %sub3A_193, %sub3A_193 : vector<16xf32>
      %mul3A_195 = arith.mulf %select_n3A, %mul3A_194 : vector<16xf32>
      %add3A_196 = arith.addf %add3A_164, %mul3A_195 : vector<16xf32>
      %broadcast_in_dim3A_197 = arith.constant 18 : i32
      %broadcast_in_dim3A_198 = vector.broadcast %broadcast_in_dim3A_197 : i32 to vector<16xi32>
      %gather3A_199 = tpu.vector_load_idx %arg9[%broadcast_in_dim3A_198, %min3A_52] : memref<64x64xf32, #tpu.memory_space<vmem>>[vector<16xi32>, vector<16xi32>], vector<16xf32>,
      %gather3A_200 = tpu.vector_load_idx %arg8[%broadcast_in_dim3A_198, %min3A_36] : memref<64x512xf32, #tpu.memory_space<vmem>>[vector<16xi32>, vector<16xi32>], vector<16xf32>,
      %sub3A_201 = arith.subf %gather3A_200, %gather3A_199 : vector<16xf32>
      %mul3A_202 = arith.mulf %sub3A_201, %sub3A_201 : vector<16xf32>
      %mul3A_203 = arith.mulf %select_n3A, %mul3A_202 : vector<16xf32>
      %add3A_204 = arith.addf %add3A_172, %mul3A_203 : vector<16xf32>
      %broadcast_in_dim3A_205 = arith.constant 19 : i32
      %broadcast_in_dim3A_206 = vector.broadcast %broadcast_in_dim3A_205 : i32 to vector<16xi32>
      %gather3A_207 = tpu.vector_load_idx %arg9[%broadcast_in_dim3A_206, %min3A_52] : memref<64x64xf32, #tpu.memory_space<vmem>>[vector<16xi32>, vector<16xi32>], vector<16xf32>,
      %gather3A_208 = tpu.vector_load_idx %arg8[%broadcast_in_dim3A_206, %min3A_36] : memref<64x512xf32, #tpu.memory_space<vmem>>[vector<16xi32>, vector<16xi32>], vector<16xf32>,
      %sub3A_209 = arith.subf %gather3A_208, %gather3A_207 : vector<16xf32>
      %mul3A_210 = arith.mulf %sub3A_209, %sub3A_209 : vector<16xf32>
      %mul3A_211 = arith.mulf %select_n3A, %mul3A_210 : vector<16xf32>
      %add3A_212 = arith.addf %add3A_180, %mul3A_211 : vector<16xf32>
      %broadcast_in_dim3A_213 = arith.constant 20 : i32
      %broadcast_in_dim3A_214 = vector.broadcast %broadcast_in_dim3A_213 : i32 to vector<16xi32>
      %gather3A_215 = tpu.vector_load_idx %arg9[%broadcast_in_dim3A_214, %min3A_52] : memref<64x64xf32, #tpu.memory_space<vmem>>[vector<16xi32>, vector<16xi32>], vector<16xf32>,
      %gather3A_216 = tpu.vector_load_idx %arg8[%broadcast_in_dim3A_214, %min3A_36] : memref<64x512xf32, #tpu.memory_space<vmem>>[vector<16xi32>, vector<16xi32>], vector<16xf32>,
      %sub3A_217 = arith.subf %gather3A_216, %gather3A_215 : vector<16xf32>
      %mul3A_218 = arith.mulf %sub3A_217, %sub3A_217 : vector<16xf32>
      %mul3A_219 = arith.mulf %select_n3A, %mul3A_218 : vector<16xf32>
      %add3A_220 = arith.addf %add3A_188, %mul3A_219 : vector<16xf32>
      %broadcast_in_dim3A_221 = arith.constant 21 : i32
      %broadcast_in_dim3A_222 = vector.broadcast %broadcast_in_dim3A_221 : i32 to vector<16xi32>
      %gather3A_223 = tpu.vector_load_idx %arg9[%broadcast_in_dim3A_222, %min3A_52] : memref<64x64xf32, #tpu.memory_space<vmem>>[vector<16xi32>, vector<16xi32>], vector<16xf32>,
      %gather3A_224 = tpu.vector_load_idx %arg8[%broadcast_in_dim3A_222, %min3A_36] : memref<64x512xf32, #tpu.memory_space<vmem>>[vector<16xi32>, vector<16xi32>], vector<16xf32>,
      %sub3A_225 = arith.subf %gather3A_224, %gather3A_223 : vector<16xf32>
      %mul3A_226 = arith.mulf %sub3A_225, %sub3A_225 : vector<16xf32>
      %mul3A_227 = arith.mulf %select_n3A, %mul3A_226 : vector<16xf32>
      %add3A_228 = arith.addf %add3A_196, %mul3A_227 : vector<16xf32>
      %broadcast_in_dim3A_229 = arith.constant 22 : i32
      %broadcast_in_dim3A_230 = vector.broadcast %broadcast_in_dim3A_229 : i32 to vector<16xi32>
      %gather3A_231 = tpu.vector_load_idx %arg9[%broadcast_in_dim3A_230, %min3A_52] : memref<64x64xf32, #tpu.memory_space<vmem>>[vector<16xi32>, vector<16xi32>], vector<16xf32>,
      %gather3A_232 = tpu.vector_load_idx %arg8[%broadcast_in_dim3A_230, %min3A_36] : memref<64x512xf32, #tpu.memory_space<vmem>>[vector<16xi32>, vector<16xi32>], vector<16xf32>,
      %sub3A_233 = arith.subf %gather3A_232, %gather3A_231 : vector<16xf32>
      %mul3A_234 = arith.mulf %sub3A_233, %sub3A_233 : vector<16xf32>
      %mul3A_235 = arith.mulf %select_n3A, %mul3A_234 : vector<16xf32>
      %add3A_236 = arith.addf %add3A_204, %mul3A_235 : vector<16xf32>
      %broadcast_in_dim3A_237 = arith.constant 23 : i32
      %broadcast_in_dim3A_238 = vector.broadcast %broadcast_in_dim3A_237 : i32 to vector<16xi32>
      %gather3A_239 = tpu.vector_load_idx %arg9[%broadcast_in_dim3A_238, %min3A_52] : memref<64x64xf32, #tpu.memory_space<vmem>>[vector<16xi32>, vector<16xi32>], vector<16xf32>,
      %gather3A_240 = tpu.vector_load_idx %arg8[%broadcast_in_dim3A_238, %min3A_36] : memref<64x512xf32, #tpu.memory_space<vmem>>[vector<16xi32>, vector<16xi32>], vector<16xf32>,
      %sub3A_241 = arith.subf %gather3A_240, %gather3A_239 : vector<16xf32>
      %mul3A_242 = arith.mulf %sub3A_241, %sub3A_241 : vector<16xf32>
      %mul3A_243 = arith.mulf %select_n3A, %mul3A_242 : vector<16xf32>
      %add3A_244 = arith.addf %add3A_212, %mul3A_243 : vector<16xf32>
      %broadcast_in_dim3A_245 = arith.constant 24 : i32
      %broadcast_in_dim3A_246 = vector.broadcast %broadcast_in_dim3A_245 : i32 to vector<16xi32>
      %gather3A_247 = tpu.vector_load_idx %arg9[%broadcast_in_dim3A_246, %min3A_52] : memref<64x64xf32, #tpu.memory_space<vmem>>[vector<16xi32>, vector<16xi32>], vector<16xf32>,
      %gather3A_248 = tpu.vector_load_idx %arg8[%broadcast_in_dim3A_246, %min3A_36] : memref<64x512xf32, #tpu.memory_space<vmem>>[vector<16xi32>, vector<16xi32>], vector<16xf32>,
      %sub3A_249 = arith.subf %gather3A_248, %gather3A_247 : vector<16xf32>
      %mul3A_250 = arith.mulf %sub3A_249, %sub3A_249 : vector<16xf32>
      %mul3A_251 = arith.mulf %select_n3A, %mul3A_250 : vector<16xf32>
      %add3A_252 = arith.addf %add3A_220, %mul3A_251 : vector<16xf32>
      %broadcast_in_dim3A_253 = arith.constant 25 : i32
      %broadcast_in_dim3A_254 = vector.broadcast %broadcast_in_dim3A_253 : i32 to vector<16xi32>
      %gather3A_255 = tpu.vector_load_idx %arg9[%broadcast_in_dim3A_254, %min3A_52] : memref<64x64xf32, #tpu.memory_space<vmem>>[vector<16xi32>, vector<16xi32>], vector<16xf32>,
      %gather3A_256 = tpu.vector_load_idx %arg8[%broadcast_in_dim3A_254, %min3A_36] : memref<64x512xf32, #tpu.memory_space<vmem>>[vector<16xi32>, vector<16xi32>], vector<16xf32>,
      %sub3A_257 = arith.subf %gather3A_256, %gather3A_255 : vector<16xf32>
      %mul3A_258 = arith.mulf %sub3A_257, %sub3A_257 : vector<16xf32>
      %mul3A_259 = arith.mulf %select_n3A, %mul3A_258 : vector<16xf32>
      %add3A_260 = arith.addf %add3A_228, %mul3A_259 : vector<16xf32>
      %broadcast_in_dim3A_261 = arith.constant 26 : i32
      %broadcast_in_dim3A_262 = vector.broadcast %broadcast_in_dim3A_261 : i32 to vector<16xi32>
      %gather3A_263 = tpu.vector_load_idx %arg9[%broadcast_in_dim3A_262, %min3A_52] : memref<64x64xf32, #tpu.memory_space<vmem>>[vector<16xi32>, vector<16xi32>], vector<16xf32>,
      %gather3A_264 = tpu.vector_load_idx %arg8[%broadcast_in_dim3A_262, %min3A_36] : memref<64x512xf32, #tpu.memory_space<vmem>>[vector<16xi32>, vector<16xi32>], vector<16xf32>,
      %sub3A_265 = arith.subf %gather3A_264, %gather3A_263 : vector<16xf32>
      %mul3A_266 = arith.mulf %sub3A_265, %sub3A_265 : vector<16xf32>
      %mul3A_267 = arith.mulf %select_n3A, %mul3A_266 : vector<16xf32>
      %add3A_268 = arith.addf %add3A_236, %mul3A_267 : vector<16xf32>
      %broadcast_in_dim3A_269 = arith.constant 27 : i32
      %broadcast_in_dim3A_270 = vector.broadcast %broadcast_in_dim3A_269 : i32 to vector<16xi32>
      %gather3A_271 = tpu.vector_load_idx %arg9[%broadcast_in_dim3A_270, %min3A_52] : memref<64x64xf32, #tpu.memory_space<vmem>>[vector<16xi32>, vector<16xi32>], vector<16xf32>,
      %gather3A_272 = tpu.vector_load_idx %arg8[%broadcast_in_dim3A_270, %min3A_36] : memref<64x512xf32, #tpu.memory_space<vmem>>[vector<16xi32>, vector<16xi32>], vector<16xf32>,
      %sub3A_273 = arith.subf %gather3A_272, %gather3A_271 : vector<16xf32>
      %mul3A_274 = arith.mulf %sub3A_273, %sub3A_273 : vector<16xf32>
      %mul3A_275 = arith.mulf %select_n3A, %mul3A_274 : vector<16xf32>
      %add3A_276 = arith.addf %add3A_244, %mul3A_275 : vector<16xf32>
      %broadcast_in_dim3A_277 = arith.constant 28 : i32
      %broadcast_in_dim3A_278 = vector.broadcast %broadcast_in_dim3A_277 : i32 to vector<16xi32>
      %gather3A_279 = tpu.vector_load_idx %arg9[%broadcast_in_dim3A_278, %min3A_52] : memref<64x64xf32, #tpu.memory_space<vmem>>[vector<16xi32>, vector<16xi32>], vector<16xf32>,
      %gather3A_280 = tpu.vector_load_idx %arg8[%broadcast_in_dim3A_278, %min3A_36] : memref<64x512xf32, #tpu.memory_space<vmem>>[vector<16xi32>, vector<16xi32>], vector<16xf32>,
      %sub3A_281 = arith.subf %gather3A_280, %gather3A_279 : vector<16xf32>
      %mul3A_282 = arith.mulf %sub3A_281, %sub3A_281 : vector<16xf32>
      %mul3A_283 = arith.mulf %select_n3A, %mul3A_282 : vector<16xf32>
      %add3A_284 = arith.addf %add3A_252, %mul3A_283 : vector<16xf32>
      %broadcast_in_dim3A_285 = arith.constant 29 : i32
      %broadcast_in_dim3A_286 = vector.broadcast %broadcast_in_dim3A_285 : i32 to vector<16xi32>
      %gather3A_287 = tpu.vector_load_idx %arg9[%broadcast_in_dim3A_286, %min3A_52] : memref<64x64xf32, #tpu.memory_space<vmem>>[vector<16xi32>, vector<16xi32>], vector<16xf32>,
      %gather3A_288 = tpu.vector_load_idx %arg8[%broadcast_in_dim3A_286, %min3A_36] : memref<64x512xf32, #tpu.memory_space<vmem>>[vector<16xi32>, vector<16xi32>], vector<16xf32>,
      %sub3A_289 = arith.subf %gather3A_288, %gather3A_287 : vector<16xf32>
      %mul3A_290 = arith.mulf %sub3A_289, %sub3A_289 : vector<16xf32>
      %mul3A_291 = arith.mulf %select_n3A, %mul3A_290 : vector<16xf32>
      %add3A_292 = arith.addf %add3A_260, %mul3A_291 : vector<16xf32>
      %broadcast_in_dim3A_293 = arith.constant 30 : i32
      %broadcast_in_dim3A_294 = vector.broadcast %broadcast_in_dim3A_293 : i32 to vector<16xi32>
      %gather3A_295 = tpu.vector_load_idx %arg9[%broadcast_in_dim3A_294, %min3A_52] : memref<64x64xf32, #tpu.memory_space<vmem>>[vector<16xi32>, vector<16xi32>], vector<16xf32>,
      %gather3A_296 = tpu.vector_load_idx %arg8[%broadcast_in_dim3A_294, %min3A_36] : memref<64x512xf32, #tpu.memory_space<vmem>>[vector<16xi32>, vector<16xi32>], vector<16xf32>,
      %sub3A_297 = arith.subf %gather3A_296, %gather3A_295 : vector<16xf32>
      %mul3A_298 = arith.mulf %sub3A_297, %sub3A_297 : vector<16xf32>
      %mul3A_299 = arith.mulf %select_n3A, %mul3A_298 : vector<16xf32>
      %add3A_300 = arith.addf %add3A_268, %mul3A_299 : vector<16xf32>
      %broadcast_in_dim3A_301 = arith.constant 31 : i32
      %broadcast_in_dim3A_302 = vector.broadcast %broadcast_in_dim3A_301 : i32 to vector<16xi32>
      %gather3A_303 = tpu.vector_load_idx %arg9[%broadcast_in_dim3A_302, %min3A_52] : memref<64x64xf32, #tpu.memory_space<vmem>>[vector<16xi32>, vector<16xi32>], vector<16xf32>,
      %gather3A_304 = tpu.vector_load_idx %arg8[%broadcast_in_dim3A_302, %min3A_36] : memref<64x512xf32, #tpu.memory_space<vmem>>[vector<16xi32>, vector<16xi32>], vector<16xf32>,
      %sub3A_305 = arith.subf %gather3A_304, %gather3A_303 : vector<16xf32>
      %mul3A_306 = arith.mulf %sub3A_305, %sub3A_305 : vector<16xf32>
      %mul3A_307 = arith.mulf %select_n3A, %mul3A_306 : vector<16xf32>
      %add3A_308 = arith.addf %add3A_276, %mul3A_307 : vector<16xf32>
      %broadcast_in_dim3A_309 = arith.constant 32 : i32
      %broadcast_in_dim3A_310 = vector.broadcast %broadcast_in_dim3A_309 : i32 to vector<16xi32>
      %gather3A_311 = tpu.vector_load_idx %arg9[%broadcast_in_dim3A_310, %min3A_52] : memref<64x64xf32, #tpu.memory_space<vmem>>[vector<16xi32>, vector<16xi32>], vector<16xf32>,
      %gather3A_312 = tpu.vector_load_idx %arg8[%broadcast_in_dim3A_310, %min3A_36] : memref<64x512xf32, #tpu.memory_space<vmem>>[vector<16xi32>, vector<16xi32>], vector<16xf32>,
      %sub3A_313 = arith.subf %gather3A_312, %gather3A_311 : vector<16xf32>
      %mul3A_314 = arith.mulf %sub3A_313, %sub3A_313 : vector<16xf32>
      %mul3A_315 = arith.mulf %select_n3A, %mul3A_314 : vector<16xf32>
      %add3A_316 = arith.addf %add3A_284, %mul3A_315 : vector<16xf32>
      %broadcast_in_dim3A_317 = arith.constant 33 : i32
      %broadcast_in_dim3A_318 = vector.broadcast %broadcast_in_dim3A_317 : i32 to vector<16xi32>
      %gather3A_319 = tpu.vector_load_idx %arg9[%broadcast_in_dim3A_318, %min3A_52] : memref<64x64xf32, #tpu.memory_space<vmem>>[vector<16xi32>, vector<16xi32>], vector<16xf32>,
      %gather3A_320 = tpu.vector_load_idx %arg8[%broadcast_in_dim3A_318, %min3A_36] : memref<64x512xf32, #tpu.memory_space<vmem>>[vector<16xi32>, vector<16xi32>], vector<16xf32>,
      %sub3A_321 = arith.subf %gather3A_320, %gather3A_319 : vector<16xf32>
      %mul3A_322 = arith.mulf %sub3A_321, %sub3A_321 : vector<16xf32>
      %mul3A_323 = arith.mulf %select_n3A, %mul3A_322 : vector<16xf32>
      %add3A_324 = arith.addf %add3A_292, %mul3A_323 : vector<16xf32>
      %broadcast_in_dim3A_325 = arith.constant 34 : i32
      %broadcast_in_dim3A_326 = vector.broadcast %broadcast_in_dim3A_325 : i32 to vector<16xi32>
      %gather3A_327 = tpu.vector_load_idx %arg9[%broadcast_in_dim3A_326, %min3A_52] : memref<64x64xf32, #tpu.memory_space<vmem>>[vector<16xi32>, vector<16xi32>], vector<16xf32>,
      %gather3A_328 = tpu.vector_load_idx %arg8[%broadcast_in_dim3A_326, %min3A_36] : memref<64x512xf32, #tpu.memory_space<vmem>>[vector<16xi32>, vector<16xi32>], vector<16xf32>,
      %sub3A_329 = arith.subf %gather3A_328, %gather3A_327 : vector<16xf32>
      %mul3A_330 = arith.mulf %sub3A_329, %sub3A_329 : vector<16xf32>
      %mul3A_331 = arith.mulf %select_n3A, %mul3A_330 : vector<16xf32>
      %add3A_332 = arith.addf %add3A_300, %mul3A_331 : vector<16xf32>
      %broadcast_in_dim3A_333 = arith.constant 35 : i32
      %broadcast_in_dim3A_334 = vector.broadcast %broadcast_in_dim3A_333 : i32 to vector<16xi32>
      %gather3A_335 = tpu.vector_load_idx %arg9[%broadcast_in_dim3A_334, %min3A_52] : memref<64x64xf32, #tpu.memory_space<vmem>>[vector<16xi32>, vector<16xi32>], vector<16xf32>,
      %gather3A_336 = tpu.vector_load_idx %arg8[%broadcast_in_dim3A_334, %min3A_36] : memref<64x512xf32, #tpu.memory_space<vmem>>[vector<16xi32>, vector<16xi32>], vector<16xf32>,
      %sub3A_337 = arith.subf %gather3A_336, %gather3A_335 : vector<16xf32>
      %mul3A_338 = arith.mulf %sub3A_337, %sub3A_337 : vector<16xf32>
      %mul3A_339 = arith.mulf %select_n3A, %mul3A_338 : vector<16xf32>
      %add3A_340 = arith.addf %add3A_308, %mul3A_339 : vector<16xf32>
      %broadcast_in_dim3A_341 = arith.constant 36 : i32
      %broadcast_in_dim3A_342 = vector.broadcast %broadcast_in_dim3A_341 : i32 to vector<16xi32>
      %gather3A_343 = tpu.vector_load_idx %arg9[%broadcast_in_dim3A_342, %min3A_52] : memref<64x64xf32, #tpu.memory_space<vmem>>[vector<16xi32>, vector<16xi32>], vector<16xf32>,
      %gather3A_344 = tpu.vector_load_idx %arg8[%broadcast_in_dim3A_342, %min3A_36] : memref<64x512xf32, #tpu.memory_space<vmem>>[vector<16xi32>, vector<16xi32>], vector<16xf32>,
      %sub3A_345 = arith.subf %gather3A_344, %gather3A_343 : vector<16xf32>
      %mul3A_346 = arith.mulf %sub3A_345, %sub3A_345 : vector<16xf32>
      %mul3A_347 = arith.mulf %select_n3A, %mul3A_346 : vector<16xf32>
      %add3A_348 = arith.addf %add3A_316, %mul3A_347 : vector<16xf32>
      %broadcast_in_dim3A_349 = arith.constant 37 : i32
      %broadcast_in_dim3A_350 = vector.broadcast %broadcast_in_dim3A_349 : i32 to vector<16xi32>
      %gather3A_351 = tpu.vector_load_idx %arg9[%broadcast_in_dim3A_350, %min3A_52] : memref<64x64xf32, #tpu.memory_space<vmem>>[vector<16xi32>, vector<16xi32>], vector<16xf32>,
      %gather3A_352 = tpu.vector_load_idx %arg8[%broadcast_in_dim3A_350, %min3A_36] : memref<64x512xf32, #tpu.memory_space<vmem>>[vector<16xi32>, vector<16xi32>], vector<16xf32>,
      %sub3A_353 = arith.subf %gather3A_352, %gather3A_351 : vector<16xf32>
      %mul3A_354 = arith.mulf %sub3A_353, %sub3A_353 : vector<16xf32>
      %mul3A_355 = arith.mulf %select_n3A, %mul3A_354 : vector<16xf32>
      %add3A_356 = arith.addf %add3A_324, %mul3A_355 : vector<16xf32>
      %broadcast_in_dim3A_357 = arith.constant 38 : i32
      %broadcast_in_dim3A_358 = vector.broadcast %broadcast_in_dim3A_357 : i32 to vector<16xi32>
      %gather3A_359 = tpu.vector_load_idx %arg9[%broadcast_in_dim3A_358, %min3A_52] : memref<64x64xf32, #tpu.memory_space<vmem>>[vector<16xi32>, vector<16xi32>], vector<16xf32>,
      %gather3A_360 = tpu.vector_load_idx %arg8[%broadcast_in_dim3A_358, %min3A_36] : memref<64x512xf32, #tpu.memory_space<vmem>>[vector<16xi32>, vector<16xi32>], vector<16xf32>,
      %sub3A_361 = arith.subf %gather3A_360, %gather3A_359 : vector<16xf32>
      %mul3A_362 = arith.mulf %sub3A_361, %sub3A_361 : vector<16xf32>
      %mul3A_363 = arith.mulf %select_n3A, %mul3A_362 : vector<16xf32>
      %add3A_364 = arith.addf %add3A_332, %mul3A_363 : vector<16xf32>
      %broadcast_in_dim3A_365 = arith.constant 39 : i32
      %broadcast_in_dim3A_366 = vector.broadcast %broadcast_in_dim3A_365 : i32 to vector<16xi32>
      %gather3A_367 = tpu.vector_load_idx %arg9[%broadcast_in_dim3A_366, %min3A_52] : memref<64x64xf32, #tpu.memory_space<vmem>>[vector<16xi32>, vector<16xi32>], vector<16xf32>,
      %gather3A_368 = tpu.vector_load_idx %arg8[%broadcast_in_dim3A_366, %min3A_36] : memref<64x512xf32, #tpu.memory_space<vmem>>[vector<16xi32>, vector<16xi32>], vector<16xf32>,
      %sub3A_369 = arith.subf %gather3A_368, %gather3A_367 : vector<16xf32>
      %mul3A_370 = arith.mulf %sub3A_369, %sub3A_369 : vector<16xf32>
      %mul3A_371 = arith.mulf %select_n3A, %mul3A_370 : vector<16xf32>
      %add3A_372 = arith.addf %add3A_340, %mul3A_371 : vector<16xf32>
      %broadcast_in_dim3A_373 = arith.constant 40 : i32
      %broadcast_in_dim3A_374 = vector.broadcast %broadcast_in_dim3A_373 : i32 to vector<16xi32>
      %gather3A_375 = tpu.vector_load_idx %arg9[%broadcast_in_dim3A_374, %min3A_52] : memref<64x64xf32, #tpu.memory_space<vmem>>[vector<16xi32>, vector<16xi32>], vector<16xf32>,
      %gather3A_376 = tpu.vector_load_idx %arg8[%broadcast_in_dim3A_374, %min3A_36] : memref<64x512xf32, #tpu.memory_space<vmem>>[vector<16xi32>, vector<16xi32>], vector<16xf32>,
      %sub3A_377 = arith.subf %gather3A_376, %gather3A_375 : vector<16xf32>
      %mul3A_378 = arith.mulf %sub3A_377, %sub3A_377 : vector<16xf32>
      %mul3A_379 = arith.mulf %select_n3A, %mul3A_378 : vector<16xf32>
      %add3A_380 = arith.addf %add3A_348, %mul3A_379 : vector<16xf32>
      %broadcast_in_dim3A_381 = arith.constant 41 : i32
      %broadcast_in_dim3A_382 = vector.broadcast %broadcast_in_dim3A_381 : i32 to vector<16xi32>
      %gather3A_383 = tpu.vector_load_idx %arg9[%broadcast_in_dim3A_382, %min3A_52] : memref<64x64xf32, #tpu.memory_space<vmem>>[vector<16xi32>, vector<16xi32>], vector<16xf32>,
      %gather3A_384 = tpu.vector_load_idx %arg8[%broadcast_in_dim3A_382, %min3A_36] : memref<64x512xf32, #tpu.memory_space<vmem>>[vector<16xi32>, vector<16xi32>], vector<16xf32>,
      %sub3A_385 = arith.subf %gather3A_384, %gather3A_383 : vector<16xf32>
      %mul3A_386 = arith.mulf %sub3A_385, %sub3A_385 : vector<16xf32>
      %mul3A_387 = arith.mulf %select_n3A, %mul3A_386 : vector<16xf32>
      %add3A_388 = arith.addf %add3A_356, %mul3A_387 : vector<16xf32>
      %broadcast_in_dim3A_389 = arith.constant 42 : i32
      %broadcast_in_dim3A_390 = vector.broadcast %broadcast_in_dim3A_389 : i32 to vector<16xi32>
      %gather3A_391 = tpu.vector_load_idx %arg9[%broadcast_in_dim3A_390, %min3A_52] : memref<64x64xf32, #tpu.memory_space<vmem>>[vector<16xi32>, vector<16xi32>], vector<16xf32>,
      %gather3A_392 = tpu.vector_load_idx %arg8[%broadcast_in_dim3A_390, %min3A_36] : memref<64x512xf32, #tpu.memory_space<vmem>>[vector<16xi32>, vector<16xi32>], vector<16xf32>,
      %sub3A_393 = arith.subf %gather3A_392, %gather3A_391 : vector<16xf32>
      %mul3A_394 = arith.mulf %sub3A_393, %sub3A_393 : vector<16xf32>
      %mul3A_395 = arith.mulf %select_n3A, %mul3A_394 : vector<16xf32>
      %add3A_396 = arith.addf %add3A_364, %mul3A_395 : vector<16xf32>
      %broadcast_in_dim3A_397 = arith.constant 43 : i32
      %broadcast_in_dim3A_398 = vector.broadcast %broadcast_in_dim3A_397 : i32 to vector<16xi32>
      %gather3A_399 = tpu.vector_load_idx %arg9[%broadcast_in_dim3A_398, %min3A_52] : memref<64x64xf32, #tpu.memory_space<vmem>>[vector<16xi32>, vector<16xi32>], vector<16xf32>,
      %gather3A_400 = tpu.vector_load_idx %arg8[%broadcast_in_dim3A_398, %min3A_36] : memref<64x512xf32, #tpu.memory_space<vmem>>[vector<16xi32>, vector<16xi32>], vector<16xf32>,
      %sub3A_401 = arith.subf %gather3A_400, %gather3A_399 : vector<16xf32>
      %mul3A_402 = arith.mulf %sub3A_401, %sub3A_401 : vector<16xf32>
      %mul3A_403 = arith.mulf %select_n3A, %mul3A_402 : vector<16xf32>
      %add3A_404 = arith.addf %add3A_372, %mul3A_403 : vector<16xf32>
      %broadcast_in_dim3A_405 = arith.constant 44 : i32
      %broadcast_in_dim3A_406 = vector.broadcast %broadcast_in_dim3A_405 : i32 to vector<16xi32>
      %gather3A_407 = tpu.vector_load_idx %arg9[%broadcast_in_dim3A_406, %min3A_52] : memref<64x64xf32, #tpu.memory_space<vmem>>[vector<16xi32>, vector<16xi32>], vector<16xf32>,
      %gather3A_408 = tpu.vector_load_idx %arg8[%broadcast_in_dim3A_406, %min3A_36] : memref<64x512xf32, #tpu.memory_space<vmem>>[vector<16xi32>, vector<16xi32>], vector<16xf32>,
      %sub3A_409 = arith.subf %gather3A_408, %gather3A_407 : vector<16xf32>
      %mul3A_410 = arith.mulf %sub3A_409, %sub3A_409 : vector<16xf32>
      %mul3A_411 = arith.mulf %select_n3A, %mul3A_410 : vector<16xf32>
      %add3A_412 = arith.addf %add3A_380, %mul3A_411 : vector<16xf32>
      %broadcast_in_dim3A_413 = arith.constant 45 : i32
      %broadcast_in_dim3A_414 = vector.broadcast %broadcast_in_dim3A_413 : i32 to vector<16xi32>
      %gather3A_415 = tpu.vector_load_idx %arg9[%broadcast_in_dim3A_414, %min3A_52] : memref<64x64xf32, #tpu.memory_space<vmem>>[vector<16xi32>, vector<16xi32>], vector<16xf32>,
      %gather3A_416 = tpu.vector_load_idx %arg8[%broadcast_in_dim3A_414, %min3A_36] : memref<64x512xf32, #tpu.memory_space<vmem>>[vector<16xi32>, vector<16xi32>], vector<16xf32>,
      %sub3A_417 = arith.subf %gather3A_416, %gather3A_415 : vector<16xf32>
      %mul3A_418 = arith.mulf %sub3A_417, %sub3A_417 : vector<16xf32>
      %mul3A_419 = arith.mulf %select_n3A, %mul3A_418 : vector<16xf32>
      %add3A_420 = arith.addf %add3A_388, %mul3A_419 : vector<16xf32>
      %broadcast_in_dim3A_421 = arith.constant 46 : i32
      %broadcast_in_dim3A_422 = vector.broadcast %broadcast_in_dim3A_421 : i32 to vector<16xi32>
      %gather3A_423 = tpu.vector_load_idx %arg9[%broadcast_in_dim3A_422, %min3A_52] : memref<64x64xf32, #tpu.memory_space<vmem>>[vector<16xi32>, vector<16xi32>], vector<16xf32>,
      %gather3A_424 = tpu.vector_load_idx %arg8[%broadcast_in_dim3A_422, %min3A_36] : memref<64x512xf32, #tpu.memory_space<vmem>>[vector<16xi32>, vector<16xi32>], vector<16xf32>,
      %sub3A_425 = arith.subf %gather3A_424, %gather3A_423 : vector<16xf32>
      %mul3A_426 = arith.mulf %sub3A_425, %sub3A_425 : vector<16xf32>
      %mul3A_427 = arith.mulf %select_n3A, %mul3A_426 : vector<16xf32>
      %add3A_428 = arith.addf %add3A_396, %mul3A_427 : vector<16xf32>
      %broadcast_in_dim3A_429 = arith.constant 47 : i32
      %broadcast_in_dim3A_430 = vector.broadcast %broadcast_in_dim3A_429 : i32 to vector<16xi32>
      %gather3A_431 = tpu.vector_load_idx %arg9[%broadcast_in_dim3A_430, %min3A_52] : memref<64x64xf32, #tpu.memory_space<vmem>>[vector<16xi32>, vector<16xi32>], vector<16xf32>,
      %gather3A_432 = tpu.vector_load_idx %arg8[%broadcast_in_dim3A_430, %min3A_36] : memref<64x512xf32, #tpu.memory_space<vmem>>[vector<16xi32>, vector<16xi32>], vector<16xf32>,
      %sub3A_433 = arith.subf %gather3A_432, %gather3A_431 : vector<16xf32>
      %mul3A_434 = arith.mulf %sub3A_433, %sub3A_433 : vector<16xf32>
      %mul3A_435 = arith.mulf %select_n3A, %mul3A_434 : vector<16xf32>
      %add3A_436 = arith.addf %add3A_404, %mul3A_435 : vector<16xf32>
      %broadcast_in_dim3A_437 = arith.constant 48 : i32
      %broadcast_in_dim3A_438 = vector.broadcast %broadcast_in_dim3A_437 : i32 to vector<16xi32>
      %gather3A_439 = tpu.vector_load_idx %arg9[%broadcast_in_dim3A_438, %min3A_52] : memref<64x64xf32, #tpu.memory_space<vmem>>[vector<16xi32>, vector<16xi32>], vector<16xf32>,
      %gather3A_440 = tpu.vector_load_idx %arg8[%broadcast_in_dim3A_438, %min3A_36] : memref<64x512xf32, #tpu.memory_space<vmem>>[vector<16xi32>, vector<16xi32>], vector<16xf32>,
      %sub3A_441 = arith.subf %gather3A_440, %gather3A_439 : vector<16xf32>
      %mul3A_442 = arith.mulf %sub3A_441, %sub3A_441 : vector<16xf32>
      %mul3A_443 = arith.mulf %select_n3A, %mul3A_442 : vector<16xf32>
      %add3A_444 = arith.addf %add3A_412, %mul3A_443 : vector<16xf32>
      %broadcast_in_dim3A_445 = arith.constant 49 : i32
      %broadcast_in_dim3A_446 = vector.broadcast %broadcast_in_dim3A_445 : i32 to vector<16xi32>
      %gather3A_447 = tpu.vector_load_idx %arg9[%broadcast_in_dim3A_446, %min3A_52] : memref<64x64xf32, #tpu.memory_space<vmem>>[vector<16xi32>, vector<16xi32>], vector<16xf32>,
      %gather3A_448 = tpu.vector_load_idx %arg8[%broadcast_in_dim3A_446, %min3A_36] : memref<64x512xf32, #tpu.memory_space<vmem>>[vector<16xi32>, vector<16xi32>], vector<16xf32>,
      %sub3A_449 = arith.subf %gather3A_448, %gather3A_447 : vector<16xf32>
      %mul3A_450 = arith.mulf %sub3A_449, %sub3A_449 : vector<16xf32>
      %mul3A_451 = arith.mulf %select_n3A, %mul3A_450 : vector<16xf32>
      %add3A_452 = arith.addf %add3A_420, %mul3A_451 : vector<16xf32>
      %broadcast_in_dim3A_453 = arith.constant 50 : i32
      %broadcast_in_dim3A_454 = vector.broadcast %broadcast_in_dim3A_453 : i32 to vector<16xi32>
      %gather3A_455 = tpu.vector_load_idx %arg9[%broadcast_in_dim3A_454, %min3A_52] : memref<64x64xf32, #tpu.memory_space<vmem>>[vector<16xi32>, vector<16xi32>], vector<16xf32>,
      %gather3A_456 = tpu.vector_load_idx %arg8[%broadcast_in_dim3A_454, %min3A_36] : memref<64x512xf32, #tpu.memory_space<vmem>>[vector<16xi32>, vector<16xi32>], vector<16xf32>,
      %sub3A_457 = arith.subf %gather3A_456, %gather3A_455 : vector<16xf32>
      %mul3A_458 = arith.mulf %sub3A_457, %sub3A_457 : vector<16xf32>
      %mul3A_459 = arith.mulf %select_n3A, %mul3A_458 : vector<16xf32>
      %add3A_460 = arith.addf %add3A_428, %mul3A_459 : vector<16xf32>
      %broadcast_in_dim3A_461 = arith.constant 51 : i32
      %broadcast_in_dim3A_462 = vector.broadcast %broadcast_in_dim3A_461 : i32 to vector<16xi32>
      %gather3A_463 = tpu.vector_load_idx %arg9[%broadcast_in_dim3A_462, %min3A_52] : memref<64x64xf32, #tpu.memory_space<vmem>>[vector<16xi32>, vector<16xi32>], vector<16xf32>,
      %gather3A_464 = tpu.vector_load_idx %arg8[%broadcast_in_dim3A_462, %min3A_36] : memref<64x512xf32, #tpu.memory_space<vmem>>[vector<16xi32>, vector<16xi32>], vector<16xf32>,
      %sub3A_465 = arith.subf %gather3A_464, %gather3A_463 : vector<16xf32>
      %mul3A_466 = arith.mulf %sub3A_465, %sub3A_465 : vector<16xf32>
      %mul3A_467 = arith.mulf %select_n3A, %mul3A_466 : vector<16xf32>
      %add3A_468 = arith.addf %add3A_436, %mul3A_467 : vector<16xf32>
      %broadcast_in_dim3A_469 = arith.constant 52 : i32
      %broadcast_in_dim3A_470 = vector.broadcast %broadcast_in_dim3A_469 : i32 to vector<16xi32>
      %gather3A_471 = tpu.vector_load_idx %arg9[%broadcast_in_dim3A_470, %min3A_52] : memref<64x64xf32, #tpu.memory_space<vmem>>[vector<16xi32>, vector<16xi32>], vector<16xf32>,
      %gather3A_472 = tpu.vector_load_idx %arg8[%broadcast_in_dim3A_470, %min3A_36] : memref<64x512xf32, #tpu.memory_space<vmem>>[vector<16xi32>, vector<16xi32>], vector<16xf32>,
      %sub3A_473 = arith.subf %gather3A_472, %gather3A_471 : vector<16xf32>
      %mul3A_474 = arith.mulf %sub3A_473, %sub3A_473 : vector<16xf32>
      %mul3A_475 = arith.mulf %select_n3A, %mul3A_474 : vector<16xf32>
      %add3A_476 = arith.addf %add3A_444, %mul3A_475 : vector<16xf32>
      %broadcast_in_dim3A_477 = arith.constant 53 : i32
      %broadcast_in_dim3A_478 = vector.broadcast %broadcast_in_dim3A_477 : i32 to vector<16xi32>
      %gather3A_479 = tpu.vector_load_idx %arg9[%broadcast_in_dim3A_478, %min3A_52] : memref<64x64xf32, #tpu.memory_space<vmem>>[vector<16xi32>, vector<16xi32>], vector<16xf32>,
      %gather3A_480 = tpu.vector_load_idx %arg8[%broadcast_in_dim3A_478, %min3A_36] : memref<64x512xf32, #tpu.memory_space<vmem>>[vector<16xi32>, vector<16xi32>], vector<16xf32>,
      %sub3A_481 = arith.subf %gather3A_480, %gather3A_479 : vector<16xf32>
      %mul3A_482 = arith.mulf %sub3A_481, %sub3A_481 : vector<16xf32>
      %mul3A_483 = arith.mulf %select_n3A, %mul3A_482 : vector<16xf32>
      %add3A_484 = arith.addf %add3A_452, %mul3A_483 : vector<16xf32>
      %broadcast_in_dim3A_485 = arith.constant 54 : i32
      %broadcast_in_dim3A_486 = vector.broadcast %broadcast_in_dim3A_485 : i32 to vector<16xi32>
      %gather3A_487 = tpu.vector_load_idx %arg9[%broadcast_in_dim3A_486, %min3A_52] : memref<64x64xf32, #tpu.memory_space<vmem>>[vector<16xi32>, vector<16xi32>], vector<16xf32>,
      %gather3A_488 = tpu.vector_load_idx %arg8[%broadcast_in_dim3A_486, %min3A_36] : memref<64x512xf32, #tpu.memory_space<vmem>>[vector<16xi32>, vector<16xi32>], vector<16xf32>,
      %sub3A_489 = arith.subf %gather3A_488, %gather3A_487 : vector<16xf32>
      %mul3A_490 = arith.mulf %sub3A_489, %sub3A_489 : vector<16xf32>
      %mul3A_491 = arith.mulf %select_n3A, %mul3A_490 : vector<16xf32>
      %add3A_492 = arith.addf %add3A_460, %mul3A_491 : vector<16xf32>
      %broadcast_in_dim3A_493 = arith.constant 55 : i32
      %broadcast_in_dim3A_494 = vector.broadcast %broadcast_in_dim3A_493 : i32 to vector<16xi32>
      %gather3A_495 = tpu.vector_load_idx %arg9[%broadcast_in_dim3A_494, %min3A_52] : memref<64x64xf32, #tpu.memory_space<vmem>>[vector<16xi32>, vector<16xi32>], vector<16xf32>,
      %gather3A_496 = tpu.vector_load_idx %arg8[%broadcast_in_dim3A_494, %min3A_36] : memref<64x512xf32, #tpu.memory_space<vmem>>[vector<16xi32>, vector<16xi32>], vector<16xf32>,
      %sub3A_497 = arith.subf %gather3A_496, %gather3A_495 : vector<16xf32>
      %mul3A_498 = arith.mulf %sub3A_497, %sub3A_497 : vector<16xf32>
      %mul3A_499 = arith.mulf %select_n3A, %mul3A_498 : vector<16xf32>
      %add3A_500 = arith.addf %add3A_468, %mul3A_499 : vector<16xf32>
      %broadcast_in_dim3A_501 = arith.constant 56 : i32
      %broadcast_in_dim3A_502 = vector.broadcast %broadcast_in_dim3A_501 : i32 to vector<16xi32>
      %gather3A_503 = tpu.vector_load_idx %arg9[%broadcast_in_dim3A_502, %min3A_52] : memref<64x64xf32, #tpu.memory_space<vmem>>[vector<16xi32>, vector<16xi32>], vector<16xf32>,
      %gather3A_504 = tpu.vector_load_idx %arg8[%broadcast_in_dim3A_502, %min3A_36] : memref<64x512xf32, #tpu.memory_space<vmem>>[vector<16xi32>, vector<16xi32>], vector<16xf32>,
      %sub3A_505 = arith.subf %gather3A_504, %gather3A_503 : vector<16xf32>
      %mul3A_506 = arith.mulf %sub3A_505, %sub3A_505 : vector<16xf32>
      %mul3A_507 = arith.mulf %select_n3A, %mul3A_506 : vector<16xf32>
      %add3A_508 = arith.addf %add3A_476, %mul3A_507 : vector<16xf32>
      %broadcast_in_dim3A_509 = arith.constant 57 : i32
      %broadcast_in_dim3A_510 = vector.broadcast %broadcast_in_dim3A_509 : i32 to vector<16xi32>
      %gather3A_511 = tpu.vector_load_idx %arg9[%broadcast_in_dim3A_510, %min3A_52] : memref<64x64xf32, #tpu.memory_space<vmem>>[vector<16xi32>, vector<16xi32>], vector<16xf32>,
      %gather3A_512 = tpu.vector_load_idx %arg8[%broadcast_in_dim3A_510, %min3A_36] : memref<64x512xf32, #tpu.memory_space<vmem>>[vector<16xi32>, vector<16xi32>], vector<16xf32>,
      %sub3A_513 = arith.subf %gather3A_512, %gather3A_511 : vector<16xf32>
      %mul3A_514 = arith.mulf %sub3A_513, %sub3A_513 : vector<16xf32>
      %mul3A_515 = arith.mulf %select_n3A, %mul3A_514 : vector<16xf32>
      %add3A_516 = arith.addf %add3A_484, %mul3A_515 : vector<16xf32>
      %broadcast_in_dim3A_517 = arith.constant 58 : i32
      %broadcast_in_dim3A_518 = vector.broadcast %broadcast_in_dim3A_517 : i32 to vector<16xi32>
      %gather3A_519 = tpu.vector_load_idx %arg9[%broadcast_in_dim3A_518, %min3A_52] : memref<64x64xf32, #tpu.memory_space<vmem>>[vector<16xi32>, vector<16xi32>], vector<16xf32>,
      %gather3A_520 = tpu.vector_load_idx %arg8[%broadcast_in_dim3A_518, %min3A_36] : memref<64x512xf32, #tpu.memory_space<vmem>>[vector<16xi32>, vector<16xi32>], vector<16xf32>,
      %sub3A_521 = arith.subf %gather3A_520, %gather3A_519 : vector<16xf32>
      %mul3A_522 = arith.mulf %sub3A_521, %sub3A_521 : vector<16xf32>
      %mul3A_523 = arith.mulf %select_n3A, %mul3A_522 : vector<16xf32>
      %add3A_524 = arith.addf %add3A_492, %mul3A_523 : vector<16xf32>
      %broadcast_in_dim3A_525 = arith.constant 59 : i32
      %broadcast_in_dim3A_526 = vector.broadcast %broadcast_in_dim3A_525 : i32 to vector<16xi32>
      %gather3A_527 = tpu.vector_load_idx %arg9[%broadcast_in_dim3A_526, %min3A_52] : memref<64x64xf32, #tpu.memory_space<vmem>>[vector<16xi32>, vector<16xi32>], vector<16xf32>,
      %gather3A_528 = tpu.vector_load_idx %arg8[%broadcast_in_dim3A_526, %min3A_36] : memref<64x512xf32, #tpu.memory_space<vmem>>[vector<16xi32>, vector<16xi32>], vector<16xf32>,
      %sub3A_529 = arith.subf %gather3A_528, %gather3A_527 : vector<16xf32>
      %mul3A_530 = arith.mulf %sub3A_529, %sub3A_529 : vector<16xf32>
      %mul3A_531 = arith.mulf %select_n3A, %mul3A_530 : vector<16xf32>
      %add3A_532 = arith.addf %add3A_500, %mul3A_531 : vector<16xf32>
      %broadcast_in_dim3A_533 = arith.constant 60 : i32
      %broadcast_in_dim3A_534 = vector.broadcast %broadcast_in_dim3A_533 : i32 to vector<16xi32>
      %gather3A_535 = tpu.vector_load_idx %arg9[%broadcast_in_dim3A_534, %min3A_52] : memref<64x64xf32, #tpu.memory_space<vmem>>[vector<16xi32>, vector<16xi32>], vector<16xf32>,
      %gather3A_536 = tpu.vector_load_idx %arg8[%broadcast_in_dim3A_534, %min3A_36] : memref<64x512xf32, #tpu.memory_space<vmem>>[vector<16xi32>, vector<16xi32>], vector<16xf32>,
      %sub3A_537 = arith.subf %gather3A_536, %gather3A_535 : vector<16xf32>
      %mul3A_538 = arith.mulf %sub3A_537, %sub3A_537 : vector<16xf32>
      %mul3A_539 = arith.mulf %select_n3A, %mul3A_538 : vector<16xf32>
      %add3A_540 = arith.addf %add3A_508, %mul3A_539 : vector<16xf32>
      %broadcast_in_dim3A_541 = arith.constant 61 : i32
      %broadcast_in_dim3A_542 = vector.broadcast %broadcast_in_dim3A_541 : i32 to vector<16xi32>
      %gather3A_543 = tpu.vector_load_idx %arg9[%broadcast_in_dim3A_542, %min3A_52] : memref<64x64xf32, #tpu.memory_space<vmem>>[vector<16xi32>, vector<16xi32>], vector<16xf32>,
      %gather3A_544 = tpu.vector_load_idx %arg8[%broadcast_in_dim3A_542, %min3A_36] : memref<64x512xf32, #tpu.memory_space<vmem>>[vector<16xi32>, vector<16xi32>], vector<16xf32>,
      %sub3A_545 = arith.subf %gather3A_544, %gather3A_543 : vector<16xf32>
      %mul3A_546 = arith.mulf %sub3A_545, %sub3A_545 : vector<16xf32>
      %mul3A_547 = arith.mulf %select_n3A, %mul3A_546 : vector<16xf32>
      %add3A_548 = arith.addf %add3A_516, %mul3A_547 : vector<16xf32>
      %broadcast_in_dim3A_549 = arith.constant 62 : i32
      %broadcast_in_dim3A_550 = vector.broadcast %broadcast_in_dim3A_549 : i32 to vector<16xi32>
      %gather3A_551 = tpu.vector_load_idx %arg9[%broadcast_in_dim3A_550, %min3A_52] : memref<64x64xf32, #tpu.memory_space<vmem>>[vector<16xi32>, vector<16xi32>], vector<16xf32>,
      %gather3A_552 = tpu.vector_load_idx %arg8[%broadcast_in_dim3A_550, %min3A_36] : memref<64x512xf32, #tpu.memory_space<vmem>>[vector<16xi32>, vector<16xi32>], vector<16xf32>,
      %sub3A_553 = arith.subf %gather3A_552, %gather3A_551 : vector<16xf32>
      %mul3A_554 = arith.mulf %sub3A_553, %sub3A_553 : vector<16xf32>
      %mul3A_555 = arith.mulf %select_n3A, %mul3A_554 : vector<16xf32>
      %add3A_556 = arith.addf %add3A_524, %mul3A_555 : vector<16xf32>
      %broadcast_in_dim3A_557 = arith.constant 63 : i32
      %broadcast_in_dim3A_558 = vector.broadcast %broadcast_in_dim3A_557 : i32 to vector<16xi32>
      %gather3A_559 = tpu.vector_load_idx %arg9[%broadcast_in_dim3A_558, %min3A_52] : memref<64x64xf32, #tpu.memory_space<vmem>>[vector<16xi32>, vector<16xi32>], vector<16xf32>,
      %gather3A_560 = tpu.vector_load_idx %arg8[%broadcast_in_dim3A_558, %min3A_36] : memref<64x512xf32, #tpu.memory_space<vmem>>[vector<16xi32>, vector<16xi32>], vector<16xf32>,
      %sub3A_561 = arith.subf %gather3A_560, %gather3A_559 : vector<16xf32>
      %mul3A_562 = arith.mulf %sub3A_561, %sub3A_561 : vector<16xf32>
      %mul3A_563 = arith.mulf %select_n3A, %mul3A_562 : vector<16xf32>
      %add3A_564 = arith.addf %add3A_532, %mul3A_563 : vector<16xf32>
      %convert_element_type3A = arith.extui %and3A : vector<16xi1> to vector<16xi32>
      %reduce_sum3A = arith.constant true
      %reduce_sum3A_565 = vector.broadcast %reduce_sum3A : i1 to vector<16xi1>
      %reduce_sum3A_566 = tpu.scan <sum>, %convert_element_type3A masked %reduce_sum3A_565 : vector<16xi32>, vector<16xi1> -> vector<16xi32>
      %reduce_sum3A_567 = vector.extract %reduce_sum3A_566[15] : i32 from vector<16xi32>
      %add3A_568 = arith.constant 0 : i32
      %add3A_569 = arith.addi %add3A_568, %reduce_sum3A_567 : i32
      %add3A_570 = arith.constant 16 : i32
      %add3A_571 = arith.addi %while3A_25, %add3A_570 : i32
      %add3A_572 = vector.broadcast %add3A_571 : i32 to vector<16xi32>
      %add3A_573 = arith.addi %add3A_572, %iota3A : vector<16xi32>
      %min3A_574 = arith.constant 511 : i32
      %min3A_575 = vector.broadcast %min3A_574 : i32 to vector<16xi32>
      %min3A_576 = arith.minsi %add3A_573, %min3A_575 : vector<16xi32>
      %gather3A_577 = tpu.vector_load_idx %arg6[%min3A_576] : memref<512xi32, #tpu.memory_space<vmem>>[vector<16xi32>], vector<16xi32>,
      %lt3A_578 = arith.constant 512 : i32
      %lt3A_579 = vector.broadcast %lt3A_578 : i32 to vector<16xi32>
      %lt3A_580 = arith.cmpi slt, %add3A_573, %lt3A_579 : vector<16xi32>
      %lt3A_581 = arith.constant 1000000 : i32
      %lt3A_582 = vector.broadcast %lt3A_581 : i32 to vector<16xi32>
      %lt3A_583 = arith.cmpi slt, %gather3A_577, %lt3A_582 : vector<16xi32>
      %and3A_584 = arith.andi %lt3A_580, %lt3A_583 : vector<16xi1>
      %jit3A_585 = arith.constant 1.000000e+00 : f32
      %jit3A_586 = arith.constant 0.000000e+00 : f32
      %broadcast_in_dim3A_587 = vector.broadcast %jit3A_585 : f32 to vector<16xf32>
      %broadcast_in_dim3A_588 = vector.broadcast %jit3A_586 : f32 to vector<16xf32>
      %select_n3A_589 = arith.select %and3A_584, %broadcast_in_dim3A_587, %broadcast_in_dim3A_588 : vector<16xi1>, vector<16xf32>
      %sub3A_590 = arith.constant 999936 : i32
      %sub3A_591 = vector.broadcast %sub3A_590 : i32 to vector<16xi32>
      %sub3A_592 = arith.subi %gather3A_577, %sub3A_591 : vector<16xi32>
      %jit3A_593 = arith.constant 0 : i32
      %jit3A_594 = arith.constant 63 : i32
      %max3A_595 = vector.broadcast %jit3A_593 : i32 to vector<16xi32>
      %max3A_596 = arith.maxsi %max3A_595, %sub3A_592 : vector<16xi32>
      %min3A_597 = vector.broadcast %jit3A_594 : i32 to vector<16xi32>
      %min3A_598 = arith.minsi %min3A_597, %max3A_596 : vector<16xi32>
      %broadcast_in_dim3A_599 = arith.constant 0 : i32
      %broadcast_in_dim3A_600 = vector.broadcast %broadcast_in_dim3A_599 : i32 to vector<16xi32>
      %gather3A_601 = tpu.vector_load_idx %arg9[%broadcast_in_dim3A_600, %min3A_598] : memref<64x64xf32, #tpu.memory_space<vmem>>[vector<16xi32>, vector<16xi32>], vector<16xf32>,
      %gather3A_602 = tpu.vector_load_idx %arg8[%broadcast_in_dim3A_600, %min3A_576] : memref<64x512xf32, #tpu.memory_space<vmem>>[vector<16xi32>, vector<16xi32>], vector<16xf32>,
      %sub3A_603 = arith.subf %gather3A_602, %gather3A_601 : vector<16xf32>
      %mul3A_604 = arith.mulf %sub3A_603, %sub3A_603 : vector<16xf32>
      %mul3A_605 = arith.mulf %select_n3A_589, %mul3A_604 : vector<16xf32>
      %add3A_606 = arith.addf %add3A_540, %mul3A_605 : vector<16xf32>
      %broadcast_in_dim3A_607 = arith.constant 1 : i32
      %broadcast_in_dim3A_608 = vector.broadcast %broadcast_in_dim3A_607 : i32 to vector<16xi32>
      %gather3A_609 = tpu.vector_load_idx %arg9[%broadcast_in_dim3A_608, %min3A_598] : memref<64x64xf32, #tpu.memory_space<vmem>>[vector<16xi32>, vector<16xi32>], vector<16xf32>,
      %gather3A_610 = tpu.vector_load_idx %arg8[%broadcast_in_dim3A_608, %min3A_576] : memref<64x512xf32, #tpu.memory_space<vmem>>[vector<16xi32>, vector<16xi32>], vector<16xf32>,
      %sub3A_611 = arith.subf %gather3A_610, %gather3A_609 : vector<16xf32>
      %mul3A_612 = arith.mulf %sub3A_611, %sub3A_611 : vector<16xf32>
      %mul3A_613 = arith.mulf %select_n3A_589, %mul3A_612 : vector<16xf32>
      %add3A_614 = arith.addf %add3A_548, %mul3A_613 : vector<16xf32>
      %broadcast_in_dim3A_615 = arith.constant 2 : i32
      %broadcast_in_dim3A_616 = vector.broadcast %broadcast_in_dim3A_615 : i32 to vector<16xi32>
      %gather3A_617 = tpu.vector_load_idx %arg9[%broadcast_in_dim3A_616, %min3A_598] : memref<64x64xf32, #tpu.memory_space<vmem>>[vector<16xi32>, vector<16xi32>], vector<16xf32>,
      %gather3A_618 = tpu.vector_load_idx %arg8[%broadcast_in_dim3A_616, %min3A_576] : memref<64x512xf32, #tpu.memory_space<vmem>>[vector<16xi32>, vector<16xi32>], vector<16xf32>,
      %sub3A_619 = arith.subf %gather3A_618, %gather3A_617 : vector<16xf32>
      %mul3A_620 = arith.mulf %sub3A_619, %sub3A_619 : vector<16xf32>
      %mul3A_621 = arith.mulf %select_n3A_589, %mul3A_620 : vector<16xf32>
      %add3A_622 = arith.addf %add3A_556, %mul3A_621 : vector<16xf32>
      %broadcast_in_dim3A_623 = arith.constant 3 : i32
      %broadcast_in_dim3A_624 = vector.broadcast %broadcast_in_dim3A_623 : i32 to vector<16xi32>
      %gather3A_625 = tpu.vector_load_idx %arg9[%broadcast_in_dim3A_624, %min3A_598] : memref<64x64xf32, #tpu.memory_space<vmem>>[vector<16xi32>, vector<16xi32>], vector<16xf32>,
      %gather3A_626 = tpu.vector_load_idx %arg8[%broadcast_in_dim3A_624, %min3A_576] : memref<64x512xf32, #tpu.memory_space<vmem>>[vector<16xi32>, vector<16xi32>], vector<16xf32>,
      %sub3A_627 = arith.subf %gather3A_626, %gather3A_625 : vector<16xf32>
      %mul3A_628 = arith.mulf %sub3A_627, %sub3A_627 : vector<16xf32>
      %mul3A_629 = arith.mulf %select_n3A_589, %mul3A_628 : vector<16xf32>
      %add3A_630 = arith.addf %add3A_564, %mul3A_629 : vector<16xf32>
      %broadcast_in_dim3A_631 = arith.constant 4 : i32
      %broadcast_in_dim3A_632 = vector.broadcast %broadcast_in_dim3A_631 : i32 to vector<16xi32>
      %gather3A_633 = tpu.vector_load_idx %arg9[%broadcast_in_dim3A_632, %min3A_598] : memref<64x64xf32, #tpu.memory_space<vmem>>[vector<16xi32>, vector<16xi32>], vector<16xf32>,
      %gather3A_634 = tpu.vector_load_idx %arg8[%broadcast_in_dim3A_632, %min3A_576] : memref<64x512xf32, #tpu.memory_space<vmem>>[vector<16xi32>, vector<16xi32>], vector<16xf32>,
      %sub3A_635 = arith.subf %gather3A_634, %gather3A_633 : vector<16xf32>
      %mul3A_636 = arith.mulf %sub3A_635, %sub3A_635 : vector<16xf32>
      %mul3A_637 = arith.mulf %select_n3A_589, %mul3A_636 : vector<16xf32>
      %add3A_638 = arith.addf %add3A_606, %mul3A_637 : vector<16xf32>
      %broadcast_in_dim3A_639 = arith.constant 5 : i32
      %broadcast_in_dim3A_640 = vector.broadcast %broadcast_in_dim3A_639 : i32 to vector<16xi32>
      %gather3A_641 = tpu.vector_load_idx %arg9[%broadcast_in_dim3A_640, %min3A_598] : memref<64x64xf32, #tpu.memory_space<vmem>>[vector<16xi32>, vector<16xi32>], vector<16xf32>,
      %gather3A_642 = tpu.vector_load_idx %arg8[%broadcast_in_dim3A_640, %min3A_576] : memref<64x512xf32, #tpu.memory_space<vmem>>[vector<16xi32>, vector<16xi32>], vector<16xf32>,
      %sub3A_643 = arith.subf %gather3A_642, %gather3A_641 : vector<16xf32>
      %mul3A_644 = arith.mulf %sub3A_643, %sub3A_643 : vector<16xf32>
      %mul3A_645 = arith.mulf %select_n3A_589, %mul3A_644 : vector<16xf32>
      %add3A_646 = arith.addf %add3A_614, %mul3A_645 : vector<16xf32>
      %broadcast_in_dim3A_647 = arith.constant 6 : i32
      %broadcast_in_dim3A_648 = vector.broadcast %broadcast_in_dim3A_647 : i32 to vector<16xi32>
      %gather3A_649 = tpu.vector_load_idx %arg9[%broadcast_in_dim3A_648, %min3A_598] : memref<64x64xf32, #tpu.memory_space<vmem>>[vector<16xi32>, vector<16xi32>], vector<16xf32>,
      %gather3A_650 = tpu.vector_load_idx %arg8[%broadcast_in_dim3A_648, %min3A_576] : memref<64x512xf32, #tpu.memory_space<vmem>>[vector<16xi32>, vector<16xi32>], vector<16xf32>,
      %sub3A_651 = arith.subf %gather3A_650, %gather3A_649 : vector<16xf32>
      %mul3A_652 = arith.mulf %sub3A_651, %sub3A_651 : vector<16xf32>
      %mul3A_653 = arith.mulf %select_n3A_589, %mul3A_652 : vector<16xf32>
      %add3A_654 = arith.addf %add3A_622, %mul3A_653 : vector<16xf32>
      %broadcast_in_dim3A_655 = arith.constant 7 : i32
      %broadcast_in_dim3A_656 = vector.broadcast %broadcast_in_dim3A_655 : i32 to vector<16xi32>
      %gather3A_657 = tpu.vector_load_idx %arg9[%broadcast_in_dim3A_656, %min3A_598] : memref<64x64xf32, #tpu.memory_space<vmem>>[vector<16xi32>, vector<16xi32>], vector<16xf32>,
      %gather3A_658 = tpu.vector_load_idx %arg8[%broadcast_in_dim3A_656, %min3A_576] : memref<64x512xf32, #tpu.memory_space<vmem>>[vector<16xi32>, vector<16xi32>], vector<16xf32>,
      %sub3A_659 = arith.subf %gather3A_658, %gather3A_657 : vector<16xf32>
      %mul3A_660 = arith.mulf %sub3A_659, %sub3A_659 : vector<16xf32>
      %mul3A_661 = arith.mulf %select_n3A_589, %mul3A_660 : vector<16xf32>
      %add3A_662 = arith.addf %add3A_630, %mul3A_661 : vector<16xf32>
      %broadcast_in_dim3A_663 = arith.constant 8 : i32
      %broadcast_in_dim3A_664 = vector.broadcast %broadcast_in_dim3A_663 : i32 to vector<16xi32>
      %gather3A_665 = tpu.vector_load_idx %arg9[%broadcast_in_dim3A_664, %min3A_598] : memref<64x64xf32, #tpu.memory_space<vmem>>[vector<16xi32>, vector<16xi32>], vector<16xf32>,
      %gather3A_666 = tpu.vector_load_idx %arg8[%broadcast_in_dim3A_664, %min3A_576] : memref<64x512xf32, #tpu.memory_space<vmem>>[vector<16xi32>, vector<16xi32>], vector<16xf32>,
      %sub3A_667 = arith.subf %gather3A_666, %gather3A_665 : vector<16xf32>
      %mul3A_668 = arith.mulf %sub3A_667, %sub3A_667 : vector<16xf32>
      %mul3A_669 = arith.mulf %select_n3A_589, %mul3A_668 : vector<16xf32>
      %add3A_670 = arith.addf %add3A_638, %mul3A_669 : vector<16xf32>
      %broadcast_in_dim3A_671 = arith.constant 9 : i32
      %broadcast_in_dim3A_672 = vector.broadcast %broadcast_in_dim3A_671 : i32 to vector<16xi32>
      %gather3A_673 = tpu.vector_load_idx %arg9[%broadcast_in_dim3A_672, %min3A_598] : memref<64x64xf32, #tpu.memory_space<vmem>>[vector<16xi32>, vector<16xi32>], vector<16xf32>,
      %gather3A_674 = tpu.vector_load_idx %arg8[%broadcast_in_dim3A_672, %min3A_576] : memref<64x512xf32, #tpu.memory_space<vmem>>[vector<16xi32>, vector<16xi32>], vector<16xf32>,
      %sub3A_675 = arith.subf %gather3A_674, %gather3A_673 : vector<16xf32>
      %mul3A_676 = arith.mulf %sub3A_675, %sub3A_675 : vector<16xf32>
      %mul3A_677 = arith.mulf %select_n3A_589, %mul3A_676 : vector<16xf32>
      %add3A_678 = arith.addf %add3A_646, %mul3A_677 : vector<16xf32>
      %broadcast_in_dim3A_679 = arith.constant 10 : i32
      %broadcast_in_dim3A_680 = vector.broadcast %broadcast_in_dim3A_679 : i32 to vector<16xi32>
      %gather3A_681 = tpu.vector_load_idx %arg9[%broadcast_in_dim3A_680, %min3A_598] : memref<64x64xf32, #tpu.memory_space<vmem>>[vector<16xi32>, vector<16xi32>], vector<16xf32>,
      %gather3A_682 = tpu.vector_load_idx %arg8[%broadcast_in_dim3A_680, %min3A_576] : memref<64x512xf32, #tpu.memory_space<vmem>>[vector<16xi32>, vector<16xi32>], vector<16xf32>,
      %sub3A_683 = arith.subf %gather3A_682, %gather3A_681 : vector<16xf32>
      %mul3A_684 = arith.mulf %sub3A_683, %sub3A_683 : vector<16xf32>
      %mul3A_685 = arith.mulf %select_n3A_589, %mul3A_684 : vector<16xf32>
      %add3A_686 = arith.addf %add3A_654, %mul3A_685 : vector<16xf32>
      %broadcast_in_dim3A_687 = arith.constant 11 : i32
      %broadcast_in_dim3A_688 = vector.broadcast %broadcast_in_dim3A_687 : i32 to vector<16xi32>
      %gather3A_689 = tpu.vector_load_idx %arg9[%broadcast_in_dim3A_688, %min3A_598] : memref<64x64xf32, #tpu.memory_space<vmem>>[vector<16xi32>, vector<16xi32>], vector<16xf32>,
      %gather3A_690 = tpu.vector_load_idx %arg8[%broadcast_in_dim3A_688, %min3A_576] : memref<64x512xf32, #tpu.memory_space<vmem>>[vector<16xi32>, vector<16xi32>], vector<16xf32>,
      %sub3A_691 = arith.subf %gather3A_690, %gather3A_689 : vector<16xf32>
      %mul3A_692 = arith.mulf %sub3A_691, %sub3A_691 : vector<16xf32>
      %mul3A_693 = arith.mulf %select_n3A_589, %mul3A_692 : vector<16xf32>
      %add3A_694 = arith.addf %add3A_662, %mul3A_693 : vector<16xf32>
      %broadcast_in_dim3A_695 = arith.constant 12 : i32
      %broadcast_in_dim3A_696 = vector.broadcast %broadcast_in_dim3A_695 : i32 to vector<16xi32>
      %gather3A_697 = tpu.vector_load_idx %arg9[%broadcast_in_dim3A_696, %min3A_598] : memref<64x64xf32, #tpu.memory_space<vmem>>[vector<16xi32>, vector<16xi32>], vector<16xf32>,
      %gather3A_698 = tpu.vector_load_idx %arg8[%broadcast_in_dim3A_696, %min3A_576] : memref<64x512xf32, #tpu.memory_space<vmem>>[vector<16xi32>, vector<16xi32>], vector<16xf32>,
      %sub3A_699 = arith.subf %gather3A_698, %gather3A_697 : vector<16xf32>
      %mul3A_700 = arith.mulf %sub3A_699, %sub3A_699 : vector<16xf32>
      %mul3A_701 = arith.mulf %select_n3A_589, %mul3A_700 : vector<16xf32>
      %add3A_702 = arith.addf %add3A_670, %mul3A_701 : vector<16xf32>
      %broadcast_in_dim3A_703 = arith.constant 13 : i32
      %broadcast_in_dim3A_704 = vector.broadcast %broadcast_in_dim3A_703 : i32 to vector<16xi32>
      %gather3A_705 = tpu.vector_load_idx %arg9[%broadcast_in_dim3A_704, %min3A_598] : memref<64x64xf32, #tpu.memory_space<vmem>>[vector<16xi32>, vector<16xi32>], vector<16xf32>,
      %gather3A_706 = tpu.vector_load_idx %arg8[%broadcast_in_dim3A_704, %min3A_576] : memref<64x512xf32, #tpu.memory_space<vmem>>[vector<16xi32>, vector<16xi32>], vector<16xf32>,
      %sub3A_707 = arith.subf %gather3A_706, %gather3A_705 : vector<16xf32>
      %mul3A_708 = arith.mulf %sub3A_707, %sub3A_707 : vector<16xf32>
      %mul3A_709 = arith.mulf %select_n3A_589, %mul3A_708 : vector<16xf32>
      %add3A_710 = arith.addf %add3A_678, %mul3A_709 : vector<16xf32>
      %broadcast_in_dim3A_711 = arith.constant 14 : i32
      %broadcast_in_dim3A_712 = vector.broadcast %broadcast_in_dim3A_711 : i32 to vector<16xi32>
      %gather3A_713 = tpu.vector_load_idx %arg9[%broadcast_in_dim3A_712, %min3A_598] : memref<64x64xf32, #tpu.memory_space<vmem>>[vector<16xi32>, vector<16xi32>], vector<16xf32>,
      %gather3A_714 = tpu.vector_load_idx %arg8[%broadcast_in_dim3A_712, %min3A_576] : memref<64x512xf32, #tpu.memory_space<vmem>>[vector<16xi32>, vector<16xi32>], vector<16xf32>,
      %sub3A_715 = arith.subf %gather3A_714, %gather3A_713 : vector<16xf32>
      %mul3A_716 = arith.mulf %sub3A_715, %sub3A_715 : vector<16xf32>
      %mul3A_717 = arith.mulf %select_n3A_589, %mul3A_716 : vector<16xf32>
      %add3A_718 = arith.addf %add3A_686, %mul3A_717 : vector<16xf32>
      %broadcast_in_dim3A_719 = arith.constant 15 : i32
      %broadcast_in_dim3A_720 = vector.broadcast %broadcast_in_dim3A_719 : i32 to vector<16xi32>
      %gather3A_721 = tpu.vector_load_idx %arg9[%broadcast_in_dim3A_720, %min3A_598] : memref<64x64xf32, #tpu.memory_space<vmem>>[vector<16xi32>, vector<16xi32>], vector<16xf32>,
      %gather3A_722 = tpu.vector_load_idx %arg8[%broadcast_in_dim3A_720, %min3A_576] : memref<64x512xf32, #tpu.memory_space<vmem>>[vector<16xi32>, vector<16xi32>], vector<16xf32>,
      %sub3A_723 = arith.subf %gather3A_722, %gather3A_721 : vector<16xf32>
      %mul3A_724 = arith.mulf %sub3A_723, %sub3A_723 : vector<16xf32>
      %mul3A_725 = arith.mulf %select_n3A_589, %mul3A_724 : vector<16xf32>
      %add3A_726 = arith.addf %add3A_694, %mul3A_725 : vector<16xf32>
      %broadcast_in_dim3A_727 = arith.constant 16 : i32
      %broadcast_in_dim3A_728 = vector.broadcast %broadcast_in_dim3A_727 : i32 to vector<16xi32>
      %gather3A_729 = tpu.vector_load_idx %arg9[%broadcast_in_dim3A_728, %min3A_598] : memref<64x64xf32, #tpu.memory_space<vmem>>[vector<16xi32>, vector<16xi32>], vector<16xf32>,
      %gather3A_730 = tpu.vector_load_idx %arg8[%broadcast_in_dim3A_728, %min3A_576] : memref<64x512xf32, #tpu.memory_space<vmem>>[vector<16xi32>, vector<16xi32>], vector<16xf32>,
      %sub3A_731 = arith.subf %gather3A_730, %gather3A_729 : vector<16xf32>
      %mul3A_732 = arith.mulf %sub3A_731, %sub3A_731 : vector<16xf32>
      %mul3A_733 = arith.mulf %select_n3A_589, %mul3A_732 : vector<16xf32>
      %add3A_734 = arith.addf %add3A_702, %mul3A_733 : vector<16xf32>
      %broadcast_in_dim3A_735 = arith.constant 17 : i32
      %broadcast_in_dim3A_736 = vector.broadcast %broadcast_in_dim3A_735 : i32 to vector<16xi32>
      %gather3A_737 = tpu.vector_load_idx %arg9[%broadcast_in_dim3A_736, %min3A_598] : memref<64x64xf32, #tpu.memory_space<vmem>>[vector<16xi32>, vector<16xi32>], vector<16xf32>,
      %gather3A_738 = tpu.vector_load_idx %arg8[%broadcast_in_dim3A_736, %min3A_576] : memref<64x512xf32, #tpu.memory_space<vmem>>[vector<16xi32>, vector<16xi32>], vector<16xf32>,
      %sub3A_739 = arith.subf %gather3A_738, %gather3A_737 : vector<16xf32>
      %mul3A_740 = arith.mulf %sub3A_739, %sub3A_739 : vector<16xf32>
      %mul3A_741 = arith.mulf %select_n3A_589, %mul3A_740 : vector<16xf32>
      %add3A_742 = arith.addf %add3A_710, %mul3A_741 : vector<16xf32>
      %broadcast_in_dim3A_743 = arith.constant 18 : i32
      %broadcast_in_dim3A_744 = vector.broadcast %broadcast_in_dim3A_743 : i32 to vector<16xi32>
      %gather3A_745 = tpu.vector_load_idx %arg9[%broadcast_in_dim3A_744, %min3A_598] : memref<64x64xf32, #tpu.memory_space<vmem>>[vector<16xi32>, vector<16xi32>], vector<16xf32>,
      %gather3A_746 = tpu.vector_load_idx %arg8[%broadcast_in_dim3A_744, %min3A_576] : memref<64x512xf32, #tpu.memory_space<vmem>>[vector<16xi32>, vector<16xi32>], vector<16xf32>,
      %sub3A_747 = arith.subf %gather3A_746, %gather3A_745 : vector<16xf32>
      %mul3A_748 = arith.mulf %sub3A_747, %sub3A_747 : vector<16xf32>
      %mul3A_749 = arith.mulf %select_n3A_589, %mul3A_748 : vector<16xf32>
      %add3A_750 = arith.addf %add3A_718, %mul3A_749 : vector<16xf32>
      %broadcast_in_dim3A_751 = arith.constant 19 : i32
      %broadcast_in_dim3A_752 = vector.broadcast %broadcast_in_dim3A_751 : i32 to vector<16xi32>
      %gather3A_753 = tpu.vector_load_idx %arg9[%broadcast_in_dim3A_752, %min3A_598] : memref<64x64xf32, #tpu.memory_space<vmem>>[vector<16xi32>, vector<16xi32>], vector<16xf32>,
      %gather3A_754 = tpu.vector_load_idx %arg8[%broadcast_in_dim3A_752, %min3A_576] : memref<64x512xf32, #tpu.memory_space<vmem>>[vector<16xi32>, vector<16xi32>], vector<16xf32>,
      %sub3A_755 = arith.subf %gather3A_754, %gather3A_753 : vector<16xf32>
      %mul3A_756 = arith.mulf %sub3A_755, %sub3A_755 : vector<16xf32>
      %mul3A_757 = arith.mulf %select_n3A_589, %mul3A_756 : vector<16xf32>
      %add3A_758 = arith.addf %add3A_726, %mul3A_757 : vector<16xf32>
      %broadcast_in_dim3A_759 = arith.constant 20 : i32
      %broadcast_in_dim3A_760 = vector.broadcast %broadcast_in_dim3A_759 : i32 to vector<16xi32>
      %gather3A_761 = tpu.vector_load_idx %arg9[%broadcast_in_dim3A_760, %min3A_598] : memref<64x64xf32, #tpu.memory_space<vmem>>[vector<16xi32>, vector<16xi32>], vector<16xf32>,
      %gather3A_762 = tpu.vector_load_idx %arg8[%broadcast_in_dim3A_760, %min3A_576] : memref<64x512xf32, #tpu.memory_space<vmem>>[vector<16xi32>, vector<16xi32>], vector<16xf32>,
      %sub3A_763 = arith.subf %gather3A_762, %gather3A_761 : vector<16xf32>
      %mul3A_764 = arith.mulf %sub3A_763, %sub3A_763 : vector<16xf32>
      %mul3A_765 = arith.mulf %select_n3A_589, %mul3A_764 : vector<16xf32>
      %add3A_766 = arith.addf %add3A_734, %mul3A_765 : vector<16xf32>
      %broadcast_in_dim3A_767 = arith.constant 21 : i32
      %broadcast_in_dim3A_768 = vector.broadcast %broadcast_in_dim3A_767 : i32 to vector<16xi32>
      %gather3A_769 = tpu.vector_load_idx %arg9[%broadcast_in_dim3A_768, %min3A_598] : memref<64x64xf32, #tpu.memory_space<vmem>>[vector<16xi32>, vector<16xi32>], vector<16xf32>,
      %gather3A_770 = tpu.vector_load_idx %arg8[%broadcast_in_dim3A_768, %min3A_576] : memref<64x512xf32, #tpu.memory_space<vmem>>[vector<16xi32>, vector<16xi32>], vector<16xf32>,
      %sub3A_771 = arith.subf %gather3A_770, %gather3A_769 : vector<16xf32>
      %mul3A_772 = arith.mulf %sub3A_771, %sub3A_771 : vector<16xf32>
      %mul3A_773 = arith.mulf %select_n3A_589, %mul3A_772 : vector<16xf32>
      %add3A_774 = arith.addf %add3A_742, %mul3A_773 : vector<16xf32>
      %broadcast_in_dim3A_775 = arith.constant 22 : i32
      %broadcast_in_dim3A_776 = vector.broadcast %broadcast_in_dim3A_775 : i32 to vector<16xi32>
      %gather3A_777 = tpu.vector_load_idx %arg9[%broadcast_in_dim3A_776, %min3A_598] : memref<64x64xf32, #tpu.memory_space<vmem>>[vector<16xi32>, vector<16xi32>], vector<16xf32>,
      %gather3A_778 = tpu.vector_load_idx %arg8[%broadcast_in_dim3A_776, %min3A_576] : memref<64x512xf32, #tpu.memory_space<vmem>>[vector<16xi32>, vector<16xi32>], vector<16xf32>,
      %sub3A_779 = arith.subf %gather3A_778, %gather3A_777 : vector<16xf32>
      %mul3A_780 = arith.mulf %sub3A_779, %sub3A_779 : vector<16xf32>
      %mul3A_781 = arith.mulf %select_n3A_589, %mul3A_780 : vector<16xf32>
      %add3A_782 = arith.addf %add3A_750, %mul3A_781 : vector<16xf32>
      %broadcast_in_dim3A_783 = arith.constant 23 : i32
      %broadcast_in_dim3A_784 = vector.broadcast %broadcast_in_dim3A_783 : i32 to vector<16xi32>
      %gather3A_785 = tpu.vector_load_idx %arg9[%broadcast_in_dim3A_784, %min3A_598] : memref<64x64xf32, #tpu.memory_space<vmem>>[vector<16xi32>, vector<16xi32>], vector<16xf32>,
      %gather3A_786 = tpu.vector_load_idx %arg8[%broadcast_in_dim3A_784, %min3A_576] : memref<64x512xf32, #tpu.memory_space<vmem>>[vector<16xi32>, vector<16xi32>], vector<16xf32>,
      %sub3A_787 = arith.subf %gather3A_786, %gather3A_785 : vector<16xf32>
      %mul3A_788 = arith.mulf %sub3A_787, %sub3A_787 : vector<16xf32>
      %mul3A_789 = arith.mulf %select_n3A_589, %mul3A_788 : vector<16xf32>
      %add3A_790 = arith.addf %add3A_758, %mul3A_789 : vector<16xf32>
      %broadcast_in_dim3A_791 = arith.constant 24 : i32
      %broadcast_in_dim3A_792 = vector.broadcast %broadcast_in_dim3A_791 : i32 to vector<16xi32>
      %gather3A_793 = tpu.vector_load_idx %arg9[%broadcast_in_dim3A_792, %min3A_598] : memref<64x64xf32, #tpu.memory_space<vmem>>[vector<16xi32>, vector<16xi32>], vector<16xf32>,
      %gather3A_794 = tpu.vector_load_idx %arg8[%broadcast_in_dim3A_792, %min3A_576] : memref<64x512xf32, #tpu.memory_space<vmem>>[vector<16xi32>, vector<16xi32>], vector<16xf32>,
      %sub3A_795 = arith.subf %gather3A_794, %gather3A_793 : vector<16xf32>
      %mul3A_796 = arith.mulf %sub3A_795, %sub3A_795 : vector<16xf32>
      %mul3A_797 = arith.mulf %select_n3A_589, %mul3A_796 : vector<16xf32>
      %add3A_798 = arith.addf %add3A_766, %mul3A_797 : vector<16xf32>
      %broadcast_in_dim3A_799 = arith.constant 25 : i32
      %broadcast_in_dim3A_800 = vector.broadcast %broadcast_in_dim3A_799 : i32 to vector<16xi32>
      %gather3A_801 = tpu.vector_load_idx %arg9[%broadcast_in_dim3A_800, %min3A_598] : memref<64x64xf32, #tpu.memory_space<vmem>>[vector<16xi32>, vector<16xi32>], vector<16xf32>,
      %gather3A_802 = tpu.vector_load_idx %arg8[%broadcast_in_dim3A_800, %min3A_576] : memref<64x512xf32, #tpu.memory_space<vmem>>[vector<16xi32>, vector<16xi32>], vector<16xf32>,
      %sub3A_803 = arith.subf %gather3A_802, %gather3A_801 : vector<16xf32>
      %mul3A_804 = arith.mulf %sub3A_803, %sub3A_803 : vector<16xf32>
      %mul3A_805 = arith.mulf %select_n3A_589, %mul3A_804 : vector<16xf32>
      %add3A_806 = arith.addf %add3A_774, %mul3A_805 : vector<16xf32>
      %broadcast_in_dim3A_807 = arith.constant 26 : i32
      %broadcast_in_dim3A_808 = vector.broadcast %broadcast_in_dim3A_807 : i32 to vector<16xi32>
      %gather3A_809 = tpu.vector_load_idx %arg9[%broadcast_in_dim3A_808, %min3A_598] : memref<64x64xf32, #tpu.memory_space<vmem>>[vector<16xi32>, vector<16xi32>], vector<16xf32>,
      %gather3A_810 = tpu.vector_load_idx %arg8[%broadcast_in_dim3A_808, %min3A_576] : memref<64x512xf32, #tpu.memory_space<vmem>>[vector<16xi32>, vector<16xi32>], vector<16xf32>,
      %sub3A_811 = arith.subf %gather3A_810, %gather3A_809 : vector<16xf32>
      %mul3A_812 = arith.mulf %sub3A_811, %sub3A_811 : vector<16xf32>
      %mul3A_813 = arith.mulf %select_n3A_589, %mul3A_812 : vector<16xf32>
      %add3A_814 = arith.addf %add3A_782, %mul3A_813 : vector<16xf32>
      %broadcast_in_dim3A_815 = arith.constant 27 : i32
      %broadcast_in_dim3A_816 = vector.broadcast %broadcast_in_dim3A_815 : i32 to vector<16xi32>
      %gather3A_817 = tpu.vector_load_idx %arg9[%broadcast_in_dim3A_816, %min3A_598] : memref<64x64xf32, #tpu.memory_space<vmem>>[vector<16xi32>, vector<16xi32>], vector<16xf32>,
      %gather3A_818 = tpu.vector_load_idx %arg8[%broadcast_in_dim3A_816, %min3A_576] : memref<64x512xf32, #tpu.memory_space<vmem>>[vector<16xi32>, vector<16xi32>], vector<16xf32>,
      %sub3A_819 = arith.subf %gather3A_818, %gather3A_817 : vector<16xf32>
      %mul3A_820 = arith.mulf %sub3A_819, %sub3A_819 : vector<16xf32>
      %mul3A_821 = arith.mulf %select_n3A_589, %mul3A_820 : vector<16xf32>
      %add3A_822 = arith.addf %add3A_790, %mul3A_821 : vector<16xf32>
      %broadcast_in_dim3A_823 = arith.constant 28 : i32
      %broadcast_in_dim3A_824 = vector.broadcast %broadcast_in_dim3A_823 : i32 to vector<16xi32>
      %gather3A_825 = tpu.vector_load_idx %arg9[%broadcast_in_dim3A_824, %min3A_598] : memref<64x64xf32, #tpu.memory_space<vmem>>[vector<16xi32>, vector<16xi32>], vector<16xf32>,
      %gather3A_826 = tpu.vector_load_idx %arg8[%broadcast_in_dim3A_824, %min3A_576] : memref<64x512xf32, #tpu.memory_space<vmem>>[vector<16xi32>, vector<16xi32>], vector<16xf32>,
      %sub3A_827 = arith.subf %gather3A_826, %gather3A_825 : vector<16xf32>
      %mul3A_828 = arith.mulf %sub3A_827, %sub3A_827 : vector<16xf32>
      %mul3A_829 = arith.mulf %select_n3A_589, %mul3A_828 : vector<16xf32>
      %add3A_830 = arith.addf %add3A_798, %mul3A_829 : vector<16xf32>
      %broadcast_in_dim3A_831 = arith.constant 29 : i32
      %broadcast_in_dim3A_832 = vector.broadcast %broadcast_in_dim3A_831 : i32 to vector<16xi32>
      %gather3A_833 = tpu.vector_load_idx %arg9[%broadcast_in_dim3A_832, %min3A_598] : memref<64x64xf32, #tpu.memory_space<vmem>>[vector<16xi32>, vector<16xi32>], vector<16xf32>,
      %gather3A_834 = tpu.vector_load_idx %arg8[%broadcast_in_dim3A_832, %min3A_576] : memref<64x512xf32, #tpu.memory_space<vmem>>[vector<16xi32>, vector<16xi32>], vector<16xf32>,
      %sub3A_835 = arith.subf %gather3A_834, %gather3A_833 : vector<16xf32>
      %mul3A_836 = arith.mulf %sub3A_835, %sub3A_835 : vector<16xf32>
      %mul3A_837 = arith.mulf %select_n3A_589, %mul3A_836 : vector<16xf32>
      %add3A_838 = arith.addf %add3A_806, %mul3A_837 : vector<16xf32>
      %broadcast_in_dim3A_839 = arith.constant 30 : i32
      %broadcast_in_dim3A_840 = vector.broadcast %broadcast_in_dim3A_839 : i32 to vector<16xi32>
      %gather3A_841 = tpu.vector_load_idx %arg9[%broadcast_in_dim3A_840, %min3A_598] : memref<64x64xf32, #tpu.memory_space<vmem>>[vector<16xi32>, vector<16xi32>], vector<16xf32>,
      %gather3A_842 = tpu.vector_load_idx %arg8[%broadcast_in_dim3A_840, %min3A_576] : memref<64x512xf32, #tpu.memory_space<vmem>>[vector<16xi32>, vector<16xi32>], vector<16xf32>,
      %sub3A_843 = arith.subf %gather3A_842, %gather3A_841 : vector<16xf32>
      %mul3A_844 = arith.mulf %sub3A_843, %sub3A_843 : vector<16xf32>
      %mul3A_845 = arith.mulf %select_n3A_589, %mul3A_844 : vector<16xf32>
      %add3A_846 = arith.addf %add3A_814, %mul3A_845 : vector<16xf32>
      %broadcast_in_dim3A_847 = arith.constant 31 : i32
      %broadcast_in_dim3A_848 = vector.broadcast %broadcast_in_dim3A_847 : i32 to vector<16xi32>
      %gather3A_849 = tpu.vector_load_idx %arg9[%broadcast_in_dim3A_848, %min3A_598] : memref<64x64xf32, #tpu.memory_space<vmem>>[vector<16xi32>, vector<16xi32>], vector<16xf32>,
      %gather3A_850 = tpu.vector_load_idx %arg8[%broadcast_in_dim3A_848, %min3A_576] : memref<64x512xf32, #tpu.memory_space<vmem>>[vector<16xi32>, vector<16xi32>], vector<16xf32>,
      %sub3A_851 = arith.subf %gather3A_850, %gather3A_849 : vector<16xf32>
      %mul3A_852 = arith.mulf %sub3A_851, %sub3A_851 : vector<16xf32>
      %mul3A_853 = arith.mulf %select_n3A_589, %mul3A_852 : vector<16xf32>
      %add3A_854 = arith.addf %add3A_822, %mul3A_853 : vector<16xf32>
      %broadcast_in_dim3A_855 = arith.constant 32 : i32
      %broadcast_in_dim3A_856 = vector.broadcast %broadcast_in_dim3A_855 : i32 to vector<16xi32>
      %gather3A_857 = tpu.vector_load_idx %arg9[%broadcast_in_dim3A_856, %min3A_598] : memref<64x64xf32, #tpu.memory_space<vmem>>[vector<16xi32>, vector<16xi32>], vector<16xf32>,
      %gather3A_858 = tpu.vector_load_idx %arg8[%broadcast_in_dim3A_856, %min3A_576] : memref<64x512xf32, #tpu.memory_space<vmem>>[vector<16xi32>, vector<16xi32>], vector<16xf32>,
      %sub3A_859 = arith.subf %gather3A_858, %gather3A_857 : vector<16xf32>
      %mul3A_860 = arith.mulf %sub3A_859, %sub3A_859 : vector<16xf32>
      %mul3A_861 = arith.mulf %select_n3A_589, %mul3A_860 : vector<16xf32>
      %add3A_862 = arith.addf %add3A_830, %mul3A_861 : vector<16xf32>
      %broadcast_in_dim3A_863 = arith.constant 33 : i32
      %broadcast_in_dim3A_864 = vector.broadcast %broadcast_in_dim3A_863 : i32 to vector<16xi32>
      %gather3A_865 = tpu.vector_load_idx %arg9[%broadcast_in_dim3A_864, %min3A_598] : memref<64x64xf32, #tpu.memory_space<vmem>>[vector<16xi32>, vector<16xi32>], vector<16xf32>,
      %gather3A_866 = tpu.vector_load_idx %arg8[%broadcast_in_dim3A_864, %min3A_576] : memref<64x512xf32, #tpu.memory_space<vmem>>[vector<16xi32>, vector<16xi32>], vector<16xf32>,
      %sub3A_867 = arith.subf %gather3A_866, %gather3A_865 : vector<16xf32>
      %mul3A_868 = arith.mulf %sub3A_867, %sub3A_867 : vector<16xf32>
      %mul3A_869 = arith.mulf %select_n3A_589, %mul3A_868 : vector<16xf32>
      %add3A_870 = arith.addf %add3A_838, %mul3A_869 : vector<16xf32>
      %broadcast_in_dim3A_871 = arith.constant 34 : i32
      %broadcast_in_dim3A_872 = vector.broadcast %broadcast_in_dim3A_871 : i32 to vector<16xi32>
      %gather3A_873 = tpu.vector_load_idx %arg9[%broadcast_in_dim3A_872, %min3A_598] : memref<64x64xf32, #tpu.memory_space<vmem>>[vector<16xi32>, vector<16xi32>], vector<16xf32>,
      %gather3A_874 = tpu.vector_load_idx %arg8[%broadcast_in_dim3A_872, %min3A_576] : memref<64x512xf32, #tpu.memory_space<vmem>>[vector<16xi32>, vector<16xi32>], vector<16xf32>,
      %sub3A_875 = arith.subf %gather3A_874, %gather3A_873 : vector<16xf32>
      %mul3A_876 = arith.mulf %sub3A_875, %sub3A_875 : vector<16xf32>
      %mul3A_877 = arith.mulf %select_n3A_589, %mul3A_876 : vector<16xf32>
      %add3A_878 = arith.addf %add3A_846, %mul3A_877 : vector<16xf32>
      %broadcast_in_dim3A_879 = arith.constant 35 : i32
      %broadcast_in_dim3A_880 = vector.broadcast %broadcast_in_dim3A_879 : i32 to vector<16xi32>
      %gather3A_881 = tpu.vector_load_idx %arg9[%broadcast_in_dim3A_880, %min3A_598] : memref<64x64xf32, #tpu.memory_space<vmem>>[vector<16xi32>, vector<16xi32>], vector<16xf32>,
      %gather3A_882 = tpu.vector_load_idx %arg8[%broadcast_in_dim3A_880, %min3A_576] : memref<64x512xf32, #tpu.memory_space<vmem>>[vector<16xi32>, vector<16xi32>], vector<16xf32>,
      %sub3A_883 = arith.subf %gather3A_882, %gather3A_881 : vector<16xf32>
      %mul3A_884 = arith.mulf %sub3A_883, %sub3A_883 : vector<16xf32>
      %mul3A_885 = arith.mulf %select_n3A_589, %mul3A_884 : vector<16xf32>
      %add3A_886 = arith.addf %add3A_854, %mul3A_885 : vector<16xf32>
      %broadcast_in_dim3A_887 = arith.constant 36 : i32
      %broadcast_in_dim3A_888 = vector.broadcast %broadcast_in_dim3A_887 : i32 to vector<16xi32>
      %gather3A_889 = tpu.vector_load_idx %arg9[%broadcast_in_dim3A_888, %min3A_598] : memref<64x64xf32, #tpu.memory_space<vmem>>[vector<16xi32>, vector<16xi32>], vector<16xf32>,
      %gather3A_890 = tpu.vector_load_idx %arg8[%broadcast_in_dim3A_888, %min3A_576] : memref<64x512xf32, #tpu.memory_space<vmem>>[vector<16xi32>, vector<16xi32>], vector<16xf32>,
      %sub3A_891 = arith.subf %gather3A_890, %gather3A_889 : vector<16xf32>
      %mul3A_892 = arith.mulf %sub3A_891, %sub3A_891 : vector<16xf32>
      %mul3A_893 = arith.mulf %select_n3A_589, %mul3A_892 : vector<16xf32>
      %add3A_894 = arith.addf %add3A_862, %mul3A_893 : vector<16xf32>
      %broadcast_in_dim3A_895 = arith.constant 37 : i32
      %broadcast_in_dim3A_896 = vector.broadcast %broadcast_in_dim3A_895 : i32 to vector<16xi32>
      %gather3A_897 = tpu.vector_load_idx %arg9[%broadcast_in_dim3A_896, %min3A_598] : memref<64x64xf32, #tpu.memory_space<vmem>>[vector<16xi32>, vector<16xi32>], vector<16xf32>,
      %gather3A_898 = tpu.vector_load_idx %arg8[%broadcast_in_dim3A_896, %min3A_576] : memref<64x512xf32, #tpu.memory_space<vmem>>[vector<16xi32>, vector<16xi32>], vector<16xf32>,
      %sub3A_899 = arith.subf %gather3A_898, %gather3A_897 : vector<16xf32>
      %mul3A_900 = arith.mulf %sub3A_899, %sub3A_899 : vector<16xf32>
      %mul3A_901 = arith.mulf %select_n3A_589, %mul3A_900 : vector<16xf32>
      %add3A_902 = arith.addf %add3A_870, %mul3A_901 : vector<16xf32>
      %broadcast_in_dim3A_903 = arith.constant 38 : i32
      %broadcast_in_dim3A_904 = vector.broadcast %broadcast_in_dim3A_903 : i32 to vector<16xi32>
      %gather3A_905 = tpu.vector_load_idx %arg9[%broadcast_in_dim3A_904, %min3A_598] : memref<64x64xf32, #tpu.memory_space<vmem>>[vector<16xi32>, vector<16xi32>], vector<16xf32>,
      %gather3A_906 = tpu.vector_load_idx %arg8[%broadcast_in_dim3A_904, %min3A_576] : memref<64x512xf32, #tpu.memory_space<vmem>>[vector<16xi32>, vector<16xi32>], vector<16xf32>,
      %sub3A_907 = arith.subf %gather3A_906, %gather3A_905 : vector<16xf32>
      %mul3A_908 = arith.mulf %sub3A_907, %sub3A_907 : vector<16xf32>
      %mul3A_909 = arith.mulf %select_n3A_589, %mul3A_908 : vector<16xf32>
      %add3A_910 = arith.addf %add3A_878, %mul3A_909 : vector<16xf32>
      %broadcast_in_dim3A_911 = arith.constant 39 : i32
      %broadcast_in_dim3A_912 = vector.broadcast %broadcast_in_dim3A_911 : i32 to vector<16xi32>
      %gather3A_913 = tpu.vector_load_idx %arg9[%broadcast_in_dim3A_912, %min3A_598] : memref<64x64xf32, #tpu.memory_space<vmem>>[vector<16xi32>, vector<16xi32>], vector<16xf32>,
      %gather3A_914 = tpu.vector_load_idx %arg8[%broadcast_in_dim3A_912, %min3A_576] : memref<64x512xf32, #tpu.memory_space<vmem>>[vector<16xi32>, vector<16xi32>], vector<16xf32>,
      %sub3A_915 = arith.subf %gather3A_914, %gather3A_913 : vector<16xf32>
      %mul3A_916 = arith.mulf %sub3A_915, %sub3A_915 : vector<16xf32>
      %mul3A_917 = arith.mulf %select_n3A_589, %mul3A_916 : vector<16xf32>
      %add3A_918 = arith.addf %add3A_886, %mul3A_917 : vector<16xf32>
      %broadcast_in_dim3A_919 = arith.constant 40 : i32
      %broadcast_in_dim3A_920 = vector.broadcast %broadcast_in_dim3A_919 : i32 to vector<16xi32>
      %gather3A_921 = tpu.vector_load_idx %arg9[%broadcast_in_dim3A_920, %min3A_598] : memref<64x64xf32, #tpu.memory_space<vmem>>[vector<16xi32>, vector<16xi32>], vector<16xf32>,
      %gather3A_922 = tpu.vector_load_idx %arg8[%broadcast_in_dim3A_920, %min3A_576] : memref<64x512xf32, #tpu.memory_space<vmem>>[vector<16xi32>, vector<16xi32>], vector<16xf32>,
      %sub3A_923 = arith.subf %gather3A_922, %gather3A_921 : vector<16xf32>
      %mul3A_924 = arith.mulf %sub3A_923, %sub3A_923 : vector<16xf32>
      %mul3A_925 = arith.mulf %select_n3A_589, %mul3A_924 : vector<16xf32>
      %add3A_926 = arith.addf %add3A_894, %mul3A_925 : vector<16xf32>
      %broadcast_in_dim3A_927 = arith.constant 41 : i32
      %broadcast_in_dim3A_928 = vector.broadcast %broadcast_in_dim3A_927 : i32 to vector<16xi32>
      %gather3A_929 = tpu.vector_load_idx %arg9[%broadcast_in_dim3A_928, %min3A_598] : memref<64x64xf32, #tpu.memory_space<vmem>>[vector<16xi32>, vector<16xi32>], vector<16xf32>,
      %gather3A_930 = tpu.vector_load_idx %arg8[%broadcast_in_dim3A_928, %min3A_576] : memref<64x512xf32, #tpu.memory_space<vmem>>[vector<16xi32>, vector<16xi32>], vector<16xf32>,
      %sub3A_931 = arith.subf %gather3A_930, %gather3A_929 : vector<16xf32>
      %mul3A_932 = arith.mulf %sub3A_931, %sub3A_931 : vector<16xf32>
      %mul3A_933 = arith.mulf %select_n3A_589, %mul3A_932 : vector<16xf32>
      %add3A_934 = arith.addf %add3A_902, %mul3A_933 : vector<16xf32>
      %broadcast_in_dim3A_935 = arith.constant 42 : i32
      %broadcast_in_dim3A_936 = vector.broadcast %broadcast_in_dim3A_935 : i32 to vector<16xi32>
      %gather3A_937 = tpu.vector_load_idx %arg9[%broadcast_in_dim3A_936, %min3A_598] : memref<64x64xf32, #tpu.memory_space<vmem>>[vector<16xi32>, vector<16xi32>], vector<16xf32>,
      %gather3A_938 = tpu.vector_load_idx %arg8[%broadcast_in_dim3A_936, %min3A_576] : memref<64x512xf32, #tpu.memory_space<vmem>>[vector<16xi32>, vector<16xi32>], vector<16xf32>,
      %sub3A_939 = arith.subf %gather3A_938, %gather3A_937 : vector<16xf32>
      %mul3A_940 = arith.mulf %sub3A_939, %sub3A_939 : vector<16xf32>
      %mul3A_941 = arith.mulf %select_n3A_589, %mul3A_940 : vector<16xf32>
      %add3A_942 = arith.addf %add3A_910, %mul3A_941 : vector<16xf32>
      %broadcast_in_dim3A_943 = arith.constant 43 : i32
      %broadcast_in_dim3A_944 = vector.broadcast %broadcast_in_dim3A_943 : i32 to vector<16xi32>
      %gather3A_945 = tpu.vector_load_idx %arg9[%broadcast_in_dim3A_944, %min3A_598] : memref<64x64xf32, #tpu.memory_space<vmem>>[vector<16xi32>, vector<16xi32>], vector<16xf32>,
      %gather3A_946 = tpu.vector_load_idx %arg8[%broadcast_in_dim3A_944, %min3A_576] : memref<64x512xf32, #tpu.memory_space<vmem>>[vector<16xi32>, vector<16xi32>], vector<16xf32>,
      %sub3A_947 = arith.subf %gather3A_946, %gather3A_945 : vector<16xf32>
      %mul3A_948 = arith.mulf %sub3A_947, %sub3A_947 : vector<16xf32>
      %mul3A_949 = arith.mulf %select_n3A_589, %mul3A_948 : vector<16xf32>
      %add3A_950 = arith.addf %add3A_918, %mul3A_949 : vector<16xf32>
      %broadcast_in_dim3A_951 = arith.constant 44 : i32
      %broadcast_in_dim3A_952 = vector.broadcast %broadcast_in_dim3A_951 : i32 to vector<16xi32>
      %gather3A_953 = tpu.vector_load_idx %arg9[%broadcast_in_dim3A_952, %min3A_598] : memref<64x64xf32, #tpu.memory_space<vmem>>[vector<16xi32>, vector<16xi32>], vector<16xf32>,
      %gather3A_954 = tpu.vector_load_idx %arg8[%broadcast_in_dim3A_952, %min3A_576] : memref<64x512xf32, #tpu.memory_space<vmem>>[vector<16xi32>, vector<16xi32>], vector<16xf32>,
      %sub3A_955 = arith.subf %gather3A_954, %gather3A_953 : vector<16xf32>
      %mul3A_956 = arith.mulf %sub3A_955, %sub3A_955 : vector<16xf32>
      %mul3A_957 = arith.mulf %select_n3A_589, %mul3A_956 : vector<16xf32>
      %add3A_958 = arith.addf %add3A_926, %mul3A_957 : vector<16xf32>
      %broadcast_in_dim3A_959 = arith.constant 45 : i32
      %broadcast_in_dim3A_960 = vector.broadcast %broadcast_in_dim3A_959 : i32 to vector<16xi32>
      %gather3A_961 = tpu.vector_load_idx %arg9[%broadcast_in_dim3A_960, %min3A_598] : memref<64x64xf32, #tpu.memory_space<vmem>>[vector<16xi32>, vector<16xi32>], vector<16xf32>,
      %gather3A_962 = tpu.vector_load_idx %arg8[%broadcast_in_dim3A_960, %min3A_576] : memref<64x512xf32, #tpu.memory_space<vmem>>[vector<16xi32>, vector<16xi32>], vector<16xf32>,
      %sub3A_963 = arith.subf %gather3A_962, %gather3A_961 : vector<16xf32>
      %mul3A_964 = arith.mulf %sub3A_963, %sub3A_963 : vector<16xf32>
      %mul3A_965 = arith.mulf %select_n3A_589, %mul3A_964 : vector<16xf32>
      %add3A_966 = arith.addf %add3A_934, %mul3A_965 : vector<16xf32>
      %broadcast_in_dim3A_967 = arith.constant 46 : i32
      %broadcast_in_dim3A_968 = vector.broadcast %broadcast_in_dim3A_967 : i32 to vector<16xi32>
      %gather3A_969 = tpu.vector_load_idx %arg9[%broadcast_in_dim3A_968, %min3A_598] : memref<64x64xf32, #tpu.memory_space<vmem>>[vector<16xi32>, vector<16xi32>], vector<16xf32>,
      %gather3A_970 = tpu.vector_load_idx %arg8[%broadcast_in_dim3A_968, %min3A_576] : memref<64x512xf32, #tpu.memory_space<vmem>>[vector<16xi32>, vector<16xi32>], vector<16xf32>,
      %sub3A_971 = arith.subf %gather3A_970, %gather3A_969 : vector<16xf32>
      %mul3A_972 = arith.mulf %sub3A_971, %sub3A_971 : vector<16xf32>
      %mul3A_973 = arith.mulf %select_n3A_589, %mul3A_972 : vector<16xf32>
      %add3A_974 = arith.addf %add3A_942, %mul3A_973 : vector<16xf32>
      %broadcast_in_dim3A_975 = arith.constant 47 : i32
      %broadcast_in_dim3A_976 = vector.broadcast %broadcast_in_dim3A_975 : i32 to vector<16xi32>
      %gather3A_977 = tpu.vector_load_idx %arg9[%broadcast_in_dim3A_976, %min3A_598] : memref<64x64xf32, #tpu.memory_space<vmem>>[vector<16xi32>, vector<16xi32>], vector<16xf32>,
      %gather3A_978 = tpu.vector_load_idx %arg8[%broadcast_in_dim3A_976, %min3A_576] : memref<64x512xf32, #tpu.memory_space<vmem>>[vector<16xi32>, vector<16xi32>], vector<16xf32>,
      %sub3A_979 = arith.subf %gather3A_978, %gather3A_977 : vector<16xf32>
      %mul3A_980 = arith.mulf %sub3A_979, %sub3A_979 : vector<16xf32>
      %mul3A_981 = arith.mulf %select_n3A_589, %mul3A_980 : vector<16xf32>
      %add3A_982 = arith.addf %add3A_950, %mul3A_981 : vector<16xf32>
      %broadcast_in_dim3A_983 = arith.constant 48 : i32
      %broadcast_in_dim3A_984 = vector.broadcast %broadcast_in_dim3A_983 : i32 to vector<16xi32>
      %gather3A_985 = tpu.vector_load_idx %arg9[%broadcast_in_dim3A_984, %min3A_598] : memref<64x64xf32, #tpu.memory_space<vmem>>[vector<16xi32>, vector<16xi32>], vector<16xf32>,
      %gather3A_986 = tpu.vector_load_idx %arg8[%broadcast_in_dim3A_984, %min3A_576] : memref<64x512xf32, #tpu.memory_space<vmem>>[vector<16xi32>, vector<16xi32>], vector<16xf32>,
      %sub3A_987 = arith.subf %gather3A_986, %gather3A_985 : vector<16xf32>
      %mul3A_988 = arith.mulf %sub3A_987, %sub3A_987 : vector<16xf32>
      %mul3A_989 = arith.mulf %select_n3A_589, %mul3A_988 : vector<16xf32>
      %add3A_990 = arith.addf %add3A_958, %mul3A_989 : vector<16xf32>
      %broadcast_in_dim3A_991 = arith.constant 49 : i32
      %broadcast_in_dim3A_992 = vector.broadcast %broadcast_in_dim3A_991 : i32 to vector<16xi32>
      %gather3A_993 = tpu.vector_load_idx %arg9[%broadcast_in_dim3A_992, %min3A_598] : memref<64x64xf32, #tpu.memory_space<vmem>>[vector<16xi32>, vector<16xi32>], vector<16xf32>,
      %gather3A_994 = tpu.vector_load_idx %arg8[%broadcast_in_dim3A_992, %min3A_576] : memref<64x512xf32, #tpu.memory_space<vmem>>[vector<16xi32>, vector<16xi32>], vector<16xf32>,
      %sub3A_995 = arith.subf %gather3A_994, %gather3A_993 : vector<16xf32>
      %mul3A_996 = arith.mulf %sub3A_995, %sub3A_995 : vector<16xf32>
      %mul3A_997 = arith.mulf %select_n3A_589, %mul3A_996 : vector<16xf32>
      %add3A_998 = arith.addf %add3A_966, %mul3A_997 : vector<16xf32>
      %broadcast_in_dim3A_999 = arith.constant 50 : i32
      %broadcast_in_dim3A_1000 = vector.broadcast %broadcast_in_dim3A_999 : i32 to vector<16xi32>
      %gather3A_1001 = tpu.vector_load_idx %arg9[%broadcast_in_dim3A_1000, %min3A_598] : memref<64x64xf32, #tpu.memory_space<vmem>>[vector<16xi32>, vector<16xi32>], vector<16xf32>,
      %gather3A_1002 = tpu.vector_load_idx %arg8[%broadcast_in_dim3A_1000, %min3A_576] : memref<64x512xf32, #tpu.memory_space<vmem>>[vector<16xi32>, vector<16xi32>], vector<16xf32>,
      %sub3A_1003 = arith.subf %gather3A_1002, %gather3A_1001 : vector<16xf32>
      %mul3A_1004 = arith.mulf %sub3A_1003, %sub3A_1003 : vector<16xf32>
      %mul3A_1005 = arith.mulf %select_n3A_589, %mul3A_1004 : vector<16xf32>
      %add3A_1006 = arith.addf %add3A_974, %mul3A_1005 : vector<16xf32>
      %broadcast_in_dim3A_1007 = arith.constant 51 : i32
      %broadcast_in_dim3A_1008 = vector.broadcast %broadcast_in_dim3A_1007 : i32 to vector<16xi32>
      %gather3A_1009 = tpu.vector_load_idx %arg9[%broadcast_in_dim3A_1008, %min3A_598] : memref<64x64xf32, #tpu.memory_space<vmem>>[vector<16xi32>, vector<16xi32>], vector<16xf32>,
      %gather3A_1010 = tpu.vector_load_idx %arg8[%broadcast_in_dim3A_1008, %min3A_576] : memref<64x512xf32, #tpu.memory_space<vmem>>[vector<16xi32>, vector<16xi32>], vector<16xf32>,
      %sub3A_1011 = arith.subf %gather3A_1010, %gather3A_1009 : vector<16xf32>
      %mul3A_1012 = arith.mulf %sub3A_1011, %sub3A_1011 : vector<16xf32>
      %mul3A_1013 = arith.mulf %select_n3A_589, %mul3A_1012 : vector<16xf32>
      %add3A_1014 = arith.addf %add3A_982, %mul3A_1013 : vector<16xf32>
      %broadcast_in_dim3A_1015 = arith.constant 52 : i32
      %broadcast_in_dim3A_1016 = vector.broadcast %broadcast_in_dim3A_1015 : i32 to vector<16xi32>
      %gather3A_1017 = tpu.vector_load_idx %arg9[%broadcast_in_dim3A_1016, %min3A_598] : memref<64x64xf32, #tpu.memory_space<vmem>>[vector<16xi32>, vector<16xi32>], vector<16xf32>,
      %gather3A_1018 = tpu.vector_load_idx %arg8[%broadcast_in_dim3A_1016, %min3A_576] : memref<64x512xf32, #tpu.memory_space<vmem>>[vector<16xi32>, vector<16xi32>], vector<16xf32>,
      %sub3A_1019 = arith.subf %gather3A_1018, %gather3A_1017 : vector<16xf32>
      %mul3A_1020 = arith.mulf %sub3A_1019, %sub3A_1019 : vector<16xf32>
      %mul3A_1021 = arith.mulf %select_n3A_589, %mul3A_1020 : vector<16xf32>
      %add3A_1022 = arith.addf %add3A_990, %mul3A_1021 : vector<16xf32>
      %broadcast_in_dim3A_1023 = arith.constant 53 : i32
      %broadcast_in_dim3A_1024 = vector.broadcast %broadcast_in_dim3A_1023 : i32 to vector<16xi32>
      %gather3A_1025 = tpu.vector_load_idx %arg9[%broadcast_in_dim3A_1024, %min3A_598] : memref<64x64xf32, #tpu.memory_space<vmem>>[vector<16xi32>, vector<16xi32>], vector<16xf32>,
      %gather3A_1026 = tpu.vector_load_idx %arg8[%broadcast_in_dim3A_1024, %min3A_576] : memref<64x512xf32, #tpu.memory_space<vmem>>[vector<16xi32>, vector<16xi32>], vector<16xf32>,
      %sub3A_1027 = arith.subf %gather3A_1026, %gather3A_1025 : vector<16xf32>
      %mul3A_1028 = arith.mulf %sub3A_1027, %sub3A_1027 : vector<16xf32>
      %mul3A_1029 = arith.mulf %select_n3A_589, %mul3A_1028 : vector<16xf32>
      %add3A_1030 = arith.addf %add3A_998, %mul3A_1029 : vector<16xf32>
      %broadcast_in_dim3A_1031 = arith.constant 54 : i32
      %broadcast_in_dim3A_1032 = vector.broadcast %broadcast_in_dim3A_1031 : i32 to vector<16xi32>
      %gather3A_1033 = tpu.vector_load_idx %arg9[%broadcast_in_dim3A_1032, %min3A_598] : memref<64x64xf32, #tpu.memory_space<vmem>>[vector<16xi32>, vector<16xi32>], vector<16xf32>,
      %gather3A_1034 = tpu.vector_load_idx %arg8[%broadcast_in_dim3A_1032, %min3A_576] : memref<64x512xf32, #tpu.memory_space<vmem>>[vector<16xi32>, vector<16xi32>], vector<16xf32>,
      %sub3A_1035 = arith.subf %gather3A_1034, %gather3A_1033 : vector<16xf32>
      %mul3A_1036 = arith.mulf %sub3A_1035, %sub3A_1035 : vector<16xf32>
      %mul3A_1037 = arith.mulf %select_n3A_589, %mul3A_1036 : vector<16xf32>
      %add3A_1038 = arith.addf %add3A_1006, %mul3A_1037 : vector<16xf32>
      %broadcast_in_dim3A_1039 = arith.constant 55 : i32
      %broadcast_in_dim3A_1040 = vector.broadcast %broadcast_in_dim3A_1039 : i32 to vector<16xi32>
      %gather3A_1041 = tpu.vector_load_idx %arg9[%broadcast_in_dim3A_1040, %min3A_598] : memref<64x64xf32, #tpu.memory_space<vmem>>[vector<16xi32>, vector<16xi32>], vector<16xf32>,
      %gather3A_1042 = tpu.vector_load_idx %arg8[%broadcast_in_dim3A_1040, %min3A_576] : memref<64x512xf32, #tpu.memory_space<vmem>>[vector<16xi32>, vector<16xi32>], vector<16xf32>,
      %sub3A_1043 = arith.subf %gather3A_1042, %gather3A_1041 : vector<16xf32>
      %mul3A_1044 = arith.mulf %sub3A_1043, %sub3A_1043 : vector<16xf32>
      %mul3A_1045 = arith.mulf %select_n3A_589, %mul3A_1044 : vector<16xf32>
      %add3A_1046 = arith.addf %add3A_1014, %mul3A_1045 : vector<16xf32>
      %broadcast_in_dim3A_1047 = arith.constant 56 : i32
      %broadcast_in_dim3A_1048 = vector.broadcast %broadcast_in_dim3A_1047 : i32 to vector<16xi32>
      %gather3A_1049 = tpu.vector_load_idx %arg9[%broadcast_in_dim3A_1048, %min3A_598] : memref<64x64xf32, #tpu.memory_space<vmem>>[vector<16xi32>, vector<16xi32>], vector<16xf32>,
      %gather3A_1050 = tpu.vector_load_idx %arg8[%broadcast_in_dim3A_1048, %min3A_576] : memref<64x512xf32, #tpu.memory_space<vmem>>[vector<16xi32>, vector<16xi32>], vector<16xf32>,
      %sub3A_1051 = arith.subf %gather3A_1050, %gather3A_1049 : vector<16xf32>
      %mul3A_1052 = arith.mulf %sub3A_1051, %sub3A_1051 : vector<16xf32>
      %mul3A_1053 = arith.mulf %select_n3A_589, %mul3A_1052 : vector<16xf32>
      %add3A_1054 = arith.addf %add3A_1022, %mul3A_1053 : vector<16xf32>
      %broadcast_in_dim3A_1055 = arith.constant 57 : i32
      %broadcast_in_dim3A_1056 = vector.broadcast %broadcast_in_dim3A_1055 : i32 to vector<16xi32>
      %gather3A_1057 = tpu.vector_load_idx %arg9[%broadcast_in_dim3A_1056, %min3A_598] : memref<64x64xf32, #tpu.memory_space<vmem>>[vector<16xi32>, vector<16xi32>], vector<16xf32>,
      %gather3A_1058 = tpu.vector_load_idx %arg8[%broadcast_in_dim3A_1056, %min3A_576] : memref<64x512xf32, #tpu.memory_space<vmem>>[vector<16xi32>, vector<16xi32>], vector<16xf32>,
      %sub3A_1059 = arith.subf %gather3A_1058, %gather3A_1057 : vector<16xf32>
      %mul3A_1060 = arith.mulf %sub3A_1059, %sub3A_1059 : vector<16xf32>
      %mul3A_1061 = arith.mulf %select_n3A_589, %mul3A_1060 : vector<16xf32>
      %add3A_1062 = arith.addf %add3A_1030, %mul3A_1061 : vector<16xf32>
      %broadcast_in_dim3A_1063 = arith.constant 58 : i32
      %broadcast_in_dim3A_1064 = vector.broadcast %broadcast_in_dim3A_1063 : i32 to vector<16xi32>
      %gather3A_1065 = tpu.vector_load_idx %arg9[%broadcast_in_dim3A_1064, %min3A_598] : memref<64x64xf32, #tpu.memory_space<vmem>>[vector<16xi32>, vector<16xi32>], vector<16xf32>,
      %gather3A_1066 = tpu.vector_load_idx %arg8[%broadcast_in_dim3A_1064, %min3A_576] : memref<64x512xf32, #tpu.memory_space<vmem>>[vector<16xi32>, vector<16xi32>], vector<16xf32>,
      %sub3A_1067 = arith.subf %gather3A_1066, %gather3A_1065 : vector<16xf32>
      %mul3A_1068 = arith.mulf %sub3A_1067, %sub3A_1067 : vector<16xf32>
      %mul3A_1069 = arith.mulf %select_n3A_589, %mul3A_1068 : vector<16xf32>
      %add3A_1070 = arith.addf %add3A_1038, %mul3A_1069 : vector<16xf32>
      %broadcast_in_dim3A_1071 = arith.constant 59 : i32
      %broadcast_in_dim3A_1072 = vector.broadcast %broadcast_in_dim3A_1071 : i32 to vector<16xi32>
      %gather3A_1073 = tpu.vector_load_idx %arg9[%broadcast_in_dim3A_1072, %min3A_598] : memref<64x64xf32, #tpu.memory_space<vmem>>[vector<16xi32>, vector<16xi32>], vector<16xf32>,
      %gather3A_1074 = tpu.vector_load_idx %arg8[%broadcast_in_dim3A_1072, %min3A_576] : memref<64x512xf32, #tpu.memory_space<vmem>>[vector<16xi32>, vector<16xi32>], vector<16xf32>,
      %sub3A_1075 = arith.subf %gather3A_1074, %gather3A_1073 : vector<16xf32>
      %mul3A_1076 = arith.mulf %sub3A_1075, %sub3A_1075 : vector<16xf32>
      %mul3A_1077 = arith.mulf %select_n3A_589, %mul3A_1076 : vector<16xf32>
      %add3A_1078 = arith.addf %add3A_1046, %mul3A_1077 : vector<16xf32>
      %broadcast_in_dim3A_1079 = arith.constant 60 : i32
      %broadcast_in_dim3A_1080 = vector.broadcast %broadcast_in_dim3A_1079 : i32 to vector<16xi32>
      %gather3A_1081 = tpu.vector_load_idx %arg9[%broadcast_in_dim3A_1080, %min3A_598] : memref<64x64xf32, #tpu.memory_space<vmem>>[vector<16xi32>, vector<16xi32>], vector<16xf32>,
      %gather3A_1082 = tpu.vector_load_idx %arg8[%broadcast_in_dim3A_1080, %min3A_576] : memref<64x512xf32, #tpu.memory_space<vmem>>[vector<16xi32>, vector<16xi32>], vector<16xf32>,
      %sub3A_1083 = arith.subf %gather3A_1082, %gather3A_1081 : vector<16xf32>
      %mul3A_1084 = arith.mulf %sub3A_1083, %sub3A_1083 : vector<16xf32>
      %mul3A_1085 = arith.mulf %select_n3A_589, %mul3A_1084 : vector<16xf32>
      %add3A_1086 = arith.addf %add3A_1054, %mul3A_1085 : vector<16xf32>
      %broadcast_in_dim3A_1087 = arith.constant 61 : i32
      %broadcast_in_dim3A_1088 = vector.broadcast %broadcast_in_dim3A_1087 : i32 to vector<16xi32>
      %gather3A_1089 = tpu.vector_load_idx %arg9[%broadcast_in_dim3A_1088, %min3A_598] : memref<64x64xf32, #tpu.memory_space<vmem>>[vector<16xi32>, vector<16xi32>], vector<16xf32>,
      %gather3A_1090 = tpu.vector_load_idx %arg8[%broadcast_in_dim3A_1088, %min3A_576] : memref<64x512xf32, #tpu.memory_space<vmem>>[vector<16xi32>, vector<16xi32>], vector<16xf32>,
      %sub3A_1091 = arith.subf %gather3A_1090, %gather3A_1089 : vector<16xf32>
      %mul3A_1092 = arith.mulf %sub3A_1091, %sub3A_1091 : vector<16xf32>
      %mul3A_1093 = arith.mulf %select_n3A_589, %mul3A_1092 : vector<16xf32>
      %add3A_1094 = arith.addf %add3A_1062, %mul3A_1093 : vector<16xf32>
      %broadcast_in_dim3A_1095 = arith.constant 62 : i32
      %broadcast_in_dim3A_1096 = vector.broadcast %broadcast_in_dim3A_1095 : i32 to vector<16xi32>
      %gather3A_1097 = tpu.vector_load_idx %arg9[%broadcast_in_dim3A_1096, %min3A_598] : memref<64x64xf32, #tpu.memory_space<vmem>>[vector<16xi32>, vector<16xi32>], vector<16xf32>,
      %gather3A_1098 = tpu.vector_load_idx %arg8[%broadcast_in_dim3A_1096, %min3A_576] : memref<64x512xf32, #tpu.memory_space<vmem>>[vector<16xi32>, vector<16xi32>], vector<16xf32>,
      %sub3A_1099 = arith.subf %gather3A_1098, %gather3A_1097 : vector<16xf32>
      %mul3A_1100 = arith.mulf %sub3A_1099, %sub3A_1099 : vector<16xf32>
      %mul3A_1101 = arith.mulf %select_n3A_589, %mul3A_1100 : vector<16xf32>
      %add3A_1102 = arith.addf %add3A_1070, %mul3A_1101 : vector<16xf32>
      %broadcast_in_dim3A_1103 = arith.constant 63 : i32
      %broadcast_in_dim3A_1104 = vector.broadcast %broadcast_in_dim3A_1103 : i32 to vector<16xi32>
      %gather3A_1105 = tpu.vector_load_idx %arg9[%broadcast_in_dim3A_1104, %min3A_598] : memref<64x64xf32, #tpu.memory_space<vmem>>[vector<16xi32>, vector<16xi32>], vector<16xf32>,
      %gather3A_1106 = tpu.vector_load_idx %arg8[%broadcast_in_dim3A_1104, %min3A_576] : memref<64x512xf32, #tpu.memory_space<vmem>>[vector<16xi32>, vector<16xi32>], vector<16xf32>,
      %sub3A_1107 = arith.subf %gather3A_1106, %gather3A_1105 : vector<16xf32>
      %mul3A_1108 = arith.mulf %sub3A_1107, %sub3A_1107 : vector<16xf32>
      %mul3A_1109 = arith.mulf %select_n3A_589, %mul3A_1108 : vector<16xf32>
      %add3A_1110 = arith.addf %add3A_1078, %mul3A_1109 : vector<16xf32>
      %convert_element_type3A_1111 = arith.extui %and3A_584 : vector<16xi1> to vector<16xi32>
      %reduce_sum3A_1112 = arith.constant true
      %reduce_sum3A_1113 = vector.broadcast %reduce_sum3A_1112 : i1 to vector<16xi1>
      %reduce_sum3A_1114 = tpu.scan <sum>, %convert_element_type3A_1111 masked %reduce_sum3A_1113 : vector<16xi32>, vector<16xi1> -> vector<16xi32>
      %reduce_sum3A_1115 = vector.extract %reduce_sum3A_1114[15] : i32 from vector<16xi32>
      %add3A_1116 = arith.addi %add3A_569, %reduce_sum3A_1115 : i32
      %add3A_1117 = arith.addi %while3A_25, %add3A_1116 : i32
      scf.yield %add3A_1117, %add3A_1086, %add3A_1094, %add3A_1102, %add3A_1110 : i32, vector<16xf32>, vector<16xf32>, vector<16xf32>, vector<16xf32>
    }
    %add3A_21 = arith.addf %while3A_20#1, %while3A_20#2 : vector<16xf32>
    %add3A_22 = arith.addf %while3A_20#3, %while3A_20#4 : vector<16xf32>
    %add3A_23 = arith.addf %add3A_21, %add3A_22 : vector<16xf32>
    %swap3A = arith.constant 0 : index
    %swap3A_24 = tpu.vector_load %arg10[%swap3A] {strides = array<i32>} : memref<16xf32, #tpu.memory_space<vmem>>, vector<16xf32>,
    tpu.vector_store %arg10[%swap3A], %add3A_23 {strides = array<i32>} : memref<16xf32, #tpu.memory_space<vmem>>, vector<16xf32>,
    "tpu.region"() ({
      %run_scoped3A = tpu.sem_alloc : memref<!tpu.dma_semaphore, #tpu.memory_space<semaphore_mem>>
      %dma_start3A = tpu.memref_slice %arg5[%multiple_of3A_5] : memref<512xf32, #tpu.memory_space<hbm>> -> memref<16xf32, #tpu.memory_space<hbm>>
      %dma_start3A_25 = tpu.memref_slice %arg5[%multiple_of3A_5] : memref<512xf32, #tpu.memory_space<hbm>> -> memref<16xf32, #tpu.memory_space<hbm>>
      tpu.enqueue_dma source(%arg10 : memref<16xf32, #tpu.memory_space<vmem>>) target(%dma_start3A_25 : memref<16xf32, #tpu.memory_space<hbm>>) target_semaphore(%run_scoped3A : memref<!tpu.dma_semaphore, #tpu.memory_space<semaphore_mem>>)
      %dma_wait3A = tpu.memref_slice %arg5[%multiple_of3A_5] : memref<512xf32, #tpu.memory_space<hbm>> -> memref<16xf32, #tpu.memory_space<hbm>>
      %dma_wait3A_26 = tpu.memref_slice %arg5[%multiple_of3A_5] : memref<512xf32, #tpu.memory_space<hbm>> -> memref<16xf32, #tpu.memory_space<hbm>>
      tpu.wait_dma2 semaphore(%run_scoped3A : memref<!tpu.dma_semaphore, #tpu.memory_space<semaphore_mem>>) src(%arg10 : memref<16xf32, #tpu.memory_space<vmem>>) dst(%dma_wait3A_26 : memref<16xf32, #tpu.memory_space<hbm>>)
      tpu.yield
    }) : () -> ()
    return
  }
}

</mosaic_0001>

<sc_bundles>
// kernel: gather_offload_async_start
scs
__scs_entry_jumppad:
0x0: {  	(pc) =	sbr.rel $0x88, $3  }
0x1: {  	(tag) =	ssettag $0x0;
	lr =	simm.s32 $0x1  }
0x2: {  	[smem:$0x3F9E] =	sst lr;
	_ =	strace $0xD0000000  }
0x3: {  	_ = 	snop  }
0x4: {  	_ = 	snop  }
0x5: {  	_ = 	snop  }
0x6: {  	_ = 	snop  }
0x7: {  	_ = 	snop  }
__scs_overlays_trampoline_lowered:
0x8: {  	[smem:$0x3FAD] =	sst s0  }
0x9: {  	[smem:$0x3FAE] =	sst s1  }
0xa: {  	[smem:$0x3FAF] =	sst s2  }
0xb: {  	[smem:$0x3FB0] =	sst s3  }
0xc: {  	[smem:$0x3FB1] =	sst s4  }
0xd: {  	[smem:$0x3FB2] =	sst s5  }
0xe: {  	[smem:$0x3FB3] =	sst s6  }
0xf: {  	[smem:$0x3FB4] =	sst s7  }
0x10: {  	[smem:$0x3FB5] =	sst s8  }
0x11: {  	[smem:$0x3FB6] =	sst s9;
	s0 =	simm.s32 @!p0 $0x0  }
0x12: {  	s1 =	sld [smem:$0x3F9C];
	s0 =	simm.s32 @p0 $0x1  }
0x13: {  	[smem:$0x3FB7] =	sst s0;
	s0 =	simm.s32 @!p1 $0x0  }
0x14: {  	s2 =	sld [smem:$0x3F9B];
	s0 =	simm.s32 @p1 $0x1  }
0x15: {  	[smem:$0x3FB8] =	sst s0;
	s0 =	simm.s32 @!p2 $0x0  }
0x16: {  	s3 =	sld [smem:$0x3FDB];
	s0 =	simm.s32 @p2 $0x1  }
0x17: {  	s4 =	simm.s32 $0x1BF5;
	[smem:$0x3FBA] =	sst s0  }
0x18: {  	s0 =	sld [smem:$0x3F9D];
	_ =	swait.ge [sflag:s4], $0x0  }
0x19: {  	s7 =	sld [smem:$0x3F9E]  }
0x1a: {  	s8 =	sadd.s32 $0xFFFFE003, lr  }
0x1b: {  	s9 =	sadd.s32 $0xFFFFFEF7, lr;
	s5 =	simm.s32 $0xFFFFFFFF;
	p2 =	slt.u32 s8, $0xFFFFF086  }
0x1c: {  	p1 =	slt.u32 s9, $0xF7A;
	s5 =	simm.s32 @!p2 $0x0  }
0x1d: {  	s5 =	simm.s32 @p1 $0x1;
	p0 =	seq.s32 s7, s2  }
0x1e: {  	s7 =	smul.u32 @!p0 $0xF7A, s2;
	p2 =	seq.s32 @!p0 s5, $0x0  }
0x1f: {  	s9 =	smul.u32 $0xF7A, s1;
	s8 =	simm.s32 @!p0 $0x1BF5;
	p2 =	por !p2, p0  }
0x20: {  	[sflag:s8] =	ssyncset.s32 @!p0 $0xFFFFF086;
	s6 =	sadd.s32 @!p0 s3, s7;
	s7 =	simm.s32 @!p0 $0x108  }
0x21: {  	s3 =	sadd.s32 s3, s9;
	s6 =	sadd.s32 @!p0 $0x88, s6;
	s7 =	simm.s32 @p2 $0x1082  }
0x22: {  	[simem:s7], [sflag:s8] =	dma.local @!p0 [hbm:s6], $0xF7A  }
0x23: {  	s9 =	sor.u32 $0xD0000000, s2;
	s6 =	simm.s32 $0x108;
	_ =	swait.ge @!p0 [sflag:s8], $0x0  }
0x24: {  	s3 =	sadd.s32 $0x88, s3;
	s6 =	simm.s32 @!p1 $0x1082;
	[sflag:s4] =	ssyncset.s32 $0xFFFFF086  }
0x25: {  	[simem:s6], [sflag:s4] =	dma.local [hbm:s3], $0xF7A  }
0x26: {  	[smem:$0x3F9E] =	sst s1;
	(tag) =	ssettag s2;
	_ =	strace s9  }
0x27: {  	s1 =	sld [smem:$0x3FAE]  }
0x28: {  	s2 =	sld [smem:$0x3FAF]  }
0x29: {  	s4 =	sld [smem:$0x3FB1]  }
0x2a: {  	p0 =	seq.s32 s5, $0x0;
	s5 =	sld [smem:$0x3FB2]  }
0x2b: {  	s6 =	sld [smem:$0x3FB3]  }
0x2c: {  	s7 =	sld [smem:$0x3FB4]  }
0x2d: {  	s3 =	simm.s32 $0x108;
	s8 =	sld [smem:$0x3FB5]  }
0x2e: {  	s3 =	simm.s32 @!p0 $0x1082;
	s9 =	sld [smem:$0x3FB6]  }
0x2f: {  	lr =	sadd.s32 s0, s3;
	s0 =	sld [smem:$0x3FAD]  }
0x30: {  	s3 =	sld [smem:$0x3FB0]  }
0x31: {  	[smem:$0x3FB9] =	sst s10  }
0x32: {  	s10 =	sld [smem:$0x3FB7];
	_ =	sdelay $0x3  }
0x33: {  	p0 =	seq.s32 s10, $0x1;
	s10 =	sld [smem:$0x3FB9];
	_ =	sdelay $0x3  }
0x34: {  	[smem:$0x3FB9] =	sst s10  }
0x35: {  	s10 =	sld [smem:$0x3FB8];
	_ =	sdelay $0x3  }
0x36: {  	p1 =	seq.s32 s10, $0x1;
	s10 =	sld [smem:$0x3FB9];
	_ =	sdelay $0x3  }
0x37: {  	[smem:$0x3FB9] =	sst s10  }
0x38: {  	s10 =	sld [smem:$0x3FBA]  }
0x39: {  	_ = 	snop;
	(pc) =	sbr.ind lr, $3  }
0x3a: {  	_ = 	snop  }
0x3b: {  	_ = 	snop  }
0x3c: {  	p2 =	seq.s32 s10, $0x1;
	s10 =	sld [smem:$0x3FB9]  }
0x3d: {  	_ =	shalt  }
0x3e: {  	_ =	shalt  }
0x3f: {  	_ =	shalt  }
0x40: {  	_ =	shalt  }
0x41: {  	_ =	shalt  }
0x42: {  	_ =	shalt  }
0x43: {  	_ =	shalt  }
0x44: {  	_ =	shalt  }
0x45: {  	_ =	shalt  }
0x46: {  	_ =	shalt  }
0x47: {  	_ =	shalt  }
0x48: {  	_ =	shalt  }
0x49: {  	_ =	shalt  }
0x4a: {  	_ =	shalt  }
0x4b: {  	_ =	shalt  }
0x4c: {  	_ =	shalt  }
0x4d: {  	_ =	shalt  }
0x4e: {  	_ =	shalt  }
0x4f: {  	_ =	shalt  }
0x50: {  	_ =	shalt  }
0x51: {  	_ =	shalt  }
0x52: {  	_ =	shalt  }
0x53: {  	_ =	shalt  }
0x54: {  	_ =	shalt  }
0x55: {  	_ =	shalt  }
0x56: {  	_ =	shalt  }
0x57: {  	_ =	shalt  }
0x58: {  	_ =	shalt  }
0x59: {  	_ =	shalt  }
0x5a: {  	_ =	shalt  }
0x5b: {  	_ =	shalt  }
0x5c: {  	_ =	shalt  }
0x5d: {  	_ =	shalt  }
0x5e: {  	_ =	shalt  }
0x5f: {  	_ =	shalt  }
0x60: {  	_ =	shalt  }
0x61: {  	_ =	shalt  }
0x62: {  	_ =	shalt  }
0x63: {  	_ =	shalt  }
0x64: {  	_ =	shalt  }
0x65: {  	_ =	shalt  }
0x66: {  	_ =	shalt  }
0x67: {  	_ =	shalt  }
0x68: {  	_ =	shalt  }
0x69: {  	_ =	shalt  }
0x6a: {  	_ =	shalt  }
0x6b: {  	_ =	shalt  }
0x6c: {  	_ =	shalt  }
0x6d: {  	_ =	shalt  }
0x6e: {  	_ =	shalt  }
0x6f: {  	_ =	shalt  }
0x70: {  	_ =	shalt  }
0x71: {  	_ =	shalt  }
0x72: {  	_ =	shalt  }
0x73: {  	_ =	shalt  }
0x74: {  	_ =	shalt  }
0x75: {  	_ =	shalt  }
0x76: {  	_ =	shalt  }
0x77: {  	_ =	shalt  }
0x78: {  	_ =	shalt  }
0x79: {  	_ =	shalt  }
0x7a: {  	_ =	shalt  }
0x7b: {  	_ =	shalt  }
0x7c: {  	_ =	shalt  }
0x7d: {  	_ =	shalt  }
0x7e: {  	_ =	shalt  }
0x7f: {  	_ =	shalt  }
0x80: {  	_ =	shalt  }
0x81: {  	_ =	shalt  }
0x82: {  	_ =	shalt  }
0x83: {  	_ =	shalt  }
0x84: {  	_ =	shalt  }
0x85: {  	_ =	shalt  }
0x86: {  	_ =	shalt  }
0x87: {  	_ =	shalt  }
.Lfunc_end0:
.L_simem_size_0:
called_computation_lowered:
.L_overlay_start_0:
0x88: {  	s2 =	sld [smem:$0x3FD9]  }
0x89: {  	s3 =	sld [smem:$0x3FFE];
	_ =	sdelay $0x1  }
0x8a: {  	s1 =	srdreg.scid  }
0x8b: {  	s0 =	sand.u32 $0x1, s1  }
0x8c: {  	s16 =	sshll.u32 s0, $0xA;
	s2 =	sadd.s32 s3, s2  }
0x8d: {  	s2 =	sadd.s32 s2, s16  }
0x8e: {  	[smem:$0x3FC5] =	sst s2  }
0x8f: {  	_ = 	snop  }
0x90: {  	(tm) =	ssettm $0x1  }
0x91: {  	s17 =	sld [smem:$0x3FFB];
	_ =	sdelay $0x3  }
0x92: {  	_ =	strace s17  }
0x93: {  	s2 =	sld [smem:$0x3FFC];
	_ =	sdelay $0x3  }
0x94: {  	_ =	strace s2  }
0x95: {  	s2 =	sld [smem:$0x3FFD];
	_ =	sdelay $0x3  }
0x96: {  	_ =	strace s2  }
0x97: {  	_ =	strace $0x8FFFFFFF  }
0x98: {  	s18 =	sld [smem:$0x3FDB];
	_ =	sdelay $0x1  }
0x99: {  	s19 =	simm.s32 $_scs_section_size  }
0x9a: {  	s4 =	simm.s32 $_size__tile_overlayer_lowered;
	s5 =	simm.s32 $_tile_overlayer_lowered  }
0x9b: {  	s22 =	simm.s32 $0x1BFF;
	s21 =	sshll.u32 s5, $0x1;
	s2 =	sadd.s32 s19, s18  }
0x9c: {  	s6 =	simm.s32 $0x0;
	s20 =	sshll.u32 s4, $0x1;
	s4 =	sadd.s32 s21, s2  }
0x9d: {  	[timem:s6], [sflag:s22] =	dma.local [hbm:s4], s20  }
0x9e: {  	_ =	swait.ge [sflag:s22], s20  }
0x9f: {  	s3 =	ssub.s32 $0x0, s20;
	[sflag:s22] =	ssyncset.done $0x0  }
0xa0: {  	[sflag:s22] =	ssyncadd.s32 s3;
	_ =	sdelay $0x1  }
0xa1: {  	s23 =	simm.s32 $0x1B8B  }
0xa2: {  	_ =	swait.ge [sflag:s23], $0x1  }
0xa3: {  	[sflag:s23] =	ssyncset.done $0x0  }
0xa4: {  	s25 =	simm.s32 $0x1B8E;
	s24 =	sld [smem:$0x3FFE];
	[sflag:s23] =	ssyncadd.s32 $0xFFFFFFFF  }
0xa5: {  	s26 =	simm.s32 $execute0_lowered;
	[smem:$0x3FD2] =	sst s25  }
0xa6: {  	s4 =	sshll.u32 s26, $0x1;
	_ =	strace $0x80000046;
	[dreg:$0x1] =	wrdreg $0xFFFFFFFF  }
0xa7: {  	s28 =	simm.s32 $_size_execute0_lowered;
	s2 =	sadd.s32 s2, s4;
	[dreg:$0x0] =	wrdreg $0x0  }
0xa8: {  	s4 =	sshll.u32 s28, $0x1;
	[dreg:$0x2] =	wrdreg s2  }
0xa9: {  	[dreg:$0x3] =	wrdreg s4  }
0xaa: {  	[dreg:$0x4] =	wrdreg $0xC0  }
0xab: {  	_ =	task [dreg:s6], $0x5FFFF  }
0xac: {  	[dreg:$0x1] =	wrdreg $0xFFFFFFFF  }
0xad: {  	[dreg:$0x0] =	wrdreg $0x60  }
0xae: {  	[dreg:$0x2] =	wrdreg s24  }
0xaf: {  	[dreg:$0x3] =	wrdreg $0x9  }
0xb0: {  	_ =	task.clear_ibuf [dreg:s6], $0x4FFFF;
	_ =	strace $0x90000046  }
0xb1: {  	s29 =	simm.s32 $0x9;
	_ =	strace $0x80000048  }
0xb2: {  	_ =	swait.ge [sflag:s29], $0x1  }
0xb3: {  	[sflag:s29] =	ssyncadd.s32 $0xFFFFFFFF  }
0xb4: {  	_ =	strace $0x90000048  }
0xb5: {  	_ =	sfence  }
0xb6: {  	s30 =	sld [smem:$0x0];
	_ =	sdelay $0x2  }
0xb7: {  	s31 =	sshll.u32 s1, $0xD;
	s1 =	sshrl.u32 s1, $0x2  }
0xb8: {  	s3 =	sand.u32 $0x4000, s31;
	s1 =	sadd.s32 s1, s30  }
0xb9: {  	s0 =	sor.u32 s3, s0;
	s1 =	sshll.u32 s1, $0x11  }
0xba: {  	s0 =	sor.u32 s1, s0  }
0xbb: {  	s0 =	sadd.s32 $0x8F2B, s0  }
0xbc: {  	[sflag:s0] =	ssyncadd.remote.s32 $0x1  }
0xbd: {  	_ =	sfence.sel $0xFFFF  }
0xbe: {  	[dreg:$0x0] =	wrdreg $0xFFFFFFFF;
	(pc) =	sbr.abs _section_cstart, $3  }
0xbf: {  	[dreg:$0x1] =	wrdreg $0xFFFFFFFF  }
0xc0: {  	_ =	task.clear_ibuf [dreg:s6], $0x2FFFF;
	_ =	strace $0x9FFFFFFF  }
0xc1: {  	(tm) =	ssettm $0x7FFFFFFF  }
tec
execute0_lowered:
.L_overlay_start_1:
0x0: {  	(tag) =	ssettag $0x1  }
0x1: {  	s7 =	rddreg [dreg:$0x0]  }
0x2: {  	s0 =	rddreg [dreg:$0x1];
	_ =	strace $0x80000047  }
0x3: {  	s1 =	srdreg.scid;
	s4 =	simm.s32 $0x1;
	s9 =	simm.s32 $0x3  }
0x4: {  	s11 =	simm.s32 $0x0;
	p0 =	por $0x0, $0x0;
	s5 =	sshll.u32 s1, $0x4  }
.Ltmp0:
0x5: {  	s1 =	stileid.u32;
	s5 =	sand.u32 $0x10, s5;
	(pc) =	sbr.rel .LBB2_1-.Ltmp0, $4  }
0x6: {  	s2 =	sadd.s32 $0x1000, s7;
	s3 =	sadd.s32 $0x800, s7;
	s6 =	sor.u32 s1, s5  }
0x7: {  	[sflag:s4] =	ssyncpa.u1 $0x0;
	s5 =	simm.s32 $0x2;
	s6 =	sshll.u32 s6, $0x9  }
0x8: {  	s7 =	sadd.s32 $0x41000, s7;
	[sflag:s5] =	ssyncpa.u1 $0x0;
	s8 =	sadd.s32 $0x200, s6  }
0x9: {  	vm0 =	vmmov $0xff;
	vm1 =	vcmask $0x3F20;
	[sflag:s9] =	ssyncpa.u1 $0x0;
	s10 =	smov.u32 s6;
	s9 =	simm.s32 $0x0  }
.LBB2_7:
0xa: {  	p1 =	slt.u32 s9, $0x2;
	s11 =	sadd.s32 $0x100, s10  }
0xb: {  	s13 =	smov.u32 s6;
	s9 =	sadd.s32 $0x1, s9;
	p2 =	slt.s32 s11, s8  }
0xc: {  	s13 =	smov.u32 @p2 s11;
	p2 =	sne.s32 s9, $0x4  }
.Ltmp1:
0xd: {  	_ = 	snop;
	(pc) =	sbr.rel @!p2 .LBB2_8-.Ltmp1, $4  }
0xe: {  	s12 =	simm.s32 @!p1 $0x3  }
0xf: {  	_ =	swait.ge @!p1 [sflag:s12], $0x8000  }
0x10: {  	p0 =	por !p0, !p0;
	[sflag:s12] =	ssyncset.done @!p1 $0x0  }
0x11: {  	s11 =	smov.u32 s10;
	s10 =	smov.u32 s13;
	[sflag:s12] =	ssyncadd.s32 @!p1 $0xFFFF8000  }
.LBB2_1:
0x12: {  	p1 =	sgt.u32 s9, $0x1  }
0x13: {  	s12 =	sshll.u32 @!p1 s9, $0x8;
	s13 =	sshrl.u32 @!p1 s10, $0x3  }
0x14: {  	s14 =	sand.u32 @!p1 $0x7, s10;
	s12 =	sxor.u32 @!p1 $0x100, s12;
	s13 =	sadd.s32 @!p1 s3, s13  }
0x15: {  	[tilespmem:s12], [sflag:$0x2] =	stream.linear.gather @!p1 [hbm4b:s13+s14], $0x100, $0x38;
	[tilespmem:$0x10200] =	vst v63  }
0x16: {  	p1 =	seq.s32 s9, $0x0  }
0x17: {  	p2 =	seq.s32 @!p1 s9, $0x3  }
0x18: {  	p1 =	por p1, p2  }
.Ltmp2:
0x19: {  	_ = 	snop;
	(pc) =	sbr.rel @p1 .LBB2_7-.Ltmp2, $1  }
0x1a: {  	_ =	sdelay $0x3  }
0x1b: {  	s12 =	simm.s32 $0x1  }
0x1c: {  	_ =	swait.ge [sflag:s5], $0x100;
	s12 =	simm.s32 @!p0 $0x0  }
0x1d: {  	[sflag:s5] =	ssyncset.done $0x0;
	s14 =	sshll.u32 s12, $0x8  }
0x1e: {  	[sflag:s5] =	ssyncadd.s32 $0xFFFFFF00;
	s13 =	sadd.s32 $0x0, s14  }
0x1f: {  	v0 =	vld.msk [tilespmem:s13+$0x0 ss:$0x1], $0xffff;
	_ =	sdelay $0x4  }
0x20: {  	vm2 =	vgt.s32 v0, $0x0  }
0x21: {  	v0 =	vnsel vm2, $0x0, v0  }
0x22: {  	v0 =	vmin.u32 v0, $0x3FFF  }
0x23: {  	v0 =	vshll.u32 v0, $0x4;
	_ =	sdelay $0x2  }
0x24: {  	s12 =	sshll.u32 s12, $0xF  }
0x25: {  	s12 =	sor.u32 $0x200, s12  }
0x26: {  	[tilespmem:s12], [sflag:$0x1] =	stream.indirect_vreg.gather [hbm:s2], $0x80, v0, vm0, $0x38;
	[tilespmem:$0x10200] =	vst v63  }
0x27: {  	s15 =	sadd.s32 $0x10, s14;
	s13 =	sadd.s32 $0x400, s12  }
0x28: {  	[tilespmem:s13], [sflag:$0x1] =	stream.indirect_vreg.gather [hbm:s2], $0x80, v0, vm1, $0x38;
	[tilespmem:$0x10200] =	vst v63  }
0x29: {  	s16 =	simm.s32 $0x80;
	v0 =	vld.msk [tilespmem:s15+$0x0 ss:$0x1], $0xffff;
	s15 =	smov.u32 s12  }
.LBB2_3:
0x2a: {  	p1 =	sne.s32 s16, $0x3C0;
	_ =	sdelay $0x4  }
0x2b: {  	vm2 =	vgt.s32 v0, $0x0  }
0x2c: {  	v0 =	vnsel vm2, $0x0, v0  }
0x2d: {  	v0 =	vmin.u32 v0, $0x3FFF  }
0x2e: {  	v0 =	vshll.u32 v0, $0x4;
	_ =	sdelay $0x3  }
.Ltmp3:
0x2f: {  	s17 =	sshra.s32 s16, $0x2;
	s15 =	sadd.s32 $0x800, s15;
	(pc) =	sbr.rel @p1 .LBB2_3-.Ltmp3, $4  }
0x30: {  	[tilespmem:s15], [sflag:$0x1] =	stream.indirect_vreg.gather [hbm:s2], $0x80, v0, vm0, $0x38;
	[tilespmem:$0x10200] =	vst v63  }
0x31: {  	s17 =	sadd.s32 s17, s14;
	s18 =	sadd.s32 $0x400, s15  }
0x32: {  	[tilespmem:s18], [sflag:$0x1] =	stream.indirect_vreg.gather [hbm:s2], $0x80, v0, vm1, $0x38;
	[tilespmem:$0x10200] =	vst v63  }
0x33: {  	s16 =	sadd.s32 $0x40, s16;
	v0 =	vld.msk [tilespmem:s17+$0x0 ss:$0x1], $0xffff  }
0x34: {  	_ =	sdelay $0x3  }
0x35: {  	vm2 =	vgt.s32 v0, $0x0  }
0x36: {  	v0 =	vnsel vm2, $0x0, v0  }
0x37: {  	v0 =	vmin.u32 v0, $0x3FFF  }
0x38: {  	v0 =	vshll.u32 v0, $0x4;
	_ =	sdelay $0x3  }
0x39: {  	s14 =	sadd.s32 $0x800, s15  }
0x3a: {  	[tilespmem:s14], [sflag:$0x1] =	stream.indirect_vreg.gather [hbm:s2], $0x80, v0, vm0, $0x38;
	[tilespmem:$0x10200] =	vst v63  }
0x3b: {  	s14 =	sadd.s32 $0x400, s14  }
0x3c: {  	[tilespmem:s14], [sflag:$0x1] =	stream.indirect_vreg.gather [hbm:s2], $0x80, v0, vm1, $0x38;
	[tilespmem:$0x10200] =	vst v63  }
0x3d: {  	s11 =	sshll.u32 s11, $0x4;
	_ =	swait.ge [sflag:s4], $0x8000  }
0x3e: {  	s11 =	sadd.s32 s11, s7;
	[sflag:s4] =	ssyncset.done $0x0  }
0x3f: {  	s15 =	sadd.s32 $0x0, s11;
	s14 =	simm.s32 $0x80;
	[sflag:s4] =	ssyncadd.s32 $0xFFFF8000  }
.LBB2_5:
0x40: {  	[hbm:s15] =	stream.linear.scatter [tilespmem:s12], [sflag:$0x3], $0x400, $0x38;
	[tilespmem:$0x10200] =	vst v63  }
0x41: {  	s15 =	smov.u32 s14;
	s12 =	smov.u32 s13;
	p1 =	sne.s32 s14, $0xF80  }
.Ltmp4:
0x42: {  	s14 =	sadd.s32 $0x80, s14;
	(pc) =	sbr.rel @p1 .LBB2_5-.Ltmp4, $2  }
0x43: {  	_ =	sdelay $0x2  }
0x44: {  	s13 =	sadd.s32 $0x400, s13;
	s15 =	sadd.s32 s15, s11  }
.Ltmp5:
0x45: {  	(pc) =	sbr.rel .LBB2_7-.Ltmp5, $2  }
0x46: {  	_ =	sdelay $0x2  }
0x47: {  	[hbm:s15] =	stream.linear.scatter [tilespmem:s12], [sflag:$0x3], $0x400, $0x38;
	[tilespmem:$0x10200] =	vst v63  }
.LBB2_8:
0x48: {  	_ =	sfence.sel $0x180000  }
0x49: {  	s2 =	simm.s32 $0x2;
	[bflag:$0x0] =	sbarrier.arrive $0xFFFF  }
0x4a: {  	s30 =	simm.s32 $0x3;
	[sflag:s2] =	ssyncpa.u1 $0x1  }
0x4b: {  	s31 =	simm.s32 $0x1;
	[sflag:s30] =	ssyncpa.u1 $0x1  }
0x4c: {  	[sflag:s31] =	ssyncpa.u1 $0x1  }
0x4d: {  	p0 =	sne.s32 s1, $0x0;
	_ =	strace $0x90000047  }
0x4e: {  	s0 =	sadd.s32 @!p0 $0x100000, s0;
	[bflag:$0x2] =	sbarrier.arrive $0xFFFF  }
0x4f: {  	[sflag:s0] =	ssyncadd.tile.s32 @!p0 $0x1;
	_ =	shalt  }
.Lfunc_end2:
_tile_overlayer_lowered:
.L_overlay_start_2:
0x50: {  	(tag) =	ssettag $0x2  }
0x51: {  	s0 =	rddreg [dreg:$0x0];
	s2 =	stileid.u32  }
0x52: {  	s1 =	rddreg [dreg:$0x1];
	p0 =	sne.s32 s2, $0x0  }
0x53: {  	s3 =	rddreg [dreg:$0x2];
	[bflag:$0x3] =	sbarrier.arrive $0xFFFF;
	s2 =	simm.s32 @!p0 $0x1C01  }
0x54: {  	[timem:s3], [sflag:s2] =	dma.local @!p0 [hbm:s0], s1  }
0x55: {  	s0 =	simm.s32 @!p0 $0x1  }
0x56: {  	_ =	swait.ge @!p0 [sflag:s0], s1  }
0x57: {  	s1 =	ssub.s32 @!p0 $0x0, s1;
	[sflag:s0] =	ssyncset.done @!p0 $0x0  }
0x58: {  	[sflag:s0] =	ssyncadd.s32 @!p0 s1  }
0x59: {  	[bflag:$0x3] =	sbarrier.arrive $0xFFFF  }
0x5a: {  	_ =	shalt  }

// kernel: kernel.3.cloned.1.call-start
scs
__scs_entry_jumppad:
0x0: {  	(pc) =	sbr.rel $0x88, $3  }
0x1: {  	(tag) =	ssettag $0x0;
	lr =	simm.s32 $0x1  }
0x2: {  	[smem:$0x3F9E] =	sst lr;
	_ =	strace $0xD0000000  }
0x3: {  	_ = 	snop  }
0x4: {  	_ = 	snop  }
0x5: {  	_ = 	snop  }
0x6: {  	_ = 	snop  }
0x7: {  	_ = 	snop  }
__scs_overlays_trampoline_lowered:
0x8: {  	[smem:$0x3FAD] =	sst s0  }
0x9: {  	[smem:$0x3FAE] =	sst s1  }
0xa: {  	[smem:$0x3FAF] =	sst s2  }
0xb: {  	[smem:$0x3FB0] =	sst s3  }
0xc: {  	[smem:$0x3FB1] =	sst s4  }
0xd: {  	[smem:$0x3FB2] =	sst s5  }
0xe: {  	[smem:$0x3FB3] =	sst s6  }
0xf: {  	[smem:$0x3FB4] =	sst s7  }
0x10: {  	[smem:$0x3FB5] =	sst s8  }
0x11: {  	[smem:$0x3FB6] =	sst s9;
	s0 =	simm.s32 @!p0 $0x0  }
0x12: {  	s1 =	sld [smem:$0x3F9C];
	s0 =	simm.s32 @p0 $0x1  }
0x13: {  	[smem:$0x3FB7] =	sst s0;
	s0 =	simm.s32 @!p1 $0x0  }
0x14: {  	s2 =	sld [smem:$0x3F9B];
	s0 =	simm.s32 @p1 $0x1  }
0x15: {  	[smem:$0x3FB8] =	sst s0;
	s0 =	simm.s32 @!p2 $0x0  }
0x16: {  	s3 =	sld [smem:$0x3FDB];
	s0 =	simm.s32 @p2 $0x1  }
0x17: {  	s4 =	simm.s32 $0x1BF5;
	[smem:$0x3FBA] =	sst s0  }
0x18: {  	s0 =	sld [smem:$0x3F9D];
	_ =	swait.ge [sflag:s4], $0x0  }
0x19: {  	s7 =	sld [smem:$0x3F9E]  }
0x1a: {  	s8 =	sadd.s32 $0xFFFFE003, lr  }
0x1b: {  	s9 =	sadd.s32 $0xFFFFFEF7, lr;
	s5 =	simm.s32 $0xFFFFFFFF;
	p2 =	slt.u32 s8, $0xFFFFF086  }
0x1c: {  	p1 =	slt.u32 s9, $0xF7A;
	s5 =	simm.s32 @!p2 $0x0  }
0x1d: {  	s5 =	simm.s32 @p1 $0x1;
	p0 =	seq.s32 s7, s2  }
0x1e: {  	s7 =	smul.u32 @!p0 $0xF7A, s2;
	p2 =	seq.s32 @!p0 s5, $0x0  }
0x1f: {  	s9 =	smul.u32 $0xF7A, s1;
	s8 =	simm.s32 @!p0 $0x1BF5;
	p2 =	por !p2, p0  }
0x20: {  	[sflag:s8] =	ssyncset.s32 @!p0 $0xFFFFF086;
	s6 =	sadd.s32 @!p0 s3, s7;
	s7 =	simm.s32 @!p0 $0x108  }
0x21: {  	s3 =	sadd.s32 s3, s9;
	s6 =	sadd.s32 @!p0 $0x88, s6;
	s7 =	simm.s32 @p2 $0x1082  }
0x22: {  	[simem:s7], [sflag:s8] =	dma.local @!p0 [hbm:s6], $0xF7A  }
0x23: {  	s9 =	sor.u32 $0xD0000000, s2;
	s6 =	simm.s32 $0x108;
	_ =	swait.ge @!p0 [sflag:s8], $0x0  }
0x24: {  	s3 =	sadd.s32 $0x88, s3;
	s6 =	simm.s32 @!p1 $0x1082;
	[sflag:s4] =	ssyncset.s32 $0xFFFFF086  }
0x25: {  	[simem:s6], [sflag:s4] =	dma.local [hbm:s3], $0xF7A  }
0x26: {  	[smem:$0x3F9E] =	sst s1;
	(tag) =	ssettag s2;
	_ =	strace s9  }
0x27: {  	s1 =	sld [smem:$0x3FAE]  }
0x28: {  	s2 =	sld [smem:$0x3FAF]  }
0x29: {  	s4 =	sld [smem:$0x3FB1]  }
0x2a: {  	p0 =	seq.s32 s5, $0x0;
	s5 =	sld [smem:$0x3FB2]  }
0x2b: {  	s6 =	sld [smem:$0x3FB3]  }
0x2c: {  	s7 =	sld [smem:$0x3FB4]  }
0x2d: {  	s3 =	simm.s32 $0x108;
	s8 =	sld [smem:$0x3FB5]  }
0x2e: {  	s3 =	simm.s32 @!p0 $0x1082;
	s9 =	sld [smem:$0x3FB6]  }
0x2f: {  	lr =	sadd.s32 s0, s3;
	s0 =	sld [smem:$0x3FAD]  }
0x30: {  	s3 =	sld [smem:$0x3FB0]  }
0x31: {  	[smem:$0x3FB9] =	sst s10  }
0x32: {  	s10 =	sld [smem:$0x3FB7];
	_ =	sdelay $0x3  }
0x33: {  	p0 =	seq.s32 s10, $0x1;
	s10 =	sld [smem:$0x3FB9];
	_ =	sdelay $0x3  }
0x34: {  	[smem:$0x3FB9] =	sst s10  }
0x35: {  	s10 =	sld [smem:$0x3FB8];
	_ =	sdelay $0x3  }
0x36: {  	p1 =	seq.s32 s10, $0x1;
	s10 =	sld [smem:$0x3FB9];
	_ =	sdelay $0x3  }
0x37: {  	[smem:$0x3FB9] =	sst s10  }
0x38: {  	s10 =	sld [smem:$0x3FBA]  }
0x39: {  	_ = 	snop;
	(pc) =	sbr.ind lr, $3  }
0x3a: {  	_ = 	snop  }
0x3b: {  	_ = 	snop  }
0x3c: {  	p2 =	seq.s32 s10, $0x1;
	s10 =	sld [smem:$0x3FB9]  }
0x3d: {  	_ =	shalt  }
0x3e: {  	_ =	shalt  }
0x3f: {  	_ =	shalt  }
0x40: {  	_ =	shalt  }
0x41: {  	_ =	shalt  }
0x42: {  	_ =	shalt  }
0x43: {  	_ =	shalt  }
0x44: {  	_ =	shalt  }
0x45: {  	_ =	shalt  }
0x46: {  	_ =	shalt  }
0x47: {  	_ =	shalt  }
0x48: {  	_ =	shalt  }
0x49: {  	_ =	shalt  }
0x4a: {  	_ =	shalt  }
0x4b: {  	_ =	shalt  }
0x4c: {  	_ =	shalt  }
0x4d: {  	_ =	shalt  }
0x4e: {  	_ =	shalt  }
0x4f: {  	_ =	shalt  }
0x50: {  	_ =	shalt  }
0x51: {  	_ =	shalt  }
0x52: {  	_ =	shalt  }
0x53: {  	_ =	shalt  }
0x54: {  	_ =	shalt  }
0x55: {  	_ =	shalt  }
0x56: {  	_ =	shalt  }
0x57: {  	_ =	shalt  }
0x58: {  	_ =	shalt  }
0x59: {  	_ =	shalt  }
0x5a: {  	_ =	shalt  }
0x5b: {  	_ =	shalt  }
0x5c: {  	_ =	shalt  }
0x5d: {  	_ =	shalt  }
0x5e: {  	_ =	shalt  }
0x5f: {  	_ =	shalt  }
0x60: {  	_ =	shalt  }
0x61: {  	_ =	shalt  }
0x62: {  	_ =	shalt  }
0x63: {  	_ =	shalt  }
0x64: {  	_ =	shalt  }
0x65: {  	_ =	shalt  }
0x66: {  	_ =	shalt  }
0x67: {  	_ =	shalt  }
0x68: {  	_ =	shalt  }
0x69: {  	_ =	shalt  }
0x6a: {  	_ =	shalt  }
0x6b: {  	_ =	shalt  }
0x6c: {  	_ =	shalt  }
0x6d: {  	_ =	shalt  }
0x6e: {  	_ =	shalt  }
0x6f: {  	_ =	shalt  }
0x70: {  	_ =	shalt  }
0x71: {  	_ =	shalt  }
0x72: {  	_ =	shalt  }
0x73: {  	_ =	shalt  }
0x74: {  	_ =	shalt  }
0x75: {  	_ =	shalt  }
0x76: {  	_ =	shalt  }
0x77: {  	_ =	shalt  }
0x78: {  	_ =	shalt  }
0x79: {  	_ =	shalt  }
0x7a: {  	_ =	shalt  }
0x7b: {  	_ =	shalt  }
0x7c: {  	_ =	shalt  }
0x7d: {  	_ =	shalt  }
0x7e: {  	_ =	shalt  }
0x7f: {  	_ =	shalt  }
0x80: {  	_ =	shalt  }
0x81: {  	_ =	shalt  }
0x82: {  	_ =	shalt  }
0x83: {  	_ =	shalt  }
0x84: {  	_ =	shalt  }
0x85: {  	_ =	shalt  }
0x86: {  	_ =	shalt  }
0x87: {  	_ =	shalt  }
.Lfunc_end0:
.L_simem_size_0:
called_computation.1_lowered:
.L_overlay_start_0:
0x88: {  	s2 =	sld [smem:$0x3FD9]  }
0x89: {  	s3 =	sld [smem:$0x3FFE];
	_ =	sdelay $0x1  }
0x8a: {  	s1 =	srdreg.scid  }
0x8b: {  	s0 =	sand.u32 $0x1, s1  }
0x8c: {  	s17 =	sshll.u32 s0, $0xA;
	s2 =	sadd.s32 s3, s2  }
0x8d: {  	s2 =	sadd.s32 s2, s17  }
0x8e: {  	[smem:$0x3FC5] =	sst s2  }
0x8f: {  	_ = 	snop  }
0x90: {  	s2 =	sld [smem:$0x3FC7];
	(tm) =	ssettm $0x1  }
0x91: {  	s18 =	sld [smem:$0x3FFB];
	_ =	sdelay $0x3  }
0x92: {  	_ =	strace s18  }
0x93: {  	s3 =	sld [smem:$0x3FFC];
	_ =	sdelay $0x3  }
0x94: {  	_ =	strace s3  }
0x95: {  	s3 =	sld [smem:$0x3FFD];
	_ =	sdelay $0x3  }
0x96: {  	_ =	strace s3  }
0x97: {  	_ =	strace $0x8FFFFFFF  }
0x98: {  	s19 =	sld [smem:$0x3FDB];
	_ =	sdelay $0x1  }
0x99: {  	s4 =	simm.s32 $_scs_section_size  }
0x9a: {  	s5 =	simm.s32 $_size__tile_overlayer_lowered;
	s6 =	simm.s32 $_tile_overlayer_lowered  }
0x9b: {  	s22 =	simm.s32 $0x1BFF;
	s21 =	sshll.u32 s6, $0x1;
	s3 =	sadd.s32 s4, s19  }
0x9c: {  	s7 =	simm.s32 $0x0;
	s20 =	sshll.u32 s5, $0x1;
	s5 =	sadd.s32 s21, s3  }
0x9d: {  	[timem:s7], [sflag:s22] =	dma.local [hbm:s5], s20  }
0x9e: {  	_ =	swait.ge [sflag:s22], s20  }
0x9f: {  	s4 =	ssub.s32 $0x0, s20;
	[sflag:s22] =	ssyncset.done $0x0  }
0xa0: {  	[sflag:s22] =	ssyncadd.s32 s4;
	_ =	sdelay $0x1  }
0xa1: {  	s23 =	simm.s32 $0x1B8B  }
0xa2: {  	_ =	swait.ge [sflag:s23], $0x1  }
0xa3: {  	[sflag:s23] =	ssyncset.done $0x0  }
0xa4: {  	s25 =	simm.s32 $0x1B8E;
	s24 =	sld [smem:$0x3FFE];
	[sflag:s23] =	ssyncadd.s32 $0xFFFFFFFF  }
0xa5: {  	s26 =	simm.s32 $execute0_lowered;
	[smem:$0x3FD2] =	sst s25  }
0xa6: {  	s5 =	sshll.u32 s26, $0x1;
	_ =	strace $0x80000049;
	[dreg:$0x1] =	wrdreg $0xFFFFFFFF  }
0xa7: {  	s28 =	simm.s32 $_size_execute0_lowered;
	s3 =	sadd.s32 s3, s5;
	[dreg:$0x0] =	wrdreg $0x0  }
0xa8: {  	s5 =	sshll.u32 s28, $0x1;
	[dreg:$0x2] =	wrdreg s3  }
0xa9: {  	[dreg:$0x3] =	wrdreg s5  }
0xaa: {  	[dreg:$0x4] =	wrdreg $0xC0  }
0xab: {  	_ =	task [dreg:s7], $0x5FFFF  }
0xac: {  	[dreg:$0x1] =	wrdreg $0xFFFFFFFF  }
0xad: {  	[dreg:$0x0] =	wrdreg $0x60  }
0xae: {  	[dreg:$0x2] =	wrdreg s24  }
0xaf: {  	[dreg:$0x3] =	wrdreg s2  }
0xb0: {  	[dreg:$0x4] =	wrdreg $0x9  }
0xb1: {  	_ =	task.clear_ibuf [dreg:s7], $0x5FFFF;
	_ =	strace $0x90000049  }
0xb2: {  	s29 =	simm.s32 $0x9;
	_ =	strace $0x8000004B  }
0xb3: {  	_ =	swait.ge [sflag:s29], $0x1  }
0xb4: {  	[sflag:s29] =	ssyncadd.s32 $0xFFFFFFFF  }
0xb5: {  	_ =	strace $0x9000004B  }
0xb6: {  	_ =	sfence  }
0xb7: {  	s30 =	sld [smem:$0x0];
	_ =	sdelay $0x2  }
0xb8: {  	s31 =	sshll.u32 s1, $0xD;
	s1 =	sshrl.u32 s1, $0x2  }
0xb9: {  	s3 =	sand.u32 $0x4000, s31;
	s1 =	sadd.s32 s1, s30  }
0xba: {  	s0 =	sor.u32 s3, s0;
	s1 =	sshll.u32 s1, $0x11  }
0xbb: {  	s0 =	sor.u32 s1, s0  }
0xbc: {  	s0 =	sadd.s32 $0x8F2B, s0  }
0xbd: {  	[sflag:s0] =	ssyncadd.remote.s32 $0x1  }
0xbe: {  	_ =	sfence.sel $0xFFFF  }
0xbf: {  	[dreg:$0x0] =	wrdreg $0xFFFFFFFF;
	(pc) =	sbr.abs _section_cstart, $3  }
0xc0: {  	[dreg:$0x1] =	wrdreg $0xFFFFFFFF  }
0xc1: {  	_ =	task.clear_ibuf [dreg:s7], $0x2FFFF;
	_ =	strace $0x9FFFFFFF  }
0xc2: {  	(tm) =	ssettm $0x7FFFFFFF  }
0xc3: {  	_ =	shalt  }
tec
execute0_lowered:
.L_overlay_start_1:
0x0: {  	(tag) =	ssettag $0x1  }
0x1: {  	s4 =	rddreg [dreg:$0x0]  }
0x2: {  	s2 =	rddreg [dreg:$0x1]  }
0x3: {  	s0 =	rddreg [dreg:$0x2];
	s5 =	srdreg.scid  }
0x4: {  	s1 =	stileid.u32;
	s3 =	simm.s32 $0x0;
	s10 =	simm.s32 $0x1000  }
0x5: {  	s11 =	simm.s32 $0x20000;
	s12 =	simm.s32 $0x14200;
	s13 =	simm.s32 $0x400  }
0x6: {  	s14 =	simm.s32 $0x7A1400;
	s15 =	simm.s32 $0x1C200;
	s16 =	simm.s32 $0x200  }
0x7: {  	s17 =	simm.s32 $0x2A00;
	s18 =	simm.s32 $0x5200;
	s19 =	simm.s32 $0x7A00  }
0x8: {  	s20 =	simm.s32 $0xA200;
	s21 =	simm.s32 $0xCA00;
	s22 =	simm.s32 $0xF200  }
0x9: {  	s23 =	simm.s32 $0x11A00;
	s24 =	simm.s32 $0x1;
	s25 =	simm.s32 $0x1E200  }
0xa: {  	s5 =	sand.u32 $0x1, s5;
	s6 =	sshll.u32 s1, $0x1;
	[smem:$0x7FF] =	sst s3  }
0xb: {  	s26 =	simm.s32 $0x0;
	s6 =	sor.u32 s5, s6;
	_ =	strace $0x8000004A  }
.Ltmp0:
0xc: {  	s5 =	ssub.s32 $0x2, s5;
	s7 =	sshll.u32 s6, $0x9;
	(pc) =	sbr.rel .LBB2_1-.Ltmp0, $4  }
0xd: {  	s8 =	sshll.u32 s6, $0x1;
	s9 =	sshrl.u32 s5, $0x1;
	s6 =	sshll.u32 s6, $0x6  }
0xe: {  	s7 =	sadd.s32 s7, s4;
	s8 =	sadd.s32 s8, s4;
	s9 =	ssub.s32 s5, s9  }
0xf: {  	s4 =	sadd.s32 s4, s6;
	s6 =	sadd.s32 $0xF4200, s2;
	s5 =	sadd.s32 $0x800, s7  }
0x10: {  	v0 =	vlaneseq.u32;
	v1 =	vimm.f32 $0.0e+00;
	v2 =	vimm.s32 $0x0;
	s7 =	sadd.s32 $0x20800, s8;
	s8 =	smax.u32 s9, $0x1;
	s9 =	simm.s32 $0x2  }
.LBB2_6:
0x11: {  	v3 =	vadd.f32 v9, v10;
	v4 =	vadd.f32 v7, v8;
	_ =	sdelay $0x1  }
0x12: {  	s26 =	sadd.s32 $0x1, s26;
	v3 =	vadd.f32 v4, v3  }
0x13: {  	p0 =	sne.s32 s26, s8  }
.Ltmp1:
0x14: {  	[tilespmem:$0x1E200] =	vst v3;
	(pc) =	sbr.rel @!p0 .LBB2_7-.Ltmp1, $4  }
0x15: {  	[hbm4b:s7+s3] =	stream.linear.scatter [tilespmem:s25], [sflag:$0x2], $0x10, $0x38;
	[tilespmem:$0x1E280] =	vst v63  }
0x16: {  	_ =	swait.ge [sflag:s9], $0x10  }
0x17: {  	[sflag:s9] =	ssyncset.done $0x0  }
0x18: {  	[sflag:s9] =	ssyncadd.s32 $0xFFFFFFF0  }
.LBB2_1:
0x19: {  	[tilespmem:s3], [sflag:$0x2] =	stream.linear.gather [hbm4b:s4+s3], $0x200, $0x38;
	[tilespmem:$0x1E280] =	vst v63  }
0x1a: {  	_ =	swait.ge [sflag:s9], $0x200  }
0x1b: {  	[sflag:s9] =	ssyncset.done $0x0  }
0x1c: {  	[sflag:s9] =	ssyncadd.s32 $0xFFFFFE00  }
0x1d: {  	[tilespmem:s12], [sflag:$0x2] =	stream.strided.gather [hbm4b:s5+s10], $0x8000, s11, s10, $0x38;
	[tilespmem:$0x1E280] =	vst v63  }
0x1e: {  	_ =	swait.ge [sflag:s9], $0x8000  }
0x1f: {  	[sflag:s9] =	ssyncset.done $0x0  }
0x20: {  	[sflag:s9] =	ssyncadd.s32 $0xFFFF8000  }
0x21: {  	[tilespmem:s15], [sflag:$0x2] =	stream.strided.gather [hbm4b:s6+s13], $0x2000, s14, s13, $0x38;
	[tilespmem:$0x1E280] =	vst v63  }
0x22: {  	_ =	swait.ge [sflag:s9], $0x2000  }
0x23: {  	[sflag:s9] =	ssyncset.done $0x0  }
0x24: {  	[sflag:s9] =	ssyncadd.s32 $0xFFFFE000  }
0x25: {  	v3 =	vld.idx.msk [tilespmem:v0+s3+$0x0], $0xffff;
	_ =	sdelay $0x4  }
0x26: {  	v3 =	vxor.u32 $0x80000000, v3  }
0x27: {  	(xrf0) =	vmin.scan.msk.u32 $0xffff, v3;
	_ =	sdelay $0x5  }
0x28: {  	v3, _, _ =	vpop (xrf0)  }
0x29: {  	(v2sf) =	vpush v3, $0xF;
	_ =	sdelay $0xe  }
0x2a: {  	s28 =	spop (v2sf)  }
0x2b: {  	s30 =	sxor.u32 $0x80000000, s28  }
0x2c: {  	p0 =	slt.s32 s30, $0xF4200  }
.Ltmp2:
0x2d: {  	_ = 	snop;
	(pc) =	sbr.rel @!p0 .LBB2_4-.Ltmp2, $4  }
0x2e: {  	_ = 	snop  }
0x2f: {  	v4 =	vimm.f32 $0.0e+00;
	v5 =	vimm.f32 $0.0e+00  }
0x30: {  	v6 =	vimm.f32 $0.0e+00;
	v7 =	vimm.f32 $0.0e+00;
	v8 =	vimm.f32 $0.0e+00  }
0x31: {  	s29 =	simm.s32 $0x0;
	v9 =	vimm.f32 $0.0e+00;
	v10 =	vimm.f32 $0.0e+00;
	v3 =	vimm.f32 $0.0e+00;
	s28 =	simm.s32 $0x0  }
.LBB2_2:
0x32: {  	s29 =	sand.u32 $0xFFFFFF80, s30  }
0x33: {  	p0 =	slt.s32 s29, $0xF3D80  }
0x34: {  	s29 =	simm.s32 @!p0 $0xF3D80  }
0x35: {  	s30 =	sadd.s32 s2, s29  }
0x36: {  	[tilespmem:s16], [sflag:$0x1] =	stream.linear.gather [hbm4b:s30+s3], $0x2400, $0x38;
	[tilespmem:$0x1E280] =	vst v63  }
0x37: {  	s31 =	sadd.s32 $0xF4280, s30  }
0x38: {  	[tilespmem:s17], [sflag:$0x1] =	stream.linear.gather [hbm4b:s31+s3], $0x2400, $0x38;
	[tilespmem:$0x1E280] =	vst v63  }
0x39: {  	s31 =	sadd.s32 $0x1E8500, s30  }
0x3a: {  	[tilespmem:s18], [sflag:$0x1] =	stream.linear.gather [hbm4b:s31+s3], $0x2400, $0x38;
	[tilespmem:$0x1E280] =	vst v63  }
0x3b: {  	s31 =	sadd.s32 $0x2DC780, s30  }
0x3c: {  	[tilespmem:s19], [sflag:$0x1] =	stream.linear.gather [hbm4b:s31+s3], $0x2400, $0x38;
	[tilespmem:$0x1E280] =	vst v63  }
0x3d: {  	s31 =	sadd.s32 $0x3D0A00, s30  }
0x3e: {  	[tilespmem:s20], [sflag:$0x1] =	stream.linear.gather [hbm4b:s31+s3], $0x2400, $0x38;
	[tilespmem:$0x1E280] =	vst v63  }
0x3f: {  	s31 =	sadd.s32 $0x4C4C80, s30  }
0x40: {  	[tilespmem:s21], [sflag:$0x1] =	stream.linear.gather [hbm4b:s31+s3], $0x2400, $0x38;
	[tilespmem:$0x1E280] =	vst v63  }
0x41: {  	v3 =	vadd.s32 s28, v0;
	s31 =	sadd.s32 $0x5B8F00, s30  }
0x42: {  	vm0 =	vlt.s32 v3, $0x1FF;
	[tilespmem:s22], [sflag:$0x1] =	stream.linear.gather [hbm4b:s31+s3], $0x2400, $0x38;
	[tilespmem:$0x1E280] =	vst v63  }
0x43: {  	v4 =	vnsel vm0, $0x1FF, v3;
	s30 =	sadd.s32 $0x6AD180, s30  }
0x44: {  	[tilespmem:s23], [sflag:$0x1] =	stream.linear.gather [hbm4b:s30+s3], $0x2400, $0x38;
	[tilespmem:$0x1E280] =	vst v63  }
0x45: {  	_ =	swait.ge [sflag:s24], $0x12000  }
0x46: {  	[sflag:s24] =	ssyncset.done $0x0  }
0x47: {  	[sflag:s24] =	ssyncadd.s32 $0xFFFEE000  }
0x48: {  	v11 =	vld.idx.msk [tilespmem:v4+s3+$0x0], $0xffff;
	_ =	sdelay $0x3  }
0x49: {  	v6 =	vmov s29  }
0x4a: {  	v5 =	vsub.s32 v11, v6  }
0x4b: {  	vm9 =	vgt.s32 v5, $0x0  }
0x4c: {  	v5 =	vnsel vm9, $0x0, v5  }
0x4d: {  	v5 =	vmin.u32 v5, $0x480  }
0x4e: {  	v12 =	vshll.u32 v5, $0x3  }
0x4f: {  	v13 =	vshll.u32 v4, $0x3;
	v5 =	vand.u32 $0x7F, v5;
	v12 =	vand.u32 $0x3C00, v12  }
0x50: {  	v14 =	vand.u32 $0x7F, v4;
	v4 =	vor.u32 v5, v12;
	v5 =	vand.u32 $0xFFFFFC00, v13  }
0x51: {  	v5 =	vor.u32 v14, v5  }
0x52: {  	v12 =	vor.u32 $0x80, v4  }
0x53: {  	v55 =	vor.u32 $0x100, v4  }
0x54: {  	v18 =	vor.u32 $0x180, v4  }
0x55: {  	v20 =	vor.u32 $0x200, v4;
	v15 =	vld.idx.msk [tilespmem:v4+s16+$0x0], $0xffff  }
0x56: {  	v22 =	vor.u32 $0x280, v4;
	v17 =	vld.idx.msk [tilespmem:v5+s12+$0x0], $0xffff  }
0x57: {  	v24 =	vor.u32 $0x300, v4;
	v12 =	vld.idx.msk [tilespmem:v12+s16+$0x0], $0xffff  }
0x58: {  	v58 =	vor.u32 $0x380, v4;
	v14 =	vld.idx.msk [tilespmem:v55+s16+$0x0], $0xffff  }
0x59: {  	v60 =	vadd.s32 $0x2800, v4;
	v18 =	vld.idx.msk [tilespmem:v18+s16+$0x0], $0xffff  }
0x5a: {  	v28 =	vadd.s32 $0x2880, v4;
	v56 =	vld.idx.msk [tilespmem:v20+s16+$0x0], $0xffff  }
0x5b: {  	v26 =	vadd.s32 $0x2900, v4;
	v22 =	vld.idx.msk [tilespmem:v22+s16+$0x0], $0xffff  }
0x5c: {  	v35 =	vadd.s32 $0x2980, v4;
	v61 =	vld.idx.msk [tilespmem:v24+s16+$0x0], $0xffff  }
0x5d: {  	v40 =	vadd.s32 $0x2A00, v4;
	v29 =	vld.idx.msk [tilespmem:v58+s16+$0x0], $0xffff  }
0x5e: {  	v43 =	vadd.s32 $0x2A80, v4;
	v31 =	vld.idx.msk [tilespmem:v60+s16+$0x0], $0xffff  }
0x5f: {  	v54 =	vor.u32 $0x80, v5;
	v36 =	vld.idx.msk [tilespmem:v28+s16+$0x0], $0xffff  }
0x60: {  	v16 =	vor.u32 $0x100, v5;
	v41 =	vld.idx.msk [tilespmem:v26+s16+$0x0], $0xffff  }
0x61: {  	v19 =	vor.u32 $0x180, v5;
	v44 =	vld.idx.msk [tilespmem:v35+s16+$0x0], $0xffff  }
0x62: {  	v21 =	vor.u32 $0x200, v5;
	v47 =	vld.idx.msk [tilespmem:v40+s16+$0x0], $0xffff  }
0x63: {  	v23 =	vor.u32 $0x280, v5;
	v52 =	vld.idx.msk [tilespmem:v43+s16+$0x0], $0xffff  }
0x64: {  	v57 =	vor.u32 $0x300, v5;
	v13 =	vld.idx.msk [tilespmem:v54+s12+$0x0], $0xffff  }
0x65: {  	s29 =	sadd.s32 $0x480, s29;
	v62 =	vadd.s32 $0x1000, v5;
	v16 =	vld.idx.msk [tilespmem:v16+s12+$0x0], $0xffff  }
0x66: {  	vm10 =	vlt.s32 v3, $0x200;
	vm1 =	vlt.s32 v11, s29;
	v30 =	vadd.s32 $0x1080, v5;
	v19 =	vld.idx.msk [tilespmem:v19+s12+$0x0], $0xffff  }
0x67: {  	vm0 =	vmand vm10, vm1;
	v32 =	vadd.s32 $0x1100, v5;
	v11 =	vld.idx.msk [tilespmem:v21+s12+$0x0], $0xffff  }
0x68: {  	v3 =	vsel vm0, $0x3F800000, v1;
	v45 =	vadd.s32 $0x1280, v5;
	v59 =	vld.idx.msk [tilespmem:v23+s12+$0x0], $0xffff  }
0x69: {  	v46 =	vadd.s32 $0x2B00, v4;
	v51 =	vadd.s32 $0x2B80, v4;
	v42 =	vadd.s32 $0x1200, v5;
	v63 =	vld.idx.msk [tilespmem:v57+s12+$0x0], $0xffff  }
0x6a: {  	v25 =	vor.u32 $0x380, v5;
	v37 =	vadd.s32 $0x1180, v5;
	v58 =	vadd.s32 $0x2000, v5;
	v34 =	vld.idx.msk [tilespmem:v62+s12+$0x0], $0xffff  }
0x6b: {  	v48 =	vadd.s32 $0x1300, v5;
	v53 =	vadd.s32 $0x1380, v5;
	v27 =	vadd.s32 $0x6300, v5;
	v39 =	vld.idx.msk [tilespmem:v30+s12+$0x0], $0xffff  }
0x6c: {  	v60 =	vadd.s32 $0x5080, v4;
	v28 =	vadd.s32 $0x2100, v5;
	v23 =	vld.idx.msk [tilespmem:v32+s12+$0x0], $0xffff;
	v15 =	vsub.f32 v17, v15  }
0x6d: {  	v55 =	vld.idx.msk [tilespmem:v45+s12+$0x0], $0xffff;
	v62 =	vadd.s32 $0x2080, v5;
	v12 =	vsub.f32 v13, v12;
	v14 =	vsub.f32 v16, v14  }
0x6e: {  	v50 =	vld.idx.msk [tilespmem:v42+s12+$0x0], $0xffff;
	v42 =	vadd.s32 $0x5300, v4;
	v18 =	vsub.f32 v19, v18;
	v11 =	vsub.f32 v11, v56  }
0x6f: {  	v30 =	vld.idx.msk [tilespmem:v58+s12+$0x0], $0xffff;
	v58 =	vadd.s32 $0x7900, v4;
	v38 =	vsub.f32 v59, v22;
	v16 =	vsub.f32 v63, v61  }
0x70: {  	v25 =	vld.idx.msk [tilespmem:v25+s12+$0x0], $0xffff;
	v17 =	vsub.f32 v34, v31;
	v54 =	vsub.f32 v39, v36;
	v56 =	vadd.s32 $0x5000, v4  }
0x71: {  	v20 =	vld.idx.msk [tilespmem:v37+s12+$0x0], $0xffff;
	v19 =	vsub.f32 v23, v41;
	v63 =	vadd.s32 $0x5100, v4;
	v31 =	vadd.s32 $0x5180, v4  }
0x72: {  	v57 =	vld.idx.msk [tilespmem:v46+s16+$0x0], $0xffff;
	v34 =	vsub.f32 v55, v52;
	v36 =	vadd.s32 $0x5200, v4;
	v39 =	vadd.s32 $0x5280, v4  }
0x73: {  	v59 =	vld.idx.msk [tilespmem:v48+s12+$0x0], $0xffff;
	v41 =	vadd.s32 $0x2280, v5;
	v15 =	vmul.f32 v15, v15;
	v12 =	vmul.f32 v12, v12  }
0x74: {  	v61 =	vld.idx.msk [tilespmem:v51+s16+$0x0], $0xffff;
	v52 =	vadd.s32 $0x7800, v4;
	v14 =	vmul.f32 v14, v14;
	v18 =	vmul.f32 v18, v18  }
0x75: {  	v35 =	vld.idx.msk [tilespmem:v62+s12+$0x0], $0xffff;
	v55 =	vadd.s32 $0x7880, v4;
	v11 =	vmul.f32 v11, v11;
	v15 =	vmul.f32 v15, v3  }
0x76: {  	v62 =	vadd.s32 $0x7980, v4;
	v12 =	vmul.f32 v12, v3;
	v33 =	vmul.f32 v18, v3;
	v18 =	vld.idx.msk [tilespmem:v28+s12+$0x0], $0xffff  }
0x77: {  	v14 =	vmul.f32 v14, v3;
	v11 =	vmul.f32 v11, v3;
	v28 =	vadd.s32 $0x3180, v5;
	v40 =	vld.idx.msk [tilespmem:v31+s16+$0x0], $0xffff  }
0x78: {  	v10 =	vadd.f32 v15, v10;
	v15 =	vsub.f32 v25, v29;
	v43 =	vld.idx.msk [tilespmem:v36+s16+$0x0], $0xffff;
	v31 =	vadd.s32 $0x7A00, v4  }
0x79: {  	v51 =	vld.idx.msk [tilespmem:v41+s12+$0x0], $0xffff;
	v36 =	vadd.s32 $0x3280, v5;
	v41 =	vadd.s32 $0x7B80, v4;
	v9 =	vadd.f32 v12, v9  }
0x7a: {  	v8 =	vadd.f32 v14, v8;
	v7 =	vadd.f32 v33, v7;
	v12 =	vmul.f32 v38, v38  }
0x7b: {  	v32 =	vld.idx.msk [tilespmem:v60+s16+$0x0], $0xffff;
	v33 =	vadd.s32 $0x2180, v5;
	v38 =	vadd.s32 $0x2200, v5;
	v10 =	vadd.f32 v11, v10  }
0x7c: {  	v11 =	vmul.f32 v16, v16;
	v15 =	vmul.f32 v15, v15;
	v16 =	vsub.f32 v20, v44  }
0x7d: {  	v37 =	vld.idx.msk [tilespmem:v63+s16+$0x0], $0xffff;
	v20 =	vsub.f32 v59, v57;
	v44 =	vadd.s32 $0x2300, v5;
	v57 =	vadd.s32 $0x3080, v5  }
0x7e: {  	v59 =	vadd.s32 $0x3100, v5;
	v12 =	vmul.f32 v12, v3;
	v11 =	vmul.f32 v11, v3  }
0x7f: {  	v14 =	vld.idx.msk [tilespmem:v56+s16+$0x0], $0xffff;
	v49 =	vmul.f32 v15, v3;
	v16 =	vmul.f32 v16, v16;
	v15 =	vsub.f32 v50, v47  }
0x80: {  	v47 =	vadd.s32 $0x5380, v4;
	v50 =	vsub.f32 v35, v32;
	v32 =	vld.idx.msk [tilespmem:v58+s16+$0x0], $0xffff;
	v58 =	vadd.s32 $0x4180, v5  }
0x81: {  	v25 =	vld.idx.msk [tilespmem:v53+s12+$0x0], $0xffff;
	v9 =	vadd.f32 v12, v9;
	v8 =	vadd.f32 v11, v8;
	v11 =	vmul.f32 v17, v17  }
0x82: {  	v48 =	vld.idx.msk [tilespmem:v39+s16+$0x0], $0xffff;
	v12 =	vmul.f32 v54, v54;
	v18 =	vsub.f32 v18, v37;
	v54 =	vadd.s32 $0x3000, v5  }
0x83: {  	v53 =	vld.idx.msk [tilespmem:v42+s16+$0x0], $0xffff;
	v37 =	vadd.s32 $0x7B00, v4;
	v7 =	vadd.f32 v49, v7;
	v11 =	vmul.f32 v11, v3  }
0x84: {  	v63 =	vld.idx.msk [tilespmem:v55+s16+$0x0], $0xffff;
	v29 =	vmul.f32 v16, v3;
	v14 =	vsub.f32 v30, v14;
	v49 =	vadd.s32 $0x2380, v5  }
0x85: {  	v21 =	vld.idx.msk [tilespmem:v33+s12+$0x0], $0xffff;
	v33 =	vadd.s32 $0x3200, v5;
	v10 =	vadd.f32 v11, v10;
	v11 =	vmul.f32 v19, v19  }
0x86: {  	v46 =	vld.idx.msk [tilespmem:v38+s12+$0x0], $0xffff;
	v38 =	vadd.s32 $0x3300, v5;
	v12 =	vmul.f32 v12, v3;
	v7 =	vadd.f32 v29, v7  }
0x87: {  	v17 =	vld.idx.msk [tilespmem:v44+s12+$0x0], $0xffff;
	v29 =	vsub.f32 v51, v48;
	v48 =	vadd.s32 $0x4000, v5;
	v11 =	vmul.f32 v11, v3  }
0x88: {  	v30 =	vld.idx.msk [tilespmem:v57+s12+$0x0], $0xffff;
	v51 =	vadd.s32 $0x4080, v5;
	v9 =	vadd.f32 v12, v9;
	v12 =	vmul.f32 v34, v34  }
0x89: {  	v56 =	vld.idx.msk [tilespmem:v47+s16+$0x0], $0xffff;
	v34 =	vadd.s32 $0x7A80, v4;
	v8 =	vadd.f32 v11, v8;
	v11 =	vmul.f32 v15, v15  }
0x8a: {  	v19 =	vsub.f32 v25, v61;
	v47 =	vld.idx.msk [tilespmem:v37+s16+$0x0], $0xffff;
	v37 =	vadd.s32 $0x4380, v5;
	v12 =	vmul.f32 v12, v3  }
0x8b: {  	v16 =	vsub.f32 v46, v43;
	v43 =	vadd.s32 $0x3380, v5;
	v11 =	vmul.f32 v11, v3  }
0x8c: {  	v25 =	vld.idx.msk [tilespmem:v49+s12+$0x0], $0xffff;
	v46 =	vadd.s32 $0xA000, v4;
	v49 =	vadd.s32 $0xA080, v4;
	v19 =	vmul.f32 v19, v19  }
0x8d: {  	v61 =	vld.idx.msk [tilespmem:v54+s12+$0x0], $0xffff;
	v17 =	vsub.f32 v17, v53;
	v10 =	vadd.f32 v11, v10;
	v11 =	vmul.f32 v20, v20  }
0x8e: {  	v44 =	vsub.f32 v30, v63;
	v9 =	vadd.f32 v12, v9;
	v12 =	vmul.f32 v50, v50;
	v15 =	vld.idx.msk [tilespmem:v52+s16+$0x0], $0xffff  }
0x8f: {  	v53 =	vadd.s32 $0x4100, v5;
	v45 =	vmul.f32 v19, v3;
	v19 =	vld.idx.msk [tilespmem:v59+s12+$0x0], $0xffff;
	v11 =	vmul.f32 v11, v3  }
0x90: {  	v63 =	vadd.s32 $0x4200, v5;
	v30 =	vadd.s32 $0x4280, v5;
	v12 =	vmul.f32 v12, v3  }
0x91: {  	v42 =	vld.idx.msk [tilespmem:v34+s16+$0x0], $0xffff;
	v52 =	vadd.s32 $0xA100, v4;
	v8 =	vadd.f32 v11, v8;
	v11 =	vmul.f32 v14, v14  }
0x92: {  	v7 =	vadd.f32 v45, v7;
	v45 =	vld.idx.msk [tilespmem:v36+s12+$0x0], $0xffff;
	v9 =	vadd.f32 v12, v9;
	v12 =	vmul.f32 v29, v29  }
0x93: {  	v20 =	vsub.f32 v21, v40;
	v21 =	vld.idx.msk [tilespmem:v28+s12+$0x0], $0xffff;
	v28 =	vadd.s32 $0xA280, v4;
	v11 =	vmul.f32 v11, v3  }
0x94: {  	v35 =	vld.idx.msk [tilespmem:v62+s16+$0x0], $0xffff;
	v12 =	vmul.f32 v12, v3;
	v15 =	vsub.f32 v61, v15;
	v19 =	vsub.f32 v19, v32  }
0x95: {  	v50 =	vld.idx.msk [tilespmem:v41+s16+$0x0], $0xffff;
	v61 =	vadd.s32 $0xA200, v4;
	v10 =	vadd.f32 v11, v10;
	v11 =	vmul.f32 v18, v18  }
0x96: {  	v62 =	vld.idx.msk [tilespmem:v52+s16+$0x0], $0xffff;
	v32 =	vadd.s32 $0x4300, v5;
	v52 =	vadd.s32 $0x5180, v5;
	v20 =	vmul.f32 v20, v20  }
0x97: {  	v40 =	vld.idx.msk [tilespmem:v33+s12+$0x0], $0xffff;
	v9 =	vadd.f32 v12, v9;
	v12 =	vmul.f32 v44, v44;
	v11 =	vmul.f32 v11, v3  }
0x98: {  	v59 =	vsub.f32 v45, v42;
	v42 =	vadd.s32 $0x5000, v5;
	v60 =	vmul.f32 v20, v3;
	v14 =	vld.idx.msk [tilespmem:v31+s16+$0x0], $0xffff  }
0x99: {  	v20 =	vld.idx.msk [tilespmem:v38+s12+$0x0], $0xffff;
	v12 =	vmul.f32 v12, v3;
	v8 =	vadd.f32 v11, v8;
	v11 =	vmul.f32 v16, v16  }
0x9a: {  	v57 =	vld.idx.msk [tilespmem:v49+s16+$0x0], $0xffff;
	v45 =	vadd.s32 $0x5080, v5;
	v31 =	vadd.s32 $0xA300, v4;
	v7 =	vadd.f32 v60, v7  }
0x9b: {  	v60 =	vld.idx.msk [tilespmem:v51+s12+$0x0], $0xffff;
	v9 =	vadd.f32 v12, v9;
	v12 =	vmul.f32 v59, v59;
	v11 =	vmul.f32 v11, v3  }
0x9c: {  	v18 =	vsub.f32 v25, v56;
	v25 =	vld.idx.msk [tilespmem:v43+s12+$0x0], $0xffff;
	v56 =	vadd.s32 $0xA180, v4;
	v43 =	vadd.s32 $0xC880, v4  }
0x9d: {  	v55 =	vld.idx.msk [tilespmem:v48+s12+$0x0], $0xffff;
	v14 =	vsub.f32 v40, v14;
	v10 =	vadd.f32 v11, v10;
	v11 =	vmul.f32 v17, v17  }
0x9e: {  	v34 =	vld.idx.msk [tilespmem:v63+s12+$0x0], $0xffff;
	v20 =	vsub.f32 v20, v47;
	v12 =	vmul.f32 v12, v3;
	v40 =	vadd.s32 $0xC800, v4  }
0x9f: {  	v41 =	vld.idx.msk [tilespmem:v31+s16+$0x0], $0xffff;
	v47 =	vadd.s32 $0x5100, v5;
	v18 =	vmul.f32 v18, v18;
	v11 =	vmul.f32 v11, v3  }
0xa0: {  	v31 =	vadd.s32 $0x5380, v5;
	v9 =	vadd.f32 v12, v9;
	v38 =	vsub.f32 v60, v57;
	v16 =	vld.idx.msk [tilespmem:v46+s16+$0x0], $0xffff  }
0xa1: {  	v39 =	vmul.f32 v18, v3;
	v18 =	vld.idx.msk [tilespmem:v53+s12+$0x0], $0xffff;
	v8 =	vadd.f32 v11, v8;
	v11 =	vmul.f32 v15, v15  }
0xa2: {  	v36 =	vld.idx.msk [tilespmem:v28+s16+$0x0], $0xffff;
	v57 =	vadd.s32 $0x5200, v5;
	v46 =	vadd.s32 $0xC900, v4;
	v12 =	vmul.f32 v38, v38  }
0xa3: {  	v60 =	vadd.s32 $0x5280, v5;
	v7 =	vadd.f32 v39, v7;
	v39 =	vld.idx.msk [tilespmem:v30+s12+$0x0], $0xffff;
	v11 =	vmul.f32 v11, v3  }
0xa4: {  	v49 =	vld.idx.msk [tilespmem:v42+s12+$0x0], $0xffff;
	v12 =	vmul.f32 v12, v3;
	v17 =	vsub.f32 v21, v35;
	v35 =	vadd.s32 $0xA380, v4  }
0xa5: {  	v29 =	vld.idx.msk [tilespmem:v56+s16+$0x0], $0xffff;
	v16 =	vsub.f32 v55, v16;
	v10 =	vadd.f32 v11, v10;
	v11 =	vmul.f32 v19, v19  }
0xa6: {  	v21 =	vld.idx.msk [tilespmem:v58+s12+$0x0], $0xffff;
	v58 =	vadd.s32 $0xCA80, v4;
	v18 =	vsub.f32 v18, v62;
	v9 =	vadd.f32 v12, v9  }
0xa7: {  	v55 =	vadd.s32 $0xCA00, v4;
	v56 =	vld.idx.msk [tilespmem:v46+s16+$0x0], $0xffff;
	v17 =	vmul.f32 v17, v17;
	v11 =	vmul.f32 v11, v3  }
0xa8: {  	v62 =	vadd.s32 $0x5300, v5;
	v46 =	vadd.s32 $0x6180, v5;
	v53 =	vsub.f32 v39, v36;
	v15 =	vld.idx.msk [tilespmem:v61+s16+$0x0], $0xffff  }
0xa9: {  	v54 =	vmul.f32 v17, v3;
	v17 =	vld.idx.msk [tilespmem:v32+s12+$0x0], $0xffff;
	v8 =	vadd.f32 v11, v8;
	v11 =	vmul.f32 v14, v14  }
0xaa: {  	v51 =	vld.idx.msk [tilespmem:v43+s16+$0x0], $0xffff;
	v36 =	vadd.s32 $0x6000, v5;
	v39 =	vadd.s32 $0x6080, v5;
	v12 =	vmul.f32 v53, v53  }
0xab: {  	v61 =	vadd.s32 $0xCB00, v4;
	v7 =	vadd.f32 v54, v7;
	v54 =	vld.idx.msk [tilespmem:v45+s12+$0x0], $0xffff;
	v11 =	vmul.f32 v11, v3  }
0xac: {  	v30 =	vld.idx.msk [tilespmem:v58+s16+$0x0], $0xffff;
	v58 =	vadd.s32 $0xF380, v4;
	v12 =	vmul.f32 v12, v3;
	v19 =	vsub.f32 v25, v50  }
0xad: {  	v28 =	vld.idx.msk [tilespmem:v57+s12+$0x0], $0xffff;
	v50 =	vadd.s32 $0xC980, v4;
	v10 =	vadd.f32 v11, v10;
	v11 =	vmul.f32 v20, v20  }
0xae: {  	v25 =	vld.idx.msk [tilespmem:v37+s12+$0x0], $0xffff;
	v37 =	vadd.s32 $0xF080, v4;
	v15 =	vsub.f32 v34, v15;
	v17 =	vsub.f32 v17, v41  }
0xaf: {  	v44 =	vld.idx.msk [tilespmem:v35+s16+$0x0], $0xffff;
	v9 =	vadd.f32 v12, v9;
	v19 =	vmul.f32 v19, v19;
	v11 =	vmul.f32 v11, v3  }
0xb0: {  	v43 =	vld.idx.msk [tilespmem:v36+s12+$0x0], $0xffff;
	v34 =	vadd.s32 $0xF000, v4;
	v41 =	vadd.s32 $0x6100, v5;
	v32 =	vsub.f32 v54, v51  }
0xb1: {  	v33 =	vmul.f32 v19, v3;
	v14 =	vld.idx.msk [tilespmem:v40+s16+$0x0], $0xffff;
	v8 =	vadd.f32 v11, v8;
	v11 =	vmul.f32 v16, v16  }
0xb2: {  	v51 =	vadd.s32 $0x6200, v5;
	v54 =	vadd.s32 $0x6280, v5;
	v19 =	vld.idx.msk [tilespmem:v47+s12+$0x0], $0xffff;
	v40 =	vadd.s32 $0xF100, v4  }
0xb3: {  	v12 =	vmul.f32 v32, v32;
	v7 =	vadd.f32 v33, v7;
	v33 =	vld.idx.msk [tilespmem:v60+s12+$0x0], $0xffff;
	v11 =	vmul.f32 v11, v3  }
0xb4: {  	v45 =	vld.idx.msk [tilespmem:v37+s16+$0x0], $0xffff;
	v37 =	vadd.s32 $0x7100, v5;
	v60 =	vadd.s32 $0x6380, v5;
	v20 =	vsub.f32 v21, v29  }
0xb5: {  	v35 =	vld.idx.msk [tilespmem:v61+s16+$0x0], $0xffff;
	v12 =	vmul.f32 v12, v3;
	v10 =	vadd.f32 v11, v10;
	v11 =	vmul.f32 v18, v18  }
0xb6: {  	v21 =	vld.idx.msk [tilespmem:v52+s12+$0x0], $0xffff;
	v29 =	vadd.s32 $0xCB80, v4;
	v52 =	vadd.s32 $0xF280, v4;
	v20 =	vmul.f32 v20, v20  }
0xb7: {  	v59 =	vld.idx.msk [tilespmem:v50+s16+$0x0], $0xffff;
	v14 =	vsub.f32 v49, v14;
	v19 =	vsub.f32 v19, v56;
	v11 =	vmul.f32 v11, v3  }
0xb8: {  	v9 =	vadd.f32 v12, v9;
	v47 =	vsub.f32 v33, v30;
	v48 =	vmul.f32 v20, v3;
	v16 =	vld.idx.msk [tilespmem:v55+s16+$0x0], $0xffff  }
0xb9: {  	v20 =	vld.idx.msk [tilespmem:v62+s12+$0x0], $0xffff;
	v55 =	vadd.s32 $0xF300, v4;
	v8 =	vadd.f32 v11, v8;
	v11 =	vmul.f32 v15, v15  }
0xba: {  	v49 =	vadd.s32 $0xF200, v4;
	v50 =	vld.idx.msk [tilespmem:v40+s16+$0x0], $0xffff;
	v30 =	vadd.s32 $0x11880, v4;
	v12 =	vmul.f32 v47, v47  }
0xbb: {  	v33 =	vadd.s32 $0x7080, v5;
	v38 =	vld.idx.msk [tilespmem:v29+s16+$0x0], $0xffff;
	v29 =	vadd.s32 $0x7000, v5;
	v11 =	vmul.f32 v11, v3  }
0xbc: {  	v57 =	vld.idx.msk [tilespmem:v52+s16+$0x0], $0xffff;
	v52 =	vadd.s32 $0x11B00, v4;
	v12 =	vmul.f32 v12, v3;
	v18 =	vsub.f32 v25, v44  }
0xbd: {  	v25 =	vld.idx.msk [tilespmem:v31+s12+$0x0], $0xffff;
	v44 =	vadd.s32 $0xF180, v4;
	v10 =	vadd.f32 v11, v10;
	v11 =	vmul.f32 v17, v17  }
0xbe: {  	v7 =	vadd.f32 v48, v7;
	v20 =	vsub.f32 v20, v35;
	v62 =	vld.idx.msk [tilespmem:v55+s16+$0x0], $0xffff;
	v18 =	vmul.f32 v18, v18  }
0xbf: {  	v16 =	vsub.f32 v28, v16;
	v9 =	vadd.f32 v12, v9;
	v15 =	vld.idx.msk [tilespmem:v34+s16+$0x0], $0xffff;
	v11 =	vmul.f32 v11, v3  }
0xc0: {  	v35 =	vadd.s32 $0x11900, v4;
	v20 =	vmul.f32 v20, v20;
	v63 =	vmul.f32 v18, v3;
	v18 =	vld.idx.msk [tilespmem:v41+s12+$0x0], $0xffff  }
0xc1: {  	v28 =	vld.idx.msk [tilespmem:v27+s12+$0x0], $0xffff;
	v55 =	vadd.s32 $0x11B80, v4;
	v8 =	vadd.f32 v11, v8;
	v11 =	vmul.f32 v14, v14  }
0xc2: {  	v41 =	vadd.s32 $0x11980, v4;
	v53 =	vld.idx.msk [tilespmem:v44+s16+$0x0], $0xffff;
	v20 =	vmul.f32 v20, v3;
	v44 =	vadd.s32 $0x7180, v5  }
0xc3: {  	v7 =	vadd.f32 v63, v7;
	v63 =	vadd.s32 $0x11800, v4;
	v11 =	vmul.f32 v11, v3  }
0xc4: {  	v17 =	vsub.f32 v21, v59;
	v21 =	vld.idx.msk [tilespmem:v46+s12+$0x0], $0xffff;
	v46 =	vadd.s32 $0x11A00, v4;
	v15 =	vsub.f32 v43, v15  }
0xc5: {  	s30 =	sadd.s32 $0x10, s28;
	v56 =	vld.idx.msk [tilespmem:v51+s12+$0x0], $0xffff;
	v61 =	vsub.f32 v18, v50;
	v50 =	vadd.s32 $0x7280, v5;
	v10 =	vadd.f32 v11, v10  }
0xc6: {  	v59 =	vld.idx.msk [tilespmem:v54+s12+$0x0], $0xffff;
	v11 =	vmul.f32 v19, v19;
	v19 =	vsub.f32 v25, v38;
	v25 =	vadd.s32 s30, v0  }
0xc7: {  	v18 =	vsub.f32 v28, v62;
	v14 =	vld.idx.msk [tilespmem:v49+s16+$0x0], $0xffff;
	v49 =	vadd.s32 $0x11A80, v4;
	vm11 =	vlt.s32 v25, $0x1FF  }
0xc8: {  	v48 =	vld.idx.msk [tilespmem:v39+s12+$0x0], $0xffff;
	v17 =	vmul.f32 v17, v17;
	v11 =	vmul.f32 v11, v3;
	v31 =	vnsel vm11, $0x1FF, v25  }
0xc9: {  	v36 =	vld.idx.msk [tilespmem:v29+s12+$0x0], $0xffff;
	v54 =	vadd.s32 $0x7300, v5;
	v15 =	vmul.f32 v15, v15;
	v39 =	vmul.f32 v18, v18  }
0xca: {  	v34 =	vld.idx.msk [tilespmem:v63+s16+$0x0], $0xffff;
	v42 =	vmul.f32 v17, v3;
	v8 =	vadd.f32 v11, v8;
	v11 =	vmul.f32 v16, v16  }
0xcb: {  	v15 =	vmul.f32 v15, v3;
	v17 =	vsub.f32 v21, v53;
	v13 =	vsub.f32 v59, v57;
	v24 =	vld.idx.msk [tilespmem:v50+s12+$0x0], $0xffff  }
0xcc: {  	v7 =	vadd.f32 v42, v7;
	v23 =	vld.idx.msk [tilespmem:v49+s16+$0x0], $0xffff;
	v19 =	vmul.f32 v19, v19;
	v11 =	vmul.f32 v11, v3  }
0xcd: {  	v42 =	vmul.f32 v39, v3;
	v17 =	vmul.f32 v17, v17;
	v12 =	vsub.f32 v56, v14;
	v18 =	vld.idx.msk [tilespmem:v31+s3+$0x0], $0xffff  }
0xce: {  	v13 =	vmul.f32 v13, v13;
	v10 =	vadd.f32 v11, v10;
	v11 =	vmul.f32 v19, v3  }
0xcf: {  	v47 =	vsub.f32 v36, v34;
	v56 =	vadd.s32 $0x7380, v5;
	v12 =	vmul.f32 v12, v12  }
0xd0: {  	v32 =	vld.idx.msk [tilespmem:v60+s12+$0x0], $0xffff;
	vm13 =	vlt.s32 v25, $0x200;
	v7 =	vadd.f32 v11, v7;
	v11 =	vsub.f32 v48, v45  }
0xd1: {  	v40 =	vld.idx.msk [tilespmem:v33+s12+$0x0], $0xffff;
	v21 =	vand.u32 $0x7F, v31;
	v12 =	vmul.f32 v12, v3;
	v8 =	vadd.f32 v20, v8  }
0xd2: {  	v43 =	vld.idx.msk [tilespmem:v35+s16+$0x0], $0xffff;
	v23 =	vsub.f32 v24, v23;
	v11 =	vmul.f32 v11, v11;
	v6 =	vsub.s32 v18, v6  }
0xd3: {  	v51 =	vld.idx.msk [tilespmem:v44+s12+$0x0], $0xffff;
	v10 =	vadd.f32 v15, v10;
	v15 =	vmul.f32 v61, v61;
	vm12 =	vgt.s32 v6, $0x0  }
0xd4: {  	v53 =	vld.idx.msk [tilespmem:v46+s16+$0x0], $0xffff;
	v23 =	vmul.f32 v23, v23;
	v11 =	vmul.f32 v11, v3;
	v6 =	vnsel vm12, $0x0, v6  }
0xd5: {  	v57 =	vld.idx.msk [tilespmem:v52+s16+$0x0], $0xffff;
	v48 =	vadd.s32 $0x7200, v5;
	v15 =	vmul.f32 v15, v3;
	v6 =	vmin.u32 v6, $0x480  }
0xd6: {  	v45 =	vld.idx.msk [tilespmem:v37+s12+$0x0], $0xffff;
	v10 =	vadd.f32 v12, v10;
	v9 =	vadd.f32 v11, v9;
	v4 =	vshll.u32 v6, $0x3  }
0xd7: {  	v20 =	vld.idx.msk [tilespmem:v58+s16+$0x0], $0xffff;
	v5 =	vand.u32 $0x7F, v6;
	v6 =	vshll.u32 v31, $0x3;
	v4 =	vand.u32 $0x3C00, v4  }
0xd8: {  	v38 =	vld.idx.msk [tilespmem:v30+s16+$0x0], $0xffff;
	v11 =	vmul.f32 v17, v3;
	v4 =	vor.u32 v5, v4;
	v5 =	vand.u32 $0xFFFFFC00, v6  }
0xd9: {  	v16 =	vld.idx.msk [tilespmem:v41+s16+$0x0], $0xffff;
	v12 =	vmul.f32 v47, v47;
	v8 =	vadd.f32 v15, v8;
	v5 =	vor.u32 v21, v5  }
0xda: {  	v61 =	vld.idx.msk [tilespmem:v56+s12+$0x0], $0xffff;
	v7 =	vadd.f32 v11, v7;
	v11 =	vmul.f32 v13, v3;
	v58 =	vor.u32 $0x80, v4  }
0xdb: {  	v12 =	vmul.f32 v12, v3;
	v14 =	vsub.f32 v45, v43;
	v19 =	vld.idx.msk [tilespmem:v48+s12+$0x0], $0xffff;
	v62 =	vor.u32 $0x100, v4  }
0xdc: {  	v34 =	vor.u32 $0x180, v4;
	v9 =	vadd.f32 v11, v9;
	v11 =	vsub.f32 v32, v20;
	v20 =	vld.idx.msk [tilespmem:v54+s12+$0x0], $0xffff  }
0xdd: {  	vm14 =	vlt.s32 v18, s29;
	v14 =	vmul.f32 v14, v14;
	v37 =	vor.u32 $0x200, v4;
	v63 =	vld.idx.msk [tilespmem:v4+s16+$0x0], $0xffff  }
0xde: {  	v8 =	vadd.f32 v42, v8;
	v10 =	vadd.f32 v12, v10;
	v28 =	vor.u32 $0x280, v4;
	v33 =	vld.idx.msk [tilespmem:v5+s12+$0x0], $0xffff  }
0xdf: {  	v13 =	vsub.f32 v40, v38;
	v60 =	vmul.f32 v14, v3;
	v42 =	vor.u32 $0x300, v4;
	v21 =	vld.idx.msk [tilespmem:v58+s16+$0x0], $0xffff  }
0xe0: {  	v43 =	vor.u32 $0x380, v4;
	v48 =	vadd.s32 $0x2800, v4;
	v52 =	vadd.s32 $0x2880, v4;
	v26 =	vld.idx.msk [tilespmem:v62+s16+$0x0], $0xffff  }
0xe1: {  	v30 =	vadd.s32 $0x2900, v4;
	v59 =	vor.u32 $0x80, v5;
	v32 =	vsub.f32 v19, v53;
	v19 =	vld.idx.msk [tilespmem:v34+s16+$0x0], $0xffff  }
0xe2: {  	v31 =	vor.u32 $0x100, v5;
	v35 =	vor.u32 $0x180, v5;
	v38 =	vor.u32 $0x200, v5;
	v22 =	vld.idx.msk [tilespmem:v37+s16+$0x0], $0xffff  }
0xe3: {  	v39 =	vor.u32 $0x280, v5;
	v29 =	vor.u32 $0x300, v5;
	v11 =	vmul.f32 v11, v11;
	v44 =	vld.idx.msk [tilespmem:v28+s16+$0x0], $0xffff  }
0xe4: {  	v45 =	vor.u32 $0x380, v5;
	v50 =	vadd.s32 $0x1000, v5;
	v12 =	vmul.f32 v32, v32;
	v49 =	vld.idx.msk [tilespmem:v42+s16+$0x0], $0xffff  }
0xe5: {  	v53 =	vadd.s32 $0x1080, v5;
	v8 =	vadd.f32 v60, v8;
	v6 =	vmul.f32 v11, v3;
	v58 =	vld.idx.msk [tilespmem:v52+s16+$0x0], $0xffff  }
0xe6: {  	v32 =	vadd.s32 $0x2300, v5;
	v11 =	vmul.f32 v13, v13;
	v12 =	vmul.f32 v12, v3;
	v36 =	vld.idx.msk [tilespmem:v59+s12+$0x0], $0xffff  }
0xe7: {  	v34 =	vadd.s32 $0x1280, v5;
	v37 =	vadd.s32 $0x1300, v5;
	v52 =	vadd.s32 $0x5180, v4;
	v17 =	vld.idx.msk [tilespmem:v31+s12+$0x0], $0xffff  }
0xe8: {  	v13 =	vsub.f32 v20, v57;
	v41 =	vld.idx.msk [tilespmem:v35+s12+$0x0], $0xffff;
	v57 =	vadd.s32 $0x2980, v4;
	v59 =	vadd.s32 $0x1180, v5  }
0xe9: {  	v47 =	vld.idx.msk [tilespmem:v39+s12+$0x0], $0xffff;
	v35 =	vadd.s32 $0x2B00, v4;
	v6 =	vadd.f32 v6, v7;
	v7 =	vmul.f32 v11, v3  }
0xea: {  	v60 =	vld.idx.msk [tilespmem:v53+s12+$0x0], $0xffff;
	v31 =	vadd.s32 $0xF280, v4;
	v10 =	vadd.f32 v12, v10;
	v13 =	vmul.f32 v13, v13  }
0xeb: {  	v11 =	vld.idx.msk [tilespmem:v55+s16+$0x0], $0xffff;
	v55 =	vadd.s32 $0x1100, v5;
	v7 =	vadd.f32 v7, v9;
	v9 =	vsub.f32 v51, v16  }
0xec: {  	v62 =	vld.idx.msk [tilespmem:v30+s16+$0x0], $0xffff;
	v40 =	vmul.f32 v13, v3;
	v15 =	vsub.f32 v33, v63;
	v63 =	vadd.s32 $0x1200, v5  }
0xed: {  	v18 =	vld.idx.msk [tilespmem:v45+s12+$0x0], $0xffff;
	v33 =	vadd.s32 $0x2A80, v4;
	v46 =	vsub.f32 v36, v21;
	v17 =	vsub.f32 v17, v26  }
0xee: {  	v12 =	vld.idx.msk [tilespmem:v43+s16+$0x0], $0xffff;
	v9 =	vmul.f32 v9, v9;
	v13 =	vsub.f32 v41, v19;
	v14 =	vsub.f32 v47, v44  }
0xef: {  	v51 =	vld.idx.msk [tilespmem:v29+s12+$0x0], $0xffff;
	v41 =	vadd.s32 $0x1380, v5;
	v42 =	vsub.f32 v60, v58;
	v44 =	vadd.s32 $0x5000, v4  }
0xf0: {  	v24 =	vld.idx.msk [tilespmem:v59+s12+$0x0], $0xffff;
	v47 =	vadd.s32 $0x5080, v4;
	v59 =	vadd.s32 $0x2200, v5;
	v60 =	vadd.s32 $0x5280, v4  }
0xf1: {  	v45 =	vld.idx.msk [tilespmem:v35+s16+$0x0], $0xffff;
	v35 =	vadd.s32 $0x2380, v5;
	v8 =	vadd.f32 v40, v8;
	v11 =	vsub.f32 v61, v11  }
0xf2: {  	v56 =	vld.idx.msk [tilespmem:v50+s12+$0x0], $0xffff;
	v15 =	vmul.f32 v15, v15;
	v61 =	vadd.s32 $0x2A00, v4;
	v9 =	vmul.f32 v9, v3  }
0xf3: {  	v43 =	vld.idx.msk [tilespmem:v34+s12+$0x0], $0xffff;
	v12 =	vsub.f32 v18, v12;
	v16 =	vmul.f32 v46, v46;
	v17 =	vmul.f32 v17, v17  }
0xf4: {  	v21 =	vld.idx.msk [tilespmem:v55+s12+$0x0], $0xffff;
	v13 =	vmul.f32 v13, v13;
	v14 =	vmul.f32 v14, v14;
	v46 =	vadd.s32 $0x2000, v5  }
0xf5: {  	v19 =	vld.idx.msk [tilespmem:v32+s12+$0x0], $0xffff;
	v11 =	vmul.f32 v11, v11;
	v39 =	vsub.f32 v51, v49;
	v12 =	vmul.f32 v12, v12  }
0xf6: {  	v49 =	vadd.s32 $0x5100, v4;
	v6 =	vadd.f32 v9, v6;
	v9 =	vmul.f32 v23, v3;
	v40 =	vld.idx.msk [tilespmem:v33+s16+$0x0], $0xffff  }
0xf7: {  	v51 =	vadd.s32 $0x2100, v5;
	v33 =	vadd.s32 $0x5380, v4;
	v11 =	vmul.f32 v11, v3;
	v23 =	vld.idx.msk [tilespmem:v41+s12+$0x0], $0xffff  }
0xf8: {  	v50 =	vld.idx.msk [tilespmem:v44+s16+$0x0], $0xffff;
	v7 =	vadd.f32 v9, v7;
	v9 =	vsel vm0, $0x1, v2;
	vm0 =	vmand vm13, vm14  }
0xf9: {  	v53 =	vld.idx.msk [tilespmem:v47+s16+$0x0], $0xffff;
	v41 =	vadd.s32 $0x7880, v4;
	v21 =	vsub.f32 v21, v62;
	v3 =	vsel vm0, $0x3F800000, v1  }
0xfa: {  	v36 =	vld.idx.msk [tilespmem:v61+s16+$0x0], $0xffff;
	v61 =	vadd.s32 $0x2280, v5;
	v62 =	vadd.s32 $0x5300, v4;
	v15 =	vmul.f32 v15, v3  }
0xfb: {  	v34 =	vld.idx.msk [tilespmem:v60+s16+$0x0], $0xffff;
	v6 =	vadd.f32 v11, v6;
	v16 =	vmul.f32 v16, v3;
	v17 =	vmul.f32 v17, v3  }
0xfc: {  	(xrf0) =	vadd.scan.msk.s32 $0xffff, v9;
	v9 =	vld.idx.msk [tilespmem:v38+s12+$0x0], $0xffff;
	v38 =	vadd.s32 $0x2B80, v4;
	v13 =	vmul.f32 v13, v3;
	v14 =	vmul.f32 v14, v3  }
0xfd: {  	v11 =	vld.idx.msk [tilespmem:v48+s16+$0x0], $0xffff;
	v48 =	vadd.s32 $0x2080, v5;
	v12 =	vmul.f32 v12, v3;
	v21 =	vmul.f32 v21, v21  }
0xfe: {  	v20 =	vld.idx.msk [tilespmem:v51+s12+$0x0], $0xffff;
	v51 =	vadd.s32 $0x7A00, v4;
	v55 =	vsub.f32 v43, v40;
	v40 =	vadd.s32 $0x3000, v5  }
0xff: {  	v58 =	vld.idx.msk [tilespmem:v49+s16+$0x0], $0xffff;
	v43 =	vadd.s32 $0x7900, v4;
	v10 =	vadd.f32 v15, v10;
	v7 =	vadd.f32 v16, v7  }
0x100: {  	v16 =	vld.idx.msk [tilespmem:v57+s16+$0x0], $0xffff;
	v8 =	vadd.f32 v17, v8;
	v6 =	vadd.f32 v13, v6;
	v15 =	vmul.f32 v42, v42  }
0x101: {  	v17 =	vld.idx.msk [tilespmem:v37+s12+$0x0], $0xffff;
	v57 =	vadd.s32 $0x5200, v4;
	v21 =	vmul.f32 v21, v3;
	v42 =	vadd.s32 $0x3080, v5  }
0x102: {  	v47 =	vld.idx.msk [tilespmem:v41+s16+$0x0], $0xffff;
	v41 =	vadd.s32 $0xA180, v4;
	v13 =	vmul.f32 v55, v55;
	v55 =	vadd.s32 $0x3280, v5  }
0x103: {  	v37 =	vld.idx.msk [tilespmem:v61+s12+$0x0], $0xffff;
	v61 =	vadd.s32 $0x3380, v5;
	v9 =	vsub.f32 v9, v22;
	v7 =	vadd.f32 v14, v7  }
0x104: {  	v11 =	vsub.f32 v56, v11;
	v22 =	vmul.f32 v39, v39;
	v14 =	vld.idx.msk [tilespmem:v38+s16+$0x0], $0xffff;
	v15 =	vmul.f32 v15, v3  }
0x105: {  	v6 =	vadd.f32 v12, v6;
	v56 =	vld.idx.msk [tilespmem:v48+s12+$0x0], $0xffff;
	v38 =	vadd.s32 $0x7800, v4;
	v48 =	vadd.s32 $0x3180, v5  }
0x106: {  	v39 =	vld.idx.msk [tilespmem:v62+s16+$0x0], $0xffff;
	v54, _, _ =	vpop (xrf0);
	v13 =	vmul.f32 v13, v3;
	v20 =	vsub.f32 v20, v58;
	v58 =	vadd.s32 $0x3300, v5  }
0x107: {  	(v2sf) =	vpush v54, $0xF;
	v9 =	vmul.f32 v9, v9;
	v7 =	vadd.f32 v15, v7;
	v15 =	vld.idx.msk [tilespmem:v52+s16+$0x0], $0xffff  }
0x108: {  	v11 =	vmul.f32 v11, v11;
	v22 =	vmul.f32 v22, v3;
	v54 =	vadd.s32 $0x2180, v5;
	v52 =	vld.idx.msk [tilespmem:v43+s16+$0x0], $0xffff  }
0x109: {  	v43 =	vadd.s32 $0x4180, v5;
	v16 =	vsub.f32 v24, v16;
	v7 =	vadd.f32 v13, v7;
	v13 =	vld.idx.msk [tilespmem:v33+s16+$0x0], $0xffff  }
0x10a: {  	v17 =	vsub.f32 v17, v45;
	v9 =	vmul.f32 v9, v3;
	v14 =	vsub.f32 v23, v14;
	v23 =	vld.idx.msk [tilespmem:v35+s12+$0x0], $0xffff  }
0x10b: {  	v45 =	vadd.s32 $0x3100, v5;
	v20 =	vmul.f32 v20, v20;
	v8 =	vadd.f32 v22, v8;
	v44 =	vld.idx.msk [tilespmem:v38+s16+$0x0], $0xffff  }
0x10c: {  	v11 =	vmul.f32 v11, v3;
	v49 =	vsub.f32 v37, v34;
	v9 =	vadd.f32 v9, v10;
	v10 =	vld.idx.msk [tilespmem:v63+s12+$0x0], $0xffff  }
0x10d: {  	v33 =	vadd.s32 $0xA000, v4;
	v37 =	vadd.s32 $0x4080, v5;
	v17 =	vmul.f32 v17, v17;
	v63 =	vld.idx.msk [tilespmem:v57+s16+$0x0], $0xffff  }
0x10e: {  	v16 =	vmul.f32 v16, v16;
	v20 =	vmul.f32 v20, v3;
	v19 =	vsub.f32 v19, v39;
	v57 =	vld.idx.msk [tilespmem:v51+s16+$0x0], $0xffff  }
0x10f: {  	v35 =	vadd.s32 $0x4000, v5;
	v8 =	vadd.f32 v21, v8;
	v24 =	vld.idx.msk [tilespmem:v54+s12+$0x0], $0xffff;
	v17 =	vmul.f32 v17, v3  }
0x110: {  	v38 =	vadd.s32 $0xA100, v4;
	v51 =	vadd.s32 $0xA300, v4;
	v9 =	vadd.f32 v11, v9;
	v11 =	vld.idx.msk [tilespmem:v46+s12+$0x0], $0xffff  }
0x111: {  	v16 =	vmul.f32 v16, v3;
	v14 =	vmul.f32 v14, v14;
	v8 =	vadd.f32 v17, v8;
	v17 =	vld.idx.msk [tilespmem:v45+s12+$0x0], $0xffff  }
0x112: {  	v54 =	vadd.s32 $0x7A80, v4;
	v19 =	vmul.f32 v19, v19;
	v46 =	vadd.s32 $0x7980, v4;
	v39 =	vld.idx.msk [tilespmem:v33+s16+$0x0], $0xffff  }
0x113: {  	v6 =	vadd.f32 v16, v6;
	v14 =	vmul.f32 v14, v3;
	v45 =	vld.idx.msk [tilespmem:v37+s12+$0x0], $0xffff;
	v13 =	vsub.f32 v23, v13  }
0x114: {  	v23 =	vld.idx.msk [tilespmem:v61+s12+$0x0], $0xffff;
	v10 =	vsub.f32 v10, v36;
	v36 =	vsub.f32 v56, v53;
	v56 =	vadd.s32 $0x7B00, v4  }
0x115: {  	v16 =	vmul.f32 v49, v49;
	v19 =	vmul.f32 v19, v3;
	v8 =	vadd.f32 v20, v8;
	v20 =	vld.idx.msk [tilespmem:v58+s12+$0x0], $0xffff  }
0x116: {  	v49 =	vadd.s32 $0xA280, v4;
	v15 =	vsub.f32 v24, v15;
	v24 =	vld.idx.msk [tilespmem:v48+s12+$0x0], $0xffff;
	v10 =	vmul.f32 v10, v10  }
0x117: {  	v33 =	vadd.s32 $0xC900, v4;
	v60 =	vld.idx.msk [tilespmem:v54+s16+$0x0], $0xffff;
	v12 =	vmul.f32 v36, v36;
	v36 =	vadd.s32 $0xA080, v4  }
0x118: {  	v61 =	vadd.s32 $0x5000, v5;
	v11 =	vsub.f32 v11, v50;
	v50 =	vld.idx.msk [tilespmem:v42+s12+$0x0], $0xffff;
	v10 =	vmul.f32 v10, v3  }
0x119: {  	v6 =	vadd.f32 v14, v6;
	v53 =	vadd.s32 $0x3200, v5;
	v12 =	vmul.f32 v12, v3;
	v34 =	vld.idx.msk [tilespmem:v56+s16+$0x0], $0xffff  }
0x11a: {  	v58 =	vadd.s32 $0xC800, v4;
	v11 =	vmul.f32 v11, v11;
	v9 =	vadd.f32 v10, v9;
	v10 =	vld.idx.msk [tilespmem:v59+s12+$0x0], $0xffff  }
0x11b: {  	v16 =	vmul.f32 v16, v3;
	v13 =	vmul.f32 v13, v13;
	v7 =	vadd.f32 v12, v7;
	v12 =	vld.idx.msk [tilespmem:v46+s16+$0x0], $0xffff  }
0x11c: {  	v48 =	vadd.s32 $0x4200, v5;
	v11 =	vmul.f32 v11, v3;
	v59 =	vadd.s32 $0x7B80, v4;
	v42 =	vld.idx.msk [tilespmem:v36+s16+$0x0], $0xffff  }
0x11d: {  	v54 =	vadd.s32 $0xA380, v4;
	v15 =	vmul.f32 v15, v15;
	v62 =	vsub.f32 v50, v47;
	v47 =	vld.idx.msk [tilespmem:v38+s16+$0x0], $0xffff  }
0x11e: {  	v17 =	vsub.f32 v17, v52;
	v46 =	vadd.s32 $0xA200, v4;
	v9 =	vadd.f32 v11, v9;
	v11 =	vld.idx.msk [tilespmem:v40+s12+$0x0], $0xffff  }
0x11f: {  	v8 =	vadd.f32 v19, v8;
	v13 =	vmul.f32 v13, v3;
	v20 =	vsub.f32 v20, v34;
	v34 =	vld.idx.msk [tilespmem:v58+s16+$0x0], $0xffff  }
0x120: {  	v15 =	vmul.f32 v15, v3;
	v17 =	vmul.f32 v17, v17;
	v10 =	vsub.f32 v10, v63;
	v63 =	vld.idx.msk [tilespmem:v55+s12+$0x0], $0xffff  }
0x121: {  	v56 =	vadd.s32 $0x4380, v5;
	v7 =	vadd.f32 v16, v7;
	v40 =	vadd.s32 $0x4100, v5;
	v16 =	vld.idx.msk [tilespmem:v59+s16+$0x0], $0xffff  }
0x122: {  	v6 =	vadd.f32 v15, v6;
	v17 =	vmul.f32 v17, v3;
	v12 =	vsub.f32 v24, v12;
	v24 =	vld.idx.msk [tilespmem:v43+s12+$0x0], $0xffff  }
0x123: {  	v50 =	vadd.s32 $0x4280, v5;
	v36 =	vadd.s32 $0xC980, v4;
	v52 =	vld.idx.msk [tilespmem:v46+s16+$0x0], $0xffff;
	v10 =	vmul.f32 v10, v10  }
0x124: {  	v14 =	vmul.f32 v62, v62;
	v6 =	vadd.f32 v13, v6;
	v62 =	vadd.s32 $0xC880, v4;
	v55 =	vld.idx.msk [tilespmem:v49+s16+$0x0], $0xffff  }
0x125: {  	v8 =	vadd.f32 v17, v8;
	v59 =	vsel vm0, $0x1, v2;
	v43 =	vld.idx.msk [tilespmem:v33+s16+$0x0], $0xffff;
	v10 =	vmul.f32 v10, v3  }
0x126: {  	v14 =	vmul.f32 v14, v3;
	v46 =	vadd.s32 $0xCA80, v4;
	v18 =	vsub.f32 v45, v42;
	(xrf0) =	vadd.scan.msk.s32 $0xffff, v59;
	v19 =	vld.idx.msk [tilespmem:v40+s12+$0x0], $0xffff  }
0x127: {  	v42 =	vadd.s32 $0xCA00, v4;
	v11 =	vsub.f32 v11, v44;
	v9 =	vadd.f32 v10, v9;
	v10 =	vld.idx.msk [tilespmem:v53+s12+$0x0], $0xffff  }
0x128: {  	v33 =	vadd.s32 $0x6100, v5;
	v20 =	vmul.f32 v20, v20;
	v7 =	vadd.f32 v14, v7;
	v14 =	vld.idx.msk [tilespmem:v41+s16+$0x0], $0xffff  }
0x129: {  	v59 =	vadd.s32 $0x6000, v5;
	v38 =	vld.idx.msk [tilespmem:v62+s16+$0x0], $0xffff;
	v62 =	vadd.s32 $0x6080, v5;
	v11 =	vmul.f32 v11, v11  }
0x12a: {  	v12 =	vmul.f32 v12, v12;
	v44 =	vsub.f32 v63, v60;
	v60 =	vld.idx.msk [tilespmem:v51+s16+$0x0], $0xffff;
	v63 =	vadd.s32 $0x5080, v5  }
0x12b: {  	v20 =	vmul.f32 v20, v3;
	v16 =	vsub.f32 v23, v16;
	v23 =	vld.idx.msk [tilespmem:v56+s12+$0x0], $0xffff;
	v11 =	vmul.f32 v11, v3  }
0x12c: {  	v18 =	vmul.f32 v18, v18;
	v53 =	vadd.s32 $0x4300, v5;
	v49 =	vld.idx.msk [tilespmem:v42+s16+$0x0], $0xffff;
	v40, _, _ =	vpop (xrf0);
	v10 =	vsub.f32 v10, v57  }
0x12d: {  	v12 =	vmul.f32 v12, v3;
	v9 =	vadd.f32 v11, v9;
	v11 =	vld.idx.msk [tilespmem:v35+s12+$0x0], $0xffff;
	(v2sf) =	vpush v40, $0xF  }
0x12e: {  	v8 =	vadd.f32 v20, v8;
	v18 =	vmul.f32 v18, v3;
	v40 =	vld.idx.msk [tilespmem:v62+s12+$0x0], $0xffff;
	v10 =	vmul.f32 v10, v10  }
0x12f: {  	v6 =	vadd.f32 v12, v6;
	v15 =	vmul.f32 v44, v44;
	v16 =	vmul.f32 v16, v16;
	v41 =	vld.idx.msk [tilespmem:v63+s12+$0x0], $0xffff  }
0x130: {  	v37 =	vsub.f32 v19, v47;
	v14 =	vsub.f32 v24, v14;
	v57 =	vld.idx.msk [tilespmem:v50+s12+$0x0], $0xffff;
	v10 =	vmul.f32 v10, v3  }
0x131: {  	v44 =	vadd.s32 $0x5200, v5;
	v47 =	vadd.s32 $0x5280, v5;
	v15 =	vmul.f32 v15, v3;
	v17 =	vld.idx.msk [tilespmem:v53+s12+$0x0], $0xffff  }
0x132: {  	v16 =	vmul.f32 v16, v3;
	v14 =	vmul.f32 v14, v14;
	v9 =	vadd.f32 v10, v9;
	v10 =	vld.idx.msk [tilespmem:v48+s12+$0x0], $0xffff  }
0x133: {  	v35 =	vadd.s32 $0x5100, v5;
	v63 =	vadd.s32 $0xF100, v4;
	v7 =	vadd.f32 v15, v7;
	v15 =	vld.idx.msk [tilespmem:v54+s16+$0x0], $0xffff  }
0x134: {  	v6 =	vadd.f32 v16, v6;
	v16 =	vld.idx.msk [tilespmem:v36+s16+$0x0], $0xffff;
	v14 =	vmul.f32 v14, v3;
	v11 =	vsub.f32 v11, v39  }
0x135: {  	v50 =	vadd.s32 $0x5300, v5;
	v53 =	vld.idx.msk [tilespmem:v46+s16+$0x0], $0xffff;
	v54 =	vadd.s32 $0x5380, v5;
	v36 =	vadd.s32 $0xF180, v4  }
0x136: {  	v51 =	vld.idx.msk [tilespmem:v44+s12+$0x0], $0xffff;
	v7 =	vadd.f32 v18, v7;
	v18 =	vmul.f32 v37, v37;
	v11 =	vmul.f32 v11, v11  }
0x137: {  	v56 =	vld.idx.msk [tilespmem:v47+s12+$0x0], $0xffff;
	v39 =	vadd.s32 $0x5180, v5;
	v6 =	vadd.f32 v14, v6;
	v10 =	vsub.f32 v10, v52  }
0x138: {  	v45 =	vld.idx.msk [tilespmem:v35+s12+$0x0], $0xffff;
	v18 =	vmul.f32 v18, v3;
	v19 =	vsub.f32 v41, v38;
	v11 =	vmul.f32 v11, v3  }
0x139: {  	v38 =	vadd.s32 $0x6180, v5;
	v41 =	vadd.s32 $0xF200, v4;
	v42 =	vld.idx.msk [tilespmem:v63+s16+$0x0], $0xffff;
	v10 =	vmul.f32 v10, v10  }
0x13a: {  	v63 =	vadd.s32 $0x11880, v4;
	v13 =	vsub.f32 v57, v55;
	v9 =	vadd.f32 v11, v9;
	v11 =	vld.idx.msk [tilespmem:v61+s12+$0x0], $0xffff  }
0x13b: {  	s31 =	spop (v2sf);
	v35 =	vld.idx.msk [tilespmem:v59+s12+$0x0], $0xffff;
	v55 =	vsub.f32 v23, v15;
	v48 =	vadd.s32 $0xCB00, v4;
	v10 =	vmul.f32 v10, v3  }
0x13c: {  	s28 =	sadd.s32 s28, s31;
	v22 =	vld.idx.msk [tilespmem:v54+s12+$0x0], $0xffff;
	v8 =	vadd.f32 v18, v8;
	v19 =	vmul.f32 v19, v19;
	v15 =	vsub.f32 v56, v53;
	s30 =	spop (v2sf)  }
0x13d: {  	v23 =	vld.idx.msk [tilespmem:v33+s12+$0x0], $0xffff;
	v53 =	vadd.s32 $0x6300, v5;
	s28 =	sadd.s32 s30, s28;
	v9 =	vadd.f32 v10, v9;
	v10 =	vsub.f32 v17, v60  }
0x13e: {  	v54 =	vld.idx.msk [tilespmem:v31+s16+$0x0], $0xffff;
	v13 =	vmul.f32 v13, v13;
	v61 =	vadd.s32 $0xF080, v4;
	v44 =	vadd.s32 s28, v0  }
0x13f: {  	v26 =	vld.idx.msk [tilespmem:v39+s12+$0x0], $0xffff;
	v11 =	vsub.f32 v11, v34;
	vm15 =	vlt.s32 v44, $0x1FF;
	v10 =	vmul.f32 v10, v10  }
0x140: {  	v14 =	vsub.f32 v51, v49;
	v13 =	vmul.f32 v13, v3;
	v47 =	vld.idx.msk [tilespmem:v38+s12+$0x0], $0xffff;
	v46 =	vnsel vm15, $0x1FF, v44  }
0x141: {  	v49 =	vld.idx.msk [tilespmem:v41+s16+$0x0], $0xffff;
	v41 =	vadd.s32 $0x7180, v5;
	v11 =	vmul.f32 v11, v11;
	v10 =	vmul.f32 v10, v3  }
0x142: {  	v52 =	vadd.s32 $0xCB80, v4;
	v7 =	vadd.f32 v13, v7;
	v58 =	vld.idx.msk [tilespmem:v48+s16+$0x0], $0xffff;
	v13 =	vmul.f32 v55, v55  }
0x143: {  	v57 =	vadd.s32 $0xF000, v4;
	v62 =	vld.idx.msk [tilespmem:v53+s12+$0x0], $0xffff;
	v8 =	vadd.f32 v10, v8;
	v10 =	vmul.f32 v11, v3  }
0x144: {  	v39 =	vsub.f32 v26, v16;
	v13 =	vmul.f32 v13, v3;
	v34 =	vmul.f32 v19, v3;
	v37 =	vld.idx.msk [tilespmem:v61+s16+$0x0], $0xffff  }
0x145: {  	v55 =	vadd.s32 $0xF380, v4;
	v25 =	vld.idx.msk [tilespmem:v46+s3+$0x0], $0xffff;
	v9 =	vadd.f32 v10, v9;
	v10 =	vsub.f32 v45, v43  }
0x146: {  	v56 =	vadd.s32 $0x6380, v5;
	v28 =	vld.idx.msk [tilespmem:v41+s12+$0x0], $0xffff;
	v6 =	vadd.f32 v13, v6;
	v7 =	vadd.f32 v34, v7  }
0x147: {  	v13 =	vmul.f32 v39, v39;
	v34 =	vadd.s32 $0x7080, v5;
	v27 =	vld.idx.msk [tilespmem:v52+s16+$0x0], $0xffff;
	v10 =	vmul.f32 v10, v10  }
0x148: {  	v51 =	vmul.f32 v15, v15;
	v23 =	vsub.f32 v23, v42;
	v61 =	vadd.s32 $0x7000, v5;
	v60 =	vld.idx.msk [tilespmem:v50+s12+$0x0], $0xffff  }
0x149: {  	v48 =	vadd.s32 $0x6280, v5;
	v13 =	vmul.f32 v13, v3;
	v11 =	vld.idx.msk [tilespmem:v57+s16+$0x0], $0xffff;
	v10 =	vmul.f32 v10, v3  }
0x14a: {  	v33 =	vld.idx.msk [tilespmem:v55+s16+$0x0], $0xffff;
	v12 =	vsub.f32 v40, v37;
	v43 =	vadd.s32 $0x6200, v5;
	v25 =	vxor.u32 $0x80000000, v25  }
0x14b: {  	v39 =	vadd.s32 $0x11980, v4;
	v40 =	vld.idx.msk [tilespmem:v63+s16+$0x0], $0xffff;
	(xrf0) =	vmin.scan.msk.u32 $0xffff, v25;
	v8 =	vadd.f32 v10, v8;
	v10 =	vmul.f32 v14, v14  }
0x14c: {  	v50 =	vadd.s32 $0xF300, v4;
	v37 =	vadd.s32 $0x7100, v5;
	v6 =	vadd.f32 v13, v6;
	v42 =	vld.idx.msk [tilespmem:v34+s12+$0x0], $0xffff  }
0x14d: {  	v38 =	vld.idx.msk [tilespmem:v61+s12+$0x0], $0xffff;
	v22 =	vsub.f32 v22, v27;
	v20 =	vsub.f32 v60, v58;
	v10 =	vmul.f32 v10, v3  }
0x14e: {  	v13 =	vmul.f32 v51, v3;
	v51 =	vadd.s32 $0x11B00, v4;
	v27 =	vld.idx.msk [tilespmem:v56+s12+$0x0], $0xffff;
	v11 =	vsub.f32 v35, v11  }
0x14f: {  	v59 =	vmul.f32 v22, v22;
	v52 =	vld.idx.msk [tilespmem:v43+s12+$0x0], $0xffff;
	v9 =	vadd.f32 v10, v9;
	v10 =	vmul.f32 v20, v20  }
0x150: {  	v7 =	vadd.f32 v13, v7;
	v58 =	vadd.s32 $0x11800, v4;
	v45 =	vld.idx.msk [tilespmem:v36+s16+$0x0], $0xffff;
	v11 =	vmul.f32 v11, v11  }
0x151: {  	v60 =	vld.idx.msk [tilespmem:v50+s16+$0x0], $0xffff;
	v13 =	vmul.f32 v59, v3;
	v56 =	vsub.f32 v42, v40;
	v50, _, _ =	vpop (xrf0);
	v10 =	vmul.f32 v10, v3  }
0x152: {  	v57 =	vld.idx.msk [tilespmem:v48+s12+$0x0], $0xffff;
	v35 =	vadd.s32 $0x11900, v4;
	v11 =	vmul.f32 v11, v3;
	(v2sf) =	vpush v50, $0xF  }
0x153: {  	v46 =	vld.idx.msk [tilespmem:v37+s12+$0x0], $0xffff;
	v43 =	vadd.s32 $0x11A00, v4;
	v8 =	vadd.f32 v10, v8;
	v10 =	vmul.f32 v12, v12  }
0x154: {  	v48 =	vld.idx.msk [tilespmem:v39+s16+$0x0], $0xffff;
	v14 =	vsub.f32 v52, v49;
	v49 =	vadd.s32 $0x7280, v5;
	v9 =	vadd.f32 v11, v9  }
0x155: {  	v55 =	vld.idx.msk [tilespmem:v51+s16+$0x0], $0xffff;
	v11 =	vsub.f32 v47, v45;
	v45 =	vadd.s32 $0x7200, v5;
	v10 =	vmul.f32 v10, v3  }
0x156: {  	v16 =	vsub.f32 v27, v33;
	v36 =	vld.idx.msk [tilespmem:v58+s16+$0x0], $0xffff;
	v19 =	vsub.f32 v62, v60;
	v47 =	vadd.s32 $0x11A80, v4  }
0x157: {  	v44 =	vld.idx.msk [tilespmem:v35+s16+$0x0], $0xffff;
	v4 =	vadd.s32 $0x11B80, v4;
	v7 =	vadd.f32 v10, v7;
	v10 =	vmul.f32 v23, v23  }
0x158: {  	v18 =	vld.idx.msk [tilespmem:v43+s16+$0x0], $0xffff;
	v52 =	vadd.s32 $0x7300, v5;
	v5 =	vadd.s32 $0x7380, v5;
	v11 =	vmul.f32 v11, v11  }
0x159: {  	v20 =	vsub.f32 v57, v54;
	v14 =	vmul.f32 v14, v14;
	v54 =	vld.idx.msk [tilespmem:v49+s12+$0x0], $0xffff;
	v10 =	vmul.f32 v10, v3  }
0x15a: {  	v6 =	vadd.f32 v13, v6;
	v19 =	vmul.f32 v19, v19;
	v11 =	vmul.f32 v11, v3;
	v29 =	vld.idx.msk [tilespmem:v45+s12+$0x0], $0xffff  }
0x15b: {  	v20 =	vmul.f32 v20, v20;
	v21 =	vld.idx.msk [tilespmem:v47+s16+$0x0], $0xffff;
	v8 =	vadd.f32 v10, v8;
	v10 =	vmul.f32 v14, v3  }
0x15c: {  	v16 =	vmul.f32 v16, v16;
	v4 =	vld.idx.msk [tilespmem:v4+s16+$0x0], $0xffff;
	v6 =	vadd.f32 v11, v6;
	v11 =	vmul.f32 v19, v3  }
0x15d: {  	v57 =	vsub.f32 v46, v44;
	v53 =	vmul.f32 v20, v3;
	v5 =	vld.idx.msk [tilespmem:v5+s12+$0x0], $0xffff;
	v9 =	vadd.f32 v10, v9  }
0x15e: {  	v12 =	vmul.f32 v56, v56;
	v10 =	vld.idx.msk [tilespmem:v52+s12+$0x0], $0xffff;
	v8 =	vadd.f32 v11, v8;
	v11 =	vsub.f32 v38, v36  }
0x15f: {  	v58 =	vsub.f32 v28, v48;
	v16 =	vmul.f32 v16, v3;
	v13 =	vmul.f32 v57, v57  }
0x160: {  	v12 =	vmul.f32 v12, v3;
	v7 =	vadd.f32 v53, v7;
	v11 =	vmul.f32 v11, v11  }
0x161: {  	v6 =	vadd.f32 v16, v6;
	v59 =	vsub.f32 v29, v18;
	v14 =	vmul.f32 v58, v58;
	s31 =	spop (v2sf)  }
0x162: {  	p0 =	sgt.s32 s28, $0x1FF;
	v60 =	vsub.f32 v54, v21;
	v4 =	vsub.f32 v5, v4;
	s30 =	sxor.u32 $0x80000000, s31;
	v11 =	vmul.f32 v11, v3  }
0x163: {  	v5 =	vmul.f32 v13, v3;
	v61 =	vmul.f32 v14, v3;
	p1 =	slt.s32 @!p0 s30, $0xF4200;
	v10 =	vsub.f32 v10, v55  }
0x164: {  	v62 =	vmul.f32 v60, v60;
	p1 =	por p0, !p1;
	v9 =	vadd.f32 v11, v9;
	v11 =	vmul.f32 v59, v59  }
.Ltmp3:
0x165: {  	v7 =	vadd.f32 v12, v7;
	v4 =	vmul.f32 v4, v4;
	v10 =	vmul.f32 v10, v10;
	(pc) =	sbr.rel @!p1 .LBB2_2-.Ltmp3, $4  }
0x166: {  	v5 =	vadd.f32 v5, v8;
	v8 =	vmul.f32 v11, v3;
	v11 =	vmul.f32 v62, v3  }
0x167: {  	v6 =	vadd.f32 v61, v6;
	v63 =	vmul.f32 v10, v3;
	v3 =	vmul.f32 v4, v3  }
0x168: {  	v10 =	vadd.f32 v8, v9;
	v9 =	vadd.f32 v11, v7  }
0x169: {  	v8 =	vadd.f32 v63, v5;
	v7 =	vadd.f32 v3, v6  }
.Ltmp4:
0x16a: {  	(pc) =	sbr.rel @p0 .LBB2_6-.Ltmp4, $2  }
0x16b: {  	_ =	sdelay $0x2  }
0x16c: {  	v5 =	vmovc v9;
	v6 =	vmov v10;
	s29 =	smov.u32 s28;
	v3 =	vmov v7;
	v4 =	vmov v8  }
.LBB2_4:
0x16d: {  	v7 =	vmovc v3;
	v8 =	vmov v4;
	v9 =	vmov v5;
	v10 =	vmov v6  }
.LBB2_5:
0x16e: {  	v3 =	vadd.s32 s29, v0  }
0x16f: {  	vm0 =	vlt.s32 v3, $0x1FF  }
0x170: {  	v4 =	vnsel vm0, $0x1FF, v3;
	_ =	sdelay $0x3  }
0x171: {  	v11 =	vshll.u32 v4, $0x3  }
0x172: {  	v11 =	vand.u32 $0xFFFFFC00, v11;
	v6 =	vld.idx.msk [tilespmem:v4+s3+$0x0], $0xffff;
	v4 =	vand.u32 $0x7F, v4  }
0x173: {  	v4 =	vor.u32 v4, v11  }
0x174: {  	v12 =	vor.u32 $0x80, v4  }
0x175: {  	v15 =	vor.u32 $0x100, v4  }
0x176: {  	v18 =	vor.u32 $0x180, v4  }
0x177: {  	v20 =	vor.u32 $0x200, v4  }
0x178: {  	v22 =	vor.u32 $0x280, v4;
	v16 =	vld.idx.msk [tilespmem:v4+s12+$0x0], $0xffff  }
0x179: {  	v31 =	vor.u32 $0x300, v4;
	v12 =	vld.idx.msk [tilespmem:v12+s12+$0x0], $0xffff  }
0x17a: {  	v35 =	vor.u32 $0x380, v4;
	v15 =	vld.idx.msk [tilespmem:v15+s12+$0x0], $0xffff  }
0x17b: {  	v24 =	vadd.s32 $0x1000, v4;
	v28 =	vld.idx.msk [tilespmem:v18+s12+$0x0], $0xffff  }
0x17c: {  	v39 =	vadd.s32 $0x1080, v4;
	v32 =	vld.idx.msk [tilespmem:v20+s12+$0x0], $0xffff  }
0x17d: {  	v43 =	vadd.s32 $0x1100, v4;
	v22 =	vld.idx.msk [tilespmem:v22+s12+$0x0], $0xffff  }
0x17e: {  	v50 =	vadd.s32 $0x1200, v4;
	v5 =	vadd.s32 $0xFFF0BE00, v6;
	v36 =	vld.idx.msk [tilespmem:v31+s12+$0x0], $0xffff  }
0x17f: {  	v54 =	vadd.s32 $0x1280, v4;
	vm10 =	vgt.s32 v5, $0x0;
	v40 =	vld.idx.msk [tilespmem:v35+s12+$0x0], $0xffff  }
0x180: {  	v5 =	vnsel vm10, $0x0, v5;
	v44 =	vld.idx.msk [tilespmem:v24+s12+$0x0], $0xffff;
	v31 =	vadd.s32 $0x2080, v4  }
0x181: {  	v48 =	vld.idx.msk [tilespmem:v39+s12+$0x0], $0xffff;
	v5 =	vmin.u32 v5, $0x3F  }
0x182: {  	s28 =	sadd.s32 $0x10, s29;
	v51 =	vld.idx.msk [tilespmem:v43+s12+$0x0], $0xffff;
	v11 =	vor.u32 $0x80, v5  }
0x183: {  	v25 =	vadd.s32 s28, v0;
	v58 =	vld.idx.msk [tilespmem:v50+s12+$0x0], $0xffff;
	v13 =	vor.u32 $0x100, v5  }
0x184: {  	vm11 =	vlt.s32 v3, $0x200;
	vm12 =	vlt.s32 v25, $0x1FF;
	v61 =	vld.idx.msk [tilespmem:v54+s12+$0x0], $0xffff;
	v17 =	vor.u32 $0x180, v5  }
0x185: {  	vm14 =	vlt.s32 v25, $0x200;
	v47 =	vadd.s32 $0x1180, v4;
	v19 =	vor.u32 $0x200, v5;
	v39 =	vld.idx.msk [tilespmem:v31+s12+$0x0], $0xffff  }
0x186: {  	v57 =	vadd.s32 $0x1300, v4;
	v60 =	vadd.s32 $0x1380, v4;
	v21 =	vor.u32 $0x280, v5;
	v14 =	vld.idx.msk [tilespmem:v5+s15+$0x0], $0xffff  }
0x187: {  	v63 =	vadd.s32 $0x2000, v4;
	vm1 =	vlt.s32 v6, $0xF4240;
	v33 =	vor.u32 $0x380, v5;
	v11 =	vld.idx.msk [tilespmem:v11+s15+$0x0], $0xffff  }
0x188: {  	v26 =	vadd.s32 $0x7080, v4;
	vm0 =	vmand vm11, vm1;
	v23 =	vor.u32 $0x400, v5;
	v13 =	vld.idx.msk [tilespmem:v13+s15+$0x0], $0xffff  }
0x189: {  	v3 =	vsel vm0, $0x3F800000, v1;
	v35 =	vadd.s32 $0x2100, v4;
	v37 =	vor.u32 $0x480, v5;
	v17 =	vld.idx.msk [tilespmem:v17+s15+$0x0], $0xffff  }
0x18a: {  	v29 =	vor.u32 $0x300, v5;
	v41 =	vor.u32 $0x500, v5;
	v45 =	vor.u32 $0x580, v5;
	v30 =	vld.idx.msk [tilespmem:v19+s15+$0x0], $0xffff  }
0x18b: {  	v49 =	vor.u32 $0x600, v5;
	v52 =	vor.u32 $0x680, v5;
	v34 =	vld.idx.msk [tilespmem:v21+s15+$0x0], $0xffff;
	v6 =	vsub.f32 v16, v14  }
0x18c: {  	v55 =	vor.u32 $0x700, v5;
	v59 =	vor.u32 $0x780, v5;
	v38 =	vld.idx.msk [tilespmem:v33+s15+$0x0], $0xffff;
	v11 =	vsub.f32 v12, v11  }
0x18d: {  	v62 =	vor.u32 $0x800, v5;
	v43 =	vor.u32 $0xA80, v5;
	v42 =	vld.idx.msk [tilespmem:v23+s15+$0x0], $0xffff;
	v6 =	vmul.f32 v6, v6  }
0x18e: {  	v54 =	vor.u32 $0xC00, v5;
	v46 =	vld.idx.msk [tilespmem:v37+s15+$0x0], $0xffff;
	v13 =	vsub.f32 v15, v13;
	v11 =	vmul.f32 v11, v11  }
0x18f: {  	v27 =	vor.u32 $0x1E80, v5;
	v20 =	vld.idx.msk [tilespmem:v41+s15+$0x0], $0xffff;
	v33 =	vor.u32 $0x900, v5;
	v6 =	vmul.f32 v6, v3  }
0x190: {  	v53 =	vld.idx.msk [tilespmem:v45+s15+$0x0], $0xffff;
	v37 =	vor.u32 $0x980, v5;
	v13 =	vmul.f32 v13, v13;
	v11 =	vmul.f32 v11, v3  }
0x191: {  	v41 =	vadd.s32 $0x2200, v4;
	v16 =	vld.idx.msk [tilespmem:v29+s15+$0x0], $0xffff;
	v6 =	vadd.f32 v6, v10;
	v10 =	vsub.f32 v28, v17  }
0x192: {  	v56 =	vld.idx.msk [tilespmem:v49+s15+$0x0], $0xffff;
	v45 =	vadd.s32 $0x2280, v4;
	v9 =	vadd.f32 v11, v9;
	v11 =	vmul.f32 v13, v3  }
0x193: {  	v19 =	vld.idx.msk [tilespmem:v52+s15+$0x0], $0xffff;
	v49 =	vadd.s32 $0x2300, v4;
	v12 =	vsub.f32 v32, v30;
	v10 =	vmul.f32 v10, v10  }
0x194: {  	v18 =	vld.idx.msk [tilespmem:v43+s15+$0x0], $0xffff;
	v52 =	vadd.s32 $0x2380, v4;
	v8 =	vadd.f32 v11, v8;
	v11 =	vsub.f32 v22, v34  }
0x195: {  	v43 =	vor.u32 $0xF80, v5;
	v30 =	vld.idx.msk [tilespmem:v59+s15+$0x0], $0xffff;
	v12 =	vmul.f32 v12, v12;
	v10 =	vmul.f32 v10, v3  }
0x196: {  	v29 =	vor.u32 $0x880, v5;
	v32 =	vld.idx.msk [tilespmem:v60+s12+$0x0], $0xffff;
	v14 =	vsub.f32 v36, v16;
	v11 =	vmul.f32 v11, v11  }
0x197: {  	v15 =	vsub.f32 v44, v42;
	v42 =	vld.idx.msk [tilespmem:v35+s12+$0x0], $0xffff;
	v7 =	vadd.f32 v10, v7;
	v10 =	vmul.f32 v12, v3  }
0x198: {  	v44 =	vld.idx.msk [tilespmem:v37+s15+$0x0], $0xffff;
	v59 =	vadd.s32 $0x3080, v4;
	v14 =	vmul.f32 v14, v14;
	v11 =	vmul.f32 v11, v3  }
0x199: {  	v50 =	vld.idx.msk [tilespmem:v41+s12+$0x0], $0xffff;
	v35 =	vor.u32 $0xE80, v5;
	v6 =	vadd.f32 v10, v6;
	v10 =	vsub.f32 v40, v38  }
0x19a: {  	v60 =	vld.idx.msk [tilespmem:v52+s12+$0x0], $0xffff;
	v37 =	vadd.s32 $0x3280, v4;
	v9 =	vadd.f32 v11, v9;
	v11 =	vmul.f32 v14, v3  }
0x19b: {  	v41 =	vadd.s32 $0x3300, v4;
	v52 =	vor.u32 $0x1100, v5;
	v36 =	vld.idx.msk [tilespmem:v63+s12+$0x0], $0xffff;
	v10 =	vmul.f32 v10, v10  }
0x19c: {  	v15 =	vmul.f32 v15, v15;
	v17 =	vld.idx.msk [tilespmem:v47+s12+$0x0], $0xffff;
	v8 =	vadd.f32 v11, v8;
	v11 =	vsub.f32 v48, v46  }
0x19d: {  	v16 =	vld.idx.msk [tilespmem:v29+s15+$0x0], $0xffff;
	v63 =	vadd.s32 $0x3100, v4;
	v29 =	vor.u32 $0xD80, v5;
	v10 =	vmul.f32 v10, v3  }
0x19e: {  	v28 =	vld.idx.msk [tilespmem:v57+s12+$0x0], $0xffff;
	v47 =	vor.u32 $0xB00, v5;
	v13 =	vsub.f32 v51, v20;
	v11 =	vmul.f32 v11, v11  }
0x19f: {  	v57 =	vor.u32 $0xC80, v5;
	v31 =	vld.idx.msk [tilespmem:v59+s12+$0x0], $0xffff;
	v7 =	vadd.f32 v10, v7;
	v10 =	vmul.f32 v15, v3  }
0x1a0: {  	v59 =	vor.u32 $0x1200, v5;
	v21 =	vld.idx.msk [tilespmem:v52+s15+$0x0], $0xffff;
	v13 =	vmul.f32 v13, v13;
	v11 =	vmul.f32 v11, v3  }
0x1a1: {  	v52 =	vadd.s32 $0x5200, v4;
	v22 =	vld.idx.msk [tilespmem:v55+s15+$0x0], $0xffff;
	v6 =	vadd.f32 v10, v6;
	v10 =	vsub.f32 v17, v53  }
0x1a2: {  	v20 =	vld.idx.msk [tilespmem:v33+s15+$0x0], $0xffff;
	v51 =	vor.u32 $0xB80, v5;
	v9 =	vadd.f32 v11, v9;
	v11 =	vmul.f32 v13, v3  }
0x1a3: {  	v33 =	vadd.s32 $0x3200, v4;
	v34 =	vld.idx.msk [tilespmem:v62+s15+$0x0], $0xffff;
	v12 =	vsub.f32 v58, v56;
	v10 =	vmul.f32 v10, v10  }
0x1a4: {  	v40 =	vor.u32 $0xA00, v5;
	v8 =	vadd.f32 v11, v8;
	v11 =	vsub.f32 v61, v19  }
0x1a5: {  	v55 =	vadd.s32 $0x3000, v4;
	v12 =	vmul.f32 v12, v12;
	v10 =	vmul.f32 v10, v3  }
0x1a6: {  	v62 =	vld.idx.msk [tilespmem:v54+s15+$0x0], $0xffff;
	v38 =	vadd.s32 $0x2180, v4;
	v14 =	vsub.f32 v28, v22;
	v11 =	vmul.f32 v11, v11  }
0x1a7: {  	v54 =	vadd.s32 $0x4100, v4;
	v56 =	vld.idx.msk [tilespmem:v49+s12+$0x0], $0xffff;
	v7 =	vadd.f32 v10, v7;
	v10 =	vmul.f32 v12, v3  }
0x1a8: {  	v58 =	vld.idx.msk [tilespmem:v51+s15+$0x0], $0xffff;
	v14 =	vmul.f32 v14, v14;
	v15 =	vsub.f32 v36, v34;
	v11 =	vmul.f32 v11, v3  }
0x1a9: {  	v49 =	vor.u32 $0x1080, v5;
	v48 =	vld.idx.msk [tilespmem:v40+s15+$0x0], $0xffff;
	v6 =	vadd.f32 v10, v6;
	v10 =	vsub.f32 v32, v30  }
0x1aa: {  	v51 =	vadd.s32 $0x4080, v4;
	v22 =	vld.idx.msk [tilespmem:v47+s15+$0x0], $0xffff;
	v9 =	vadd.f32 v11, v9;
	v11 =	vmul.f32 v14, v3  }
0x1ab: {  	v47 =	vadd.s32 $0x4000, v4;
	v46 =	vld.idx.msk [tilespmem:v38+s12+$0x0], $0xffff;
	v15 =	vmul.f32 v15, v15;
	v10 =	vmul.f32 v10, v10  }
0x1ac: {  	v17 =	vld.idx.msk [tilespmem:v35+s15+$0x0], $0xffff;
	v35 =	vadd.s32 $0x4380, v4;
	v8 =	vadd.f32 v11, v8;
	v11 =	vsub.f32 v39, v16  }
0x1ad: {  	v53 =	vld.idx.msk [tilespmem:v45+s12+$0x0], $0xffff;
	v13 =	vsub.f32 v42, v20;
	v61 =	vor.u32 $0xD00, v5;
	v10 =	vmul.f32 v10, v3  }
0x1ae: {  	v45 =	vld.idx.msk [tilespmem:v37+s12+$0x0], $0xffff;
	v37 =	vor.u32 $0x1400, v5;
	v12 =	vsub.f32 v50, v48;
	v11 =	vmul.f32 v11, v11  }
0x1af: {  	v27 =	vld.idx.msk [tilespmem:v27+s15+$0x0], $0xffff;
	v13 =	vmul.f32 v13, v13;
	v7 =	vadd.f32 v10, v7;
	v10 =	vmul.f32 v15, v3  }
0x1b0: {  	v28 =	vld.idx.msk [tilespmem:v55+s12+$0x0], $0xffff;
	v12 =	vmul.f32 v12, v12;
	v30 =	vadd.s32 $0x3180, v4;
	v11 =	vmul.f32 v11, v3  }
0x1b1: {  	v34 =	vld.idx.msk [tilespmem:v63+s12+$0x0], $0xffff;
	v32 =	vor.u32 $0xE00, v5;
	v6 =	vadd.f32 v10, v6;
	v10 =	vsub.f32 v46, v44  }
0x1b2: {  	v20 =	vld.idx.msk [tilespmem:v61+s15+$0x0], $0xffff;
	v14 =	vsub.f32 v56, v22;
	v9 =	vadd.f32 v11, v9;
	v11 =	vmul.f32 v13, v3  }
0x1b3: {  	v61 =	vld.idx.msk [tilespmem:v54+s12+$0x0], $0xffff;
	v54 =	vor.u32 $0x1680, v5;
	v56 =	vor.u32 $0x1180, v5;
	v10 =	vmul.f32 v10, v10  }
0x1b4: {  	v16 =	vld.idx.msk [tilespmem:v57+s15+$0x0], $0xffff;
	v14 =	vmul.f32 v14, v14;
	v8 =	vadd.f32 v11, v8;
	v11 =	vsub.f32 v53, v18  }
0x1b5: {  	v39 =	vor.u32 $0xF00, v5;
	v57 =	vadd.s32 $0x4180, v4;
	v38 =	vld.idx.msk [tilespmem:v30+s12+$0x0], $0xffff;
	v10 =	vmul.f32 v10, v3  }
0x1b6: {  	v40 =	vld.idx.msk [tilespmem:v32+s15+$0x0], $0xffff;
	v30 =	vor.u32 $0x1300, v5;
	v32 =	vadd.s32 $0x4300, v4;
	v11 =	vmul.f32 v11, v11  }
0x1b7: {  	v36 =	vld.idx.msk [tilespmem:v29+s15+$0x0], $0xffff;
	v15 =	vsub.f32 v28, v62;
	v7 =	vadd.f32 v10, v7;
	v10 =	vmul.f32 v12, v3  }
0x1b8: {  	v55 =	vld.idx.msk [tilespmem:v47+s12+$0x0], $0xffff;
	v62 =	vor.u32 $0x1280, v5;
	v28 =	vadd.s32 $0x4280, v4;
	v11 =	vmul.f32 v11, v3  }
0x1b9: {  	v42 =	vld.idx.msk [tilespmem:v33+s12+$0x0], $0xffff;
	v44 =	vadd.s32 $0x3380, v4;
	v6 =	vadd.f32 v10, v6;
	v10 =	vsub.f32 v60, v58  }
0x1ba: {  	v48 =	vld.idx.msk [tilespmem:v41+s12+$0x0], $0xffff;
	v46 =	vor.u32 $0x1000, v5;
	v9 =	vadd.f32 v11, v9;
	v11 =	vmul.f32 v14, v3  }
0x1bb: {  	v63 =	vld.idx.msk [tilespmem:v56+s15+$0x0], $0xffff;
	v56 =	vadd.s32 $0x5280, v4;
	v13 =	vsub.f32 v34, v20;
	v10 =	vmul.f32 v10, v10  }
0x1bc: {  	v15 =	vmul.f32 v15, v15;
	v22 =	vld.idx.msk [tilespmem:v39+s15+$0x0], $0xffff;
	v8 =	vadd.f32 v11, v8;
	v11 =	vsub.f32 v31, v16  }
0x1bd: {  	v34 =	vor.u32 $0x1380, v5;
	v39 =	vld.idx.msk [tilespmem:v32+s12+$0x0], $0xffff;
	v32 =	vor.u32 $0x1880, v5;
	v10 =	vmul.f32 v10, v3  }
0x1be: {  	v13 =	vmul.f32 v13, v13;
	v20 =	vld.idx.msk [tilespmem:v44+s12+$0x0], $0xffff;
	v44 =	vor.u32 $0x1500, v5;
	v11 =	vmul.f32 v11, v11  }
0x1bf: {  	v53 =	vld.idx.msk [tilespmem:v46+s15+$0x0], $0xffff;
	v46 =	vadd.s32 $0x5100, v4;
	v7 =	vadd.f32 v10, v7;
	v10 =	vmul.f32 v15, v3  }
0x1c0: {  	v50 =	vld.idx.msk [tilespmem:v43+s15+$0x0], $0xffff;
	v12 =	vsub.f32 v42, v40;
	v40 =	vor.u32 $0x1480, v5;
	v11 =	vmul.f32 v11, v3  }
0x1c1: {  	v29 =	vld.idx.msk [tilespmem:v57+s12+$0x0], $0xffff;
	v42 =	vadd.s32 $0x5080, v4;
	v6 =	vadd.f32 v10, v6;
	v10 =	vsub.f32 v38, v36  }
0x1c2: {  	v41 =	vld.idx.msk [tilespmem:v34+s15+$0x0], $0xffff;
	v60 =	vadd.s32 $0x4200, v4;
	v9 =	vadd.f32 v11, v9;
	v11 =	vmul.f32 v13, v3  }
0x1c3: {  	v34 =	vadd.s32 $0x6080, v4;
	v58 =	vld.idx.msk [tilespmem:v51+s12+$0x0], $0xffff;
	v14 =	vsub.f32 v48, v22;
	v10 =	vmul.f32 v10, v10  }
0x1c4: {  	v22 =	vld.idx.msk [tilespmem:v30+s15+$0x0], $0xffff;
	v48 =	vor.u32 $0x1580, v5;
	v8 =	vadd.f32 v11, v8;
	v11 =	vsub.f32 v45, v17  }
0x1c5: {  	v12 =	vmul.f32 v12, v12;
	v51 =	vor.u32 $0x1600, v5;
	v16 =	vld.idx.msk [tilespmem:v49+s15+$0x0], $0xffff;
	v10 =	vmul.f32 v10, v3  }
0x1c6: {  	v30 =	vadd.s32 $0x6000, v4;
	v14 =	vmul.f32 v14, v14;
	v31 =	vld.idx.msk [tilespmem:v59+s15+$0x0], $0xffff;
	v11 =	vmul.f32 v11, v11  }
0x1c7: {  	v49 =	vadd.s32 $0x5180, v4;
	v33 =	vld.idx.msk [tilespmem:v60+s12+$0x0], $0xffff;
	v7 =	vadd.f32 v10, v7;
	v10 =	vmul.f32 v12, v3  }
0x1c8: {  	v60 =	vadd.s32 $0x5300, v4;
	v15 =	vsub.f32 v55, v53;
	v53 =	vld.idx.msk [tilespmem:v46+s12+$0x0], $0xffff;
	v11 =	vmul.f32 v11, v3  }
0x1c9: {  	v55 =	vld.idx.msk [tilespmem:v48+s15+$0x0], $0xffff;
	v46 =	vor.u32 $0x1A80, v5;
	v6 =	vadd.f32 v10, v6;
	v10 =	vsub.f32 v20, v50  }
0x1ca: {  	v36 =	vld.idx.msk [tilespmem:v28+s12+$0x0], $0xffff;
	v38 =	vadd.s32 $0x5000, v4;
	v9 =	vadd.f32 v11, v9;
	v11 =	vmul.f32 v14, v3  }
0x1cb: {  	v48 =	vadd.s32 $0x6280, v4;
	v13 =	vsub.f32 v61, v21;
	v21 =	vld.idx.msk [tilespmem:v44+s15+$0x0], $0xffff;
	v10 =	vmul.f32 v10, v10  }
0x1cc: {  	v17 =	vld.idx.msk [tilespmem:v62+s15+$0x0], $0xffff;
	v62 =	vor.u32 $0x1780, v5;
	v8 =	vadd.f32 v11, v8;
	v11 =	vsub.f32 v58, v16  }
0x1cd: {  	v15 =	vmul.f32 v15, v15;
	v61 =	vld.idx.msk [tilespmem:v52+s12+$0x0], $0xffff;
	v44 =	vadd.s32 $0x6200, v4;
	v10 =	vmul.f32 v10, v3  }
0x1ce: {  	v52 =	vadd.s32 $0x6300, v4;
	v45 =	vld.idx.msk [tilespmem:v37+s15+$0x0], $0xffff;
	v12 =	vsub.f32 v33, v31;
	v11 =	vmul.f32 v11, v11  }
0x1cf: {  	v13 =	vmul.f32 v13, v13;
	v47 =	vld.idx.msk [tilespmem:v38+s12+$0x0], $0xffff;
	v7 =	vadd.f32 v10, v7;
	v10 =	vmul.f32 v15, v3  }
0x1d0: {  	v38 =	vadd.s32 $0x6100, v4;
	v12 =	vmul.f32 v12, v12;
	v50 =	vld.idx.msk [tilespmem:v42+s12+$0x0], $0xffff;
	v11 =	vmul.f32 v11, v3  }
0x1d1: {  	v33 =	vld.idx.msk [tilespmem:v62+s15+$0x0], $0xffff;
	v62 =	vor.u32 $0x1D00, v5;
	v6 =	vadd.f32 v10, v6;
	v10 =	vsub.f32 v29, v63  }
0x1d2: {  	v42 =	vld.idx.msk [tilespmem:v34+s12+$0x0], $0xffff;
	v34 =	vor.u32 $0x1D80, v5;
	v9 =	vadd.f32 v11, v9;
	v11 =	vmul.f32 v13, v3  }
0x1d3: {  	v14 =	vsub.f32 v39, v22;
	v39 =	vld.idx.msk [tilespmem:v30+s12+$0x0], $0xffff;
	v30 =	vsel vm0, $0x1, v2;
	v10 =	vmul.f32 v10, v10  }
0x1d4: {  	v43 =	vld.idx.msk [tilespmem:v35+s12+$0x0], $0xffff;
	v58 =	vor.u32 $0x1700, v5;
	v8 =	vadd.f32 v11, v8;
	v11 =	vsub.f32 v36, v17  }
0x1d5: {  	v16 =	vld.idx.msk [tilespmem:v40+s15+$0x0], $0xffff;
	v40 =	vor.u32 $0x1980, v5;
	v15 =	vsub.f32 v47, v45;
	v10 =	vmul.f32 v10, v3  }
0x1d6: {  	v14 =	vmul.f32 v14, v14;
	v45 =	vld.idx.msk [tilespmem:v38+s12+$0x0], $0xffff;
	v38 =	vadd.s32 $0x7200, v4;
	v11 =	vmul.f32 v11, v11  }
0x1d7: {  	v59 =	vld.idx.msk [tilespmem:v51+s15+$0x0], $0xffff;
	v15 =	vmul.f32 v15, v15;
	v7 =	vadd.f32 v10, v7;
	v10 =	vmul.f32 v12, v3  }
0x1d8: {  	v57 =	vld.idx.msk [tilespmem:v49+s12+$0x0], $0xffff;
	v63 =	vadd.s32 $0x5380, v4;
	v29 =	vor.u32 $0x1800, v5;
	v11 =	vmul.f32 v11, v3  }
0x1d9: {  	v22 =	vld.idx.msk [tilespmem:v58+s15+$0x0], $0xffff;
	v58 =	vadd.s32 $0x7000, v4;
	v6 =	vadd.f32 v10, v6;
	v10 =	vsub.f32 v43, v41  }
0x1da: {  	v47 =	vld.idx.msk [tilespmem:v40+s15+$0x0], $0xffff;
	v13 =	vsub.f32 v53, v21;
	v9 =	vadd.f32 v11, v9;
	v11 =	vmul.f32 v14, v3  }
0x1db: {  	v40 =	vadd.s32 $0x7280, v4;
	v53 =	vld.idx.msk [tilespmem:v44+s12+$0x0], $0xffff;
	v44 =	vadd.s32 $0x7300, v4;
	v10 =	vmul.f32 v10, v10  }
0x1dc: {  	v31 =	vld.idx.msk [tilespmem:v60+s12+$0x0], $0xffff;
	v13 =	vmul.f32 v13, v13;
	v8 =	vadd.f32 v11, v8;
	v11 =	vsub.f32 v50, v16  }
0x1dd: {  	v17 =	vld.idx.msk [tilespmem:v54+s15+$0x0], $0xffff;
	v36 =	vor.u32 $0x1900, v5;
	v54 =	vor.u32 $0x1B80, v5;
	v10 =	vmul.f32 v10, v3  }
0x1de: {  	v37 =	vld.idx.msk [tilespmem:v29+s15+$0x0], $0xffff;
	v29 =	vadd.s32 $0x7380, v4;
	v12 =	vsub.f32 v61, v59;
	v11 =	vmul.f32 v11, v11  }
0x1df: {  	v28 =	vld.idx.msk [tilespmem:v56+s12+$0x0], $0xffff;
	v59 =	vor.u32 $0x1C80, v5;
	v7 =	vadd.f32 v10, v7;
	v10 =	vmul.f32 v15, v3  }
0x1e0: {  	v56 =	vld.idx.msk [tilespmem:v48+s12+$0x0], $0xffff;
	v61 =	vnsel vm12, $0x1FF, v25;
	v12 =	vmul.f32 v12, v12;
	v11 =	vmul.f32 v11, v3  }
0x1e1: {  	v35 =	vld.idx.msk [tilespmem:v63+s12+$0x0], $0xffff;
	v43 =	vor.u32 $0x1A00, v5;
	v6 =	vadd.f32 v10, v6;
	v10 =	vsub.f32 v57, v55  }
0x1e2: {  	v21 =	vld.idx.msk [tilespmem:v36+s15+$0x0], $0xffff;
	v14 =	vsub.f32 v31, v22;
	v9 =	vadd.f32 v11, v9;
	v11 =	vmul.f32 v13, v3  }
0x1e3: {  	v63 =	vld.idx.msk [tilespmem:v58+s12+$0x0], $0xffff;
	v41 =	vadd.s32 $0x6180, v4;
	v36 =	vadd.s32 $0x7180, v4;
	v10 =	vmul.f32 v10, v10  }
0x1e4: {  	v19 =	vld.idx.msk [tilespmem:v40+s12+$0x0], $0xffff;
	v14 =	vmul.f32 v14, v14;
	v8 =	vadd.f32 v11, v8;
	v11 =	vsub.f32 v28, v17  }
0x1e5: {  	v16 =	vld.idx.msk [tilespmem:v32+s15+$0x0], $0xffff;
	v50 =	vor.u32 $0x1B00, v5;
	v32 =	vadd.s32 $0x7100, v4;
	v10 =	vmul.f32 v10, v3  }
0x1e6: {  	v48 =	vld.idx.msk [tilespmem:v44+s12+$0x0], $0xffff;
	v15 =	vsub.f32 v39, v37;
	v37 =	vor.u32 $0x1E00, v5;
	v11 =	vmul.f32 v11, v11  }
0x1e7: {  	v51 =	vld.idx.msk [tilespmem:v43+s15+$0x0], $0xffff;
	v13 =	vsub.f32 v45, v21;
	v7 =	vadd.f32 v10, v7;
	v10 =	vmul.f32 v12, v3  }
0x1e8: {  	v49 =	vld.idx.msk [tilespmem:v41+s12+$0x0], $0xffff;
	v15 =	vmul.f32 v15, v15;
	v55 =	vadd.s32 $0x6380, v4;
	v11 =	vmul.f32 v11, v3  }
0x1e9: {  	v13 =	vmul.f32 v13, v13;
	v6 =	vadd.f32 v10, v6;
	v10 =	vsub.f32 v35, v33;
	v35 =	vld.idx.msk [tilespmem:v26+s12+$0x0], $0xffff  }
0x1ea: {  	v57 =	vor.u32 $0x1C00, v5;
	v26 =	vld.idx.msk [tilespmem:v61+s3+$0x0], $0xffff;
	v9 =	vadd.f32 v11, v9;
	v11 =	vmul.f32 v14, v3  }
0x1eb: {  	v21 =	vand.u32 $0x7F, v61;
	v17 =	vld.idx.msk [tilespmem:v46+s15+$0x0], $0xffff;
	v46 =	vor.u32 $0x1F80, v5;
	v13 =	vmul.f32 v13, v3  }
0x1ec: {  	v23 =	vld.idx.msk [tilespmem:v54+s15+$0x0], $0xffff;
	v12 =	vsub.f32 v53, v51;
	v10 =	vmul.f32 v10, v10;
	v8 =	vadd.f32 v11, v8  }
0x1ed: {  	v41 =	vld.idx.msk [tilespmem:v36+s12+$0x0], $0xffff;
	v11 =	vsub.f32 v42, v16;
	v42 =	vor.u32 $0x1F00, v5;
	v5 =	vshll.u32 v61, $0x3  }
0x1ee: {  	v39 =	vld.idx.msk [tilespmem:v34+s15+$0x0], $0xffff;
	v14 =	vsub.f32 v49, v47;
	v10 =	vmul.f32 v10, v3;
	v5 =	vand.u32 $0xFFFFFC00, v5  }
0x1ef: {  	v22 =	vld.idx.msk [tilespmem:v50+s15+$0x0], $0xffff;
	v11 =	vmul.f32 v11, v11;
	v8 =	vadd.f32 v13, v8;
	v28 =	vadd.s32 $0xFFF0BE00, v26  }
0x1f0: {  	v16 =	vld.idx.msk [tilespmem:v52+s12+$0x0], $0xffff;
	v5 =	vor.u32 v21, v5;
	vm15 =	vlt.s32 v26, $0xF4240;
	v7 =	vadd.f32 v10, v7  }
0x1f1: {  	v60 =	vld.idx.msk [tilespmem:v55+s12+$0x0], $0xffff;
	v10 =	vmul.f32 v15, v3;
	v15 =	vsub.f32 v56, v17;
	vm13 =	vgt.s32 v28, $0x0  }
0x1f2: {  	v33 =	vld.idx.msk [tilespmem:v59+s15+$0x0], $0xffff;
	v51 =	vor.u32 $0x80, v5;
	v55 =	vor.u32 $0x100, v5;
	v59 =	vor.u32 $0x180, v5  }
0x1f3: {  	v45 =	vld.idx.msk [tilespmem:v38+s12+$0x0], $0xffff;
	v36 =	vor.u32 $0x280, v5;
	v38 =	vor.u32 $0x300, v5;
	vm0 =	vmand vm14, vm15  }
0x1f4: {  	v50 =	vld.idx.msk [tilespmem:v46+s15+$0x0], $0xffff;
	v46 =	vadd.s32 $0x1080, v5;
	v11 =	vmul.f32 v11, v3;
	v4 =	vnsel vm13, $0x0, v28  }
0x1f5: {  	v20 =	vld.idx.msk [tilespmem:v32+s12+$0x0], $0xffff;
	v6 =	vadd.f32 v10, v6;
	v10 =	vmul.f32 v14, v14;
	v16 =	vsub.f32 v16, v22  }
0x1f6: {  	v13 =	vld.idx.msk [tilespmem:v62+s15+$0x0], $0xffff;
	v15 =	vmul.f32 v15, v15;
	v14 =	vsub.f32 v60, v23;
	v4 =	vmin.u32 v4, $0x3F  }
0x1f7: {  	v47 =	vld.idx.msk [tilespmem:v42+s15+$0x0], $0xffff;
	v42 =	vadd.s32 $0x1000, v5;
	v9 =	vadd.f32 v11, v9;
	v49 =	vor.u32 $0x80, v4  }
0x1f8: {  	v11 =	vld.idx.msk [tilespmem:v57+s15+$0x0], $0xffff;
	v53 =	vor.u32 $0x100, v4;
	v57 =	vor.u32 $0x180, v4;
	v10 =	vmul.f32 v10, v3  }
0x1f9: {  	v43 =	vld.idx.msk [tilespmem:v37+s15+$0x0], $0xffff;
	v61 =	vor.u32 $0x200, v4;
	v34 =	vor.u32 $0x280, v4;
	v37 =	vor.u32 $0x300, v4  }
0x1fa: {  	v52 =	vld.idx.msk [tilespmem:v29+s12+$0x0], $0xffff;
	v31 =	vor.u32 $0x380, v4;
	v7 =	vadd.f32 v10, v7;
	v10 =	vmul.f32 v12, v12  }
0x1fb: {  	v40 =	vor.u32 $0x400, v4;
	v44 =	vor.u32 $0x480, v4;
	v16 =	vmul.f32 v16, v16;
	v56 =	vld.idx.msk [tilespmem:v5+s12+$0x0], $0xffff  }
0x1fc: {  	v32 =	vor.u32 $0x1480, v4;
	v15 =	vmul.f32 v15, v3;
	v60 =	vld.idx.msk [tilespmem:v51+s12+$0x0], $0xffff;
	v10 =	vmul.f32 v10, v3  }
0x1fd: {  	(xrf0) =	vadd.scan.msk.s32 $0xffff, v30;
	v13 =	vsub.f32 v20, v13;
	v17 =	vld.idx.msk [tilespmem:v59+s12+$0x0], $0xffff;
	v51 =	vadd.s32 $0x1180, v5;
	v59 =	vadd.s32 $0x1280, v5  }
0x1fe: {  	v16 =	vmul.f32 v16, v3;
	v54 =	vld.idx.msk [tilespmem:v4+s15+$0x0], $0xffff;
	v6 =	vadd.f32 v10, v6;
	v10 =	vmul.f32 v14, v14  }
0x1ff: {  	v9 =	vadd.f32 v15, v9;
	v13 =	vmul.f32 v13, v13;
	v15 =	vsub.f32 v52, v50;
	v25 =	vld.idx.msk [tilespmem:v42+s12+$0x0], $0xffff  }
0x200: {  	v50 =	vor.u32 $0x580, v4;
	v12 =	vsub.f32 v48, v47;
	v58 =	vld.idx.msk [tilespmem:v49+s15+$0x0], $0xffff;
	v10 =	vmul.f32 v10, v3  }
0x201: {  	v47 =	vor.u32 $0x500, v4;
	v11 =	vsub.f32 v63, v11;
	v62 =	vld.idx.msk [tilespmem:v53+s15+$0x0], $0xffff;
	v63 =	vor.u32 $0x200, v5  }
0x202: {  	v42 =	vadd.s32 $0x2080, v5;
	v20 =	vld.idx.msk [tilespmem:v61+s15+$0x0], $0xffff;
	v7 =	vadd.f32 v10, v7;
	v10 =	vsub.f32 v35, v33  }
0x203: {  	v8 =	vadd.f32 v16, v8;
	v15 =	vmul.f32 v15, v15;
	v26 =	vld.idx.msk [tilespmem:v44+s15+$0x0], $0xffff;
	v11 =	vmul.f32 v11, v11  }
0x204: {  	v48, _, _ =	vpop (xrf0);
	v49 =	vadd.s32 $0x1100, v5;
	v53 =	vld.idx.msk [tilespmem:v46+s12+$0x0], $0xffff;
	v14 =	vsub.f32 v41, v39;
	v10 =	vmul.f32 v10, v10  }
0x205: {  	(v2sf) =	vpush v48, $0xF;
	v61 =	vor.u32 $0x700, v4;
	v41 =	vld.idx.msk [tilespmem:v37+s15+$0x0], $0xffff;
	v11 =	vmul.f32 v11, v3  }
0x206: {  	v44 =	vor.u32 $0x900, v4;
	v14 =	vmul.f32 v14, v14;
	v22 =	vld.idx.msk [tilespmem:v63+s12+$0x0], $0xffff;
	v10 =	vmul.f32 v10, v3  }
0x207: {  	v12 =	vmul.f32 v12, v12;
	v6 =	vadd.f32 v11, v6;
	v11 =	vmul.f32 v13, v3;
	v33 =	vld.idx.msk [tilespmem:v55+s12+$0x0], $0xffff  }
0x208: {  	v35 =	vld.idx.msk [tilespmem:v57+s15+$0x0], $0xffff;
	v13 =	vsub.f32 v56, v54;
	v9 =	vadd.f32 v10, v9;
	v10 =	vmul.f32 v14, v3  }
0x209: {  	v54 =	vor.u32 $0x600, v4;
	v56 =	vld.idx.msk [tilespmem:v47+s15+$0x0], $0xffff;
	v8 =	vadd.f32 v11, v8;
	v11 =	vsub.f32 v45, v43  }
0x20a: {  	v48 =	vadd.s32 $0x2180, v5;
	v43 =	vld.idx.msk [tilespmem:v38+s12+$0x0], $0xffff;
	v7 =	vadd.f32 v10, v7;
	v10 =	vsub.f32 v19, v27  }
0x20b: {  	v39 =	vor.u32 $0x380, v5;
	v12 =	vmul.f32 v12, v3;
	v45 =	vld.idx.msk [tilespmem:v31+s15+$0x0], $0xffff;
	v11 =	vmul.f32 v11, v11  }
0x20c: {  	v37 =	vor.u32 $0x800, v4;
	v57 =	vadd.s32 $0x1200, v5;
	v38 =	vld.idx.msk [tilespmem:v61+s15+$0x0], $0xffff;
	v10 =	vmul.f32 v10, v10  }
0x20d: {  	v47 =	vor.u32 $0x980, v4;
	v8 =	vadd.f32 v12, v8;
	v12 =	vld.idx.msk [tilespmem:v40+s15+$0x0], $0xffff;
	v11 =	vmul.f32 v11, v3  }
0x20e: {  	v13 =	vmul.f32 v13, v13;
	v61 =	vor.u32 $0xB80, v4;
	v21 =	vld.idx.msk [tilespmem:v54+s15+$0x0], $0xffff;
	v10 =	vmul.f32 v10, v3  }
0x20f: {  	v16 =	vsub.f32 v33, v62;
	v62 =	vadd.s32 $0x1300, v5;
	v6 =	vadd.f32 v11, v6;
	v11 =	vld.idx.msk [tilespmem:v34+s15+$0x0], $0xffff  }
0x210: {  	v52 =	vsub.f32 v17, v35;
	v35 =	vadd.s32 $0x1380, v5;
	v9 =	vadd.f32 v10, v9;
	v10 =	vld.idx.msk [tilespmem:v36+s12+$0x0], $0xffff  }
0x211: {  	v20 =	vsub.f32 v22, v20;
	v40 =	vor.u32 $0x880, v4;
	v33 =	vld.idx.msk [tilespmem:v57+s12+$0x0], $0xffff;
	v57 =	vor.u32 $0xB00, v4  }
0x212: {  	v14 =	vsub.f32 v60, v58;
	v58 =	vor.u32 $0x680, v4;
	v60 =	vld.idx.msk [tilespmem:v51+s12+$0x0], $0xffff;
	v34 =	vor.u32 $0x780, v4  }
0x213: {  	v20 =	vmul.f32 v20, v20;
	v16 =	vmul.f32 v16, v16;
	v23 =	vsub.f32 v43, v41;
	v19 =	vld.idx.msk [tilespmem:v49+s12+$0x0], $0xffff  }
0x214: {  	v14 =	vmul.f32 v14, v14;
	v12 =	vsub.f32 v25, v12;
	v24 =	vld.idx.msk [tilespmem:v62+s12+$0x0], $0xffff;
	v3 =	vmul.f32 v15, v3  }
0x215: {  	v23 =	vmul.f32 v23, v23;
	v43 =	vld.idx.msk [tilespmem:v35+s12+$0x0], $0xffff;
	v62 =	vadd.s32 $0x2380, v5;
	v10 =	vsub.f32 v10, v11  }
0x216: {  	v12 =	vmul.f32 v12, v12;
	v15 =	vld.idx.msk [tilespmem:v39+s12+$0x0], $0xffff;
	v7 =	vadd.f32 v3, v7;
	v3 =	vsel vm0, $0x3F800000, v1  }
0x217: {  	v35 =	vadd.s32 $0x3000, v5;
	v41 =	vld.idx.msk [tilespmem:v34+s15+$0x0], $0xffff;
	v14 =	vmul.f32 v14, v3;
	v10 =	vmul.f32 v10, v10  }
0x218: {  	v39 =	vadd.s32 $0x2000, v5;
	v34 =	vld.idx.msk [tilespmem:v57+s15+$0x0], $0xffff;
	v57 =	vadd.s32 $0x3300, v5;
	v13 =	vmul.f32 v13, v3  }
0x219: {  	v51 =	vld.idx.msk [tilespmem:v44+s15+$0x0], $0xffff;
	v55 =	vmul.f32 v16, v3;
	v9 =	vadd.f32 v14, v9;
	v10 =	vmul.f32 v10, v3  }
0x21a: {  	v25 =	vld.idx.msk [tilespmem:v40+s15+$0x0], $0xffff;
	v63 =	vmul.f32 v20, v3;
	v16 =	vsub.f32 v19, v56;
	v12 =	vmul.f32 v12, v3  }
0x21b: {  	v22 =	vld.idx.msk [tilespmem:v58+s15+$0x0], $0xffff;
	v8 =	vadd.f32 v55, v8;
	v9 =	vadd.f32 v10, v9;
	v10 =	vmul.f32 v23, v3  }
0x21c: {  	v20 =	vsub.f32 v33, v21;
	v56 =	vld.idx.msk [tilespmem:v48+s12+$0x0], $0xffff;
	v18 =	vsub.f32 v24, v38;
	v33 =	vor.u32 $0xC00, v4  }
0x21d: {  	v48 =	vor.u32 $0xE00, v4;
	v11 =	vld.idx.msk [tilespmem:v50+s15+$0x0], $0xffff;
	v8 =	vadd.f32 v10, v8;
	v10 =	vsub.f32 v53, v26  }
0x21e: {  	v40 =	vld.idx.msk [tilespmem:v62+s12+$0x0], $0xffff;
	v62 =	vor.u32 $0x1000, v4;
	v6 =	vadd.f32 v13, v6;
	v13 =	vmul.f32 v52, v52  }
0x21f: {  	v44 =	vld.idx.msk [tilespmem:v35+s12+$0x0], $0xffff;
	v35 =	vor.u32 $0x1080, v4;
	v36 =	vsub.f32 v15, v45;
	v10 =	vmul.f32 v10, v10  }
0x220: {  	v14 =	vld.idx.msk [tilespmem:v59+s12+$0x0], $0xffff;
	v45 =	vadd.s32 $0x2100, v5;
	v16 =	vmul.f32 v16, v16;
	v13 =	vmul.f32 v13, v3  }
0x221: {  	v54 =	vld.idx.msk [tilespmem:v47+s15+$0x0], $0xffff;
	v55 =	vadd.s32 $0x2280, v5;
	v20 =	vmul.f32 v20, v20;
	v10 =	vmul.f32 v10, v3  }
0x222: {  	v49 =	vld.idx.msk [tilespmem:v42+s12+$0x0], $0xffff;
	v7 =	vadd.f32 v13, v7;
	v13 =	vmul.f32 v36, v36;
	v11 =	vsub.f32 v60, v11  }
0x223: {  	v38 =	vld.idx.msk [tilespmem:v61+s15+$0x0], $0xffff;
	v59 =	vadd.s32 $0x2300, v5;
	v9 =	vadd.f32 v10, v9;
	v10 =	vmul.f32 v16, v3  }
0x224: {  	v15 =	vld.idx.msk [tilespmem:v37+s15+$0x0], $0xffff;
	v6 =	vadd.f32 v63, v6;
	v13 =	vmul.f32 v13, v3;
	v11 =	vmul.f32 v11, v11  }
0x225: {  	v46 =	vld.idx.msk [tilespmem:v39+s12+$0x0], $0xffff;
	v39 =	vadd.s32 $0x3080, v5;
	v8 =	vadd.f32 v10, v8;
	v10 =	vsub.f32 v14, v22  }
0x226: {  	v50 =	vor.u32 $0xA00, v4;
	v42 =	vld.idx.msk [tilespmem:v33+s15+$0x0], $0xffff;
	v7 =	vadd.f32 v13, v7;
	v11 =	vmul.f32 v11, v3  }
0x227: {  	v52 =	vadd.s32 $0x2200, v5;
	v18 =	vmul.f32 v18, v18;
	v19 =	vld.idx.msk [tilespmem:v45+s12+$0x0], $0xffff;
	v10 =	vmul.f32 v10, v10  }
0x228: {  	v6 =	vadd.f32 v12, v6;
	v63 =	vld.idx.msk [tilespmem:v55+s12+$0x0], $0xffff;
	v7 =	vadd.f32 v11, v7;
	v11 =	vmul.f32 v20, v3  }
0x229: {  	v37 =	vor.u32 $0xC80, v4;
	v36 =	vld.idx.msk [tilespmem:v59+s12+$0x0], $0xffff;
	v45 =	vor.u32 $0xD80, v4;
	v10 =	vmul.f32 v10, v3  }
0x22a: {  	v47 =	vld.idx.msk [tilespmem:v39+s12+$0x0], $0xffff;
	v59 =	vor.u32 $0xF80, v4;
	v6 =	vadd.f32 v11, v6;
	v11 =	vsub.f32 v43, v41  }
0x22b: {  	v58 =	vld.idx.msk [tilespmem:v50+s15+$0x0], $0xffff;
	v53 =	vor.u32 $0xA80, v4;
	v9 =	vadd.f32 v10, v9;
	v10 =	vmul.f32 v18, v3  }
0x22c: {  	v60 =	vld.idx.msk [tilespmem:v52+s12+$0x0], $0xffff;
	v50 =	vadd.s32 $0x3200, v5;
	v13 =	vsub.f32 v46, v15;
	v11 =	vmul.f32 v11, v11  }
0x22d: {  	v46 =	vadd.s32 $0x3180, v5;
	v23 =	vld.idx.msk [tilespmem:v35+s15+$0x0], $0xffff;
	v8 =	vadd.f32 v10, v8;
	v10 =	vsub.f32 v49, v25  }
0x22e: {  	v13 =	vmul.f32 v13, v13;
	v26 =	vld.idx.msk [tilespmem:v37+s15+$0x0], $0xffff;
	v15 =	vsub.f32 v36, v34;
	v11 =	vmul.f32 v11, v3  }
0x22f: {  	v52 =	vld.idx.msk [tilespmem:v45+s15+$0x0], $0xffff;
	v43 =	vadd.s32 $0x3100, v5;
	v16 =	vsub.f32 v19, v51;
	v10 =	vmul.f32 v10, v10  }
0x230: {  	v21 =	vld.idx.msk [tilespmem:v53+s15+$0x0], $0xffff;
	v53 =	vadd.s32 $0x3280, v5;
	v7 =	vadd.f32 v11, v7;
	v11 =	vmul.f32 v13, v3  }
0x231: {  	v34 =	vld.idx.msk [tilespmem:v57+s12+$0x0], $0xffff;
	v51 =	vor.u32 $0xE80, v4;
	v16 =	vmul.f32 v16, v16;
	v10 =	vmul.f32 v10, v3  }
0x232: {  	v36 =	vld.idx.msk [tilespmem:v59+s15+$0x0], $0xffff;
	v37 =	vadd.s32 $0x4080, v5;
	v6 =	vadd.f32 v11, v6;
	v11 =	vsub.f32 v56, v54  }
0x233: {  	v20 =	vsub.f32 v60, v58;
	v58 =	vld.idx.msk [tilespmem:v50+s12+$0x0], $0xffff;
	v9 =	vadd.f32 v10, v9;
	v10 =	vmul.f32 v16, v3  }
0x234: {  	v33 =	vadd.s32 $0x4000, v5;
	v55 =	vor.u32 $0xF00, v4;
	v22 =	vld.idx.msk [tilespmem:v43+s12+$0x0], $0xffff;
	v11 =	vmul.f32 v11, v11  }
0x235: {  	v41 =	vor.u32 $0xD00, v4;
	v61 =	vld.idx.msk [tilespmem:v53+s12+$0x0], $0xffff;
	v8 =	vadd.f32 v10, v8;
	v10 =	vsub.f32 v63, v21  }
0x236: {  	v39 =	vor.u32 $0x1100, v4;
	v20 =	vmul.f32 v20, v20;
	v24 =	vld.idx.msk [tilespmem:v51+s15+$0x0], $0xffff;
	v11 =	vmul.f32 v11, v3  }
0x237: {  	v45 =	vor.u32 $0x1200, v4;
	v13 =	vsub.f32 v44, v42;
	v44 =	vld.idx.msk [tilespmem:v37+s12+$0x0], $0xffff;
	v10 =	vmul.f32 v10, v10  }
0x238: {  	v42 =	vor.u32 $0x1180, v4;
	v54 =	vld.idx.msk [tilespmem:v46+s12+$0x0], $0xffff;
	v7 =	vadd.f32 v11, v7;
	v11 =	vmul.f32 v20, v3  }
0x239: {  	v15 =	vmul.f32 v15, v15;
	v51 =	vadd.s32 $0x4280, v5;
	v56 =	vld.idx.msk [tilespmem:v48+s15+$0x0], $0xffff;
	v10 =	vmul.f32 v10, v3  }
0x23a: {  	v57 =	vor.u32 $0x1380, v4;
	v49 =	vld.idx.msk [tilespmem:v41+s15+$0x0], $0xffff;
	v6 =	vadd.f32 v11, v6;
	v11 =	vsub.f32 v40, v38  }
0x23b: {  	v60 =	vadd.s32 $0x3380, v5;
	v46 =	vld.idx.msk [tilespmem:v39+s15+$0x0], $0xffff;
	v9 =	vadd.f32 v10, v9;
	v10 =	vmul.f32 v15, v3  }
0x23c: {  	v43 =	vadd.s32 $0x4180, v5;
	v53 =	vor.u32 $0x1300, v4;
	v41 =	vld.idx.msk [tilespmem:v33+s12+$0x0], $0xffff;
	v11 =	vmul.f32 v11, v11  }
0x23d: {  	v13 =	vmul.f32 v13, v13;
	v50 =	vld.idx.msk [tilespmem:v42+s15+$0x0], $0xffff;
	v8 =	vadd.f32 v10, v8;
	v10 =	vsub.f32 v47, v26  }
0x23e: {  	v59 =	vld.idx.msk [tilespmem:v51+s12+$0x0], $0xffff;
	v51 =	vor.u32 $0x1700, v4;
	v18 =	vsub.f32 v58, v56;
	v11 =	vmul.f32 v11, v3  }
0x23f: {  	v33 =	vld.idx.msk [tilespmem:v57+s15+$0x0], $0xffff;
	v58 =	vadd.s32 $0x4380, v5;
	v16 =	vsub.f32 v22, v49;
	v10 =	vmul.f32 v10, v10  }
0x240: {  	v25 =	vld.idx.msk [tilespmem:v32+s15+$0x0], $0xffff;
	v40 =	vadd.s32 $0x4100, v5;
	v7 =	vadd.f32 v11, v7;
	v11 =	vmul.f32 v13, v3  }
0x241: {  	v38 =	vld.idx.msk [tilespmem:v60+s12+$0x0], $0xffff;
	v49 =	vor.u32 $0x1280, v4;
	v16 =	vmul.f32 v16, v16;
	v10 =	vmul.f32 v10, v3  }
0x242: {  	v60 =	vor.u32 $0x1400, v4;
	v63 =	vld.idx.msk [tilespmem:v55+s15+$0x0], $0xffff;
	v6 =	vadd.f32 v11, v6;
	v11 =	vsub.f32 v54, v52  }
0x243: {  	v18 =	vmul.f32 v18, v18;
	v21 =	vld.idx.msk [tilespmem:v62+s15+$0x0], $0xffff;
	v9 =	vadd.f32 v10, v9;
	v10 =	vmul.f32 v16, v3  }
0x244: {  	v35 =	vld.idx.msk [tilespmem:v58+s12+$0x0], $0xffff;
	v58 =	vor.u32 $0x1800, v4;
	v55 =	vadd.s32 $0x4300, v5;
	v11 =	vmul.f32 v11, v11  }
0x245: {  	v62 =	vadd.s32 $0x5000, v5;
	v48 =	vld.idx.msk [tilespmem:v40+s12+$0x0], $0xffff;
	v8 =	vadd.f32 v10, v8;
	v10 =	vsub.f32 v61, v24  }
0x246: {  	v40 =	vor.u32 $0x1580, v4;
	v22 =	vld.idx.msk [tilespmem:v49+s15+$0x0], $0xffff;
	v49 =	vadd.s32 $0x5280, v5;
	v11 =	vmul.f32 v11, v3  }
0x247: {  	v37 =	vld.idx.msk [tilespmem:v60+s15+$0x0], $0xffff;
	v15 =	vsub.f32 v34, v63;
	v47 =	vadd.s32 $0x4200, v5;
	v10 =	vmul.f32 v10, v10  }
0x248: {  	v52 =	vld.idx.msk [tilespmem:v43+s12+$0x0], $0xffff;
	v13 =	vsub.f32 v41, v21;
	v7 =	vadd.f32 v11, v7;
	v11 =	vmul.f32 v18, v3  }
0x249: {  	v54 =	vld.idx.msk [tilespmem:v45+s15+$0x0], $0xffff;
	v34 =	vadd.s32 $0x5080, v5;
	v15 =	vmul.f32 v15, v15;
	v10 =	vmul.f32 v10, v3  }
0x24a: {  	v60 =	vadd.s32 $0x6000, v5;
	v39 =	vld.idx.msk [tilespmem:v62+s12+$0x0], $0xffff;
	v6 =	vadd.f32 v11, v6;
	v11 =	vsub.f32 v38, v36  }
0x24b: {  	v41 =	vadd.s32 $0x5180, v5;
	v63 =	vld.idx.msk [tilespmem:v55+s12+$0x0], $0xffff;
	v9 =	vadd.f32 v10, v9;
	v10 =	vmul.f32 v15, v3  }
0x24c: {  	v43 =	vor.u32 $0x1600, v4;
	v56 =	vld.idx.msk [tilespmem:v47+s12+$0x0], $0xffff;
	v38 =	vadd.s32 $0x5100, v5;
	v11 =	vmul.f32 v11, v11  }
0x24d: {  	v45 =	vadd.s32 $0x5200, v5;
	v57 =	vld.idx.msk [tilespmem:v49+s12+$0x0], $0xffff;
	v8 =	vadd.f32 v10, v8;
	v10 =	vsub.f32 v44, v23  }
0x24e: {  	v13 =	vmul.f32 v13, v13;
	v42 =	vld.idx.msk [tilespmem:v34+s12+$0x0], $0xffff;
	v47 =	vor.u32 $0x1680, v4;
	v11 =	vmul.f32 v11, v3  }
0x24f: {  	v62 =	vor.u32 $0x1880, v4;
	v16 =	vsub.f32 v48, v46;
	v48 =	vld.idx.msk [tilespmem:v40+s15+$0x0], $0xffff;
	v10 =	vmul.f32 v10, v10  }
0x250: {  	v40 =	vadd.s32 $0x6180, v5;
	v61 =	vld.idx.msk [tilespmem:v53+s15+$0x0], $0xffff;
	v7 =	vadd.f32 v11, v7;
	v11 =	vmul.f32 v13, v3  }
0x251: {  	v16 =	vmul.f32 v16, v16;
	v18 =	vsub.f32 v56, v54;
	v46 =	vld.idx.msk [tilespmem:v38+s12+$0x0], $0xffff;
	v10 =	vmul.f32 v10, v3  }
0x252: {  	v55 =	vor.u32 $0x1780, v4;
	v54 =	vld.idx.msk [tilespmem:v45+s12+$0x0], $0xffff;
	v6 =	vadd.f32 v11, v6;
	v11 =	vsub.f32 v52, v50  }
0x253: {  	v36 =	vor.u32 $0x1500, v4;
	v24 =	vld.idx.msk [tilespmem:v47+s15+$0x0], $0xffff;
	v9 =	vadd.f32 v10, v9;
	v10 =	vmul.f32 v16, v3  }
0x254: {  	v53 =	vadd.s32 $0x5300, v5;
	v38 =	vld.idx.msk [tilespmem:v60+s12+$0x0], $0xffff;
	v13 =	vsub.f32 v39, v37;
	v11 =	vmul.f32 v11, v11  }
0x255: {  	v39 =	vor.u32 $0x1980, v4;
	v49 =	vld.idx.msk [tilespmem:v40+s12+$0x0], $0xffff;
	v8 =	vadd.f32 v10, v8;
	v10 =	vsub.f32 v59, v22  }
0x256: {  	v56 =	vadd.s32 $0x5380, v5;
	v18 =	vmul.f32 v18, v18;
	v52 =	vld.idx.msk [tilespmem:v43+s15+$0x0], $0xffff;
	v11 =	vmul.f32 v11, v3  }
0x257: {  	v37 =	vadd.s32 $0x6100, v5;
	v50 =	vld.idx.msk [tilespmem:v41+s12+$0x0], $0xffff;
	v15 =	vsub.f32 v63, v61;
	v10 =	vmul.f32 v10, v10  }
0x258: {  	v13 =	vmul.f32 v13, v13;
	v63 =	vld.idx.msk [tilespmem:v55+s15+$0x0], $0xffff;
	v7 =	vadd.f32 v11, v7;
	v11 =	vmul.f32 v18, v3  }
0x259: {  	v55 =	vadd.s32 $0x6380, v5;
	v44 =	vld.idx.msk [tilespmem:v36+s15+$0x0], $0xffff;
	v15 =	vmul.f32 v15, v15;
	v10 =	vmul.f32 v10, v3  }
0x25a: {  	v47 =	vld.idx.msk [tilespmem:v39+s15+$0x0], $0xffff;
	v39 =	vadd.s32 $0x7180, v5;
	v6 =	vadd.f32 v11, v6;
	v11 =	vsub.f32 v35, v33  }
0x25b: {  	v61 =	vld.idx.msk [tilespmem:v53+s12+$0x0], $0xffff;
	v18 =	vsub.f32 v54, v52;
	v9 =	vadd.f32 v10, v9;
	v10 =	vmul.f32 v15, v3  }
0x25c: {  	v34 =	vld.idx.msk [tilespmem:v56+s12+$0x0], $0xffff;
	v52 =	vadd.s32 $0x6300, v5;
	v54 =	vor.u32 $0x1B80, v4;
	v11 =	vmul.f32 v11, v11  }
0x25d: {  	v36 =	vld.idx.msk [tilespmem:v58+s15+$0x0], $0xffff;
	v35 =	vor.u32 $0x1900, v4;
	v8 =	vadd.f32 v10, v8;
	v10 =	vsub.f32 v42, v25  }
0x25e: {  	v23 =	vld.idx.msk [tilespmem:v62+s15+$0x0], $0xffff;
	v33 =	vadd.s32 $0x6080, v5;
	v18 =	vmul.f32 v18, v18;
	v11 =	vmul.f32 v11, v3  }
0x25f: {  	v45 =	vld.idx.msk [tilespmem:v37+s12+$0x0], $0xffff;
	v16 =	vsub.f32 v46, v44;
	v44 =	vadd.s32 $0x6200, v5;
	v10 =	vmul.f32 v10, v10  }
0x260: {  	v46 =	vor.u32 $0x1A80, v4;
	v59 =	vld.idx.msk [tilespmem:v51+s15+$0x0], $0xffff;
	v7 =	vadd.f32 v11, v7;
	v11 =	vmul.f32 v13, v3  }
0x261: {  	v16 =	vmul.f32 v16, v16;
	v60 =	vld.idx.msk [tilespmem:v52+s12+$0x0], $0xffff;
	v52 =	vadd.s32 $0x7300, v5;
	v10 =	vmul.f32 v10, v3  }
0x262: {  	v43 =	vld.idx.msk [tilespmem:v35+s15+$0x0], $0xffff;
	v35 =	vadd.s32 $0x7100, v5;
	v6 =	vadd.f32 v11, v6;
	v11 =	vsub.f32 v50, v48  }
0x263: {  	v62 =	vld.idx.msk [tilespmem:v54+s15+$0x0], $0xffff;
	v48 =	vadd.s32 $0x6280, v5;
	v9 =	vadd.f32 v10, v9;
	v10 =	vmul.f32 v16, v3  }
0x264: {  	v41 =	vld.idx.msk [tilespmem:v33+s12+$0x0], $0xffff;
	v13 =	vsub.f32 v38, v36;
	v50 =	vor.u32 $0x1B00, v4;
	v11 =	vmul.f32 v11, v11  }
0x265: {  	v33 =	vld.idx.msk [tilespmem:v55+s12+$0x0], $0xffff;
	v42 =	vor.u32 $0x1A00, v4;
	v8 =	vadd.f32 v10, v8;
	v10 =	vsub.f32 v57, v24  }
0x266: {  	v53 =	vld.idx.msk [tilespmem:v44+s12+$0x0], $0xffff;
	v36 =	vsel vm0, $0x1, v2;
	v44 =	vadd.s32 $0x7200, v5;
	v15 =	vsub.f32 v61, v59  }
0x267: {  	v22 =	vld.idx.msk [tilespmem:v46+s15+$0x0], $0xffff;
	v46 =	vor.u32 $0x1E80, v4;
	v11 =	vmul.f32 v11, v3;
	v10 =	vmul.f32 v10, v10  }
0x268: {  	v38 =	vor.u32 $0x1D80, v4;
	(xrf0) =	vadd.scan.msk.s32 $0xffff, v36;
	v59 =	vadd.s32 $0x7000, v5;
	v15 =	vmul.f32 v15, v15;
	v56 =	vld.idx.msk [tilespmem:v48+s12+$0x0], $0xffff  }
0x269: {  	v58 =	vld.idx.msk [tilespmem:v50+s15+$0x0], $0xffff;
	v7 =	vadd.f32 v11, v7;
	v11 =	vmul.f32 v18, v3;
	v10 =	vmul.f32 v10, v3  }
0x26a: {  	v61 =	vor.u32 $0x1C80, v4;
	v48 =	vadd.s32 $0x7280, v5;
	v50 =	vor.u32 $0x1F00, v4;
	v51 =	vld.idx.msk [tilespmem:v42+s15+$0x0], $0xffff  }
0x26b: {  	v27 =	vld.idx.msk [tilespmem:v44+s12+$0x0], $0xffff;
	v6 =	vadd.f32 v11, v6;
	v9 =	vadd.f32 v10, v9;
	v10 =	vmul.f32 v15, v3  }
0x26c: {  	v29 =	vld.idx.msk [tilespmem:v46+s15+$0x0], $0xffff;
	v11 =	vsub.f32 v34, v63;
	v63 =	vadd.s32 $0x7080, v5;
	v34 =	vor.u32 $0x1D00, v4  }
0x26d: {  	v37 =	vld.idx.msk [tilespmem:v59+s12+$0x0], $0xffff;
	v5 =	vadd.s32 $0x7380, v5;
	v8 =	vadd.f32 v10, v8;
	v10 =	vsub.f32 v41, v23  }
0x26e: {  	v42 =	vor.u32 $0x1E00, v4;
	v16 =	vsub.f32 v45, v43;
	v45 =	vld.idx.msk [tilespmem:v35+s12+$0x0], $0xffff;
	v11 =	vmul.f32 v11, v11  }
0x26f: {  	v54 =	vld.idx.msk [tilespmem:v48+s12+$0x0], $0xffff;
	v57 =	vor.u32 $0x1C00, v4;
	v18 =	vsub.f32 v53, v51;
	v51, _, _ =	vpop (xrf0);
	v10 =	vmul.f32 v10, v10  }
0x270: {  	v55 =	vld.idx.msk [tilespmem:v50+s15+$0x0], $0xffff;
	v4 =	vor.u32 $0x1F80, v4;
	v11 =	vmul.f32 v11, v3;
	(v2sf) =	vpush v51, $0xF  }
0x271: {  	v14 =	vsub.f32 v33, v62;
	v43 =	vld.idx.msk [tilespmem:v34+s15+$0x0], $0xffff;
	v10 =	vmul.f32 v10, v3  }
0x272: {  	v13 =	vmul.f32 v13, v13;
	v5 =	vld.idx.msk [tilespmem:v5+s12+$0x0], $0xffff;
	v7 =	vadd.f32 v11, v7  }
0x273: {  	v14 =	vmul.f32 v14, v14;
	v11 =	vld.idx.msk [tilespmem:v61+s15+$0x0], $0xffff;
	v9 =	vadd.f32 v10, v9;
	v10 =	vsub.f32 v49, v47  }
0x274: {  	v13 =	vmul.f32 v13, v3;
	v40 =	vmul.f32 v16, v16;
	v24 =	vld.idx.msk [tilespmem:v57+s15+$0x0], $0xffff  }
0x275: {  	v14 =	vmul.f32 v14, v3;
	v4 =	vld.idx.msk [tilespmem:v4+s15+$0x0], $0xffff;
	v15 =	vsub.f32 v60, v58;
	v10 =	vmul.f32 v10, v10  }
0x276: {  	v6 =	vadd.f32 v13, v6;
	v12 =	vsub.f32 v56, v22;
	v13 =	vmul.f32 v40, v3;
	v41 =	vld.idx.msk [tilespmem:v63+s12+$0x0], $0xffff  }
0x277: {  	v23 =	vld.idx.msk [tilespmem:v42+s15+$0x0], $0xffff;
	v15 =	vmul.f32 v15, v15;
	v10 =	vmul.f32 v10, v3  }
0x278: {  	v12 =	vmul.f32 v12, v12;
	v18 =	vmul.f32 v18, v18;
	v57 =	vsub.f32 v45, v43;
	v47 =	vld.idx.msk [tilespmem:v38+s15+$0x0], $0xffff  }
0x279: {  	v8 =	vadd.f32 v13, v8;
	v49 =	vld.idx.msk [tilespmem:v39+s12+$0x0], $0xffff;
	v7 =	vadd.f32 v10, v7;
	v10 =	vmul.f32 v15, v3  }
0x27a: {  	v56 =	vld.idx.msk [tilespmem:v52+s12+$0x0], $0xffff;
	v12 =	vmul.f32 v12, v3;
	v53 =	vmul.f32 v18, v3;
	v60 =	vsub.f32 v54, v29  }
0x27b: {  	v13 =	vmul.f32 v57, v57;
	v8 =	vadd.f32 v10, v8;
	v10 =	vsub.f32 v37, v24  }
0x27c: {  	v6 =	vadd.f32 v53, v6;
	v62 =	vmul.f32 v60, v60;
	v11 =	vsub.f32 v41, v11  }
0x27d: {  	v4 =	vsub.f32 v5, v4;
	v5 =	vmul.f32 v13, v3;
	v10 =	vmul.f32 v10, v10  }
0x27e: {  	s31 =	spop (v2sf);
	v59 =	vsub.f32 v27, v23;
	v11 =	vmul.f32 v11, v11;
	v58 =	vsub.f32 v49, v47  }
0x27f: {  	s28 =	sadd.s32 s29, s31;
	v9 =	vadd.f32 v12, v9;
	v12 =	vsub.f32 v56, v55;
	s30 =	spop (v2sf);
	v10 =	vmul.f32 v10, v3  }
0x280: {  	v11 =	vmul.f32 v11, v3;
	s29 =	sadd.s32 s30, s28;
	v7 =	vadd.f32 v14, v7;
	v14 =	vmul.f32 v58, v58  }
0x281: {  	v4 =	vmul.f32 v4, v4;
	p0 =	slt.s32 s29, $0x200;
	v6 =	vadd.f32 v10, v6;
	v10 =	vmul.f32 v59, v59  }
.Ltmp5:
0x282: {  	v9 =	vadd.f32 v11, v9;
	v11 =	vmul.f32 v12, v12;
	v61 =	vmul.f32 v14, v3;
	(pc) =	sbr.rel @p0 .LBB2_5-.Ltmp5, $4  }
0x283: {  	v63 =	vmul.f32 v62, v3;
	v5 =	vadd.f32 v5, v8;
	v8 =	vmul.f32 v10, v3  }
0x284: {  	v11 =	vmul.f32 v11, v3;
	v7 =	vadd.f32 v61, v7;
	v3 =	vmul.f32 v4, v3  }
0x285: {  	v9 =	vadd.f32 v63, v9;
	v10 =	vadd.f32 v8, v6  }
0x286: {  	v8 =	vadd.f32 v11, v5;
	v7 =	vadd.f32 v3, v7  }
.Ltmp6:
0x287: {  	_ = 	snop;
	(pc) =	sbr.rel .LBB2_6-.Ltmp6, $1  }
0x288: {  	_ =	sdelay $0x3  }
.LBB2_7:
0x289: {  	_ =	sfence.sel $0x180000  }
0x28a: {  	[bflag:$0x0] =	sbarrier.arrive $0xFFFF  }
0x28b: {  	p0 =	sne.s32 s1, $0x0;
	_ =	strace $0x9000004A  }
0x28c: {  	s0 =	sadd.s32 @!p0 $0x100000, s0;
	[bflag:$0x2] =	sbarrier.arrive $0xFFFF  }
0x28d: {  	[sflag:s0] =	ssyncadd.tile.s32 @!p0 $0x1;
	_ =	shalt  }
.Lfunc_end2:
_tile_overlayer_lowered:
.L_overlay_start_2:
0x28e: {  	(tag) =	ssettag $0x2  }
0x28f: {  	s0 =	rddreg [dreg:$0x0];
	s2 =	stileid.u32  }
0x290: {  	s1 =	rddreg [dreg:$0x1];
	p0 =	sne.s32 s2, $0x0  }
0x291: {  	s3 =	rddreg [dreg:$0x2];
	[bflag:$0x3] =	sbarrier.arrive $0xFFFF;
	s2 =	simm.s32 @!p0 $0x1C02  }
0x292: {  	[timem:s3], [sflag:s2] =	dma.local @!p0 [hbm:s0], s1  }
0x293: {  	s0 =	simm.s32 @!p0 $0x2  }
0x294: {  	_ =	swait.ge @!p0 [sflag:s0], s1  }
0x295: {  	s1 =	ssub.s32 @!p0 $0x0, s1;
	[sflag:s0] =	ssyncset.done @!p0 $0x0  }
0x296: {  	[sflag:s0] =	ssyncadd.s32 @!p0 s1  }
0x297: {  	[bflag:$0x3] =	sbarrier.arrive $0xFFFF  }
0x298: {  	_ =	shalt  }

</sc_bundles>
